<compile_context>
chip_gen: v7x
topology: tpu7x:2x2x1
jax: 0.10.2.dev20260603
libtpu: 0.0.44.dev20260713+nightly
codegen_flags: <defaults>
</compile_context>

<pallas_src>
import functools

import jax
import jax.numpy as jnp
from jax import lax
from jax.experimental import pallas as pl
from jax.experimental.pallas import tpu as pltpu
from jax.experimental.pallas import tpu_sc as plsc

NN = 10000
F = 128
E = 160000
NR = 3
NC = 2
NS = 16
NW = NC * NS
EPW = E // NW
CHUNK = 125
NCHUNK = EPW // CHUNK
NNP = 10240
RPT = NNP // NS
ZB = RPT // 5

_MESH = plsc.VectorSubcoreMesh(core_axis_name="c", subcore_axis_name="s")


@functools.partial(
    pl.kernel, mesh=_MESH,
    out_type=[jax.ShapeDtypeStruct((NR, NC, NNP, F), jnp.float32)],
    scratch_types=[
        pltpu.VMEM_SHARED((NNP, F), jnp.float32),
        pltpu.VMEM((NCHUNK, CHUNK), jnp.int32),
        pltpu.VMEM((NCHUNK, CHUNK), jnp.int32),
        pltpu.VMEM((ZB, F), jnp.float32),
        pltpu.VMEM((ZB, F), jnp.float32),
        pltpu.SemaphoreType.DMA,
        pltpu.SemaphoreType.DMA,
    ])
def _agg_kernel(h_hbm, src_hbm, dst_hbm, agg_out,
                agg_sh, src_v, dst_v, rows0, rows1, sem0, sem1):
  cid = lax.axis_index("c")
  sid = lax.axis_index("s")
  wid = cid * NS + sid
  row0 = sid * RPT

  for r in range(NR):
    def zrow(i, _):
      for cc in range(F // 16):
        rows1[i, pl.ds(cc * 16, 16)] = jnp.zeros((16,), jnp.float32)
      return 0
    lax.fori_loop(0, ZB, zrow, 0)
    for t in range(RPT // ZB):
      pltpu.sync_copy(rows1, agg_sh.at[pl.ds(row0 + t * ZB, ZB)])
    plsc.subcore_barrier()

    pltpu.sync_copy(src_hbm.at[r, wid], src_v)
    pltpu.sync_copy(dst_hbm.at[r, wid], dst_v)

    r0 = rows0.at[pl.ds(0, CHUNK)]
    r1 = rows1.at[pl.ds(0, CHUNK)]
    pltpu.async_copy(h_hbm.at[src_v.at[0]], r0, sem0)

    def chunk2(jj, _):
      j = jj * 2
      pltpu.async_copy(h_hbm.at[src_v.at[j + 1]], r1, sem1)
      pltpu.make_async_copy(h_hbm.at[src_v.at[j]], r0, sem0).wait()
      pltpu.sync_copy(r0, agg_sh.at[dst_v.at[j]], add=True)

      @pl.when(j + 2 < NCHUNK)
      def _():
        pltpu.async_copy(h_hbm.at[src_v.at[j + 2]], r0, sem0)
      pltpu.make_async_copy(h_hbm.at[src_v.at[j + 1]], r1, sem1).wait()
      pltpu.sync_copy(r1, agg_sh.at[dst_v.at[j + 1]], add=True)
      return 0
    lax.fori_loop(0, NCHUNK // 2, chunk2, 0)
    plsc.subcore_barrier()

    pltpu.sync_copy(agg_sh.at[pl.ds(row0, RPT)],
                    agg_out.at[r, cid, pl.ds(row0, RPT)])
    plsc.subcore_barrier()


@functools.partial(
    pl.kernel, mesh=_MESH,
    out_type=[jax.ShapeDtypeStruct((NR, NW, NNP), jnp.float32)],
    scratch_types=[
        pltpu.VMEM((NNP,), jnp.float32),
        pltpu.VMEM((EPW + 16,), jnp.int32),
    ],
    compiler_params=pltpu.CompilerParams(needs_layout_passes=False,
                                         use_tc_tiling_on_sc=False))
def _deg_kernel(dstf_hbm, deg_out, deg_local, dst_loc):
  cid = lax.axis_index("c")
  sid = lax.axis_index("s")
  wid = cid * NS + sid
  ones = jnp.ones((16,), jnp.float32)
  nvec = (EPW + 15) // 16

  dst_loc[pl.ds(EPW, 16)] = jnp.full((16,), NN, jnp.int32)

  for r in range(NR):
    def z(i, _):
      deg_local[pl.ds(i * 16, 16)] = jnp.zeros((16,), jnp.float32)
      return 0
    lax.fori_loop(0, NNP // 16, z, 0)

    pltpu.sync_copy(dstf_hbm.at[r, wid], dst_loc.at[pl.ds(0, EPW)])

    def step(i, _):
      idx = dst_loc[pl.ds(i * 16, 16)]
      plsc.addupdate_scatter(deg_local, [idx], ones)
      return 0
    lax.fori_loop(0, nvec, step, 0)

    pltpu.sync_copy(deg_local, deg_out.at[r, wid])


BLK = 2048


def _dense_body(relu, h_ref, agg_ref, deg_ref, ws_ref, wn_ref, b_ref, out_ref):
  ws = ws_ref[0] + ws_ref[1] + ws_ref[2]
  acc = jnp.dot(h_ref[...], ws, preferred_element_type=jnp.float32)
  for r in range(NR):
    agg = agg_ref[r, 0] + agg_ref[r, 1]
    deg = jnp.sum(deg_ref[r], axis=0)
    mean = agg * (1.0 / jnp.maximum(deg, 1.0))[:, None]
    acc = acc + jnp.dot(mean, wn_ref[r], preferred_element_type=jnp.float32)
  acc = acc + (b_ref[0] + b_ref[1] + b_ref[2])[None, :]
  if relu:
    acc = jnp.maximum(acc, 0.0)
  out_ref[...] = acc


def _dense_layer(relu, h, agg, deg, w_self, w_neigh, b):
  grid = (NNP // BLK,)
  return pl.pallas_call(
      functools.partial(_dense_body, relu),
      grid=grid,
      in_specs=[
          pl.BlockSpec((BLK, F), lambda i: (i, 0)),
          pl.BlockSpec((NR, NC, BLK, F), lambda i: (0, 0, i, 0)),
          pl.BlockSpec((NR, NW, BLK), lambda i: (0, 0, i)),
          pl.BlockSpec((NR, F, F), lambda i: (0, 0, 0)),
          pl.BlockSpec((NR, F, F), lambda i: (0, 0, 0)),
          pl.BlockSpec((NR, F), lambda i: (0, 0)),
      ],
      out_specs=pl.BlockSpec((BLK, F), lambda i: (i, 0)),
      out_shape=jax.ShapeDtypeStruct((NNP, F), jnp.float32),
  )(h, agg, deg, w_self, w_neigh, b)


@jax.jit
def kernel(x, edge_index_follows, edge_index_likes, edge_index_views,
           W_self1, W_neigh1, b1, W_self2, W_neigh2, b2):
  eis = [edge_index_follows, edge_index_likes, edge_index_views]
  src = jnp.stack([e[0] for e in eis]).astype(jnp.int32).reshape(
      NR, NW, NCHUNK, CHUNK)
  dst = jnp.stack([e[1] for e in eis]).astype(jnp.int32).reshape(
      NR, NW, NCHUNK, CHUNK)
  dstf = dst.reshape(NR, NW, EPW)
  x_p = jnp.pad(x, ((0, NNP - NN), (0, 0)))

  (deg,) = _deg_kernel(dstf)
  (agg1,) = _agg_kernel(x_p, src, dst)
  h1 = _dense_layer(True, x_p, agg1, deg, W_self1, W_neigh1, b1)
  (agg2,) = _agg_kernel(h1, src, dst)
  out = _dense_layer(False, h1, agg2, deg, W_self2, W_neigh2, b2)
  return out[:NN]

# --- scband reference (transcript-rebuilt; emitter-appended) ---
"""Pipeline reference for scband-rgcn-9895604650659 (READ-ONLY COPY).

The authoritative reference and input builder live on the scoring server;
editing this copy changes nothing except your own understanding.
"""

import jax, jax.numpy as jnp
import numpy as np

N_NODES = 10000
N_EDGES = 160000
IN_F, HID_F, OUT_F = 128, 128, 128
N_ETYPES = 3


def setup_inputs(seed: int = 0) -> dict:
    key = jax.random.key(seed)
    ks = jax.random.split(key, 12)
    x = jax.random.normal(ks[0], (N_NODES, IN_F), dtype=jnp.float32)
    ei_f = jax.random.randint(ks[1], (2, N_EDGES), 0, N_NODES, dtype=jnp.int64)
    ei_l = jax.random.randint(ks[2], (2, N_EDGES), 0, N_NODES, dtype=jnp.int64)
    ei_v = jax.random.randint(ks[3], (2, N_EDGES), 0, N_NODES, dtype=jnp.int64)
    s1 = 1.0 / np.sqrt(IN_F)
    s2 = 1.0 / np.sqrt(HID_F)
    W_self1 = jax.random.normal(ks[4], (N_ETYPES, IN_F, HID_F), dtype=jnp.float32) * s1
    W_neigh1 = jax.random.normal(ks[5], (N_ETYPES, IN_F, HID_F), dtype=jnp.float32) * s1
    b1 = jnp.zeros((N_ETYPES, HID_F), dtype=jnp.float32)
    W_self2 = jax.random.normal(ks[6], (N_ETYPES, HID_F, OUT_F), dtype=jnp.float32) * s2
    W_neigh2 = jax.random.normal(ks[7], (N_ETYPES, HID_F, OUT_F), dtype=jnp.float32) * s2
    b2 = jnp.zeros((N_ETYPES, OUT_F), dtype=jnp.float32)
    return {"x": x, "edge_index_follows": ei_f, "edge_index_likes": ei_l,
            "edge_index_views": ei_v, "W_self1": W_self1, "W_neigh1": W_neigh1,
            "b1": b1, "W_self2": W_self2, "W_neigh2": W_neigh2, "b2": b2}


def _sage_conv(h, src, dst, W_self, W_neigh, b, n_nodes):
    # DGL SAGEConv, aggregator_type='mean':
    #   h_neigh[v] = mean_{u -> v} h[u]   (0 for zero-in-degree nodes)
    #   out = h @ W_self + h_neigh @ W_neigh + b
    msg = jnp.take(h, src, axis=0)
    agg = jax.ops.segment_sum(msg, dst, num_segments=n_nodes)
    deg = jax.ops.segment_sum(jnp.ones_like(src, dtype=h.dtype), dst, num_segments=n_nodes)
    h_neigh = agg / jnp.maximum(deg, 1.0)[:, None]
    return h @ W_self + h_neigh @ W_neigh + b


def _hetero_layer(h, edge_indices, W_self, W_neigh, b, n_nodes):
    # HeteroGraphConv(aggregate='sum') over relations sharing one node type
    out = jnp.zeros((n_nodes, W_self.shape[2]), dtype=h.dtype)
    for r, ei in enumerate(edge_indices):
        out = out + _sage_conv(h, ei[0], ei[1], W_self[r], W_neigh[r], b[r], n_nodes)
    return out


def reference(x, edge_index_follows, edge_index_likes, edge_index_views,
              W_self1, W_neigh1, b1, W_self2, W_neigh2, b2):
    eis = [edge_index_follows, edge_index_likes, edge_index_views]
    h = _hetero_layer(x, eis, W_self1, W_neigh1, b1, N_NODES)
    h = jax.nn.relu(h)
    h = _hetero_layer(h, eis, W_self2, W_neigh2, b2, N_NODES)
    return h

if __name__ == "__main__":
    import jax
    _d = setup_inputs()
    print(jax.jit(kernel)(*tuple(_d.values())))

</pallas_src>

<mosaic_0001>
#map = affine_map<(d0, d1) -> (0, 0, 0)>
module attributes {stable_mosaic.version = 14 : i64} {
  func.func @_deg_kernel(%arg0: i32, %arg1: i32, %arg2: memref<3x32x5000xi32, #tpu.memory_space<hbm>>, %arg3: memref<3x32x10240xf32, #tpu.memory_space<hbm>>, %arg4: memref<10240xf32, #tpu.memory_space<vmem>>, %arg5: memref<5016xi32, #tpu.memory_space<vmem>>) attributes {dimension_semantics = [#tpu.dimension_semantics<core_parallel>, #tpu.dimension_semantics<subcore_parallel>], iteration_bounds = array<i64: 2, 16>, scalar_prefetch = 0 : i64, scratch_operands = 2 : i64, tpu.core_type = #tpu.core_type<sc_vector_subcore>, window_params = [{transform_indices = #map}, {transform_indices = #map}]} {
    %mul3A = arith.constant 16 : i32
    %mul3A_0 = arith.muli %arg0, %mul3A : i32
    %add3A = arith.addi %mul3A_0, %arg1 : i32
    %broadcast_in_dim3A = arith.constant 1.000000e+00 : f32
    %broadcast_in_dim3A_1 = vector.broadcast %broadcast_in_dim3A : f32 to vector<16xf32>
    %broadcast_in_dim3A_2 = arith.constant 10000 : i32
    %broadcast_in_dim3A_3 = vector.broadcast %broadcast_in_dim3A_2 : i32 to vector<16xi32>
    %swap3A = arith.constant 5000 : index
    %swap3A_4 = tpu.vector_load %arg5[%swap3A] {strides = array<i32>} : memref<5016xi32, #tpu.memory_space<vmem>>, vector<16xi32>,
    tpu.vector_store %arg5[%swap3A], %broadcast_in_dim3A_3 {strides = array<i32>} : memref<5016xi32, #tpu.memory_space<vmem>>, vector<16xi32>,
    %scan3A = arith.constant 0 : i32
    %scan3A_5 = arith.constant 0 : i32
    %scan3A_6 = arith.constant 640 : i32
    %scan3A_7 = arith.addi %scan3A_5, %scan3A_6 : i32
    %scan3A_8 = arith.constant 1 : i32
    %scan3A_9 = scf.for %scan3A_51 = %scan3A_5 to %scan3A_7 step %scan3A_8 iter_args(%scan3A_52 = %scan3A) -> (i32)  : i32 {
      %broadcast_in_dim3A_53 = arith.constant 0.000000e+00 : f32
      %broadcast_in_dim3A_54 = vector.broadcast %broadcast_in_dim3A_53 : f32 to vector<16xf32>
      %mul3A_55 = arith.constant 16 : i32
      %mul3A_56 = arith.muli %scan3A_51, %mul3A_55 : i32
      %swap3A_57 = arith.index_cast %mul3A_56 : i32 to index
      %swap3A_58 = tpu.vector_load %arg4[%swap3A_57] {strides = array<i32>} : memref<10240xf32, #tpu.memory_space<vmem>>, vector<16xf32>,
      tpu.vector_store %arg4[%swap3A_57], %broadcast_in_dim3A_54 {strides = array<i32>} : memref<10240xf32, #tpu.memory_space<vmem>>, vector<16xf32>,
      %scan3A_59 = arith.constant 0 : i32
      scf.yield %scan3A_59 : i32
    }
    %scan3A_10 = arith.constant 640 : i32
    %run_scoped3A = arith.constant 0 : i32
    "tpu.region"() ({
      %run_scoped3A_51 = tpu.sem_alloc : memref<!tpu.dma_semaphore, #tpu.memory_space<semaphore_mem>>
      %dma_start3A = arith.constant 0 : i32
      %dma_start3A_52 = tpu.memref_slice %arg5[%dma_start3A] : memref<5016xi32, #tpu.memory_space<vmem>> -> memref<5000xi32, #tpu.memory_space<vmem>>
      %dma_start3A_53 = arith.constant 0 : i32
      %dma_start3A_54 = tpu.memref_slice %arg2[%run_scoped3A, %add3A, %dma_start3A_53] : memref<3x32x5000xi32, #tpu.memory_space<hbm>> -> memref<1x1x5000xi32, #tpu.memory_space<hbm>>
      %dma_start3A_55 = tpu.memref_squeeze %dma_start3A_54 : memref<1x1x5000xi32, #tpu.memory_space<hbm>> -> memref<5000xi32, #tpu.memory_space<hbm>>
      %dma_start3A_56 = arith.constant 0 : i32
      %dma_start3A_57 = tpu.memref_slice %arg5[%dma_start3A_56] : memref<5016xi32, #tpu.memory_space<vmem>> -> memref<5000xi32, #tpu.memory_space<vmem>>
      %dma_start3A_58 = arith.constant 0 : i32
      %dma_start3A_59 = tpu.memref_slice %arg2[%run_scoped3A, %add3A, %dma_start3A_58] : memref<3x32x5000xi32, #tpu.memory_space<hbm>> -> memref<1x1x5000xi32, #tpu.memory_space<hbm>>
      %dma_start3A_60 = tpu.memref_squeeze %dma_start3A_59 : memref<1x1x5000xi32, #tpu.memory_space<hbm>> -> memref<5000xi32, #tpu.memory_space<hbm>>
      tpu.enqueue_dma source(%dma_start3A_60 : memref<5000xi32, #tpu.memory_space<hbm>>) target(%dma_start3A_57 : memref<5000xi32, #tpu.memory_space<vmem>>) target_semaphore(%run_scoped3A_51 : memref<!tpu.dma_semaphore, #tpu.memory_space<semaphore_mem>>)
      %dma_wait3A = arith.constant 0 : i32
      %dma_wait3A_61 = tpu.memref_slice %arg5[%dma_wait3A] : memref<5016xi32, #tpu.memory_space<vmem>> -> memref<5000xi32, #tpu.memory_space<vmem>>
      %dma_wait3A_62 = arith.constant 0 : i32
      %dma_wait3A_63 = tpu.memref_slice %arg2[%run_scoped3A, %add3A, %dma_wait3A_62] : memref<3x32x5000xi32, #tpu.memory_space<hbm>> -> memref<1x1x5000xi32, #tpu.memory_space<hbm>>
      %dma_wait3A_64 = tpu.memref_squeeze %dma_wait3A_63 : memref<1x1x5000xi32, #tpu.memory_space<hbm>> -> memref<5000xi32, #tpu.memory_space<hbm>>
      %dma_wait3A_65 = arith.constant 0 : i32
      %dma_wait3A_66 = tpu.memref_slice %arg5[%dma_wait3A_65] : memref<5016xi32, #tpu.memory_space<vmem>> -> memref<5000xi32, #tpu.memory_space<vmem>>
      %dma_wait3A_67 = arith.constant 0 : i32
      %dma_wait3A_68 = tpu.memref_slice %arg2[%run_scoped3A, %add3A, %dma_wait3A_67] : memref<3x32x5000xi32, #tpu.memory_space<hbm>> -> memref<1x1x5000xi32, #tpu.memory_space<hbm>>
      %dma_wait3A_69 = tpu.memref_squeeze %dma_wait3A_68 : memref<1x1x5000xi32, #tpu.memory_space<hbm>> -> memref<5000xi32, #tpu.memory_space<hbm>>
      tpu.wait_dma2 semaphore(%run_scoped3A_51 : memref<!tpu.dma_semaphore, #tpu.memory_space<semaphore_mem>>) src(%dma_wait3A_69 : memref<5000xi32, #tpu.memory_space<hbm>>) dst(%dma_wait3A_66 : memref<5000xi32, #tpu.memory_space<vmem>>)
      tpu.yield
    }) : () -> ()
    %scan3A_11 = arith.constant 0 : i32
    %scan3A_12 = arith.constant 0 : i32
    %scan3A_13 = arith.constant 313 : i32
    %scan3A_14 = arith.addi %scan3A_12, %scan3A_13 : i32
    %scan3A_15 = arith.constant 1 : i32
    %scan3A_16 = scf.for %scan3A_51 = %scan3A_12 to %scan3A_14 step %scan3A_15 iter_args(%scan3A_52 = %scan3A_11) -> (i32)  : i32 {
      %mul3A_53 = arith.constant 16 : i32
      %mul3A_54 = arith.muli %scan3A_51, %mul3A_53 : i32
      %get3A = arith.index_cast %mul3A_54 : i32 to index
      %get3A_55 = tpu.vector_load %arg5[%get3A] {strides = array<i32>} : memref<5016xi32, #tpu.memory_space<vmem>>, vector<16xi32>,
      tpu.vector_store_idx %arg4[%get3A_55], %broadcast_in_dim3A_1 {add = true} : memref<10240xf32, #tpu.memory_space<vmem>>[vector<16xi32>], vector<16xf32>,
      %scan3A_56 = arith.constant 0 : i32
      scf.yield %scan3A_56 : i32
    }
    %scan3A_17 = arith.constant 313 : i32
    %run_scoped3A_18 = arith.constant 0 : i32
    "tpu.region"() ({
      %run_scoped3A_51 = tpu.sem_alloc : memref<!tpu.dma_semaphore, #tpu.memory_space<semaphore_mem>>
      %dma_start3A = arith.constant 0 : i32
      %dma_start3A_52 = tpu.memref_slice %arg3[%run_scoped3A_18, %add3A, %dma_start3A] : memref<3x32x10240xf32, #tpu.memory_space<hbm>> -> memref<1x1x10240xf32, #tpu.memory_space<hbm>>
      %dma_start3A_53 = tpu.memref_squeeze %dma_start3A_52 : memref<1x1x10240xf32, #tpu.memory_space<hbm>> -> memref<10240xf32, #tpu.memory_space<hbm>>
      %dma_start3A_54 = arith.constant 0 : i32
      %dma_start3A_55 = tpu.memref_slice %arg3[%run_scoped3A_18, %add3A, %dma_start3A_54] : memref<3x32x10240xf32, #tpu.memory_space<hbm>> -> memref<1x1x10240xf32, #tpu.memory_space<hbm>>
      %dma_start3A_56 = tpu.memref_squeeze %dma_start3A_55 : memref<1x1x10240xf32, #tpu.memory_space<hbm>> -> memref<10240xf32, #tpu.memory_space<hbm>>
      tpu.enqueue_dma source(%arg4 : memref<10240xf32, #tpu.memory_space<vmem>>) target(%dma_start3A_56 : memref<10240xf32, #tpu.memory_space<hbm>>) target_semaphore(%run_scoped3A_51 : memref<!tpu.dma_semaphore, #tpu.memory_space<semaphore_mem>>)
      %dma_wait3A = arith.constant 0 : i32
      %dma_wait3A_57 = tpu.memref_slice %arg3[%run_scoped3A_18, %add3A, %dma_wait3A] : memref<3x32x10240xf32, #tpu.memory_space<hbm>> -> memref<1x1x10240xf32, #tpu.memory_space<hbm>>
      %dma_wait3A_58 = tpu.memref_squeeze %dma_wait3A_57 : memref<1x1x10240xf32, #tpu.memory_space<hbm>> -> memref<10240xf32, #tpu.memory_space<hbm>>
      %dma_wait3A_59 = arith.constant 0 : i32
      %dma_wait3A_60 = tpu.memref_slice %arg3[%run_scoped3A_18, %add3A, %dma_wait3A_59] : memref<3x32x10240xf32, #tpu.memory_space<hbm>> -> memref<1x1x10240xf32, #tpu.memory_space<hbm>>
      %dma_wait3A_61 = tpu.memref_squeeze %dma_wait3A_60 : memref<1x1x10240xf32, #tpu.memory_space<hbm>> -> memref<10240xf32, #tpu.memory_space<hbm>>
      tpu.wait_dma2 semaphore(%run_scoped3A_51 : memref<!tpu.dma_semaphore, #tpu.memory_space<semaphore_mem>>) src(%arg4 : memref<10240xf32, #tpu.memory_space<vmem>>) dst(%dma_wait3A_61 : memref<10240xf32, #tpu.memory_space<hbm>>)
      tpu.yield
    }) : () -> ()
    %scan3A_19 = arith.constant 0 : i32
    %scan3A_20 = arith.constant 0 : i32
    %scan3A_21 = arith.constant 640 : i32
    %scan3A_22 = arith.addi %scan3A_20, %scan3A_21 : i32
    %scan3A_23 = arith.constant 1 : i32
    %scan3A_24 = scf.for %scan3A_51 = %scan3A_20 to %scan3A_22 step %scan3A_23 iter_args(%scan3A_52 = %scan3A_19) -> (i32)  : i32 {
      %broadcast_in_dim3A_53 = arith.constant 0.000000e+00 : f32
      %broadcast_in_dim3A_54 = vector.broadcast %broadcast_in_dim3A_53 : f32 to vector<16xf32>
      %mul3A_55 = arith.constant 16 : i32
      %mul3A_56 = arith.muli %scan3A_51, %mul3A_55 : i32
      %swap3A_57 = arith.index_cast %mul3A_56 : i32 to index
      %swap3A_58 = tpu.vector_load %arg4[%swap3A_57] {strides = array<i32>} : memref<10240xf32, #tpu.memory_space<vmem>>, vector<16xf32>,
      tpu.vector_store %arg4[%swap3A_57], %broadcast_in_dim3A_54 {strides = array<i32>} : memref<10240xf32, #tpu.memory_space<vmem>>, vector<16xf32>,
      %scan3A_59 = arith.constant 0 : i32
      scf.yield %scan3A_59 : i32
    }
    %scan3A_25 = arith.constant 640 : i32
    %run_scoped3A_26 = arith.constant 1 : i32
    "tpu.region"() ({
      %run_scoped3A_51 = tpu.sem_alloc : memref<!tpu.dma_semaphore, #tpu.memory_space<semaphore_mem>>
      %dma_start3A = arith.constant 0 : i32
      %dma_start3A_52 = tpu.memref_slice %arg5[%dma_start3A] : memref<5016xi32, #tpu.memory_space<vmem>> -> memref<5000xi32, #tpu.memory_space<vmem>>
      %dma_start3A_53 = arith.constant 0 : i32
      %dma_start3A_54 = tpu.memref_slice %arg2[%run_scoped3A_26, %add3A, %dma_start3A_53] : memref<3x32x5000xi32, #tpu.memory_space<hbm>> -> memref<1x1x5000xi32, #tpu.memory_space<hbm>>
      %dma_start3A_55 = tpu.memref_squeeze %dma_start3A_54 : memref<1x1x5000xi32, #tpu.memory_space<hbm>> -> memref<5000xi32, #tpu.memory_space<hbm>>
      %dma_start3A_56 = arith.constant 0 : i32
      %dma_start3A_57 = tpu.memref_slice %arg5[%dma_start3A_56] : memref<5016xi32, #tpu.memory_space<vmem>> -> memref<5000xi32, #tpu.memory_space<vmem>>
      %dma_start3A_58 = arith.constant 0 : i32
      %dma_start3A_59 = tpu.memref_slice %arg2[%run_scoped3A_26, %add3A, %dma_start3A_58] : memref<3x32x5000xi32, #tpu.memory_space<hbm>> -> memref<1x1x5000xi32, #tpu.memory_space<hbm>>
      %dma_start3A_60 = tpu.memref_squeeze %dma_start3A_59 : memref<1x1x5000xi32, #tpu.memory_space<hbm>> -> memref<5000xi32, #tpu.memory_space<hbm>>
      tpu.enqueue_dma source(%dma_start3A_60 : memref<5000xi32, #tpu.memory_space<hbm>>) target(%dma_start3A_57 : memref<5000xi32, #tpu.memory_space<vmem>>) target_semaphore(%run_scoped3A_51 : memref<!tpu.dma_semaphore, #tpu.memory_space<semaphore_mem>>)
      %dma_wait3A = arith.constant 0 : i32
      %dma_wait3A_61 = tpu.memref_slice %arg5[%dma_wait3A] : memref<5016xi32, #tpu.memory_space<vmem>> -> memref<5000xi32, #tpu.memory_space<vmem>>
      %dma_wait3A_62 = arith.constant 0 : i32
      %dma_wait3A_63 = tpu.memref_slice %arg2[%run_scoped3A_26, %add3A, %dma_wait3A_62] : memref<3x32x5000xi32, #tpu.memory_space<hbm>> -> memref<1x1x5000xi32, #tpu.memory_space<hbm>>
      %dma_wait3A_64 = tpu.memref_squeeze %dma_wait3A_63 : memref<1x1x5000xi32, #tpu.memory_space<hbm>> -> memref<5000xi32, #tpu.memory_space<hbm>>
      %dma_wait3A_65 = arith.constant 0 : i32
      %dma_wait3A_66 = tpu.memref_slice %arg5[%dma_wait3A_65] : memref<5016xi32, #tpu.memory_space<vmem>> -> memref<5000xi32, #tpu.memory_space<vmem>>
      %dma_wait3A_67 = arith.constant 0 : i32
      %dma_wait3A_68 = tpu.memref_slice %arg2[%run_scoped3A_26, %add3A, %dma_wait3A_67] : memref<3x32x5000xi32, #tpu.memory_space<hbm>> -> memref<1x1x5000xi32, #tpu.memory_space<hbm>>
      %dma_wait3A_69 = tpu.memref_squeeze %dma_wait3A_68 : memref<1x1x5000xi32, #tpu.memory_space<hbm>> -> memref<5000xi32, #tpu.memory_space<hbm>>
      tpu.wait_dma2 semaphore(%run_scoped3A_51 : memref<!tpu.dma_semaphore, #tpu.memory_space<semaphore_mem>>) src(%dma_wait3A_69 : memref<5000xi32, #tpu.memory_space<hbm>>) dst(%dma_wait3A_66 : memref<5000xi32, #tpu.memory_space<vmem>>)
      tpu.yield
    }) : () -> ()
    %scan3A_27 = arith.constant 0 : i32
    %scan3A_28 = arith.constant 0 : i32
    %scan3A_29 = arith.constant 313 : i32
    %scan3A_30 = arith.addi %scan3A_28, %scan3A_29 : i32
    %scan3A_31 = arith.constant 1 : i32
    %scan3A_32 = scf.for %scan3A_51 = %scan3A_28 to %scan3A_30 step %scan3A_31 iter_args(%scan3A_52 = %scan3A_27) -> (i32)  : i32 {
      %mul3A_53 = arith.constant 16 : i32
      %mul3A_54 = arith.muli %scan3A_51, %mul3A_53 : i32
      %get3A = arith.index_cast %mul3A_54 : i32 to index
      %get3A_55 = tpu.vector_load %arg5[%get3A] {strides = array<i32>} : memref<5016xi32, #tpu.memory_space<vmem>>, vector<16xi32>,
      tpu.vector_store_idx %arg4[%get3A_55], %broadcast_in_dim3A_1 {add = true} : memref<10240xf32, #tpu.memory_space<vmem>>[vector<16xi32>], vector<16xf32>,
      %scan3A_56 = arith.constant 0 : i32
      scf.yield %scan3A_56 : i32
    }
    %scan3A_33 = arith.constant 313 : i32
    %run_scoped3A_34 = arith.constant 1 : i32
    "tpu.region"() ({
      %run_scoped3A_51 = tpu.sem_alloc : memref<!tpu.dma_semaphore, #tpu.memory_space<semaphore_mem>>
      %dma_start3A = arith.constant 0 : i32
      %dma_start3A_52 = tpu.memref_slice %arg3[%run_scoped3A_34, %add3A, %dma_start3A] : memref<3x32x10240xf32, #tpu.memory_space<hbm>> -> memref<1x1x10240xf32, #tpu.memory_space<hbm>>
      %dma_start3A_53 = tpu.memref_squeeze %dma_start3A_52 : memref<1x1x10240xf32, #tpu.memory_space<hbm>> -> memref<10240xf32, #tpu.memory_space<hbm>>
      %dma_start3A_54 = arith.constant 0 : i32
      %dma_start3A_55 = tpu.memref_slice %arg3[%run_scoped3A_34, %add3A, %dma_start3A_54] : memref<3x32x10240xf32, #tpu.memory_space<hbm>> -> memref<1x1x10240xf32, #tpu.memory_space<hbm>>
      %dma_start3A_56 = tpu.memref_squeeze %dma_start3A_55 : memref<1x1x10240xf32, #tpu.memory_space<hbm>> -> memref<10240xf32, #tpu.memory_space<hbm>>
      tpu.enqueue_dma source(%arg4 : memref<10240xf32, #tpu.memory_space<vmem>>) target(%dma_start3A_56 : memref<10240xf32, #tpu.memory_space<hbm>>) target_semaphore(%run_scoped3A_51 : memref<!tpu.dma_semaphore, #tpu.memory_space<semaphore_mem>>)
      %dma_wait3A = arith.constant 0 : i32
      %dma_wait3A_57 = tpu.memref_slice %arg3[%run_scoped3A_34, %add3A, %dma_wait3A] : memref<3x32x10240xf32, #tpu.memory_space<hbm>> -> memref<1x1x10240xf32, #tpu.memory_space<hbm>>
      %dma_wait3A_58 = tpu.memref_squeeze %dma_wait3A_57 : memref<1x1x10240xf32, #tpu.memory_space<hbm>> -> memref<10240xf32, #tpu.memory_space<hbm>>
      %dma_wait3A_59 = arith.constant 0 : i32
      %dma_wait3A_60 = tpu.memref_slice %arg3[%run_scoped3A_34, %add3A, %dma_wait3A_59] : memref<3x32x10240xf32, #tpu.memory_space<hbm>> -> memref<1x1x10240xf32, #tpu.memory_space<hbm>>
      %dma_wait3A_61 = tpu.memref_squeeze %dma_wait3A_60 : memref<1x1x10240xf32, #tpu.memory_space<hbm>> -> memref<10240xf32, #tpu.memory_space<hbm>>
      tpu.wait_dma2 semaphore(%run_scoped3A_51 : memref<!tpu.dma_semaphore, #tpu.memory_space<semaphore_mem>>) src(%arg4 : memref<10240xf32, #tpu.memory_space<vmem>>) dst(%dma_wait3A_61 : memref<10240xf32, #tpu.memory_space<hbm>>)
      tpu.yield
    }) : () -> ()
    %scan3A_35 = arith.constant 0 : i32
    %scan3A_36 = arith.constant 0 : i32
    %scan3A_37 = arith.constant 640 : i32
    %scan3A_38 = arith.addi %scan3A_36, %scan3A_37 : i32
    %scan3A_39 = arith.constant 1 : i32
    %scan3A_40 = scf.for %scan3A_51 = %scan3A_36 to %scan3A_38 step %scan3A_39 iter_args(%scan3A_52 = %scan3A_35) -> (i32)  : i32 {
      %broadcast_in_dim3A_53 = arith.constant 0.000000e+00 : f32
      %broadcast_in_dim3A_54 = vector.broadcast %broadcast_in_dim3A_53 : f32 to vector<16xf32>
      %mul3A_55 = arith.constant 16 : i32
      %mul3A_56 = arith.muli %scan3A_51, %mul3A_55 : i32
      %swap3A_57 = arith.index_cast %mul3A_56 : i32 to index
      %swap3A_58 = tpu.vector_load %arg4[%swap3A_57] {strides = array<i32>} : memref<10240xf32, #tpu.memory_space<vmem>>, vector<16xf32>,
      tpu.vector_store %arg4[%swap3A_57], %broadcast_in_dim3A_54 {strides = array<i32>} : memref<10240xf32, #tpu.memory_space<vmem>>, vector<16xf32>,
      %scan3A_59 = arith.constant 0 : i32
      scf.yield %scan3A_59 : i32
    }
    %scan3A_41 = arith.constant 640 : i32
    %run_scoped3A_42 = arith.constant 2 : i32
    "tpu.region"() ({
      %run_scoped3A_51 = tpu.sem_alloc : memref<!tpu.dma_semaphore, #tpu.memory_space<semaphore_mem>>
      %dma_start3A = arith.constant 0 : i32
      %dma_start3A_52 = tpu.memref_slice %arg5[%dma_start3A] : memref<5016xi32, #tpu.memory_space<vmem>> -> memref<5000xi32, #tpu.memory_space<vmem>>
      %dma_start3A_53 = arith.constant 0 : i32
      %dma_start3A_54 = tpu.memref_slice %arg2[%run_scoped3A_42, %add3A, %dma_start3A_53] : memref<3x32x5000xi32, #tpu.memory_space<hbm>> -> memref<1x1x5000xi32, #tpu.memory_space<hbm>>
      %dma_start3A_55 = tpu.memref_squeeze %dma_start3A_54 : memref<1x1x5000xi32, #tpu.memory_space<hbm>> -> memref<5000xi32, #tpu.memory_space<hbm>>
      %dma_start3A_56 = arith.constant 0 : i32
      %dma_start3A_57 = tpu.memref_slice %arg5[%dma_start3A_56] : memref<5016xi32, #tpu.memory_space<vmem>> -> memref<5000xi32, #tpu.memory_space<vmem>>
      %dma_start3A_58 = arith.constant 0 : i32
      %dma_start3A_59 = tpu.memref_slice %arg2[%run_scoped3A_42, %add3A, %dma_start3A_58] : memref<3x32x5000xi32, #tpu.memory_space<hbm>> -> memref<1x1x5000xi32, #tpu.memory_space<hbm>>
      %dma_start3A_60 = tpu.memref_squeeze %dma_start3A_59 : memref<1x1x5000xi32, #tpu.memory_space<hbm>> -> memref<5000xi32, #tpu.memory_space<hbm>>
      tpu.enqueue_dma source(%dma_start3A_60 : memref<5000xi32, #tpu.memory_space<hbm>>) target(%dma_start3A_57 : memref<5000xi32, #tpu.memory_space<vmem>>) target_semaphore(%run_scoped3A_51 : memref<!tpu.dma_semaphore, #tpu.memory_space<semaphore_mem>>)
      %dma_wait3A = arith.constant 0 : i32
      %dma_wait3A_61 = tpu.memref_slice %arg5[%dma_wait3A] : memref<5016xi32, #tpu.memory_space<vmem>> -> memref<5000xi32, #tpu.memory_space<vmem>>
      %dma_wait3A_62 = arith.constant 0 : i32
      %dma_wait3A_63 = tpu.memref_slice %arg2[%run_scoped3A_42, %add3A, %dma_wait3A_62] : memref<3x32x5000xi32, #tpu.memory_space<hbm>> -> memref<1x1x5000xi32, #tpu.memory_space<hbm>>
      %dma_wait3A_64 = tpu.memref_squeeze %dma_wait3A_63 : memref<1x1x5000xi32, #tpu.memory_space<hbm>> -> memref<5000xi32, #tpu.memory_space<hbm>>
      %dma_wait3A_65 = arith.constant 0 : i32
      %dma_wait3A_66 = tpu.memref_slice %arg5[%dma_wait3A_65] : memref<5016xi32, #tpu.memory_space<vmem>> -> memref<5000xi32, #tpu.memory_space<vmem>>
      %dma_wait3A_67 = arith.constant 0 : i32
      %dma_wait3A_68 = tpu.memref_slice %arg2[%run_scoped3A_42, %add3A, %dma_wait3A_67] : memref<3x32x5000xi32, #tpu.memory_space<hbm>> -> memref<1x1x5000xi32, #tpu.memory_space<hbm>>
      %dma_wait3A_69 = tpu.memref_squeeze %dma_wait3A_68 : memref<1x1x5000xi32, #tpu.memory_space<hbm>> -> memref<5000xi32, #tpu.memory_space<hbm>>
      tpu.wait_dma2 semaphore(%run_scoped3A_51 : memref<!tpu.dma_semaphore, #tpu.memory_space<semaphore_mem>>) src(%dma_wait3A_69 : memref<5000xi32, #tpu.memory_space<hbm>>) dst(%dma_wait3A_66 : memref<5000xi32, #tpu.memory_space<vmem>>)
      tpu.yield
    }) : () -> ()
    %scan3A_43 = arith.constant 0 : i32
    %scan3A_44 = arith.constant 0 : i32
    %scan3A_45 = arith.constant 313 : i32
    %scan3A_46 = arith.addi %scan3A_44, %scan3A_45 : i32
    %scan3A_47 = arith.constant 1 : i32
    %scan3A_48 = scf.for %scan3A_51 = %scan3A_44 to %scan3A_46 step %scan3A_47 iter_args(%scan3A_52 = %scan3A_43) -> (i32)  : i32 {
      %mul3A_53 = arith.constant 16 : i32
      %mul3A_54 = arith.muli %scan3A_51, %mul3A_53 : i32
      %get3A = arith.index_cast %mul3A_54 : i32 to index
      %get3A_55 = tpu.vector_load %arg5[%get3A] {strides = array<i32>} : memref<5016xi32, #tpu.memory_space<vmem>>, vector<16xi32>,
      tpu.vector_store_idx %arg4[%get3A_55], %broadcast_in_dim3A_1 {add = true} : memref<10240xf32, #tpu.memory_space<vmem>>[vector<16xi32>], vector<16xf32>,
      %scan3A_56 = arith.constant 0 : i32
      scf.yield %scan3A_56 : i32
    }
    %scan3A_49 = arith.constant 313 : i32
    %run_scoped3A_50 = arith.constant 2 : i32
    "tpu.region"() ({
      %run_scoped3A_51 = tpu.sem_alloc : memref<!tpu.dma_semaphore, #tpu.memory_space<semaphore_mem>>
      %dma_start3A = arith.constant 0 : i32
      %dma_start3A_52 = tpu.memref_slice %arg3[%run_scoped3A_50, %add3A, %dma_start3A] : memref<3x32x10240xf32, #tpu.memory_space<hbm>> -> memref<1x1x10240xf32, #tpu.memory_space<hbm>>
      %dma_start3A_53 = tpu.memref_squeeze %dma_start3A_52 : memref<1x1x10240xf32, #tpu.memory_space<hbm>> -> memref<10240xf32, #tpu.memory_space<hbm>>
      %dma_start3A_54 = arith.constant 0 : i32
      %dma_start3A_55 = tpu.memref_slice %arg3[%run_scoped3A_50, %add3A, %dma_start3A_54] : memref<3x32x10240xf32, #tpu.memory_space<hbm>> -> memref<1x1x10240xf32, #tpu.memory_space<hbm>>
      %dma_start3A_56 = tpu.memref_squeeze %dma_start3A_55 : memref<1x1x10240xf32, #tpu.memory_space<hbm>> -> memref<10240xf32, #tpu.memory_space<hbm>>
      tpu.enqueue_dma source(%arg4 : memref<10240xf32, #tpu.memory_space<vmem>>) target(%dma_start3A_56 : memref<10240xf32, #tpu.memory_space<hbm>>) target_semaphore(%run_scoped3A_51 : memref<!tpu.dma_semaphore, #tpu.memory_space<semaphore_mem>>)
      %dma_wait3A = arith.constant 0 : i32
      %dma_wait3A_57 = tpu.memref_slice %arg3[%run_scoped3A_50, %add3A, %dma_wait3A] : memref<3x32x10240xf32, #tpu.memory_space<hbm>> -> memref<1x1x10240xf32, #tpu.memory_space<hbm>>
      %dma_wait3A_58 = tpu.memref_squeeze %dma_wait3A_57 : memref<1x1x10240xf32, #tpu.memory_space<hbm>> -> memref<10240xf32, #tpu.memory_space<hbm>>
      %dma_wait3A_59 = arith.constant 0 : i32
      %dma_wait3A_60 = tpu.memref_slice %arg3[%run_scoped3A_50, %add3A, %dma_wait3A_59] : memref<3x32x10240xf32, #tpu.memory_space<hbm>> -> memref<1x1x10240xf32, #tpu.memory_space<hbm>>
      %dma_wait3A_61 = tpu.memref_squeeze %dma_wait3A_60 : memref<1x1x10240xf32, #tpu.memory_space<hbm>> -> memref<10240xf32, #tpu.memory_space<hbm>>
      tpu.wait_dma2 semaphore(%run_scoped3A_51 : memref<!tpu.dma_semaphore, #tpu.memory_space<semaphore_mem>>) src(%arg4 : memref<10240xf32, #tpu.memory_space<vmem>>) dst(%dma_wait3A_61 : memref<10240xf32, #tpu.memory_space<hbm>>)
      tpu.yield
    }) : () -> ()
    return
  }
}

#map = affine_map<(d0, d1) -> (0, 0)>
#map1 = affine_map<(d0, d1) -> (0, 0, 0, 0)>
module attributes {stable_mosaic.version = 14 : i64} {
  func.func @_agg_kernel(%arg0: i32, %arg1: i32, %arg2: memref<10240x128xf32, #tpu.memory_space<hbm>>, %arg3: memref<3x32x40x125xi32, #tpu.memory_space<hbm>>, %arg4: memref<3x32x40x125xi32, #tpu.memory_space<hbm>>, %arg5: memref<3x2x10240x128xf32, #tpu.memory_space<hbm>>, %arg6: memref<10240x128xf32, #tpu.memory_space<vmem_shared>>, %arg7: memref<40x125xi32, #tpu.memory_space<vmem>>, %arg8: memref<40x125xi32, #tpu.memory_space<vmem>>, %arg9: memref<128x128xf32, #tpu.memory_space<vmem>>, %arg10: memref<128x128xf32, #tpu.memory_space<vmem>>, %arg11: memref<!tpu.dma_semaphore, #tpu.memory_space<semaphore_mem>>, %arg12: memref<!tpu.dma_semaphore, #tpu.memory_space<semaphore_mem>>) attributes {dimension_semantics = [#tpu.dimension_semantics<core_parallel>, #tpu.dimension_semantics<subcore_parallel>], iteration_bounds = array<i64: 2, 16>, scalar_prefetch = 0 : i64, scratch_operands = 7 : i64, tpu.core_type = #tpu.core_type<sc_vector_subcore>, window_params = [{transform_indices = #map}, {transform_indices = #map1}, {transform_indices = #map1}, {transform_indices = #map1}]} {
    %mul3A = arith.constant 16 : i32
    %mul3A_0 = arith.muli %arg0, %mul3A : i32
    %add3A = arith.addi %mul3A_0, %arg1 : i32
    %mul3A_1 = arith.constant 640 : i32
    %mul3A_2 = arith.muli %arg1, %mul3A_1 : i32
    %scan3A = arith.constant 0 : i32
    %scan3A_3 = arith.constant 0 : i32
    %scan3A_4 = arith.constant 128 : i32
    %scan3A_5 = arith.addi %scan3A_3, %scan3A_4 : i32
    %scan3A_6 = arith.constant 1 : i32
    %scan3A_7 = scf.for %scan3A_119 = %scan3A_3 to %scan3A_5 step %scan3A_6 iter_args(%scan3A_120 = %scan3A) -> (i32)  : i32 {
      %broadcast_in_dim3A = arith.constant 0.000000e+00 : f32
      %broadcast_in_dim3A_121 = vector.broadcast %broadcast_in_dim3A : f32 to vector<16xf32>
      %swap3A = arith.index_cast %scan3A_119 : i32 to index
      %swap3A_122 = arith.constant 0 : index
      %swap3A_123 = tpu.vector_load %arg10[%swap3A, %swap3A_122] {strides = array<i32>} : memref<128x128xf32, #tpu.memory_space<vmem>>, vector<1x16xf32>,
      %swap3A_124 = vector.shape_cast %swap3A_123 : vector<1x16xf32> to vector<16xf32>
      %swap3A_125 = vector.shape_cast %broadcast_in_dim3A_121 : vector<16xf32> to vector<1x16xf32>
      tpu.vector_store %arg10[%swap3A, %swap3A_122], %swap3A_125 {strides = array<i32>} : memref<128x128xf32, #tpu.memory_space<vmem>>, vector<1x16xf32>,
      %broadcast_in_dim3A_126 = arith.constant 0.000000e+00 : f32
      %broadcast_in_dim3A_127 = vector.broadcast %broadcast_in_dim3A_126 : f32 to vector<16xf32>
      %swap3A_128 = arith.index_cast %scan3A_119 : i32 to index
      %swap3A_129 = arith.constant 16 : index
      %swap3A_130 = tpu.vector_load %arg10[%swap3A_128, %swap3A_129] {strides = array<i32>} : memref<128x128xf32, #tpu.memory_space<vmem>>, vector<1x16xf32>,
      %swap3A_131 = vector.shape_cast %swap3A_130 : vector<1x16xf32> to vector<16xf32>
      %swap3A_132 = vector.shape_cast %broadcast_in_dim3A_127 : vector<16xf32> to vector<1x16xf32>
      tpu.vector_store %arg10[%swap3A_128, %swap3A_129], %swap3A_132 {strides = array<i32>} : memref<128x128xf32, #tpu.memory_space<vmem>>, vector<1x16xf32>,
      %broadcast_in_dim3A_133 = arith.constant 0.000000e+00 : f32
      %broadcast_in_dim3A_134 = vector.broadcast %broadcast_in_dim3A_133 : f32 to vector<16xf32>
      %swap3A_135 = arith.index_cast %scan3A_119 : i32 to index
      %swap3A_136 = arith.constant 32 : index
      %swap3A_137 = tpu.vector_load %arg10[%swap3A_135, %swap3A_136] {strides = array<i32>} : memref<128x128xf32, #tpu.memory_space<vmem>>, vector<1x16xf32>,
      %swap3A_138 = vector.shape_cast %swap3A_137 : vector<1x16xf32> to vector<16xf32>
      %swap3A_139 = vector.shape_cast %broadcast_in_dim3A_134 : vector<16xf32> to vector<1x16xf32>
      tpu.vector_store %arg10[%swap3A_135, %swap3A_136], %swap3A_139 {strides = array<i32>} : memref<128x128xf32, #tpu.memory_space<vmem>>, vector<1x16xf32>,
      %broadcast_in_dim3A_140 = arith.constant 0.000000e+00 : f32
      %broadcast_in_dim3A_141 = vector.broadcast %broadcast_in_dim3A_140 : f32 to vector<16xf32>
      %swap3A_142 = arith.index_cast %scan3A_119 : i32 to index
      %swap3A_143 = arith.constant 48 : index
      %swap3A_144 = tpu.vector_load %arg10[%swap3A_142, %swap3A_143] {strides = array<i32>} : memref<128x128xf32, #tpu.memory_space<vmem>>, vector<1x16xf32>,
      %swap3A_145 = vector.shape_cast %swap3A_144 : vector<1x16xf32> to vector<16xf32>
      %swap3A_146 = vector.shape_cast %broadcast_in_dim3A_141 : vector<16xf32> to vector<1x16xf32>
      tpu.vector_store %arg10[%swap3A_142, %swap3A_143], %swap3A_146 {strides = array<i32>} : memref<128x128xf32, #tpu.memory_space<vmem>>, vector<1x16xf32>,
      %broadcast_in_dim3A_147 = arith.constant 0.000000e+00 : f32
      %broadcast_in_dim3A_148 = vector.broadcast %broadcast_in_dim3A_147 : f32 to vector<16xf32>
      %swap3A_149 = arith.index_cast %scan3A_119 : i32 to index
      %swap3A_150 = arith.constant 64 : index
      %swap3A_151 = tpu.vector_load %arg10[%swap3A_149, %swap3A_150] {strides = array<i32>} : memref<128x128xf32, #tpu.memory_space<vmem>>, vector<1x16xf32>,
      %swap3A_152 = vector.shape_cast %swap3A_151 : vector<1x16xf32> to vector<16xf32>
      %swap3A_153 = vector.shape_cast %broadcast_in_dim3A_148 : vector<16xf32> to vector<1x16xf32>
      tpu.vector_store %arg10[%swap3A_149, %swap3A_150], %swap3A_153 {strides = array<i32>} : memref<128x128xf32, #tpu.memory_space<vmem>>, vector<1x16xf32>,
      %broadcast_in_dim3A_154 = arith.constant 0.000000e+00 : f32
      %broadcast_in_dim3A_155 = vector.broadcast %broadcast_in_dim3A_154 : f32 to vector<16xf32>
      %swap3A_156 = arith.index_cast %scan3A_119 : i32 to index
      %swap3A_157 = arith.constant 80 : index
      %swap3A_158 = tpu.vector_load %arg10[%swap3A_156, %swap3A_157] {strides = array<i32>} : memref<128x128xf32, #tpu.memory_space<vmem>>, vector<1x16xf32>,
      %swap3A_159 = vector.shape_cast %swap3A_158 : vector<1x16xf32> to vector<16xf32>
      %swap3A_160 = vector.shape_cast %broadcast_in_dim3A_155 : vector<16xf32> to vector<1x16xf32>
      tpu.vector_store %arg10[%swap3A_156, %swap3A_157], %swap3A_160 {strides = array<i32>} : memref<128x128xf32, #tpu.memory_space<vmem>>, vector<1x16xf32>,
      %broadcast_in_dim3A_161 = arith.constant 0.000000e+00 : f32
      %broadcast_in_dim3A_162 = vector.broadcast %broadcast_in_dim3A_161 : f32 to vector<16xf32>
      %swap3A_163 = arith.index_cast %scan3A_119 : i32 to index
      %swap3A_164 = arith.constant 96 : index
      %swap3A_165 = tpu.vector_load %arg10[%swap3A_163, %swap3A_164] {strides = array<i32>} : memref<128x128xf32, #tpu.memory_space<vmem>>, vector<1x16xf32>,
      %swap3A_166 = vector.shape_cast %swap3A_165 : vector<1x16xf32> to vector<16xf32>
      %swap3A_167 = vector.shape_cast %broadcast_in_dim3A_162 : vector<16xf32> to vector<1x16xf32>
      tpu.vector_store %arg10[%swap3A_163, %swap3A_164], %swap3A_167 {strides = array<i32>} : memref<128x128xf32, #tpu.memory_space<vmem>>, vector<1x16xf32>,
      %broadcast_in_dim3A_168 = arith.constant 0.000000e+00 : f32
      %broadcast_in_dim3A_169 = vector.broadcast %broadcast_in_dim3A_168 : f32 to vector<16xf32>
      %swap3A_170 = arith.index_cast %scan3A_119 : i32 to index
      %swap3A_171 = arith.constant 112 : index
      %swap3A_172 = tpu.vector_load %arg10[%swap3A_170, %swap3A_171] {strides = array<i32>} : memref<128x128xf32, #tpu.memory_space<vmem>>, vector<1x16xf32>,
      %swap3A_173 = vector.shape_cast %swap3A_172 : vector<1x16xf32> to vector<16xf32>
      %swap3A_174 = vector.shape_cast %broadcast_in_dim3A_169 : vector<16xf32> to vector<1x16xf32>
      tpu.vector_store %arg10[%swap3A_170, %swap3A_171], %swap3A_174 {strides = array<i32>} : memref<128x128xf32, #tpu.memory_space<vmem>>, vector<1x16xf32>,
      %scan3A_175 = arith.constant 0 : i32
      scf.yield %scan3A_175 : i32
    }
    %scan3A_8 = arith.constant 128 : i32
    %add3A_9 = arith.constant 0 : i32
    %add3A_10 = arith.addi %mul3A_2, %add3A_9 : i32
    "tpu.region"() ({
      %run_scoped3A_119 = tpu.sem_alloc : memref<!tpu.dma_semaphore, #tpu.memory_space<semaphore_mem>>
      %dma_start3A_120 = arith.constant 0 : i32
      %dma_start3A_121 = tpu.memref_slice %arg6[%add3A_10, %dma_start3A_120] : memref<10240x128xf32, #tpu.memory_space<vmem_shared>> -> memref<128x128xf32, #tpu.memory_space<vmem_shared>>
      %dma_start3A_122 = arith.constant 0 : i32
      %dma_start3A_123 = tpu.memref_slice %arg6[%add3A_10, %dma_start3A_122] : memref<10240x128xf32, #tpu.memory_space<vmem_shared>> -> memref<128x128xf32, #tpu.memory_space<vmem_shared>>
      tpu.enqueue_dma source(%arg10 : memref<128x128xf32, #tpu.memory_space<vmem>>) target(%dma_start3A_123 : memref<128x128xf32, #tpu.memory_space<vmem_shared>>) target_semaphore(%run_scoped3A_119 : memref<!tpu.dma_semaphore, #tpu.memory_space<semaphore_mem>>)
      %dma_wait3A = arith.constant 0 : i32
      %dma_wait3A_124 = tpu.memref_slice %arg6[%add3A_10, %dma_wait3A] : memref<10240x128xf32, #tpu.memory_space<vmem_shared>> -> memref<128x128xf32, #tpu.memory_space<vmem_shared>>
      %dma_wait3A_125 = arith.constant 0 : i32
      %dma_wait3A_126 = tpu.memref_slice %arg6[%add3A_10, %dma_wait3A_125] : memref<10240x128xf32, #tpu.memory_space<vmem_shared>> -> memref<128x128xf32, #tpu.memory_space<vmem_shared>>
      tpu.wait_dma2 semaphore(%run_scoped3A_119 : memref<!tpu.dma_semaphore, #tpu.memory_space<semaphore_mem>>) src(%arg10 : memref<128x128xf32, #tpu.memory_space<vmem>>) dst(%dma_wait3A_126 : memref<128x128xf32, #tpu.memory_space<vmem_shared>>)
      tpu.yield
    }) : () -> ()
    %add3A_11 = arith.constant 128 : i32
    %add3A_12 = arith.addi %mul3A_2, %add3A_11 : i32
    "tpu.region"() ({
      %run_scoped3A_119 = tpu.sem_alloc : memref<!tpu.dma_semaphore, #tpu.memory_space<semaphore_mem>>
      %dma_start3A_120 = arith.constant 0 : i32
      %dma_start3A_121 = tpu.memref_slice %arg6[%add3A_12, %dma_start3A_120] : memref<10240x128xf32, #tpu.memory_space<vmem_shared>> -> memref<128x128xf32, #tpu.memory_space<vmem_shared>>
      %dma_start3A_122 = arith.constant 0 : i32
      %dma_start3A_123 = tpu.memref_slice %arg6[%add3A_12, %dma_start3A_122] : memref<10240x128xf32, #tpu.memory_space<vmem_shared>> -> memref<128x128xf32, #tpu.memory_space<vmem_shared>>
      tpu.enqueue_dma source(%arg10 : memref<128x128xf32, #tpu.memory_space<vmem>>) target(%dma_start3A_123 : memref<128x128xf32, #tpu.memory_space<vmem_shared>>) target_semaphore(%run_scoped3A_119 : memref<!tpu.dma_semaphore, #tpu.memory_space<semaphore_mem>>)
      %dma_wait3A = arith.constant 0 : i32
      %dma_wait3A_124 = tpu.memref_slice %arg6[%add3A_12, %dma_wait3A] : memref<10240x128xf32, #tpu.memory_space<vmem_shared>> -> memref<128x128xf32, #tpu.memory_space<vmem_shared>>
      %dma_wait3A_125 = arith.constant 0 : i32
      %dma_wait3A_126 = tpu.memref_slice %arg6[%add3A_12, %dma_wait3A_125] : memref<10240x128xf32, #tpu.memory_space<vmem_shared>> -> memref<128x128xf32, #tpu.memory_space<vmem_shared>>
      tpu.wait_dma2 semaphore(%run_scoped3A_119 : memref<!tpu.dma_semaphore, #tpu.memory_space<semaphore_mem>>) src(%arg10 : memref<128x128xf32, #tpu.memory_space<vmem>>) dst(%dma_wait3A_126 : memref<128x128xf32, #tpu.memory_space<vmem_shared>>)
      tpu.yield
    }) : () -> ()
    %add3A_13 = arith.constant 256 : i32
    %add3A_14 = arith.addi %mul3A_2, %add3A_13 : i32
    "tpu.region"() ({
      %run_scoped3A_119 = tpu.sem_alloc : memref<!tpu.dma_semaphore, #tpu.memory_space<semaphore_mem>>
      %dma_start3A_120 = arith.constant 0 : i32
      %dma_start3A_121 = tpu.memref_slice %arg6[%add3A_14, %dma_start3A_120] : memref<10240x128xf32, #tpu.memory_space<vmem_shared>> -> memref<128x128xf32, #tpu.memory_space<vmem_shared>>
      %dma_start3A_122 = arith.constant 0 : i32
      %dma_start3A_123 = tpu.memref_slice %arg6[%add3A_14, %dma_start3A_122] : memref<10240x128xf32, #tpu.memory_space<vmem_shared>> -> memref<128x128xf32, #tpu.memory_space<vmem_shared>>
      tpu.enqueue_dma source(%arg10 : memref<128x128xf32, #tpu.memory_space<vmem>>) target(%dma_start3A_123 : memref<128x128xf32, #tpu.memory_space<vmem_shared>>) target_semaphore(%run_scoped3A_119 : memref<!tpu.dma_semaphore, #tpu.memory_space<semaphore_mem>>)
      %dma_wait3A = arith.constant 0 : i32
      %dma_wait3A_124 = tpu.memref_slice %arg6[%add3A_14, %dma_wait3A] : memref<10240x128xf32, #tpu.memory_space<vmem_shared>> -> memref<128x128xf32, #tpu.memory_space<vmem_shared>>
      %dma_wait3A_125 = arith.constant 0 : i32
      %dma_wait3A_126 = tpu.memref_slice %arg6[%add3A_14, %dma_wait3A_125] : memref<10240x128xf32, #tpu.memory_space<vmem_shared>> -> memref<128x128xf32, #tpu.memory_space<vmem_shared>>
      tpu.wait_dma2 semaphore(%run_scoped3A_119 : memref<!tpu.dma_semaphore, #tpu.memory_space<semaphore_mem>>) src(%arg10 : memref<128x128xf32, #tpu.memory_space<vmem>>) dst(%dma_wait3A_126 : memref<128x128xf32, #tpu.memory_space<vmem_shared>>)
      tpu.yield
    }) : () -> ()
    %add3A_15 = arith.constant 384 : i32
    %add3A_16 = arith.addi %mul3A_2, %add3A_15 : i32
    "tpu.region"() ({
      %run_scoped3A_119 = tpu.sem_alloc : memref<!tpu.dma_semaphore, #tpu.memory_space<semaphore_mem>>
      %dma_start3A_120 = arith.constant 0 : i32
      %dma_start3A_121 = tpu.memref_slice %arg6[%add3A_16, %dma_start3A_120] : memref<10240x128xf32, #tpu.memory_space<vmem_shared>> -> memref<128x128xf32, #tpu.memory_space<vmem_shared>>
      %dma_start3A_122 = arith.constant 0 : i32
      %dma_start3A_123 = tpu.memref_slice %arg6[%add3A_16, %dma_start3A_122] : memref<10240x128xf32, #tpu.memory_space<vmem_shared>> -> memref<128x128xf32, #tpu.memory_space<vmem_shared>>
      tpu.enqueue_dma source(%arg10 : memref<128x128xf32, #tpu.memory_space<vmem>>) target(%dma_start3A_123 : memref<128x128xf32, #tpu.memory_space<vmem_shared>>) target_semaphore(%run_scoped3A_119 : memref<!tpu.dma_semaphore, #tpu.memory_space<semaphore_mem>>)
      %dma_wait3A = arith.constant 0 : i32
      %dma_wait3A_124 = tpu.memref_slice %arg6[%add3A_16, %dma_wait3A] : memref<10240x128xf32, #tpu.memory_space<vmem_shared>> -> memref<128x128xf32, #tpu.memory_space<vmem_shared>>
      %dma_wait3A_125 = arith.constant 0 : i32
      %dma_wait3A_126 = tpu.memref_slice %arg6[%add3A_16, %dma_wait3A_125] : memref<10240x128xf32, #tpu.memory_space<vmem_shared>> -> memref<128x128xf32, #tpu.memory_space<vmem_shared>>
      tpu.wait_dma2 semaphore(%run_scoped3A_119 : memref<!tpu.dma_semaphore, #tpu.memory_space<semaphore_mem>>) src(%arg10 : memref<128x128xf32, #tpu.memory_space<vmem>>) dst(%dma_wait3A_126 : memref<128x128xf32, #tpu.memory_space<vmem_shared>>)
      tpu.yield
    }) : () -> ()
    %add3A_17 = arith.constant 512 : i32
    %add3A_18 = arith.addi %mul3A_2, %add3A_17 : i32
    "tpu.region"() ({
      %run_scoped3A_119 = tpu.sem_alloc : memref<!tpu.dma_semaphore, #tpu.memory_space<semaphore_mem>>
      %dma_start3A_120 = arith.constant 0 : i32
      %dma_start3A_121 = tpu.memref_slice %arg6[%add3A_18, %dma_start3A_120] : memref<10240x128xf32, #tpu.memory_space<vmem_shared>> -> memref<128x128xf32, #tpu.memory_space<vmem_shared>>
      %dma_start3A_122 = arith.constant 0 : i32
      %dma_start3A_123 = tpu.memref_slice %arg6[%add3A_18, %dma_start3A_122] : memref<10240x128xf32, #tpu.memory_space<vmem_shared>> -> memref<128x128xf32, #tpu.memory_space<vmem_shared>>
      tpu.enqueue_dma source(%arg10 : memref<128x128xf32, #tpu.memory_space<vmem>>) target(%dma_start3A_123 : memref<128x128xf32, #tpu.memory_space<vmem_shared>>) target_semaphore(%run_scoped3A_119 : memref<!tpu.dma_semaphore, #tpu.memory_space<semaphore_mem>>)
      %dma_wait3A = arith.constant 0 : i32
      %dma_wait3A_124 = tpu.memref_slice %arg6[%add3A_18, %dma_wait3A] : memref<10240x128xf32, #tpu.memory_space<vmem_shared>> -> memref<128x128xf32, #tpu.memory_space<vmem_shared>>
      %dma_wait3A_125 = arith.constant 0 : i32
      %dma_wait3A_126 = tpu.memref_slice %arg6[%add3A_18, %dma_wait3A_125] : memref<10240x128xf32, #tpu.memory_space<vmem_shared>> -> memref<128x128xf32, #tpu.memory_space<vmem_shared>>
      tpu.wait_dma2 semaphore(%run_scoped3A_119 : memref<!tpu.dma_semaphore, #tpu.memory_space<semaphore_mem>>) src(%arg10 : memref<128x128xf32, #tpu.memory_space<vmem>>) dst(%dma_wait3A_126 : memref<128x128xf32, #tpu.memory_space<vmem_shared>>)
      tpu.yield
    }) : () -> ()
    %barrier3A = arith.constant 0 : index
    tpu.barrier barrier_id(%barrier3A)
    %run_scoped3A = arith.constant 0 : i32
    "tpu.region"() ({
      %run_scoped3A_119 = tpu.sem_alloc : memref<!tpu.dma_semaphore, #tpu.memory_space<semaphore_mem>>
      %dma_start3A_120 = arith.constant 0 : i32
      %dma_start3A_121 = arith.constant 0 : i32
      %dma_start3A_122 = tpu.memref_slice %arg3[%run_scoped3A, %add3A, %dma_start3A_120, %dma_start3A_121] : memref<3x32x40x125xi32, #tpu.memory_space<hbm>> -> memref<1x1x40x125xi32, #tpu.memory_space<hbm>>
      %dma_start3A_123 = tpu.memref_squeeze %dma_start3A_122 : memref<1x1x40x125xi32, #tpu.memory_space<hbm>> -> memref<40x125xi32, #tpu.memory_space<hbm>>
      %dma_start3A_124 = arith.constant 0 : i32
      %dma_start3A_125 = arith.constant 0 : i32
      %dma_start3A_126 = tpu.memref_slice %arg3[%run_scoped3A, %add3A, %dma_start3A_124, %dma_start3A_125] : memref<3x32x40x125xi32, #tpu.memory_space<hbm>> -> memref<1x1x40x125xi32, #tpu.memory_space<hbm>>
      %dma_start3A_127 = tpu.memref_squeeze %dma_start3A_126 : memref<1x1x40x125xi32, #tpu.memory_space<hbm>> -> memref<40x125xi32, #tpu.memory_space<hbm>>
      tpu.enqueue_dma source(%dma_start3A_127 : memref<40x125xi32, #tpu.memory_space<hbm>>) target(%arg7 : memref<40x125xi32, #tpu.memory_space<vmem>>) target_semaphore(%run_scoped3A_119 : memref<!tpu.dma_semaphore, #tpu.memory_space<semaphore_mem>>)
      %dma_wait3A = arith.constant 0 : i32
      %dma_wait3A_128 = arith.constant 0 : i32
      %dma_wait3A_129 = tpu.memref_slice %arg3[%run_scoped3A, %add3A, %dma_wait3A, %dma_wait3A_128] : memref<3x32x40x125xi32, #tpu.memory_space<hbm>> -> memref<1x1x40x125xi32, #tpu.memory_space<hbm>>
      %dma_wait3A_130 = tpu.memref_squeeze %dma_wait3A_129 : memref<1x1x40x125xi32, #tpu.memory_space<hbm>> -> memref<40x125xi32, #tpu.memory_space<hbm>>
      %dma_wait3A_131 = arith.constant 0 : i32
      %dma_wait3A_132 = arith.constant 0 : i32
      %dma_wait3A_133 = tpu.memref_slice %arg3[%run_scoped3A, %add3A, %dma_wait3A_131, %dma_wait3A_132] : memref<3x32x40x125xi32, #tpu.memory_space<hbm>> -> memref<1x1x40x125xi32, #tpu.memory_space<hbm>>
      %dma_wait3A_134 = tpu.memref_squeeze %dma_wait3A_133 : memref<1x1x40x125xi32, #tpu.memory_space<hbm>> -> memref<40x125xi32, #tpu.memory_space<hbm>>
      tpu.wait_dma2 semaphore(%run_scoped3A_119 : memref<!tpu.dma_semaphore, #tpu.memory_space<semaphore_mem>>) src(%dma_wait3A_134 : memref<40x125xi32, #tpu.memory_space<hbm>>) dst(%arg7 : memref<40x125xi32, #tpu.memory_space<vmem>>)
      tpu.yield
    }) : () -> ()
    %run_scoped3A_19 = arith.constant 0 : i32
    "tpu.region"() ({
      %run_scoped3A_119 = tpu.sem_alloc : memref<!tpu.dma_semaphore, #tpu.memory_space<semaphore_mem>>
      %dma_start3A_120 = arith.constant 0 : i32
      %dma_start3A_121 = arith.constant 0 : i32
      %dma_start3A_122 = tpu.memref_slice %arg4[%run_scoped3A_19, %add3A, %dma_start3A_120, %dma_start3A_121] : memref<3x32x40x125xi32, #tpu.memory_space<hbm>> -> memref<1x1x40x125xi32, #tpu.memory_space<hbm>>
      %dma_start3A_123 = tpu.memref_squeeze %dma_start3A_122 : memref<1x1x40x125xi32, #tpu.memory_space<hbm>> -> memref<40x125xi32, #tpu.memory_space<hbm>>
      %dma_start3A_124 = arith.constant 0 : i32
      %dma_start3A_125 = arith.constant 0 : i32
      %dma_start3A_126 = tpu.memref_slice %arg4[%run_scoped3A_19, %add3A, %dma_start3A_124, %dma_start3A_125] : memref<3x32x40x125xi32, #tpu.memory_space<hbm>> -> memref<1x1x40x125xi32, #tpu.memory_space<hbm>>
      %dma_start3A_127 = tpu.memref_squeeze %dma_start3A_126 : memref<1x1x40x125xi32, #tpu.memory_space<hbm>> -> memref<40x125xi32, #tpu.memory_space<hbm>>
      tpu.enqueue_dma source(%dma_start3A_127 : memref<40x125xi32, #tpu.memory_space<hbm>>) target(%arg8 : memref<40x125xi32, #tpu.memory_space<vmem>>) target_semaphore(%run_scoped3A_119 : memref<!tpu.dma_semaphore, #tpu.memory_space<semaphore_mem>>)
      %dma_wait3A = arith.constant 0 : i32
      %dma_wait3A_128 = arith.constant 0 : i32
      %dma_wait3A_129 = tpu.memref_slice %arg4[%run_scoped3A_19, %add3A, %dma_wait3A, %dma_wait3A_128] : memref<3x32x40x125xi32, #tpu.memory_space<hbm>> -> memref<1x1x40x125xi32, #tpu.memory_space<hbm>>
      %dma_wait3A_130 = tpu.memref_squeeze %dma_wait3A_129 : memref<1x1x40x125xi32, #tpu.memory_space<hbm>> -> memref<40x125xi32, #tpu.memory_space<hbm>>
      %dma_wait3A_131 = arith.constant 0 : i32
      %dma_wait3A_132 = arith.constant 0 : i32
      %dma_wait3A_133 = tpu.memref_slice %arg4[%run_scoped3A_19, %add3A, %dma_wait3A_131, %dma_wait3A_132] : memref<3x32x40x125xi32, #tpu.memory_space<hbm>> -> memref<1x1x40x125xi32, #tpu.memory_space<hbm>>
      %dma_wait3A_134 = tpu.memref_squeeze %dma_wait3A_133 : memref<1x1x40x125xi32, #tpu.memory_space<hbm>> -> memref<40x125xi32, #tpu.memory_space<hbm>>
      tpu.wait_dma2 semaphore(%run_scoped3A_119 : memref<!tpu.dma_semaphore, #tpu.memory_space<semaphore_mem>>) src(%dma_wait3A_134 : memref<40x125xi32, #tpu.memory_space<hbm>>) dst(%arg8 : memref<40x125xi32, #tpu.memory_space<vmem>>)
      tpu.yield
    }) : () -> ()
    %dma_start3A = arith.constant 0 : i32
    %dma_start3A_20 = arith.constant 0 : i32
    %dma_start3A_21 = arith.constant 0 : i32
    %dma_start3A_22 = tpu.memref_slice %arg9[%dma_start3A_20, %dma_start3A_21] : memref<128x128xf32, #tpu.memory_space<vmem>> -> memref<125x128xf32, #tpu.memory_space<vmem>>
    %dma_start3A_23 = arith.constant 0 : i32
    %dma_start3A_24 = tpu.memref_slice %arg7[%dma_start3A, %dma_start3A_23] : memref<40x125xi32, #tpu.memory_space<vmem>> -> memref<1x125xi32, #tpu.memory_space<vmem>>
    %dma_start3A_25 = tpu.memref_squeeze %dma_start3A_24 : memref<1x125xi32, #tpu.memory_space<vmem>> -> memref<125xi32, #tpu.memory_space<vmem>>
    %dma_start3A_26 = arith.constant 0 : i32
    %dma_start3A_27 = arith.constant 0 : i32
    %dma_start3A_28 = tpu.memref_slice %arg2[%dma_start3A_26, %dma_start3A_27] : memref<10240x128xf32, #tpu.memory_space<hbm>> -> memref<10240x128xf32, #tpu.memory_space<hbm>>
    tpu.enqueue_indirect_dma source(%dma_start3A_28 : memref<10240x128xf32, #tpu.memory_space<hbm>>) target(%dma_start3A_22 : memref<125x128xf32, #tpu.memory_space<vmem>>) offsets(%dma_start3A_25 : memref<125xi32, #tpu.memory_space<vmem>>) semaphore(%arg11 : memref<!tpu.dma_semaphore, #tpu.memory_space<semaphore_mem>>)
    %scan3A_29 = arith.constant 0 : i32
    %scan3A_30 = arith.constant 0 : i32
    %scan3A_31 = arith.constant 20 : i32
    %scan3A_32 = arith.addi %scan3A_30, %scan3A_31 : i32
    %scan3A_33 = arith.constant 1 : i32
    %scan3A_34 = scf.for %scan3A_119 = %scan3A_30 to %scan3A_32 step %scan3A_33 iter_args(%scan3A_120 = %scan3A_29) -> (i32)  : i32 {
      %mul3A_121 = arith.constant 2 : i32
      %mul3A_122 = arith.muli %scan3A_119, %mul3A_121 : i32
      %add3A_123 = arith.constant 1 : i32
      %add3A_124 = arith.addi %mul3A_122, %add3A_123 : i32
      %dma_start3A_125 = arith.constant 0 : i32
      %dma_start3A_126 = arith.constant 0 : i32
      %dma_start3A_127 = tpu.memref_slice %arg10[%dma_start3A_125, %dma_start3A_126] : memref<128x128xf32, #tpu.memory_space<vmem>> -> memref<125x128xf32, #tpu.memory_space<vmem>>
      %dma_start3A_128 = arith.constant 0 : i32
      %dma_start3A_129 = tpu.memref_slice %arg7[%add3A_124, %dma_start3A_128] : memref<40x125xi32, #tpu.memory_space<vmem>> -> memref<1x125xi32, #tpu.memory_space<vmem>>
      %dma_start3A_130 = tpu.memref_squeeze %dma_start3A_129 : memref<1x125xi32, #tpu.memory_space<vmem>> -> memref<125xi32, #tpu.memory_space<vmem>>
      %dma_start3A_131 = arith.constant 0 : i32
      %dma_start3A_132 = arith.constant 0 : i32
      %dma_start3A_133 = tpu.memref_slice %arg2[%dma_start3A_131, %dma_start3A_132] : memref<10240x128xf32, #tpu.memory_space<hbm>> -> memref<10240x128xf32, #tpu.memory_space<hbm>>
      tpu.enqueue_indirect_dma source(%dma_start3A_133 : memref<10240x128xf32, #tpu.memory_space<hbm>>) target(%dma_start3A_127 : memref<125x128xf32, #tpu.memory_space<vmem>>) offsets(%dma_start3A_130 : memref<125xi32, #tpu.memory_space<vmem>>) semaphore(%arg12 : memref<!tpu.dma_semaphore, #tpu.memory_space<semaphore_mem>>)
      %dma_wait3A = arith.constant 0 : i32
      %dma_wait3A_134 = arith.constant 0 : i32
      %dma_wait3A_135 = tpu.memref_slice %arg9[%dma_wait3A, %dma_wait3A_134] : memref<128x128xf32, #tpu.memory_space<vmem>> -> memref<125x128xf32, #tpu.memory_space<vmem>>
      %dma_wait3A_136 = arith.constant 0 : i32
      %dma_wait3A_137 = tpu.memref_slice %arg7[%mul3A_122, %dma_wait3A_136] : memref<40x125xi32, #tpu.memory_space<vmem>> -> memref<1x125xi32, #tpu.memory_space<vmem>>
      %dma_wait3A_138 = tpu.memref_squeeze %dma_wait3A_137 : memref<1x125xi32, #tpu.memory_space<vmem>> -> memref<125xi32, #tpu.memory_space<vmem>>
      %dma_wait3A_139 = arith.constant 0 : i32
      %dma_wait3A_140 = arith.constant 0 : i32
      %dma_wait3A_141 = tpu.memref_slice %arg2[%dma_wait3A_139, %dma_wait3A_140] : memref<10240x128xf32, #tpu.memory_space<hbm>> -> memref<10240x128xf32, #tpu.memory_space<hbm>>
      tpu.wait_indirect_dma semaphore(%arg11 : memref<!tpu.dma_semaphore, #tpu.memory_space<semaphore_mem>>) src(%dma_wait3A_141 : memref<10240x128xf32, #tpu.memory_space<hbm>>) dst(%dma_wait3A_135 : memref<125x128xf32, #tpu.memory_space<vmem>>)
      "tpu.region"() ({
        %run_scoped3A_160 = tpu.sem_alloc : memref<!tpu.dma_semaphore, #tpu.memory_space<semaphore_mem>>
        %dma_start3A_161 = arith.constant 0 : i32
        %dma_start3A_162 = arith.constant 0 : i32
        %dma_start3A_163 = tpu.memref_slice %arg9[%dma_start3A_161, %dma_start3A_162] : memref<128x128xf32, #tpu.memory_space<vmem>> -> memref<125x128xf32, #tpu.memory_space<vmem>>
        %dma_start3A_164 = arith.constant 0 : i32
        %dma_start3A_165 = tpu.memref_slice %arg8[%mul3A_122, %dma_start3A_164] : memref<40x125xi32, #tpu.memory_space<vmem>> -> memref<1x125xi32, #tpu.memory_space<vmem>>
        %dma_start3A_166 = tpu.memref_squeeze %dma_start3A_165 : memref<1x125xi32, #tpu.memory_space<vmem>> -> memref<125xi32, #tpu.memory_space<vmem>>
        %dma_start3A_167 = arith.constant 0 : i32
        %dma_start3A_168 = arith.constant 0 : i32
        %dma_start3A_169 = tpu.memref_slice %arg6[%dma_start3A_167, %dma_start3A_168] : memref<10240x128xf32, #tpu.memory_space<vmem_shared>> -> memref<10240x128xf32, #tpu.memory_space<vmem_shared>>
        tpu.enqueue_indirect_dma source(%dma_start3A_163 : memref<125x128xf32, #tpu.memory_space<vmem>>) target(%dma_start3A_169 : memref<10240x128xf32, #tpu.memory_space<vmem_shared>>) offsets(%dma_start3A_166 : memref<125xi32, #tpu.memory_space<vmem>>) semaphore(%run_scoped3A_160 : memref<!tpu.dma_semaphore, #tpu.memory_space<semaphore_mem>>) {add = true}
        %dma_wait3A_170 = arith.constant 0 : i32
        %dma_wait3A_171 = arith.constant 0 : i32
        %dma_wait3A_172 = tpu.memref_slice %arg9[%dma_wait3A_170, %dma_wait3A_171] : memref<128x128xf32, #tpu.memory_space<vmem>> -> memref<125x128xf32, #tpu.memory_space<vmem>>
        %dma_wait3A_173 = arith.constant 0 : i32
        %dma_wait3A_174 = tpu.memref_slice %arg8[%mul3A_122, %dma_wait3A_173] : memref<40x125xi32, #tpu.memory_space<vmem>> -> memref<1x125xi32, #tpu.memory_space<vmem>>
        %dma_wait3A_175 = tpu.memref_squeeze %dma_wait3A_174 : memref<1x125xi32, #tpu.memory_space<vmem>> -> memref<125xi32, #tpu.memory_space<vmem>>
        %dma_wait3A_176 = arith.constant 0 : i32
        %dma_wait3A_177 = arith.constant 0 : i32
        %dma_wait3A_178 = tpu.memref_slice %arg6[%dma_wait3A_176, %dma_wait3A_177] : memref<10240x128xf32, #tpu.memory_space<vmem_shared>> -> memref<10240x128xf32, #tpu.memory_space<vmem_shared>>
        tpu.wait_indirect_dma semaphore(%run_scoped3A_160 : memref<!tpu.dma_semaphore, #tpu.memory_space<semaphore_mem>>) src(%dma_wait3A_172 : memref<125x128xf32, #tpu.memory_space<vmem>>) dst(%dma_wait3A_178 : memref<10240x128xf32, #tpu.memory_space<vmem_shared>>)
        tpu.yield
      }) : () -> ()
      %add3A_142 = arith.constant 2 : i32
      %add3A_143 = arith.addi %mul3A_122, %add3A_142 : i32
      %lt3A = arith.constant 40 : i32
      %lt3A_144 = arith.cmpi slt, %add3A_143, %lt3A : i32
      %convert_element_type3A = arith.extui %lt3A_144 : i1 to i32
      %cond3A = arith.constant 0 : i32
      %cond3A_145 = arith.cmpi ne, %convert_element_type3A, %cond3A : i32
      scf.if %cond3A_145 {
        %add3A_160 = arith.constant 2 : i32
        %add3A_161 = arith.addi %mul3A_122, %add3A_160 : i32
        %dma_start3A_162 = arith.constant 0 : i32
        %dma_start3A_163 = arith.constant 0 : i32
        %dma_start3A_164 = tpu.memref_slice %arg9[%dma_start3A_162, %dma_start3A_163] : memref<128x128xf32, #tpu.memory_space<vmem>> -> memref<125x128xf32, #tpu.memory_space<vmem>>
        %dma_start3A_165 = arith.constant 0 : i32
        %dma_start3A_166 = tpu.memref_slice %arg7[%add3A_161, %dma_start3A_165] : memref<40x125xi32, #tpu.memory_space<vmem>> -> memref<1x125xi32, #tpu.memory_space<vmem>>
        %dma_start3A_167 = tpu.memref_squeeze %dma_start3A_166 : memref<1x125xi32, #tpu.memory_space<vmem>> -> memref<125xi32, #tpu.memory_space<vmem>>
        %dma_start3A_168 = arith.constant 0 : i32
        %dma_start3A_169 = arith.constant 0 : i32
        %dma_start3A_170 = tpu.memref_slice %arg2[%dma_start3A_168, %dma_start3A_169] : memref<10240x128xf32, #tpu.memory_space<hbm>> -> memref<10240x128xf32, #tpu.memory_space<hbm>>
        tpu.enqueue_indirect_dma source(%dma_start3A_170 : memref<10240x128xf32, #tpu.memory_space<hbm>>) target(%dma_start3A_164 : memref<125x128xf32, #tpu.memory_space<vmem>>) offsets(%dma_start3A_167 : memref<125xi32, #tpu.memory_space<vmem>>) semaphore(%arg11 : memref<!tpu.dma_semaphore, #tpu.memory_space<semaphore_mem>>)
      } else {
      }
      %add3A_146 = arith.constant 1 : i32
      %add3A_147 = arith.addi %mul3A_122, %add3A_146 : i32
      %dma_wait3A_148 = arith.constant 0 : i32
      %dma_wait3A_149 = arith.constant 0 : i32
      %dma_wait3A_150 = tpu.memref_slice %arg10[%dma_wait3A_148, %dma_wait3A_149] : memref<128x128xf32, #tpu.memory_space<vmem>> -> memref<125x128xf32, #tpu.memory_space<vmem>>
      %dma_wait3A_151 = arith.constant 0 : i32
      %dma_wait3A_152 = tpu.memref_slice %arg7[%add3A_147, %dma_wait3A_151] : memref<40x125xi32, #tpu.memory_space<vmem>> -> memref<1x125xi32, #tpu.memory_space<vmem>>
      %dma_wait3A_153 = tpu.memref_squeeze %dma_wait3A_152 : memref<1x125xi32, #tpu.memory_space<vmem>> -> memref<125xi32, #tpu.memory_space<vmem>>
      %dma_wait3A_154 = arith.constant 0 : i32
      %dma_wait3A_155 = arith.constant 0 : i32
      %dma_wait3A_156 = tpu.memref_slice %arg2[%dma_wait3A_154, %dma_wait3A_155] : memref<10240x128xf32, #tpu.memory_space<hbm>> -> memref<10240x128xf32, #tpu.memory_space<hbm>>
      tpu.wait_indirect_dma semaphore(%arg12 : memref<!tpu.dma_semaphore, #tpu.memory_space<semaphore_mem>>) src(%dma_wait3A_156 : memref<10240x128xf32, #tpu.memory_space<hbm>>) dst(%dma_wait3A_150 : memref<125x128xf32, #tpu.memory_space<vmem>>)
      %add3A_157 = arith.constant 1 : i32
      %add3A_158 = arith.addi %mul3A_122, %add3A_157 : i32
      "tpu.region"() ({
        %run_scoped3A_160 = tpu.sem_alloc : memref<!tpu.dma_semaphore, #tpu.memory_space<semaphore_mem>>
        %dma_start3A_161 = arith.constant 0 : i32
        %dma_start3A_162 = arith.constant 0 : i32
        %dma_start3A_163 = tpu.memref_slice %arg10[%dma_start3A_161, %dma_start3A_162] : memref<128x128xf32, #tpu.memory_space<vmem>> -> memref<125x128xf32, #tpu.memory_space<vmem>>
        %dma_start3A_164 = arith.constant 0 : i32
        %dma_start3A_165 = tpu.memref_slice %arg8[%add3A_158, %dma_start3A_164] : memref<40x125xi32, #tpu.memory_space<vmem>> -> memref<1x125xi32, #tpu.memory_space<vmem>>
        %dma_start3A_166 = tpu.memref_squeeze %dma_start3A_165 : memref<1x125xi32, #tpu.memory_space<vmem>> -> memref<125xi32, #tpu.memory_space<vmem>>
        %dma_start3A_167 = arith.constant 0 : i32
        %dma_start3A_168 = arith.constant 0 : i32
        %dma_start3A_169 = tpu.memref_slice %arg6[%dma_start3A_167, %dma_start3A_168] : memref<10240x128xf32, #tpu.memory_space<vmem_shared>> -> memref<10240x128xf32, #tpu.memory_space<vmem_shared>>
        tpu.enqueue_indirect_dma source(%dma_start3A_163 : memref<125x128xf32, #tpu.memory_space<vmem>>) target(%dma_start3A_169 : memref<10240x128xf32, #tpu.memory_space<vmem_shared>>) offsets(%dma_start3A_166 : memref<125xi32, #tpu.memory_space<vmem>>) semaphore(%run_scoped3A_160 : memref<!tpu.dma_semaphore, #tpu.memory_space<semaphore_mem>>) {add = true}
        %dma_wait3A_170 = arith.constant 0 : i32
        %dma_wait3A_171 = arith.constant 0 : i32
        %dma_wait3A_172 = tpu.memref_slice %arg10[%dma_wait3A_170, %dma_wait3A_171] : memref<128x128xf32, #tpu.memory_space<vmem>> -> memref<125x128xf32, #tpu.memory_space<vmem>>
        %dma_wait3A_173 = arith.constant 0 : i32
        %dma_wait3A_174 = tpu.memref_slice %arg8[%add3A_158, %dma_wait3A_173] : memref<40x125xi32, #tpu.memory_space<vmem>> -> memref<1x125xi32, #tpu.memory_space<vmem>>
        %dma_wait3A_175 = tpu.memref_squeeze %dma_wait3A_174 : memref<1x125xi32, #tpu.memory_space<vmem>> -> memref<125xi32, #tpu.memory_space<vmem>>
        %dma_wait3A_176 = arith.constant 0 : i32
        %dma_wait3A_177 = arith.constant 0 : i32
        %dma_wait3A_178 = tpu.memref_slice %arg6[%dma_wait3A_176, %dma_wait3A_177] : memref<10240x128xf32, #tpu.memory_space<vmem_shared>> -> memref<10240x128xf32, #tpu.memory_space<vmem_shared>>
        tpu.wait_indirect_dma semaphore(%run_scoped3A_160 : memref<!tpu.dma_semaphore, #tpu.memory_space<semaphore_mem>>) src(%dma_wait3A_172 : memref<125x128xf32, #tpu.memory_space<vmem>>) dst(%dma_wait3A_178 : memref<10240x128xf32, #tpu.memory_space<vmem_shared>>)
        tpu.yield
      }) : () -> ()
      %scan3A_159 = arith.constant 0 : i32
      scf.yield %scan3A_159 : i32
    }
    %scan3A_35 = arith.constant 20 : i32
    %barrier3A_36 = arith.constant 0 : index
    tpu.barrier barrier_id(%barrier3A_36)
    %run_scoped3A_37 = arith.constant 0 : i32
    "tpu.region"() ({
      %run_scoped3A_119 = tpu.sem_alloc : memref<!tpu.dma_semaphore, #tpu.memory_space<semaphore_mem>>
      %dma_start3A_120 = arith.constant 0 : i32
      %dma_start3A_121 = tpu.memref_slice %arg5[%run_scoped3A_37, %arg0, %mul3A_2, %dma_start3A_120] : memref<3x2x10240x128xf32, #tpu.memory_space<hbm>> -> memref<1x1x640x128xf32, #tpu.memory_space<hbm>>
      %dma_start3A_122 = tpu.memref_squeeze %dma_start3A_121 : memref<1x1x640x128xf32, #tpu.memory_space<hbm>> -> memref<640x128xf32, #tpu.memory_space<hbm>>
      %dma_start3A_123 = arith.constant 0 : i32
      %dma_start3A_124 = tpu.memref_slice %arg6[%mul3A_2, %dma_start3A_123] : memref<10240x128xf32, #tpu.memory_space<vmem_shared>> -> memref<640x128xf32, #tpu.memory_space<vmem_shared>>
      tpu.enqueue_dma source(%dma_start3A_124 : memref<640x128xf32, #tpu.memory_space<vmem_shared>>) target(%dma_start3A_122 : memref<640x128xf32, #tpu.memory_space<hbm>>) target_semaphore(%run_scoped3A_119 : memref<!tpu.dma_semaphore, #tpu.memory_space<semaphore_mem>>)
      %dma_wait3A = arith.constant 0 : i32
      %dma_wait3A_125 = tpu.memref_slice %arg5[%run_scoped3A_37, %arg0, %mul3A_2, %dma_wait3A] : memref<3x2x10240x128xf32, #tpu.memory_space<hbm>> -> memref<1x1x640x128xf32, #tpu.memory_space<hbm>>
      %dma_wait3A_126 = tpu.memref_squeeze %dma_wait3A_125 : memref<1x1x640x128xf32, #tpu.memory_space<hbm>> -> memref<640x128xf32, #tpu.memory_space<hbm>>
      %dma_wait3A_127 = arith.constant 0 : i32
      %dma_wait3A_128 = tpu.memref_slice %arg6[%mul3A_2, %dma_wait3A_127] : memref<10240x128xf32, #tpu.memory_space<vmem_shared>> -> memref<640x128xf32, #tpu.memory_space<vmem_shared>>
      tpu.wait_dma2 semaphore(%run_scoped3A_119 : memref<!tpu.dma_semaphore, #tpu.memory_space<semaphore_mem>>) src(%dma_wait3A_128 : memref<640x128xf32, #tpu.memory_space<vmem_shared>>) dst(%dma_wait3A_126 : memref<640x128xf32, #tpu.memory_space<hbm>>)
      tpu.yield
    }) : () -> ()
    %barrier3A_38 = arith.constant 0 : index
    tpu.barrier barrier_id(%barrier3A_38)
    %scan3A_39 = arith.constant 0 : i32
    %scan3A_40 = arith.constant 0 : i32
    %scan3A_41 = arith.constant 128 : i32
    %scan3A_42 = arith.addi %scan3A_40, %scan3A_41 : i32
    %scan3A_43 = arith.constant 1 : i32
    %scan3A_44 = scf.for %scan3A_119 = %scan3A_40 to %scan3A_42 step %scan3A_43 iter_args(%scan3A_120 = %scan3A_39) -> (i32)  : i32 {
      %broadcast_in_dim3A = arith.constant 0.000000e+00 : f32
      %broadcast_in_dim3A_121 = vector.broadcast %broadcast_in_dim3A : f32 to vector<16xf32>
      %swap3A = arith.index_cast %scan3A_119 : i32 to index
      %swap3A_122 = arith.constant 0 : index
      %swap3A_123 = tpu.vector_load %arg10[%swap3A, %swap3A_122] {strides = array<i32>} : memref<128x128xf32, #tpu.memory_space<vmem>>, vector<1x16xf32>,
      %swap3A_124 = vector.shape_cast %swap3A_123 : vector<1x16xf32> to vector<16xf32>
      %swap3A_125 = vector.shape_cast %broadcast_in_dim3A_121 : vector<16xf32> to vector<1x16xf32>
      tpu.vector_store %arg10[%swap3A, %swap3A_122], %swap3A_125 {strides = array<i32>} : memref<128x128xf32, #tpu.memory_space<vmem>>, vector<1x16xf32>,
      %broadcast_in_dim3A_126 = arith.constant 0.000000e+00 : f32
      %broadcast_in_dim3A_127 = vector.broadcast %broadcast_in_dim3A_126 : f32 to vector<16xf32>
      %swap3A_128 = arith.index_cast %scan3A_119 : i32 to index
      %swap3A_129 = arith.constant 16 : index
      %swap3A_130 = tpu.vector_load %arg10[%swap3A_128, %swap3A_129] {strides = array<i32>} : memref<128x128xf32, #tpu.memory_space<vmem>>, vector<1x16xf32>,
      %swap3A_131 = vector.shape_cast %swap3A_130 : vector<1x16xf32> to vector<16xf32>
      %swap3A_132 = vector.shape_cast %broadcast_in_dim3A_127 : vector<16xf32> to vector<1x16xf32>
      tpu.vector_store %arg10[%swap3A_128, %swap3A_129], %swap3A_132 {strides = array<i32>} : memref<128x128xf32, #tpu.memory_space<vmem>>, vector<1x16xf32>,
      %broadcast_in_dim3A_133 = arith.constant 0.000000e+00 : f32
      %broadcast_in_dim3A_134 = vector.broadcast %broadcast_in_dim3A_133 : f32 to vector<16xf32>
      %swap3A_135 = arith.index_cast %scan3A_119 : i32 to index
      %swap3A_136 = arith.constant 32 : index
      %swap3A_137 = tpu.vector_load %arg10[%swap3A_135, %swap3A_136] {strides = array<i32>} : memref<128x128xf32, #tpu.memory_space<vmem>>, vector<1x16xf32>,
      %swap3A_138 = vector.shape_cast %swap3A_137 : vector<1x16xf32> to vector<16xf32>
      %swap3A_139 = vector.shape_cast %broadcast_in_dim3A_134 : vector<16xf32> to vector<1x16xf32>
      tpu.vector_store %arg10[%swap3A_135, %swap3A_136], %swap3A_139 {strides = array<i32>} : memref<128x128xf32, #tpu.memory_space<vmem>>, vector<1x16xf32>,
      %broadcast_in_dim3A_140 = arith.constant 0.000000e+00 : f32
      %broadcast_in_dim3A_141 = vector.broadcast %broadcast_in_dim3A_140 : f32 to vector<16xf32>
      %swap3A_142 = arith.index_cast %scan3A_119 : i32 to index
      %swap3A_143 = arith.constant 48 : index
      %swap3A_144 = tpu.vector_load %arg10[%swap3A_142, %swap3A_143] {strides = array<i32>} : memref<128x128xf32, #tpu.memory_space<vmem>>, vector<1x16xf32>,
      %swap3A_145 = vector.shape_cast %swap3A_144 : vector<1x16xf32> to vector<16xf32>
      %swap3A_146 = vector.shape_cast %broadcast_in_dim3A_141 : vector<16xf32> to vector<1x16xf32>
      tpu.vector_store %arg10[%swap3A_142, %swap3A_143], %swap3A_146 {strides = array<i32>} : memref<128x128xf32, #tpu.memory_space<vmem>>, vector<1x16xf32>,
      %broadcast_in_dim3A_147 = arith.constant 0.000000e+00 : f32
      %broadcast_in_dim3A_148 = vector.broadcast %broadcast_in_dim3A_147 : f32 to vector<16xf32>
      %swap3A_149 = arith.index_cast %scan3A_119 : i32 to index
      %swap3A_150 = arith.constant 64 : index
      %swap3A_151 = tpu.vector_load %arg10[%swap3A_149, %swap3A_150] {strides = array<i32>} : memref<128x128xf32, #tpu.memory_space<vmem>>, vector<1x16xf32>,
      %swap3A_152 = vector.shape_cast %swap3A_151 : vector<1x16xf32> to vector<16xf32>
      %swap3A_153 = vector.shape_cast %broadcast_in_dim3A_148 : vector<16xf32> to vector<1x16xf32>
      tpu.vector_store %arg10[%swap3A_149, %swap3A_150], %swap3A_153 {strides = array<i32>} : memref<128x128xf32, #tpu.memory_space<vmem>>, vector<1x16xf32>,
      %broadcast_in_dim3A_154 = arith.constant 0.000000e+00 : f32
      %broadcast_in_dim3A_155 = vector.broadcast %broadcast_in_dim3A_154 : f32 to vector<16xf32>
      %swap3A_156 = arith.index_cast %scan3A_119 : i32 to index
      %swap3A_157 = arith.constant 80 : index
      %swap3A_158 = tpu.vector_load %arg10[%swap3A_156, %swap3A_157] {strides = array<i32>} : memref<128x128xf32, #tpu.memory_space<vmem>>, vector<1x16xf32>,
      %swap3A_159 = vector.shape_cast %swap3A_158 : vector<1x16xf32> to vector<16xf32>
      %swap3A_160 = vector.shape_cast %broadcast_in_dim3A_155 : vector<16xf32> to vector<1x16xf32>
      tpu.vector_store %arg10[%swap3A_156, %swap3A_157], %swap3A_160 {strides = array<i32>} : memref<128x128xf32, #tpu.memory_space<vmem>>, vector<1x16xf32>,
      %broadcast_in_dim3A_161 = arith.constant 0.000000e+00 : f32
      %broadcast_in_dim3A_162 = vector.broadcast %broadcast_in_dim3A_161 : f32 to vector<16xf32>
      %swap3A_163 = arith.index_cast %scan3A_119 : i32 to index
      %swap3A_164 = arith.constant 96 : index
      %swap3A_165 = tpu.vector_load %arg10[%swap3A_163, %swap3A_164] {strides = array<i32>} : memref<128x128xf32, #tpu.memory_space<vmem>>, vector<1x16xf32>,
      %swap3A_166 = vector.shape_cast %swap3A_165 : vector<1x16xf32> to vector<16xf32>
      %swap3A_167 = vector.shape_cast %broadcast_in_dim3A_162 : vector<16xf32> to vector<1x16xf32>
      tpu.vector_store %arg10[%swap3A_163, %swap3A_164], %swap3A_167 {strides = array<i32>} : memref<128x128xf32, #tpu.memory_space<vmem>>, vector<1x16xf32>,
      %broadcast_in_dim3A_168 = arith.constant 0.000000e+00 : f32
      %broadcast_in_dim3A_169 = vector.broadcast %broadcast_in_dim3A_168 : f32 to vector<16xf32>
      %swap3A_170 = arith.index_cast %scan3A_119 : i32 to index
      %swap3A_171 = arith.constant 112 : index
      %swap3A_172 = tpu.vector_load %arg10[%swap3A_170, %swap3A_171] {strides = array<i32>} : memref<128x128xf32, #tpu.memory_space<vmem>>, vector<1x16xf32>,
      %swap3A_173 = vector.shape_cast %swap3A_172 : vector<1x16xf32> to vector<16xf32>
      %swap3A_174 = vector.shape_cast %broadcast_in_dim3A_169 : vector<16xf32> to vector<1x16xf32>
      tpu.vector_store %arg10[%swap3A_170, %swap3A_171], %swap3A_174 {strides = array<i32>} : memref<128x128xf32, #tpu.memory_space<vmem>>, vector<1x16xf32>,
      %scan3A_175 = arith.constant 0 : i32
      scf.yield %scan3A_175 : i32
    }
    %scan3A_45 = arith.constant 128 : i32
    %add3A_46 = arith.constant 0 : i32
    %add3A_47 = arith.addi %mul3A_2, %add3A_46 : i32
    "tpu.region"() ({
      %run_scoped3A_119 = tpu.sem_alloc : memref<!tpu.dma_semaphore, #tpu.memory_space<semaphore_mem>>
      %dma_start3A_120 = arith.constant 0 : i32
      %dma_start3A_121 = tpu.memref_slice %arg6[%add3A_47, %dma_start3A_120] : memref<10240x128xf32, #tpu.memory_space<vmem_shared>> -> memref<128x128xf32, #tpu.memory_space<vmem_shared>>
      %dma_start3A_122 = arith.constant 0 : i32
      %dma_start3A_123 = tpu.memref_slice %arg6[%add3A_47, %dma_start3A_122] : memref<10240x128xf32, #tpu.memory_space<vmem_shared>> -> memref<128x128xf32, #tpu.memory_space<vmem_shared>>
      tpu.enqueue_dma source(%arg10 : memref<128x128xf32, #tpu.memory_space<vmem>>) target(%dma_start3A_123 : memref<128x128xf32, #tpu.memory_space<vmem_shared>>) target_semaphore(%run_scoped3A_119 : memref<!tpu.dma_semaphore, #tpu.memory_space<semaphore_mem>>)
      %dma_wait3A = arith.constant 0 : i32
      %dma_wait3A_124 = tpu.memref_slice %arg6[%add3A_47, %dma_wait3A] : memref<10240x128xf32, #tpu.memory_space<vmem_shared>> -> memref<128x128xf32, #tpu.memory_space<vmem_shared>>
      %dma_wait3A_125 = arith.constant 0 : i32
      %dma_wait3A_126 = tpu.memref_slice %arg6[%add3A_47, %dma_wait3A_125] : memref<10240x128xf32, #tpu.memory_space<vmem_shared>> -> memref<128x128xf32, #tpu.memory_space<vmem_shared>>
      tpu.wait_dma2 semaphore(%run_scoped3A_119 : memref<!tpu.dma_semaphore, #tpu.memory_space<semaphore_mem>>) src(%arg10 : memref<128x128xf32, #tpu.memory_space<vmem>>) dst(%dma_wait3A_126 : memref<128x128xf32, #tpu.memory_space<vmem_shared>>)
      tpu.yield
    }) : () -> ()
    %add3A_48 = arith.constant 128 : i32
    %add3A_49 = arith.addi %mul3A_2, %add3A_48 : i32
    "tpu.region"() ({
      %run_scoped3A_119 = tpu.sem_alloc : memref<!tpu.dma_semaphore, #tpu.memory_space<semaphore_mem>>
      %dma_start3A_120 = arith.constant 0 : i32
      %dma_start3A_121 = tpu.memref_slice %arg6[%add3A_49, %dma_start3A_120] : memref<10240x128xf32, #tpu.memory_space<vmem_shared>> -> memref<128x128xf32, #tpu.memory_space<vmem_shared>>
      %dma_start3A_122 = arith.constant 0 : i32
      %dma_start3A_123 = tpu.memref_slice %arg6[%add3A_49, %dma_start3A_122] : memref<10240x128xf32, #tpu.memory_space<vmem_shared>> -> memref<128x128xf32, #tpu.memory_space<vmem_shared>>
      tpu.enqueue_dma source(%arg10 : memref<128x128xf32, #tpu.memory_space<vmem>>) target(%dma_start3A_123 : memref<128x128xf32, #tpu.memory_space<vmem_shared>>) target_semaphore(%run_scoped3A_119 : memref<!tpu.dma_semaphore, #tpu.memory_space<semaphore_mem>>)
      %dma_wait3A = arith.constant 0 : i32
      %dma_wait3A_124 = tpu.memref_slice %arg6[%add3A_49, %dma_wait3A] : memref<10240x128xf32, #tpu.memory_space<vmem_shared>> -> memref<128x128xf32, #tpu.memory_space<vmem_shared>>
      %dma_wait3A_125 = arith.constant 0 : i32
      %dma_wait3A_126 = tpu.memref_slice %arg6[%add3A_49, %dma_wait3A_125] : memref<10240x128xf32, #tpu.memory_space<vmem_shared>> -> memref<128x128xf32, #tpu.memory_space<vmem_shared>>
      tpu.wait_dma2 semaphore(%run_scoped3A_119 : memref<!tpu.dma_semaphore, #tpu.memory_space<semaphore_mem>>) src(%arg10 : memref<128x128xf32, #tpu.memory_space<vmem>>) dst(%dma_wait3A_126 : memref<128x128xf32, #tpu.memory_space<vmem_shared>>)
      tpu.yield
    }) : () -> ()
    %add3A_50 = arith.constant 256 : i32
    %add3A_51 = arith.addi %mul3A_2, %add3A_50 : i32
    "tpu.region"() ({
      %run_scoped3A_119 = tpu.sem_alloc : memref<!tpu.dma_semaphore, #tpu.memory_space<semaphore_mem>>
      %dma_start3A_120 = arith.constant 0 : i32
      %dma_start3A_121 = tpu.memref_slice %arg6[%add3A_51, %dma_start3A_120] : memref<10240x128xf32, #tpu.memory_space<vmem_shared>> -> memref<128x128xf32, #tpu.memory_space<vmem_shared>>
      %dma_start3A_122 = arith.constant 0 : i32
      %dma_start3A_123 = tpu.memref_slice %arg6[%add3A_51, %dma_start3A_122] : memref<10240x128xf32, #tpu.memory_space<vmem_shared>> -> memref<128x128xf32, #tpu.memory_space<vmem_shared>>
      tpu.enqueue_dma source(%arg10 : memref<128x128xf32, #tpu.memory_space<vmem>>) target(%dma_start3A_123 : memref<128x128xf32, #tpu.memory_space<vmem_shared>>) target_semaphore(%run_scoped3A_119 : memref<!tpu.dma_semaphore, #tpu.memory_space<semaphore_mem>>)
      %dma_wait3A = arith.constant 0 : i32
      %dma_wait3A_124 = tpu.memref_slice %arg6[%add3A_51, %dma_wait3A] : memref<10240x128xf32, #tpu.memory_space<vmem_shared>> -> memref<128x128xf32, #tpu.memory_space<vmem_shared>>
      %dma_wait3A_125 = arith.constant 0 : i32
      %dma_wait3A_126 = tpu.memref_slice %arg6[%add3A_51, %dma_wait3A_125] : memref<10240x128xf32, #tpu.memory_space<vmem_shared>> -> memref<128x128xf32, #tpu.memory_space<vmem_shared>>
      tpu.wait_dma2 semaphore(%run_scoped3A_119 : memref<!tpu.dma_semaphore, #tpu.memory_space<semaphore_mem>>) src(%arg10 : memref<128x128xf32, #tpu.memory_space<vmem>>) dst(%dma_wait3A_126 : memref<128x128xf32, #tpu.memory_space<vmem_shared>>)
      tpu.yield
    }) : () -> ()
    %add3A_52 = arith.constant 384 : i32
    %add3A_53 = arith.addi %mul3A_2, %add3A_52 : i32
    "tpu.region"() ({
      %run_scoped3A_119 = tpu.sem_alloc : memref<!tpu.dma_semaphore, #tpu.memory_space<semaphore_mem>>
      %dma_start3A_120 = arith.constant 0 : i32
      %dma_start3A_121 = tpu.memref_slice %arg6[%add3A_53, %dma_start3A_120] : memref<10240x128xf32, #tpu.memory_space<vmem_shared>> -> memref<128x128xf32, #tpu.memory_space<vmem_shared>>
      %dma_start3A_122 = arith.constant 0 : i32
      %dma_start3A_123 = tpu.memref_slice %arg6[%add3A_53, %dma_start3A_122] : memref<10240x128xf32, #tpu.memory_space<vmem_shared>> -> memref<128x128xf32, #tpu.memory_space<vmem_shared>>
      tpu.enqueue_dma source(%arg10 : memref<128x128xf32, #tpu.memory_space<vmem>>) target(%dma_start3A_123 : memref<128x128xf32, #tpu.memory_space<vmem_shared>>) target_semaphore(%run_scoped3A_119 : memref<!tpu.dma_semaphore, #tpu.memory_space<semaphore_mem>>)
      %dma_wait3A = arith.constant 0 : i32
      %dma_wait3A_124 = tpu.memref_slice %arg6[%add3A_53, %dma_wait3A] : memref<10240x128xf32, #tpu.memory_space<vmem_shared>> -> memref<128x128xf32, #tpu.memory_space<vmem_shared>>
      %dma_wait3A_125 = arith.constant 0 : i32
      %dma_wait3A_126 = tpu.memref_slice %arg6[%add3A_53, %dma_wait3A_125] : memref<10240x128xf32, #tpu.memory_space<vmem_shared>> -> memref<128x128xf32, #tpu.memory_space<vmem_shared>>
      tpu.wait_dma2 semaphore(%run_scoped3A_119 : memref<!tpu.dma_semaphore, #tpu.memory_space<semaphore_mem>>) src(%arg10 : memref<128x128xf32, #tpu.memory_space<vmem>>) dst(%dma_wait3A_126 : memref<128x128xf32, #tpu.memory_space<vmem_shared>>)
      tpu.yield
    }) : () -> ()
    %add3A_54 = arith.constant 512 : i32
    %add3A_55 = arith.addi %mul3A_2, %add3A_54 : i32
    "tpu.region"() ({
      %run_scoped3A_119 = tpu.sem_alloc : memref<!tpu.dma_semaphore, #tpu.memory_space<semaphore_mem>>
      %dma_start3A_120 = arith.constant 0 : i32
      %dma_start3A_121 = tpu.memref_slice %arg6[%add3A_55, %dma_start3A_120] : memref<10240x128xf32, #tpu.memory_space<vmem_shared>> -> memref<128x128xf32, #tpu.memory_space<vmem_shared>>
      %dma_start3A_122 = arith.constant 0 : i32
      %dma_start3A_123 = tpu.memref_slice %arg6[%add3A_55, %dma_start3A_122] : memref<10240x128xf32, #tpu.memory_space<vmem_shared>> -> memref<128x128xf32, #tpu.memory_space<vmem_shared>>
      tpu.enqueue_dma source(%arg10 : memref<128x128xf32, #tpu.memory_space<vmem>>) target(%dma_start3A_123 : memref<128x128xf32, #tpu.memory_space<vmem_shared>>) target_semaphore(%run_scoped3A_119 : memref<!tpu.dma_semaphore, #tpu.memory_space<semaphore_mem>>)
      %dma_wait3A = arith.constant 0 : i32
      %dma_wait3A_124 = tpu.memref_slice %arg6[%add3A_55, %dma_wait3A] : memref<10240x128xf32, #tpu.memory_space<vmem_shared>> -> memref<128x128xf32, #tpu.memory_space<vmem_shared>>
      %dma_wait3A_125 = arith.constant 0 : i32
      %dma_wait3A_126 = tpu.memref_slice %arg6[%add3A_55, %dma_wait3A_125] : memref<10240x128xf32, #tpu.memory_space<vmem_shared>> -> memref<128x128xf32, #tpu.memory_space<vmem_shared>>
      tpu.wait_dma2 semaphore(%run_scoped3A_119 : memref<!tpu.dma_semaphore, #tpu.memory_space<semaphore_mem>>) src(%arg10 : memref<128x128xf32, #tpu.memory_space<vmem>>) dst(%dma_wait3A_126 : memref<128x128xf32, #tpu.memory_space<vmem_shared>>)
      tpu.yield
    }) : () -> ()
    %barrier3A_56 = arith.constant 0 : index
    tpu.barrier barrier_id(%barrier3A_56)
    %run_scoped3A_57 = arith.constant 1 : i32
    "tpu.region"() ({
      %run_scoped3A_119 = tpu.sem_alloc : memref<!tpu.dma_semaphore, #tpu.memory_space<semaphore_mem>>
      %dma_start3A_120 = arith.constant 0 : i32
      %dma_start3A_121 = arith.constant 0 : i32
      %dma_start3A_122 = tpu.memref_slice %arg3[%run_scoped3A_57, %add3A, %dma_start3A_120, %dma_start3A_121] : memref<3x32x40x125xi32, #tpu.memory_space<hbm>> -> memref<1x1x40x125xi32, #tpu.memory_space<hbm>>
      %dma_start3A_123 = tpu.memref_squeeze %dma_start3A_122 : memref<1x1x40x125xi32, #tpu.memory_space<hbm>> -> memref<40x125xi32, #tpu.memory_space<hbm>>
      %dma_start3A_124 = arith.constant 0 : i32
      %dma_start3A_125 = arith.constant 0 : i32
      %dma_start3A_126 = tpu.memref_slice %arg3[%run_scoped3A_57, %add3A, %dma_start3A_124, %dma_start3A_125] : memref<3x32x40x125xi32, #tpu.memory_space<hbm>> -> memref<1x1x40x125xi32, #tpu.memory_space<hbm>>
      %dma_start3A_127 = tpu.memref_squeeze %dma_start3A_126 : memref<1x1x40x125xi32, #tpu.memory_space<hbm>> -> memref<40x125xi32, #tpu.memory_space<hbm>>
      tpu.enqueue_dma source(%dma_start3A_127 : memref<40x125xi32, #tpu.memory_space<hbm>>) target(%arg7 : memref<40x125xi32, #tpu.memory_space<vmem>>) target_semaphore(%run_scoped3A_119 : memref<!tpu.dma_semaphore, #tpu.memory_space<semaphore_mem>>)
      %dma_wait3A = arith.constant 0 : i32
      %dma_wait3A_128 = arith.constant 0 : i32
      %dma_wait3A_129 = tpu.memref_slice %arg3[%run_scoped3A_57, %add3A, %dma_wait3A, %dma_wait3A_128] : memref<3x32x40x125xi32, #tpu.memory_space<hbm>> -> memref<1x1x40x125xi32, #tpu.memory_space<hbm>>
      %dma_wait3A_130 = tpu.memref_squeeze %dma_wait3A_129 : memref<1x1x40x125xi32, #tpu.memory_space<hbm>> -> memref<40x125xi32, #tpu.memory_space<hbm>>
      %dma_wait3A_131 = arith.constant 0 : i32
      %dma_wait3A_132 = arith.constant 0 : i32
      %dma_wait3A_133 = tpu.memref_slice %arg3[%run_scoped3A_57, %add3A, %dma_wait3A_131, %dma_wait3A_132] : memref<3x32x40x125xi32, #tpu.memory_space<hbm>> -> memref<1x1x40x125xi32, #tpu.memory_space<hbm>>
      %dma_wait3A_134 = tpu.memref_squeeze %dma_wait3A_133 : memref<1x1x40x125xi32, #tpu.memory_space<hbm>> -> memref<40x125xi32, #tpu.memory_space<hbm>>
      tpu.wait_dma2 semaphore(%run_scoped3A_119 : memref<!tpu.dma_semaphore, #tpu.memory_space<semaphore_mem>>) src(%dma_wait3A_134 : memref<40x125xi32, #tpu.memory_space<hbm>>) dst(%arg7 : memref<40x125xi32, #tpu.memory_space<vmem>>)
      tpu.yield
    }) : () -> ()
    %run_scoped3A_58 = arith.constant 1 : i32
    "tpu.region"() ({
      %run_scoped3A_119 = tpu.sem_alloc : memref<!tpu.dma_semaphore, #tpu.memory_space<semaphore_mem>>
      %dma_start3A_120 = arith.constant 0 : i32
      %dma_start3A_121 = arith.constant 0 : i32
      %dma_start3A_122 = tpu.memref_slice %arg4[%run_scoped3A_58, %add3A, %dma_start3A_120, %dma_start3A_121] : memref<3x32x40x125xi32, #tpu.memory_space<hbm>> -> memref<1x1x40x125xi32, #tpu.memory_space<hbm>>
      %dma_start3A_123 = tpu.memref_squeeze %dma_start3A_122 : memref<1x1x40x125xi32, #tpu.memory_space<hbm>> -> memref<40x125xi32, #tpu.memory_space<hbm>>
      %dma_start3A_124 = arith.constant 0 : i32
      %dma_start3A_125 = arith.constant 0 : i32
      %dma_start3A_126 = tpu.memref_slice %arg4[%run_scoped3A_58, %add3A, %dma_start3A_124, %dma_start3A_125] : memref<3x32x40x125xi32, #tpu.memory_space<hbm>> -> memref<1x1x40x125xi32, #tpu.memory_space<hbm>>
      %dma_start3A_127 = tpu.memref_squeeze %dma_start3A_126 : memref<1x1x40x125xi32, #tpu.memory_space<hbm>> -> memref<40x125xi32, #tpu.memory_space<hbm>>
      tpu.enqueue_dma source(%dma_start3A_127 : memref<40x125xi32, #tpu.memory_space<hbm>>) target(%arg8 : memref<40x125xi32, #tpu.memory_space<vmem>>) target_semaphore(%run_scoped3A_119 : memref<!tpu.dma_semaphore, #tpu.memory_space<semaphore_mem>>)
      %dma_wait3A = arith.constant 0 : i32
      %dma_wait3A_128 = arith.constant 0 : i32
      %dma_wait3A_129 = tpu.memref_slice %arg4[%run_scoped3A_58, %add3A, %dma_wait3A, %dma_wait3A_128] : memref<3x32x40x125xi32, #tpu.memory_space<hbm>> -> memref<1x1x40x125xi32, #tpu.memory_space<hbm>>
      %dma_wait3A_130 = tpu.memref_squeeze %dma_wait3A_129 : memref<1x1x40x125xi32, #tpu.memory_space<hbm>> -> memref<40x125xi32, #tpu.memory_space<hbm>>
      %dma_wait3A_131 = arith.constant 0 : i32
      %dma_wait3A_132 = arith.constant 0 : i32
      %dma_wait3A_133 = tpu.memref_slice %arg4[%run_scoped3A_58, %add3A, %dma_wait3A_131, %dma_wait3A_132] : memref<3x32x40x125xi32, #tpu.memory_space<hbm>> -> memref<1x1x40x125xi32, #tpu.memory_space<hbm>>
      %dma_wait3A_134 = tpu.memref_squeeze %dma_wait3A_133 : memref<1x1x40x125xi32, #tpu.memory_space<hbm>> -> memref<40x125xi32, #tpu.memory_space<hbm>>
      tpu.wait_dma2 semaphore(%run_scoped3A_119 : memref<!tpu.dma_semaphore, #tpu.memory_space<semaphore_mem>>) src(%dma_wait3A_134 : memref<40x125xi32, #tpu.memory_space<hbm>>) dst(%arg8 : memref<40x125xi32, #tpu.memory_space<vmem>>)
      tpu.yield
    }) : () -> ()
    %dma_start3A_59 = arith.constant 0 : i32
    %dma_start3A_60 = arith.constant 0 : i32
    %dma_start3A_61 = arith.constant 0 : i32
    %dma_start3A_62 = tpu.memref_slice %arg9[%dma_start3A_60, %dma_start3A_61] : memref<128x128xf32, #tpu.memory_space<vmem>> -> memref<125x128xf32, #tpu.memory_space<vmem>>
    %dma_start3A_63 = arith.constant 0 : i32
    %dma_start3A_64 = tpu.memref_slice %arg7[%dma_start3A_59, %dma_start3A_63] : memref<40x125xi32, #tpu.memory_space<vmem>> -> memref<1x125xi32, #tpu.memory_space<vmem>>
    %dma_start3A_65 = tpu.memref_squeeze %dma_start3A_64 : memref<1x125xi32, #tpu.memory_space<vmem>> -> memref<125xi32, #tpu.memory_space<vmem>>
    %dma_start3A_66 = arith.constant 0 : i32
    %dma_start3A_67 = arith.constant 0 : i32
    %dma_start3A_68 = tpu.memref_slice %arg2[%dma_start3A_66, %dma_start3A_67] : memref<10240x128xf32, #tpu.memory_space<hbm>> -> memref<10240x128xf32, #tpu.memory_space<hbm>>
    tpu.enqueue_indirect_dma source(%dma_start3A_68 : memref<10240x128xf32, #tpu.memory_space<hbm>>) target(%dma_start3A_62 : memref<125x128xf32, #tpu.memory_space<vmem>>) offsets(%dma_start3A_65 : memref<125xi32, #tpu.memory_space<vmem>>) semaphore(%arg11 : memref<!tpu.dma_semaphore, #tpu.memory_space<semaphore_mem>>)
    %scan3A_69 = arith.constant 0 : i32
    %scan3A_70 = arith.constant 0 : i32
    %scan3A_71 = arith.constant 20 : i32
    %scan3A_72 = arith.addi %scan3A_70, %scan3A_71 : i32
    %scan3A_73 = arith.constant 1 : i32
    %scan3A_74 = scf.for %scan3A_119 = %scan3A_70 to %scan3A_72 step %scan3A_73 iter_args(%scan3A_120 = %scan3A_69) -> (i32)  : i32 {
      %mul3A_121 = arith.constant 2 : i32
      %mul3A_122 = arith.muli %scan3A_119, %mul3A_121 : i32
      %add3A_123 = arith.constant 1 : i32
      %add3A_124 = arith.addi %mul3A_122, %add3A_123 : i32
      %dma_start3A_125 = arith.constant 0 : i32
      %dma_start3A_126 = arith.constant 0 : i32
      %dma_start3A_127 = tpu.memref_slice %arg10[%dma_start3A_125, %dma_start3A_126] : memref<128x128xf32, #tpu.memory_space<vmem>> -> memref<125x128xf32, #tpu.memory_space<vmem>>
      %dma_start3A_128 = arith.constant 0 : i32
      %dma_start3A_129 = tpu.memref_slice %arg7[%add3A_124, %dma_start3A_128] : memref<40x125xi32, #tpu.memory_space<vmem>> -> memref<1x125xi32, #tpu.memory_space<vmem>>
      %dma_start3A_130 = tpu.memref_squeeze %dma_start3A_129 : memref<1x125xi32, #tpu.memory_space<vmem>> -> memref<125xi32, #tpu.memory_space<vmem>>
      %dma_start3A_131 = arith.constant 0 : i32
      %dma_start3A_132 = arith.constant 0 : i32
      %dma_start3A_133 = tpu.memref_slice %arg2[%dma_start3A_131, %dma_start3A_132] : memref<10240x128xf32, #tpu.memory_space<hbm>> -> memref<10240x128xf32, #tpu.memory_space<hbm>>
      tpu.enqueue_indirect_dma source(%dma_start3A_133 : memref<10240x128xf32, #tpu.memory_space<hbm>>) target(%dma_start3A_127 : memref<125x128xf32, #tpu.memory_space<vmem>>) offsets(%dma_start3A_130 : memref<125xi32, #tpu.memory_space<vmem>>) semaphore(%arg12 : memref<!tpu.dma_semaphore, #tpu.memory_space<semaphore_mem>>)
      %dma_wait3A = arith.constant 0 : i32
      %dma_wait3A_134 = arith.constant 0 : i32
      %dma_wait3A_135 = tpu.memref_slice %arg9[%dma_wait3A, %dma_wait3A_134] : memref<128x128xf32, #tpu.memory_space<vmem>> -> memref<125x128xf32, #tpu.memory_space<vmem>>
      %dma_wait3A_136 = arith.constant 0 : i32
      %dma_wait3A_137 = tpu.memref_slice %arg7[%mul3A_122, %dma_wait3A_136] : memref<40x125xi32, #tpu.memory_space<vmem>> -> memref<1x125xi32, #tpu.memory_space<vmem>>
      %dma_wait3A_138 = tpu.memref_squeeze %dma_wait3A_137 : memref<1x125xi32, #tpu.memory_space<vmem>> -> memref<125xi32, #tpu.memory_space<vmem>>
      %dma_wait3A_139 = arith.constant 0 : i32
      %dma_wait3A_140 = arith.constant 0 : i32
      %dma_wait3A_141 = tpu.memref_slice %arg2[%dma_wait3A_139, %dma_wait3A_140] : memref<10240x128xf32, #tpu.memory_space<hbm>> -> memref<10240x128xf32, #tpu.memory_space<hbm>>
      tpu.wait_indirect_dma semaphore(%arg11 : memref<!tpu.dma_semaphore, #tpu.memory_space<semaphore_mem>>) src(%dma_wait3A_141 : memref<10240x128xf32, #tpu.memory_space<hbm>>) dst(%dma_wait3A_135 : memref<125x128xf32, #tpu.memory_space<vmem>>)
      "tpu.region"() ({
        %run_scoped3A_160 = tpu.sem_alloc : memref<!tpu.dma_semaphore, #tpu.memory_space<semaphore_mem>>
        %dma_start3A_161 = arith.constant 0 : i32
        %dma_start3A_162 = arith.constant 0 : i32
        %dma_start3A_163 = tpu.memref_slice %arg9[%dma_start3A_161, %dma_start3A_162] : memref<128x128xf32, #tpu.memory_space<vmem>> -> memref<125x128xf32, #tpu.memory_space<vmem>>
        %dma_start3A_164 = arith.constant 0 : i32
        %dma_start3A_165 = tpu.memref_slice %arg8[%mul3A_122, %dma_start3A_164] : memref<40x125xi32, #tpu.memory_space<vmem>> -> memref<1x125xi32, #tpu.memory_space<vmem>>
        %dma_start3A_166 = tpu.memref_squeeze %dma_start3A_165 : memref<1x125xi32, #tpu.memory_space<vmem>> -> memref<125xi32, #tpu.memory_space<vmem>>
        %dma_start3A_167 = arith.constant 0 : i32
        %dma_start3A_168 = arith.constant 0 : i32
        %dma_start3A_169 = tpu.memref_slice %arg6[%dma_start3A_167, %dma_start3A_168] : memref<10240x128xf32, #tpu.memory_space<vmem_shared>> -> memref<10240x128xf32, #tpu.memory_space<vmem_shared>>
        tpu.enqueue_indirect_dma source(%dma_start3A_163 : memref<125x128xf32, #tpu.memory_space<vmem>>) target(%dma_start3A_169 : memref<10240x128xf32, #tpu.memory_space<vmem_shared>>) offsets(%dma_start3A_166 : memref<125xi32, #tpu.memory_space<vmem>>) semaphore(%run_scoped3A_160 : memref<!tpu.dma_semaphore, #tpu.memory_space<semaphore_mem>>) {add = true}
        %dma_wait3A_170 = arith.constant 0 : i32
        %dma_wait3A_171 = arith.constant 0 : i32
        %dma_wait3A_172 = tpu.memref_slice %arg9[%dma_wait3A_170, %dma_wait3A_171] : memref<128x128xf32, #tpu.memory_space<vmem>> -> memref<125x128xf32, #tpu.memory_space<vmem>>
        %dma_wait3A_173 = arith.constant 0 : i32
        %dma_wait3A_174 = tpu.memref_slice %arg8[%mul3A_122, %dma_wait3A_173] : memref<40x125xi32, #tpu.memory_space<vmem>> -> memref<1x125xi32, #tpu.memory_space<vmem>>
        %dma_wait3A_175 = tpu.memref_squeeze %dma_wait3A_174 : memref<1x125xi32, #tpu.memory_space<vmem>> -> memref<125xi32, #tpu.memory_space<vmem>>
        %dma_wait3A_176 = arith.constant 0 : i32
        %dma_wait3A_177 = arith.constant 0 : i32
        %dma_wait3A_178 = tpu.memref_slice %arg6[%dma_wait3A_176, %dma_wait3A_177] : memref<10240x128xf32, #tpu.memory_space<vmem_shared>> -> memref<10240x128xf32, #tpu.memory_space<vmem_shared>>
        tpu.wait_indirect_dma semaphore(%run_scoped3A_160 : memref<!tpu.dma_semaphore, #tpu.memory_space<semaphore_mem>>) src(%dma_wait3A_172 : memref<125x128xf32, #tpu.memory_space<vmem>>) dst(%dma_wait3A_178 : memref<10240x128xf32, #tpu.memory_space<vmem_shared>>)
        tpu.yield
      }) : () -> ()
      %add3A_142 = arith.constant 2 : i32
      %add3A_143 = arith.addi %mul3A_122, %add3A_142 : i32
      %lt3A = arith.constant 40 : i32
      %lt3A_144 = arith.cmpi slt, %add3A_143, %lt3A : i32
      %convert_element_type3A = arith.extui %lt3A_144 : i1 to i32
      %cond3A = arith.constant 0 : i32
      %cond3A_145 = arith.cmpi ne, %convert_element_type3A, %cond3A : i32
      scf.if %cond3A_145 {
        %add3A_160 = arith.constant 2 : i32
        %add3A_161 = arith.addi %mul3A_122, %add3A_160 : i32
        %dma_start3A_162 = arith.constant 0 : i32
        %dma_start3A_163 = arith.constant 0 : i32
        %dma_start3A_164 = tpu.memref_slice %arg9[%dma_start3A_162, %dma_start3A_163] : memref<128x128xf32, #tpu.memory_space<vmem>> -> memref<125x128xf32, #tpu.memory_space<vmem>>
        %dma_start3A_165 = arith.constant 0 : i32
        %dma_start3A_166 = tpu.memref_slice %arg7[%add3A_161, %dma_start3A_165] : memref<40x125xi32, #tpu.memory_space<vmem>> -> memref<1x125xi32, #tpu.memory_space<vmem>>
        %dma_start3A_167 = tpu.memref_squeeze %dma_start3A_166 : memref<1x125xi32, #tpu.memory_space<vmem>> -> memref<125xi32, #tpu.memory_space<vmem>>
        %dma_start3A_168 = arith.constant 0 : i32
        %dma_start3A_169 = arith.constant 0 : i32
        %dma_start3A_170 = tpu.memref_slice %arg2[%dma_start3A_168, %dma_start3A_169] : memref<10240x128xf32, #tpu.memory_space<hbm>> -> memref<10240x128xf32, #tpu.memory_space<hbm>>
        tpu.enqueue_indirect_dma source(%dma_start3A_170 : memref<10240x128xf32, #tpu.memory_space<hbm>>) target(%dma_start3A_164 : memref<125x128xf32, #tpu.memory_space<vmem>>) offsets(%dma_start3A_167 : memref<125xi32, #tpu.memory_space<vmem>>) semaphore(%arg11 : memref<!tpu.dma_semaphore, #tpu.memory_space<semaphore_mem>>)
      } else {
      }
      %add3A_146 = arith.constant 1 : i32
      %add3A_147 = arith.addi %mul3A_122, %add3A_146 : i32
      %dma_wait3A_148 = arith.constant 0 : i32
      %dma_wait3A_149 = arith.constant 0 : i32
      %dma_wait3A_150 = tpu.memref_slice %arg10[%dma_wait3A_148, %dma_wait3A_149] : memref<128x128xf32, #tpu.memory_space<vmem>> -> memref<125x128xf32, #tpu.memory_space<vmem>>
      %dma_wait3A_151 = arith.constant 0 : i32
      %dma_wait3A_152 = tpu.memref_slice %arg7[%add3A_147, %dma_wait3A_151] : memref<40x125xi32, #tpu.memory_space<vmem>> -> memref<1x125xi32, #tpu.memory_space<vmem>>
      %dma_wait3A_153 = tpu.memref_squeeze %dma_wait3A_152 : memref<1x125xi32, #tpu.memory_space<vmem>> -> memref<125xi32, #tpu.memory_space<vmem>>
      %dma_wait3A_154 = arith.constant 0 : i32
      %dma_wait3A_155 = arith.constant 0 : i32
      %dma_wait3A_156 = tpu.memref_slice %arg2[%dma_wait3A_154, %dma_wait3A_155] : memref<10240x128xf32, #tpu.memory_space<hbm>> -> memref<10240x128xf32, #tpu.memory_space<hbm>>
      tpu.wait_indirect_dma semaphore(%arg12 : memref<!tpu.dma_semaphore, #tpu.memory_space<semaphore_mem>>) src(%dma_wait3A_156 : memref<10240x128xf32, #tpu.memory_space<hbm>>) dst(%dma_wait3A_150 : memref<125x128xf32, #tpu.memory_space<vmem>>)
      %add3A_157 = arith.constant 1 : i32
      %add3A_158 = arith.addi %mul3A_122, %add3A_157 : i32
      "tpu.region"() ({
        %run_scoped3A_160 = tpu.sem_alloc : memref<!tpu.dma_semaphore, #tpu.memory_space<semaphore_mem>>
        %dma_start3A_161 = arith.constant 0 : i32
        %dma_start3A_162 = arith.constant 0 : i32
        %dma_start3A_163 = tpu.memref_slice %arg10[%dma_start3A_161, %dma_start3A_162] : memref<128x128xf32, #tpu.memory_space<vmem>> -> memref<125x128xf32, #tpu.memory_space<vmem>>
        %dma_start3A_164 = arith.constant 0 : i32
        %dma_start3A_165 = tpu.memref_slice %arg8[%add3A_158, %dma_start3A_164] : memref<40x125xi32, #tpu.memory_space<vmem>> -> memref<1x125xi32, #tpu.memory_space<vmem>>
        %dma_start3A_166 = tpu.memref_squeeze %dma_start3A_165 : memref<1x125xi32, #tpu.memory_space<vmem>> -> memref<125xi32, #tpu.memory_space<vmem>>
        %dma_start3A_167 = arith.constant 0 : i32
        %dma_start3A_168 = arith.constant 0 : i32
        %dma_start3A_169 = tpu.memref_slice %arg6[%dma_start3A_167, %dma_start3A_168] : memref<10240x128xf32, #tpu.memory_space<vmem_shared>> -> memref<10240x128xf32, #tpu.memory_space<vmem_shared>>
        tpu.enqueue_indirect_dma source(%dma_start3A_163 : memref<125x128xf32, #tpu.memory_space<vmem>>) target(%dma_start3A_169 : memref<10240x128xf32, #tpu.memory_space<vmem_shared>>) offsets(%dma_start3A_166 : memref<125xi32, #tpu.memory_space<vmem>>) semaphore(%run_scoped3A_160 : memref<!tpu.dma_semaphore, #tpu.memory_space<semaphore_mem>>) {add = true}
        %dma_wait3A_170 = arith.constant 0 : i32
        %dma_wait3A_171 = arith.constant 0 : i32
        %dma_wait3A_172 = tpu.memref_slice %arg10[%dma_wait3A_170, %dma_wait3A_171] : memref<128x128xf32, #tpu.memory_space<vmem>> -> memref<125x128xf32, #tpu.memory_space<vmem>>
        %dma_wait3A_173 = arith.constant 0 : i32
        %dma_wait3A_174 = tpu.memref_slice %arg8[%add3A_158, %dma_wait3A_173] : memref<40x125xi32, #tpu.memory_space<vmem>> -> memref<1x125xi32, #tpu.memory_space<vmem>>
        %dma_wait3A_175 = tpu.memref_squeeze %dma_wait3A_174 : memref<1x125xi32, #tpu.memory_space<vmem>> -> memref<125xi32, #tpu.memory_space<vmem>>
        %dma_wait3A_176 = arith.constant 0 : i32
        %dma_wait3A_177 = arith.constant 0 : i32
        %dma_wait3A_178 = tpu.memref_slice %arg6[%dma_wait3A_176, %dma_wait3A_177] : memref<10240x128xf32, #tpu.memory_space<vmem_shared>> -> memref<10240x128xf32, #tpu.memory_space<vmem_shared>>
        tpu.wait_indirect_dma semaphore(%run_scoped3A_160 : memref<!tpu.dma_semaphore, #tpu.memory_space<semaphore_mem>>) src(%dma_wait3A_172 : memref<125x128xf32, #tpu.memory_space<vmem>>) dst(%dma_wait3A_178 : memref<10240x128xf32, #tpu.memory_space<vmem_shared>>)
        tpu.yield
      }) : () -> ()
      %scan3A_159 = arith.constant 0 : i32
      scf.yield %scan3A_159 : i32
    }
    %scan3A_75 = arith.constant 20 : i32
    %barrier3A_76 = arith.constant 0 : index
    tpu.barrier barrier_id(%barrier3A_76)
    %run_scoped3A_77 = arith.constant 1 : i32
    "tpu.region"() ({
      %run_scoped3A_119 = tpu.sem_alloc : memref<!tpu.dma_semaphore, #tpu.memory_space<semaphore_mem>>
      %dma_start3A_120 = arith.constant 0 : i32
      %dma_start3A_121 = tpu.memref_slice %arg5[%run_scoped3A_77, %arg0, %mul3A_2, %dma_start3A_120] : memref<3x2x10240x128xf32, #tpu.memory_space<hbm>> -> memref<1x1x640x128xf32, #tpu.memory_space<hbm>>
      %dma_start3A_122 = tpu.memref_squeeze %dma_start3A_121 : memref<1x1x640x128xf32, #tpu.memory_space<hbm>> -> memref<640x128xf32, #tpu.memory_space<hbm>>
      %dma_start3A_123 = arith.constant 0 : i32
      %dma_start3A_124 = tpu.memref_slice %arg6[%mul3A_2, %dma_start3A_123] : memref<10240x128xf32, #tpu.memory_space<vmem_shared>> -> memref<640x128xf32, #tpu.memory_space<vmem_shared>>
      tpu.enqueue_dma source(%dma_start3A_124 : memref<640x128xf32, #tpu.memory_space<vmem_shared>>) target(%dma_start3A_122 : memref<640x128xf32, #tpu.memory_space<hbm>>) target_semaphore(%run_scoped3A_119 : memref<!tpu.dma_semaphore, #tpu.memory_space<semaphore_mem>>)
      %dma_wait3A = arith.constant 0 : i32
      %dma_wait3A_125 = tpu.memref_slice %arg5[%run_scoped3A_77, %arg0, %mul3A_2, %dma_wait3A] : memref<3x2x10240x128xf32, #tpu.memory_space<hbm>> -> memref<1x1x640x128xf32, #tpu.memory_space<hbm>>
      %dma_wait3A_126 = tpu.memref_squeeze %dma_wait3A_125 : memref<1x1x640x128xf32, #tpu.memory_space<hbm>> -> memref<640x128xf32, #tpu.memory_space<hbm>>
      %dma_wait3A_127 = arith.constant 0 : i32
      %dma_wait3A_128 = tpu.memref_slice %arg6[%mul3A_2, %dma_wait3A_127] : memref<10240x128xf32, #tpu.memory_space<vmem_shared>> -> memref<640x128xf32, #tpu.memory_space<vmem_shared>>
      tpu.wait_dma2 semaphore(%run_scoped3A_119 : memref<!tpu.dma_semaphore, #tpu.memory_space<semaphore_mem>>) src(%dma_wait3A_128 : memref<640x128xf32, #tpu.memory_space<vmem_shared>>) dst(%dma_wait3A_126 : memref<640x128xf32, #tpu.memory_space<hbm>>)
      tpu.yield
    }) : () -> ()
    %barrier3A_78 = arith.constant 0 : index
    tpu.barrier barrier_id(%barrier3A_78)
    %scan3A_79 = arith.constant 0 : i32
    %scan3A_80 = arith.constant 0 : i32
    %scan3A_81 = arith.constant 128 : i32
    %scan3A_82 = arith.addi %scan3A_80, %scan3A_81 : i32
    %scan3A_83 = arith.constant 1 : i32
    %scan3A_84 = scf.for %scan3A_119 = %scan3A_80 to %scan3A_82 step %scan3A_83 iter_args(%scan3A_120 = %scan3A_79) -> (i32)  : i32 {
      %broadcast_in_dim3A = arith.constant 0.000000e+00 : f32
      %broadcast_in_dim3A_121 = vector.broadcast %broadcast_in_dim3A : f32 to vector<16xf32>
      %swap3A = arith.index_cast %scan3A_119 : i32 to index
      %swap3A_122 = arith.constant 0 : index
      %swap3A_123 = tpu.vector_load %arg10[%swap3A, %swap3A_122] {strides = array<i32>} : memref<128x128xf32, #tpu.memory_space<vmem>>, vector<1x16xf32>,
      %swap3A_124 = vector.shape_cast %swap3A_123 : vector<1x16xf32> to vector<16xf32>
      %swap3A_125 = vector.shape_cast %broadcast_in_dim3A_121 : vector<16xf32> to vector<1x16xf32>
      tpu.vector_store %arg10[%swap3A, %swap3A_122], %swap3A_125 {strides = array<i32>} : memref<128x128xf32, #tpu.memory_space<vmem>>, vector<1x16xf32>,
      %broadcast_in_dim3A_126 = arith.constant 0.000000e+00 : f32
      %broadcast_in_dim3A_127 = vector.broadcast %broadcast_in_dim3A_126 : f32 to vector<16xf32>
      %swap3A_128 = arith.index_cast %scan3A_119 : i32 to index
      %swap3A_129 = arith.constant 16 : index
      %swap3A_130 = tpu.vector_load %arg10[%swap3A_128, %swap3A_129] {strides = array<i32>} : memref<128x128xf32, #tpu.memory_space<vmem>>, vector<1x16xf32>,
      %swap3A_131 = vector.shape_cast %swap3A_130 : vector<1x16xf32> to vector<16xf32>
      %swap3A_132 = vector.shape_cast %broadcast_in_dim3A_127 : vector<16xf32> to vector<1x16xf32>
      tpu.vector_store %arg10[%swap3A_128, %swap3A_129], %swap3A_132 {strides = array<i32>} : memref<128x128xf32, #tpu.memory_space<vmem>>, vector<1x16xf32>,
      %broadcast_in_dim3A_133 = arith.constant 0.000000e+00 : f32
      %broadcast_in_dim3A_134 = vector.broadcast %broadcast_in_dim3A_133 : f32 to vector<16xf32>
      %swap3A_135 = arith.index_cast %scan3A_119 : i32 to index
      %swap3A_136 = arith.constant 32 : index
      %swap3A_137 = tpu.vector_load %arg10[%swap3A_135, %swap3A_136] {strides = array<i32>} : memref<128x128xf32, #tpu.memory_space<vmem>>, vector<1x16xf32>,
      %swap3A_138 = vector.shape_cast %swap3A_137 : vector<1x16xf32> to vector<16xf32>
      %swap3A_139 = vector.shape_cast %broadcast_in_dim3A_134 : vector<16xf32> to vector<1x16xf32>
      tpu.vector_store %arg10[%swap3A_135, %swap3A_136], %swap3A_139 {strides = array<i32>} : memref<128x128xf32, #tpu.memory_space<vmem>>, vector<1x16xf32>,
      %broadcast_in_dim3A_140 = arith.constant 0.000000e+00 : f32
      %broadcast_in_dim3A_141 = vector.broadcast %broadcast_in_dim3A_140 : f32 to vector<16xf32>
      %swap3A_142 = arith.index_cast %scan3A_119 : i32 to index
      %swap3A_143 = arith.constant 48 : index
      %swap3A_144 = tpu.vector_load %arg10[%swap3A_142, %swap3A_143] {strides = array<i32>} : memref<128x128xf32, #tpu.memory_space<vmem>>, vector<1x16xf32>,
      %swap3A_145 = vector.shape_cast %swap3A_144 : vector<1x16xf32> to vector<16xf32>
      %swap3A_146 = vector.shape_cast %broadcast_in_dim3A_141 : vector<16xf32> to vector<1x16xf32>
      tpu.vector_store %arg10[%swap3A_142, %swap3A_143], %swap3A_146 {strides = array<i32>} : memref<128x128xf32, #tpu.memory_space<vmem>>, vector<1x16xf32>,
      %broadcast_in_dim3A_147 = arith.constant 0.000000e+00 : f32
      %broadcast_in_dim3A_148 = vector.broadcast %broadcast_in_dim3A_147 : f32 to vector<16xf32>
      %swap3A_149 = arith.index_cast %scan3A_119 : i32 to index
      %swap3A_150 = arith.constant 64 : index
      %swap3A_151 = tpu.vector_load %arg10[%swap3A_149, %swap3A_150] {strides = array<i32>} : memref<128x128xf32, #tpu.memory_space<vmem>>, vector<1x16xf32>,
      %swap3A_152 = vector.shape_cast %swap3A_151 : vector<1x16xf32> to vector<16xf32>
      %swap3A_153 = vector.shape_cast %broadcast_in_dim3A_148 : vector<16xf32> to vector<1x16xf32>
      tpu.vector_store %arg10[%swap3A_149, %swap3A_150], %swap3A_153 {strides = array<i32>} : memref<128x128xf32, #tpu.memory_space<vmem>>, vector<1x16xf32>,
      %broadcast_in_dim3A_154 = arith.constant 0.000000e+00 : f32
      %broadcast_in_dim3A_155 = vector.broadcast %broadcast_in_dim3A_154 : f32 to vector<16xf32>
      %swap3A_156 = arith.index_cast %scan3A_119 : i32 to index
      %swap3A_157 = arith.constant 80 : index
      %swap3A_158 = tpu.vector_load %arg10[%swap3A_156, %swap3A_157] {strides = array<i32>} : memref<128x128xf32, #tpu.memory_space<vmem>>, vector<1x16xf32>,
      %swap3A_159 = vector.shape_cast %swap3A_158 : vector<1x16xf32> to vector<16xf32>
      %swap3A_160 = vector.shape_cast %broadcast_in_dim3A_155 : vector<16xf32> to vector<1x16xf32>
      tpu.vector_store %arg10[%swap3A_156, %swap3A_157], %swap3A_160 {strides = array<i32>} : memref<128x128xf32, #tpu.memory_space<vmem>>, vector<1x16xf32>,
      %broadcast_in_dim3A_161 = arith.constant 0.000000e+00 : f32
      %broadcast_in_dim3A_162 = vector.broadcast %broadcast_in_dim3A_161 : f32 to vector<16xf32>
      %swap3A_163 = arith.index_cast %scan3A_119 : i32 to index
      %swap3A_164 = arith.constant 96 : index
      %swap3A_165 = tpu.vector_load %arg10[%swap3A_163, %swap3A_164] {strides = array<i32>} : memref<128x128xf32, #tpu.memory_space<vmem>>, vector<1x16xf32>,
      %swap3A_166 = vector.shape_cast %swap3A_165 : vector<1x16xf32> to vector<16xf32>
      %swap3A_167 = vector.shape_cast %broadcast_in_dim3A_162 : vector<16xf32> to vector<1x16xf32>
      tpu.vector_store %arg10[%swap3A_163, %swap3A_164], %swap3A_167 {strides = array<i32>} : memref<128x128xf32, #tpu.memory_space<vmem>>, vector<1x16xf32>,
      %broadcast_in_dim3A_168 = arith.constant 0.000000e+00 : f32
      %broadcast_in_dim3A_169 = vector.broadcast %broadcast_in_dim3A_168 : f32 to vector<16xf32>
      %swap3A_170 = arith.index_cast %scan3A_119 : i32 to index
      %swap3A_171 = arith.constant 112 : index
      %swap3A_172 = tpu.vector_load %arg10[%swap3A_170, %swap3A_171] {strides = array<i32>} : memref<128x128xf32, #tpu.memory_space<vmem>>, vector<1x16xf32>,
      %swap3A_173 = vector.shape_cast %swap3A_172 : vector<1x16xf32> to vector<16xf32>
      %swap3A_174 = vector.shape_cast %broadcast_in_dim3A_169 : vector<16xf32> to vector<1x16xf32>
      tpu.vector_store %arg10[%swap3A_170, %swap3A_171], %swap3A_174 {strides = array<i32>} : memref<128x128xf32, #tpu.memory_space<vmem>>, vector<1x16xf32>,
      %scan3A_175 = arith.constant 0 : i32
      scf.yield %scan3A_175 : i32
    }
    %scan3A_85 = arith.constant 128 : i32
    %add3A_86 = arith.constant 0 : i32
    %add3A_87 = arith.addi %mul3A_2, %add3A_86 : i32
    "tpu.region"() ({
      %run_scoped3A_119 = tpu.sem_alloc : memref<!tpu.dma_semaphore, #tpu.memory_space<semaphore_mem>>
      %dma_start3A_120 = arith.constant 0 : i32
      %dma_start3A_121 = tpu.memref_slice %arg6[%add3A_87, %dma_start3A_120] : memref<10240x128xf32, #tpu.memory_space<vmem_shared>> -> memref<128x128xf32, #tpu.memory_space<vmem_shared>>
      %dma_start3A_122 = arith.constant 0 : i32
      %dma_start3A_123 = tpu.memref_slice %arg6[%add3A_87, %dma_start3A_122] : memref<10240x128xf32, #tpu.memory_space<vmem_shared>> -> memref<128x128xf32, #tpu.memory_space<vmem_shared>>
      tpu.enqueue_dma source(%arg10 : memref<128x128xf32, #tpu.memory_space<vmem>>) target(%dma_start3A_123 : memref<128x128xf32, #tpu.memory_space<vmem_shared>>) target_semaphore(%run_scoped3A_119 : memref<!tpu.dma_semaphore, #tpu.memory_space<semaphore_mem>>)
      %dma_wait3A = arith.constant 0 : i32
      %dma_wait3A_124 = tpu.memref_slice %arg6[%add3A_87, %dma_wait3A] : memref<10240x128xf32, #tpu.memory_space<vmem_shared>> -> memref<128x128xf32, #tpu.memory_space<vmem_shared>>
      %dma_wait3A_125 = arith.constant 0 : i32
      %dma_wait3A_126 = tpu.memref_slice %arg6[%add3A_87, %dma_wait3A_125] : memref<10240x128xf32, #tpu.memory_space<vmem_shared>> -> memref<128x128xf32, #tpu.memory_space<vmem_shared>>
      tpu.wait_dma2 semaphore(%run_scoped3A_119 : memref<!tpu.dma_semaphore, #tpu.memory_space<semaphore_mem>>) src(%arg10 : memref<128x128xf32, #tpu.memory_space<vmem>>) dst(%dma_wait3A_126 : memref<128x128xf32, #tpu.memory_space<vmem_shared>>)
      tpu.yield
    }) : () -> ()
    %add3A_88 = arith.constant 128 : i32
    %add3A_89 = arith.addi %mul3A_2, %add3A_88 : i32
    "tpu.region"() ({
      %run_scoped3A_119 = tpu.sem_alloc : memref<!tpu.dma_semaphore, #tpu.memory_space<semaphore_mem>>
      %dma_start3A_120 = arith.constant 0 : i32
      %dma_start3A_121 = tpu.memref_slice %arg6[%add3A_89, %dma_start3A_120] : memref<10240x128xf32, #tpu.memory_space<vmem_shared>> -> memref<128x128xf32, #tpu.memory_space<vmem_shared>>
      %dma_start3A_122 = arith.constant 0 : i32
      %dma_start3A_123 = tpu.memref_slice %arg6[%add3A_89, %dma_start3A_122] : memref<10240x128xf32, #tpu.memory_space<vmem_shared>> -> memref<128x128xf32, #tpu.memory_space<vmem_shared>>
      tpu.enqueue_dma source(%arg10 : memref<128x128xf32, #tpu.memory_space<vmem>>) target(%dma_start3A_123 : memref<128x128xf32, #tpu.memory_space<vmem_shared>>) target_semaphore(%run_scoped3A_119 : memref<!tpu.dma_semaphore, #tpu.memory_space<semaphore_mem>>)
      %dma_wait3A = arith.constant 0 : i32
      %dma_wait3A_124 = tpu.memref_slice %arg6[%add3A_89, %dma_wait3A] : memref<10240x128xf32, #tpu.memory_space<vmem_shared>> -> memref<128x128xf32, #tpu.memory_space<vmem_shared>>
      %dma_wait3A_125 = arith.constant 0 : i32
      %dma_wait3A_126 = tpu.memref_slice %arg6[%add3A_89, %dma_wait3A_125] : memref<10240x128xf32, #tpu.memory_space<vmem_shared>> -> memref<128x128xf32, #tpu.memory_space<vmem_shared>>
      tpu.wait_dma2 semaphore(%run_scoped3A_119 : memref<!tpu.dma_semaphore, #tpu.memory_space<semaphore_mem>>) src(%arg10 : memref<128x128xf32, #tpu.memory_space<vmem>>) dst(%dma_wait3A_126 : memref<128x128xf32, #tpu.memory_space<vmem_shared>>)
      tpu.yield
    }) : () -> ()
    %add3A_90 = arith.constant 256 : i32
    %add3A_91 = arith.addi %mul3A_2, %add3A_90 : i32
    "tpu.region"() ({
      %run_scoped3A_119 = tpu.sem_alloc : memref<!tpu.dma_semaphore, #tpu.memory_space<semaphore_mem>>
      %dma_start3A_120 = arith.constant 0 : i32
      %dma_start3A_121 = tpu.memref_slice %arg6[%add3A_91, %dma_start3A_120] : memref<10240x128xf32, #tpu.memory_space<vmem_shared>> -> memref<128x128xf32, #tpu.memory_space<vmem_shared>>
      %dma_start3A_122 = arith.constant 0 : i32
      %dma_start3A_123 = tpu.memref_slice %arg6[%add3A_91, %dma_start3A_122] : memref<10240x128xf32, #tpu.memory_space<vmem_shared>> -> memref<128x128xf32, #tpu.memory_space<vmem_shared>>
      tpu.enqueue_dma source(%arg10 : memref<128x128xf32, #tpu.memory_space<vmem>>) target(%dma_start3A_123 : memref<128x128xf32, #tpu.memory_space<vmem_shared>>) target_semaphore(%run_scoped3A_119 : memref<!tpu.dma_semaphore, #tpu.memory_space<semaphore_mem>>)
      %dma_wait3A = arith.constant 0 : i32
      %dma_wait3A_124 = tpu.memref_slice %arg6[%add3A_91, %dma_wait3A] : memref<10240x128xf32, #tpu.memory_space<vmem_shared>> -> memref<128x128xf32, #tpu.memory_space<vmem_shared>>
      %dma_wait3A_125 = arith.constant 0 : i32
      %dma_wait3A_126 = tpu.memref_slice %arg6[%add3A_91, %dma_wait3A_125] : memref<10240x128xf32, #tpu.memory_space<vmem_shared>> -> memref<128x128xf32, #tpu.memory_space<vmem_shared>>
      tpu.wait_dma2 semaphore(%run_scoped3A_119 : memref<!tpu.dma_semaphore, #tpu.memory_space<semaphore_mem>>) src(%arg10 : memref<128x128xf32, #tpu.memory_space<vmem>>) dst(%dma_wait3A_126 : memref<128x128xf32, #tpu.memory_space<vmem_shared>>)
      tpu.yield
    }) : () -> ()
    %add3A_92 = arith.constant 384 : i32
    %add3A_93 = arith.addi %mul3A_2, %add3A_92 : i32
    "tpu.region"() ({
      %run_scoped3A_119 = tpu.sem_alloc : memref<!tpu.dma_semaphore, #tpu.memory_space<semaphore_mem>>
      %dma_start3A_120 = arith.constant 0 : i32
      %dma_start3A_121 = tpu.memref_slice %arg6[%add3A_93, %dma_start3A_120] : memref<10240x128xf32, #tpu.memory_space<vmem_shared>> -> memref<128x128xf32, #tpu.memory_space<vmem_shared>>
      %dma_start3A_122 = arith.constant 0 : i32
      %dma_start3A_123 = tpu.memref_slice %arg6[%add3A_93, %dma_start3A_122] : memref<10240x128xf32, #tpu.memory_space<vmem_shared>> -> memref<128x128xf32, #tpu.memory_space<vmem_shared>>
      tpu.enqueue_dma source(%arg10 : memref<128x128xf32, #tpu.memory_space<vmem>>) target(%dma_start3A_123 : memref<128x128xf32, #tpu.memory_space<vmem_shared>>) target_semaphore(%run_scoped3A_119 : memref<!tpu.dma_semaphore, #tpu.memory_space<semaphore_mem>>)
      %dma_wait3A = arith.constant 0 : i32
      %dma_wait3A_124 = tpu.memref_slice %arg6[%add3A_93, %dma_wait3A] : memref<10240x128xf32, #tpu.memory_space<vmem_shared>> -> memref<128x128xf32, #tpu.memory_space<vmem_shared>>
      %dma_wait3A_125 = arith.constant 0 : i32
      %dma_wait3A_126 = tpu.memref_slice %arg6[%add3A_93, %dma_wait3A_125] : memref<10240x128xf32, #tpu.memory_space<vmem_shared>> -> memref<128x128xf32, #tpu.memory_space<vmem_shared>>
      tpu.wait_dma2 semaphore(%run_scoped3A_119 : memref<!tpu.dma_semaphore, #tpu.memory_space<semaphore_mem>>) src(%arg10 : memref<128x128xf32, #tpu.memory_space<vmem>>) dst(%dma_wait3A_126 : memref<128x128xf32, #tpu.memory_space<vmem_shared>>)
      tpu.yield
    }) : () -> ()
    %add3A_94 = arith.constant 512 : i32
    %add3A_95 = arith.addi %mul3A_2, %add3A_94 : i32
    "tpu.region"() ({
      %run_scoped3A_119 = tpu.sem_alloc : memref<!tpu.dma_semaphore, #tpu.memory_space<semaphore_mem>>
      %dma_start3A_120 = arith.constant 0 : i32
      %dma_start3A_121 = tpu.memref_slice %arg6[%add3A_95, %dma_start3A_120] : memref<10240x128xf32, #tpu.memory_space<vmem_shared>> -> memref<128x128xf32, #tpu.memory_space<vmem_shared>>
      %dma_start3A_122 = arith.constant 0 : i32
      %dma_start3A_123 = tpu.memref_slice %arg6[%add3A_95, %dma_start3A_122] : memref<10240x128xf32, #tpu.memory_space<vmem_shared>> -> memref<128x128xf32, #tpu.memory_space<vmem_shared>>
      tpu.enqueue_dma source(%arg10 : memref<128x128xf32, #tpu.memory_space<vmem>>) target(%dma_start3A_123 : memref<128x128xf32, #tpu.memory_space<vmem_shared>>) target_semaphore(%run_scoped3A_119 : memref<!tpu.dma_semaphore, #tpu.memory_space<semaphore_mem>>)
      %dma_wait3A = arith.constant 0 : i32
      %dma_wait3A_124 = tpu.memref_slice %arg6[%add3A_95, %dma_wait3A] : memref<10240x128xf32, #tpu.memory_space<vmem_shared>> -> memref<128x128xf32, #tpu.memory_space<vmem_shared>>
      %dma_wait3A_125 = arith.constant 0 : i32
      %dma_wait3A_126 = tpu.memref_slice %arg6[%add3A_95, %dma_wait3A_125] : memref<10240x128xf32, #tpu.memory_space<vmem_shared>> -> memref<128x128xf32, #tpu.memory_space<vmem_shared>>
      tpu.wait_dma2 semaphore(%run_scoped3A_119 : memref<!tpu.dma_semaphore, #tpu.memory_space<semaphore_mem>>) src(%arg10 : memref<128x128xf32, #tpu.memory_space<vmem>>) dst(%dma_wait3A_126 : memref<128x128xf32, #tpu.memory_space<vmem_shared>>)
      tpu.yield
    }) : () -> ()
    %barrier3A_96 = arith.constant 0 : index
    tpu.barrier barrier_id(%barrier3A_96)
    %run_scoped3A_97 = arith.constant 2 : i32
    "tpu.region"() ({
      %run_scoped3A_119 = tpu.sem_alloc : memref<!tpu.dma_semaphore, #tpu.memory_space<semaphore_mem>>
      %dma_start3A_120 = arith.constant 0 : i32
      %dma_start3A_121 = arith.constant 0 : i32
      %dma_start3A_122 = tpu.memref_slice %arg3[%run_scoped3A_97, %add3A, %dma_start3A_120, %dma_start3A_121] : memref<3x32x40x125xi32, #tpu.memory_space<hbm>> -> memref<1x1x40x125xi32, #tpu.memory_space<hbm>>
      %dma_start3A_123 = tpu.memref_squeeze %dma_start3A_122 : memref<1x1x40x125xi32, #tpu.memory_space<hbm>> -> memref<40x125xi32, #tpu.memory_space<hbm>>
      %dma_start3A_124 = arith.constant 0 : i32
      %dma_start3A_125 = arith.constant 0 : i32
      %dma_start3A_126 = tpu.memref_slice %arg3[%run_scoped3A_97, %add3A, %dma_start3A_124, %dma_start3A_125] : memref<3x32x40x125xi32, #tpu.memory_space<hbm>> -> memref<1x1x40x125xi32, #tpu.memory_space<hbm>>
      %dma_start3A_127 = tpu.memref_squeeze %dma_start3A_126 : memref<1x1x40x125xi32, #tpu.memory_space<hbm>> -> memref<40x125xi32, #tpu.memory_space<hbm>>
      tpu.enqueue_dma source(%dma_start3A_127 : memref<40x125xi32, #tpu.memory_space<hbm>>) target(%arg7 : memref<40x125xi32, #tpu.memory_space<vmem>>) target_semaphore(%run_scoped3A_119 : memref<!tpu.dma_semaphore, #tpu.memory_space<semaphore_mem>>)
      %dma_wait3A = arith.constant 0 : i32
      %dma_wait3A_128 = arith.constant 0 : i32
      %dma_wait3A_129 = tpu.memref_slice %arg3[%run_scoped3A_97, %add3A, %dma_wait3A, %dma_wait3A_128] : memref<3x32x40x125xi32, #tpu.memory_space<hbm>> -> memref<1x1x40x125xi32, #tpu.memory_space<hbm>>
      %dma_wait3A_130 = tpu.memref_squeeze %dma_wait3A_129 : memref<1x1x40x125xi32, #tpu.memory_space<hbm>> -> memref<40x125xi32, #tpu.memory_space<hbm>>
      %dma_wait3A_131 = arith.constant 0 : i32
      %dma_wait3A_132 = arith.constant 0 : i32
      %dma_wait3A_133 = tpu.memref_slice %arg3[%run_scoped3A_97, %add3A, %dma_wait3A_131, %dma_wait3A_132] : memref<3x32x40x125xi32, #tpu.memory_space<hbm>> -> memref<1x1x40x125xi32, #tpu.memory_space<hbm>>
      %dma_wait3A_134 = tpu.memref_squeeze %dma_wait3A_133 : memref<1x1x40x125xi32, #tpu.memory_space<hbm>> -> memref<40x125xi32, #tpu.memory_space<hbm>>
      tpu.wait_dma2 semaphore(%run_scoped3A_119 : memref<!tpu.dma_semaphore, #tpu.memory_space<semaphore_mem>>) src(%dma_wait3A_134 : memref<40x125xi32, #tpu.memory_space<hbm>>) dst(%arg7 : memref<40x125xi32, #tpu.memory_space<vmem>>)
      tpu.yield
    }) : () -> ()
    %run_scoped3A_98 = arith.constant 2 : i32
    "tpu.region"() ({
      %run_scoped3A_119 = tpu.sem_alloc : memref<!tpu.dma_semaphore, #tpu.memory_space<semaphore_mem>>
      %dma_start3A_120 = arith.constant 0 : i32
      %dma_start3A_121 = arith.constant 0 : i32
      %dma_start3A_122 = tpu.memref_slice %arg4[%run_scoped3A_98, %add3A, %dma_start3A_120, %dma_start3A_121] : memref<3x32x40x125xi32, #tpu.memory_space<hbm>> -> memref<1x1x40x125xi32, #tpu.memory_space<hbm>>
      %dma_start3A_123 = tpu.memref_squeeze %dma_start3A_122 : memref<1x1x40x125xi32, #tpu.memory_space<hbm>> -> memref<40x125xi32, #tpu.memory_space<hbm>>
      %dma_start3A_124 = arith.constant 0 : i32
      %dma_start3A_125 = arith.constant 0 : i32
      %dma_start3A_126 = tpu.memref_slice %arg4[%run_scoped3A_98, %add3A, %dma_start3A_124, %dma_start3A_125] : memref<3x32x40x125xi32, #tpu.memory_space<hbm>> -> memref<1x1x40x125xi32, #tpu.memory_space<hbm>>
      %dma_start3A_127 = tpu.memref_squeeze %dma_start3A_126 : memref<1x1x40x125xi32, #tpu.memory_space<hbm>> -> memref<40x125xi32, #tpu.memory_space<hbm>>
      tpu.enqueue_dma source(%dma_start3A_127 : memref<40x125xi32, #tpu.memory_space<hbm>>) target(%arg8 : memref<40x125xi32, #tpu.memory_space<vmem>>) target_semaphore(%run_scoped3A_119 : memref<!tpu.dma_semaphore, #tpu.memory_space<semaphore_mem>>)
      %dma_wait3A = arith.constant 0 : i32
      %dma_wait3A_128 = arith.constant 0 : i32
      %dma_wait3A_129 = tpu.memref_slice %arg4[%run_scoped3A_98, %add3A, %dma_wait3A, %dma_wait3A_128] : memref<3x32x40x125xi32, #tpu.memory_space<hbm>> -> memref<1x1x40x125xi32, #tpu.memory_space<hbm>>
      %dma_wait3A_130 = tpu.memref_squeeze %dma_wait3A_129 : memref<1x1x40x125xi32, #tpu.memory_space<hbm>> -> memref<40x125xi32, #tpu.memory_space<hbm>>
      %dma_wait3A_131 = arith.constant 0 : i32
      %dma_wait3A_132 = arith.constant 0 : i32
      %dma_wait3A_133 = tpu.memref_slice %arg4[%run_scoped3A_98, %add3A, %dma_wait3A_131, %dma_wait3A_132] : memref<3x32x40x125xi32, #tpu.memory_space<hbm>> -> memref<1x1x40x125xi32, #tpu.memory_space<hbm>>
      %dma_wait3A_134 = tpu.memref_squeeze %dma_wait3A_133 : memref<1x1x40x125xi32, #tpu.memory_space<hbm>> -> memref<40x125xi32, #tpu.memory_space<hbm>>
      tpu.wait_dma2 semaphore(%run_scoped3A_119 : memref<!tpu.dma_semaphore, #tpu.memory_space<semaphore_mem>>) src(%dma_wait3A_134 : memref<40x125xi32, #tpu.memory_space<hbm>>) dst(%arg8 : memref<40x125xi32, #tpu.memory_space<vmem>>)
      tpu.yield
    }) : () -> ()
    %dma_start3A_99 = arith.constant 0 : i32
    %dma_start3A_100 = arith.constant 0 : i32
    %dma_start3A_101 = arith.constant 0 : i32
    %dma_start3A_102 = tpu.memref_slice %arg9[%dma_start3A_100, %dma_start3A_101] : memref<128x128xf32, #tpu.memory_space<vmem>> -> memref<125x128xf32, #tpu.memory_space<vmem>>
    %dma_start3A_103 = arith.constant 0 : i32
    %dma_start3A_104 = tpu.memref_slice %arg7[%dma_start3A_99, %dma_start3A_103] : memref<40x125xi32, #tpu.memory_space<vmem>> -> memref<1x125xi32, #tpu.memory_space<vmem>>
    %dma_start3A_105 = tpu.memref_squeeze %dma_start3A_104 : memref<1x125xi32, #tpu.memory_space<vmem>> -> memref<125xi32, #tpu.memory_space<vmem>>
    %dma_start3A_106 = arith.constant 0 : i32
    %dma_start3A_107 = arith.constant 0 : i32
    %dma_start3A_108 = tpu.memref_slice %arg2[%dma_start3A_106, %dma_start3A_107] : memref<10240x128xf32, #tpu.memory_space<hbm>> -> memref<10240x128xf32, #tpu.memory_space<hbm>>
    tpu.enqueue_indirect_dma source(%dma_start3A_108 : memref<10240x128xf32, #tpu.memory_space<hbm>>) target(%dma_start3A_102 : memref<125x128xf32, #tpu.memory_space<vmem>>) offsets(%dma_start3A_105 : memref<125xi32, #tpu.memory_space<vmem>>) semaphore(%arg11 : memref<!tpu.dma_semaphore, #tpu.memory_space<semaphore_mem>>)
    %scan3A_109 = arith.constant 0 : i32
    %scan3A_110 = arith.constant 0 : i32
    %scan3A_111 = arith.constant 20 : i32
    %scan3A_112 = arith.addi %scan3A_110, %scan3A_111 : i32
    %scan3A_113 = arith.constant 1 : i32
    %scan3A_114 = scf.for %scan3A_119 = %scan3A_110 to %scan3A_112 step %scan3A_113 iter_args(%scan3A_120 = %scan3A_109) -> (i32)  : i32 {
      %mul3A_121 = arith.constant 2 : i32
      %mul3A_122 = arith.muli %scan3A_119, %mul3A_121 : i32
      %add3A_123 = arith.constant 1 : i32
      %add3A_124 = arith.addi %mul3A_122, %add3A_123 : i32
      %dma_start3A_125 = arith.constant 0 : i32
      %dma_start3A_126 = arith.constant 0 : i32
      %dma_start3A_127 = tpu.memref_slice %arg10[%dma_start3A_125, %dma_start3A_126] : memref<128x128xf32, #tpu.memory_space<vmem>> -> memref<125x128xf32, #tpu.memory_space<vmem>>
      %dma_start3A_128 = arith.constant 0 : i32
      %dma_start3A_129 = tpu.memref_slice %arg7[%add3A_124, %dma_start3A_128] : memref<40x125xi32, #tpu.memory_space<vmem>> -> memref<1x125xi32, #tpu.memory_space<vmem>>
      %dma_start3A_130 = tpu.memref_squeeze %dma_start3A_129 : memref<1x125xi32, #tpu.memory_space<vmem>> -> memref<125xi32, #tpu.memory_space<vmem>>
      %dma_start3A_131 = arith.constant 0 : i32
      %dma_start3A_132 = arith.constant 0 : i32
      %dma_start3A_133 = tpu.memref_slice %arg2[%dma_start3A_131, %dma_start3A_132] : memref<10240x128xf32, #tpu.memory_space<hbm>> -> memref<10240x128xf32, #tpu.memory_space<hbm>>
      tpu.enqueue_indirect_dma source(%dma_start3A_133 : memref<10240x128xf32, #tpu.memory_space<hbm>>) target(%dma_start3A_127 : memref<125x128xf32, #tpu.memory_space<vmem>>) offsets(%dma_start3A_130 : memref<125xi32, #tpu.memory_space<vmem>>) semaphore(%arg12 : memref<!tpu.dma_semaphore, #tpu.memory_space<semaphore_mem>>)
      %dma_wait3A = arith.constant 0 : i32
      %dma_wait3A_134 = arith.constant 0 : i32
      %dma_wait3A_135 = tpu.memref_slice %arg9[%dma_wait3A, %dma_wait3A_134] : memref<128x128xf32, #tpu.memory_space<vmem>> -> memref<125x128xf32, #tpu.memory_space<vmem>>
      %dma_wait3A_136 = arith.constant 0 : i32
      %dma_wait3A_137 = tpu.memref_slice %arg7[%mul3A_122, %dma_wait3A_136] : memref<40x125xi32, #tpu.memory_space<vmem>> -> memref<1x125xi32, #tpu.memory_space<vmem>>
      %dma_wait3A_138 = tpu.memref_squeeze %dma_wait3A_137 : memref<1x125xi32, #tpu.memory_space<vmem>> -> memref<125xi32, #tpu.memory_space<vmem>>
      %dma_wait3A_139 = arith.constant 0 : i32
      %dma_wait3A_140 = arith.constant 0 : i32
      %dma_wait3A_141 = tpu.memref_slice %arg2[%dma_wait3A_139, %dma_wait3A_140] : memref<10240x128xf32, #tpu.memory_space<hbm>> -> memref<10240x128xf32, #tpu.memory_space<hbm>>
      tpu.wait_indirect_dma semaphore(%arg11 : memref<!tpu.dma_semaphore, #tpu.memory_space<semaphore_mem>>) src(%dma_wait3A_141 : memref<10240x128xf32, #tpu.memory_space<hbm>>) dst(%dma_wait3A_135 : memref<125x128xf32, #tpu.memory_space<vmem>>)
      "tpu.region"() ({
        %run_scoped3A_160 = tpu.sem_alloc : memref<!tpu.dma_semaphore, #tpu.memory_space<semaphore_mem>>
        %dma_start3A_161 = arith.constant 0 : i32
        %dma_start3A_162 = arith.constant 0 : i32
        %dma_start3A_163 = tpu.memref_slice %arg9[%dma_start3A_161, %dma_start3A_162] : memref<128x128xf32, #tpu.memory_space<vmem>> -> memref<125x128xf32, #tpu.memory_space<vmem>>
        %dma_start3A_164 = arith.constant 0 : i32
        %dma_start3A_165 = tpu.memref_slice %arg8[%mul3A_122, %dma_start3A_164] : memref<40x125xi32, #tpu.memory_space<vmem>> -> memref<1x125xi32, #tpu.memory_space<vmem>>
        %dma_start3A_166 = tpu.memref_squeeze %dma_start3A_165 : memref<1x125xi32, #tpu.memory_space<vmem>> -> memref<125xi32, #tpu.memory_space<vmem>>
        %dma_start3A_167 = arith.constant 0 : i32
        %dma_start3A_168 = arith.constant 0 : i32
        %dma_start3A_169 = tpu.memref_slice %arg6[%dma_start3A_167, %dma_start3A_168] : memref<10240x128xf32, #tpu.memory_space<vmem_shared>> -> memref<10240x128xf32, #tpu.memory_space<vmem_shared>>
        tpu.enqueue_indirect_dma source(%dma_start3A_163 : memref<125x128xf32, #tpu.memory_space<vmem>>) target(%dma_start3A_169 : memref<10240x128xf32, #tpu.memory_space<vmem_shared>>) offsets(%dma_start3A_166 : memref<125xi32, #tpu.memory_space<vmem>>) semaphore(%run_scoped3A_160 : memref<!tpu.dma_semaphore, #tpu.memory_space<semaphore_mem>>) {add = true}
        %dma_wait3A_170 = arith.constant 0 : i32
        %dma_wait3A_171 = arith.constant 0 : i32
        %dma_wait3A_172 = tpu.memref_slice %arg9[%dma_wait3A_170, %dma_wait3A_171] : memref<128x128xf32, #tpu.memory_space<vmem>> -> memref<125x128xf32, #tpu.memory_space<vmem>>
        %dma_wait3A_173 = arith.constant 0 : i32
        %dma_wait3A_174 = tpu.memref_slice %arg8[%mul3A_122, %dma_wait3A_173] : memref<40x125xi32, #tpu.memory_space<vmem>> -> memref<1x125xi32, #tpu.memory_space<vmem>>
        %dma_wait3A_175 = tpu.memref_squeeze %dma_wait3A_174 : memref<1x125xi32, #tpu.memory_space<vmem>> -> memref<125xi32, #tpu.memory_space<vmem>>
        %dma_wait3A_176 = arith.constant 0 : i32
        %dma_wait3A_177 = arith.constant 0 : i32
        %dma_wait3A_178 = tpu.memref_slice %arg6[%dma_wait3A_176, %dma_wait3A_177] : memref<10240x128xf32, #tpu.memory_space<vmem_shared>> -> memref<10240x128xf32, #tpu.memory_space<vmem_shared>>
        tpu.wait_indirect_dma semaphore(%run_scoped3A_160 : memref<!tpu.dma_semaphore, #tpu.memory_space<semaphore_mem>>) src(%dma_wait3A_172 : memref<125x128xf32, #tpu.memory_space<vmem>>) dst(%dma_wait3A_178 : memref<10240x128xf32, #tpu.memory_space<vmem_shared>>)
        tpu.yield
      }) : () -> ()
      %add3A_142 = arith.constant 2 : i32
      %add3A_143 = arith.addi %mul3A_122, %add3A_142 : i32
      %lt3A = arith.constant 40 : i32
      %lt3A_144 = arith.cmpi slt, %add3A_143, %lt3A : i32
      %convert_element_type3A = arith.extui %lt3A_144 : i1 to i32
      %cond3A = arith.constant 0 : i32
      %cond3A_145 = arith.cmpi ne, %convert_element_type3A, %cond3A : i32
      scf.if %cond3A_145 {
        %add3A_160 = arith.constant 2 : i32
        %add3A_161 = arith.addi %mul3A_122, %add3A_160 : i32
        %dma_start3A_162 = arith.constant 0 : i32
        %dma_start3A_163 = arith.constant 0 : i32
        %dma_start3A_164 = tpu.memref_slice %arg9[%dma_start3A_162, %dma_start3A_163] : memref<128x128xf32, #tpu.memory_space<vmem>> -> memref<125x128xf32, #tpu.memory_space<vmem>>
        %dma_start3A_165 = arith.constant 0 : i32
        %dma_start3A_166 = tpu.memref_slice %arg7[%add3A_161, %dma_start3A_165] : memref<40x125xi32, #tpu.memory_space<vmem>> -> memref<1x125xi32, #tpu.memory_space<vmem>>
        %dma_start3A_167 = tpu.memref_squeeze %dma_start3A_166 : memref<1x125xi32, #tpu.memory_space<vmem>> -> memref<125xi32, #tpu.memory_space<vmem>>
        %dma_start3A_168 = arith.constant 0 : i32
        %dma_start3A_169 = arith.constant 0 : i32
        %dma_start3A_170 = tpu.memref_slice %arg2[%dma_start3A_168, %dma_start3A_169] : memref<10240x128xf32, #tpu.memory_space<hbm>> -> memref<10240x128xf32, #tpu.memory_space<hbm>>
        tpu.enqueue_indirect_dma source(%dma_start3A_170 : memref<10240x128xf32, #tpu.memory_space<hbm>>) target(%dma_start3A_164 : memref<125x128xf32, #tpu.memory_space<vmem>>) offsets(%dma_start3A_167 : memref<125xi32, #tpu.memory_space<vmem>>) semaphore(%arg11 : memref<!tpu.dma_semaphore, #tpu.memory_space<semaphore_mem>>)
      } else {
      }
      %add3A_146 = arith.constant 1 : i32
      %add3A_147 = arith.addi %mul3A_122, %add3A_146 : i32
      %dma_wait3A_148 = arith.constant 0 : i32
      %dma_wait3A_149 = arith.constant 0 : i32
      %dma_wait3A_150 = tpu.memref_slice %arg10[%dma_wait3A_148, %dma_wait3A_149] : memref<128x128xf32, #tpu.memory_space<vmem>> -> memref<125x128xf32, #tpu.memory_space<vmem>>
      %dma_wait3A_151 = arith.constant 0 : i32
      %dma_wait3A_152 = tpu.memref_slice %arg7[%add3A_147, %dma_wait3A_151] : memref<40x125xi32, #tpu.memory_space<vmem>> -> memref<1x125xi32, #tpu.memory_space<vmem>>
      %dma_wait3A_153 = tpu.memref_squeeze %dma_wait3A_152 : memref<1x125xi32, #tpu.memory_space<vmem>> -> memref<125xi32, #tpu.memory_space<vmem>>
      %dma_wait3A_154 = arith.constant 0 : i32
      %dma_wait3A_155 = arith.constant 0 : i32
      %dma_wait3A_156 = tpu.memref_slice %arg2[%dma_wait3A_154, %dma_wait3A_155] : memref<10240x128xf32, #tpu.memory_space<hbm>> -> memref<10240x128xf32, #tpu.memory_space<hbm>>
      tpu.wait_indirect_dma semaphore(%arg12 : memref<!tpu.dma_semaphore, #tpu.memory_space<semaphore_mem>>) src(%dma_wait3A_156 : memref<10240x128xf32, #tpu.memory_space<hbm>>) dst(%dma_wait3A_150 : memref<125x128xf32, #tpu.memory_space<vmem>>)
      %add3A_157 = arith.constant 1 : i32
      %add3A_158 = arith.addi %mul3A_122, %add3A_157 : i32
      "tpu.region"() ({
        %run_scoped3A_160 = tpu.sem_alloc : memref<!tpu.dma_semaphore, #tpu.memory_space<semaphore_mem>>
        %dma_start3A_161 = arith.constant 0 : i32
        %dma_start3A_162 = arith.constant 0 : i32
        %dma_start3A_163 = tpu.memref_slice %arg10[%dma_start3A_161, %dma_start3A_162] : memref<128x128xf32, #tpu.memory_space<vmem>> -> memref<125x128xf32, #tpu.memory_space<vmem>>
        %dma_start3A_164 = arith.constant 0 : i32
        %dma_start3A_165 = tpu.memref_slice %arg8[%add3A_158, %dma_start3A_164] : memref<40x125xi32, #tpu.memory_space<vmem>> -> memref<1x125xi32, #tpu.memory_space<vmem>>
        %dma_start3A_166 = tpu.memref_squeeze %dma_start3A_165 : memref<1x125xi32, #tpu.memory_space<vmem>> -> memref<125xi32, #tpu.memory_space<vmem>>
        %dma_start3A_167 = arith.constant 0 : i32
        %dma_start3A_168 = arith.constant 0 : i32
        %dma_start3A_169 = tpu.memref_slice %arg6[%dma_start3A_167, %dma_start3A_168] : memref<10240x128xf32, #tpu.memory_space<vmem_shared>> -> memref<10240x128xf32, #tpu.memory_space<vmem_shared>>
        tpu.enqueue_indirect_dma source(%dma_start3A_163 : memref<125x128xf32, #tpu.memory_space<vmem>>) target(%dma_start3A_169 : memref<10240x128xf32, #tpu.memory_space<vmem_shared>>) offsets(%dma_start3A_166 : memref<125xi32, #tpu.memory_space<vmem>>) semaphore(%run_scoped3A_160 : memref<!tpu.dma_semaphore, #tpu.memory_space<semaphore_mem>>) {add = true}
        %dma_wait3A_170 = arith.constant 0 : i32
        %dma_wait3A_171 = arith.constant 0 : i32
        %dma_wait3A_172 = tpu.memref_slice %arg10[%dma_wait3A_170, %dma_wait3A_171] : memref<128x128xf32, #tpu.memory_space<vmem>> -> memref<125x128xf32, #tpu.memory_space<vmem>>
        %dma_wait3A_173 = arith.constant 0 : i32
        %dma_wait3A_174 = tpu.memref_slice %arg8[%add3A_158, %dma_wait3A_173] : memref<40x125xi32, #tpu.memory_space<vmem>> -> memref<1x125xi32, #tpu.memory_space<vmem>>
        %dma_wait3A_175 = tpu.memref_squeeze %dma_wait3A_174 : memref<1x125xi32, #tpu.memory_space<vmem>> -> memref<125xi32, #tpu.memory_space<vmem>>
        %dma_wait3A_176 = arith.constant 0 : i32
        %dma_wait3A_177 = arith.constant 0 : i32
        %dma_wait3A_178 = tpu.memref_slice %arg6[%dma_wait3A_176, %dma_wait3A_177] : memref<10240x128xf32, #tpu.memory_space<vmem_shared>> -> memref<10240x128xf32, #tpu.memory_space<vmem_shared>>
        tpu.wait_indirect_dma semaphore(%run_scoped3A_160 : memref<!tpu.dma_semaphore, #tpu.memory_space<semaphore_mem>>) src(%dma_wait3A_172 : memref<125x128xf32, #tpu.memory_space<vmem>>) dst(%dma_wait3A_178 : memref<10240x128xf32, #tpu.memory_space<vmem_shared>>)
        tpu.yield
      }) : () -> ()
      %scan3A_159 = arith.constant 0 : i32
      scf.yield %scan3A_159 : i32
    }
    %scan3A_115 = arith.constant 20 : i32
    %barrier3A_116 = arith.constant 0 : index
    tpu.barrier barrier_id(%barrier3A_116)
    %run_scoped3A_117 = arith.constant 2 : i32
    "tpu.region"() ({
      %run_scoped3A_119 = tpu.sem_alloc : memref<!tpu.dma_semaphore, #tpu.memory_space<semaphore_mem>>
      %dma_start3A_120 = arith.constant 0 : i32
      %dma_start3A_121 = tpu.memref_slice %arg5[%run_scoped3A_117, %arg0, %mul3A_2, %dma_start3A_120] : memref<3x2x10240x128xf32, #tpu.memory_space<hbm>> -> memref<1x1x640x128xf32, #tpu.memory_space<hbm>>
      %dma_start3A_122 = tpu.memref_squeeze %dma_start3A_121 : memref<1x1x640x128xf32, #tpu.memory_space<hbm>> -> memref<640x128xf32, #tpu.memory_space<hbm>>
      %dma_start3A_123 = arith.constant 0 : i32
      %dma_start3A_124 = tpu.memref_slice %arg6[%mul3A_2, %dma_start3A_123] : memref<10240x128xf32, #tpu.memory_space<vmem_shared>> -> memref<640x128xf32, #tpu.memory_space<vmem_shared>>
      tpu.enqueue_dma source(%dma_start3A_124 : memref<640x128xf32, #tpu.memory_space<vmem_shared>>) target(%dma_start3A_122 : memref<640x128xf32, #tpu.memory_space<hbm>>) target_semaphore(%run_scoped3A_119 : memref<!tpu.dma_semaphore, #tpu.memory_space<semaphore_mem>>)
      %dma_wait3A = arith.constant 0 : i32
      %dma_wait3A_125 = tpu.memref_slice %arg5[%run_scoped3A_117, %arg0, %mul3A_2, %dma_wait3A] : memref<3x2x10240x128xf32, #tpu.memory_space<hbm>> -> memref<1x1x640x128xf32, #tpu.memory_space<hbm>>
      %dma_wait3A_126 = tpu.memref_squeeze %dma_wait3A_125 : memref<1x1x640x128xf32, #tpu.memory_space<hbm>> -> memref<640x128xf32, #tpu.memory_space<hbm>>
      %dma_wait3A_127 = arith.constant 0 : i32
      %dma_wait3A_128 = tpu.memref_slice %arg6[%mul3A_2, %dma_wait3A_127] : memref<10240x128xf32, #tpu.memory_space<vmem_shared>> -> memref<640x128xf32, #tpu.memory_space<vmem_shared>>
      tpu.wait_dma2 semaphore(%run_scoped3A_119 : memref<!tpu.dma_semaphore, #tpu.memory_space<semaphore_mem>>) src(%dma_wait3A_128 : memref<640x128xf32, #tpu.memory_space<vmem_shared>>) dst(%dma_wait3A_126 : memref<640x128xf32, #tpu.memory_space<hbm>>)
      tpu.yield
    }) : () -> ()
    %barrier3A_118 = arith.constant 0 : index
    tpu.barrier barrier_id(%barrier3A_118)
    return
  }
}

#map = affine_map<(d0, d1) -> (0, 0)>
#map1 = affine_map<(d0, d1) -> (0, 0, 0, 0)>
module attributes {stable_mosaic.version = 14 : i64} {
  func.func @_agg_kernel(%arg0: i32, %arg1: i32, %arg2: memref<10240x128xf32, #tpu.memory_space<hbm>>, %arg3: memref<3x32x40x125xi32, #tpu.memory_space<hbm>>, %arg4: memref<3x32x40x125xi32, #tpu.memory_space<hbm>>, %arg5: memref<3x2x10240x128xf32, #tpu.memory_space<hbm>>, %arg6: memref<10240x128xf32, #tpu.memory_space<vmem_shared>>, %arg7: memref<40x125xi32, #tpu.memory_space<vmem>>, %arg8: memref<40x125xi32, #tpu.memory_space<vmem>>, %arg9: memref<128x128xf32, #tpu.memory_space<vmem>>, %arg10: memref<128x128xf32, #tpu.memory_space<vmem>>, %arg11: memref<!tpu.dma_semaphore, #tpu.memory_space<semaphore_mem>>, %arg12: memref<!tpu.dma_semaphore, #tpu.memory_space<semaphore_mem>>) attributes {dimension_semantics = [#tpu.dimension_semantics<core_parallel>, #tpu.dimension_semantics<subcore_parallel>], iteration_bounds = array<i64: 2, 16>, scalar_prefetch = 0 : i64, scratch_operands = 7 : i64, tpu.core_type = #tpu.core_type<sc_vector_subcore>, window_params = [{transform_indices = #map}, {transform_indices = #map1}, {transform_indices = #map1}, {transform_indices = #map1}]} {
    %mul3A = arith.constant 16 : i32
    %mul3A_0 = arith.muli %arg0, %mul3A : i32
    %add3A = arith.addi %mul3A_0, %arg1 : i32
    %mul3A_1 = arith.constant 640 : i32
    %mul3A_2 = arith.muli %arg1, %mul3A_1 : i32
    %scan3A = arith.constant 0 : i32
    %scan3A_3 = arith.constant 0 : i32
    %scan3A_4 = arith.constant 128 : i32
    %scan3A_5 = arith.addi %scan3A_3, %scan3A_4 : i32
    %scan3A_6 = arith.constant 1 : i32
    %scan3A_7 = scf.for %scan3A_119 = %scan3A_3 to %scan3A_5 step %scan3A_6 iter_args(%scan3A_120 = %scan3A) -> (i32)  : i32 {
      %broadcast_in_dim3A = arith.constant 0.000000e+00 : f32
      %broadcast_in_dim3A_121 = vector.broadcast %broadcast_in_dim3A : f32 to vector<16xf32>
      %swap3A = arith.index_cast %scan3A_119 : i32 to index
      %swap3A_122 = arith.constant 0 : index
      %swap3A_123 = tpu.vector_load %arg10[%swap3A, %swap3A_122] {strides = array<i32>} : memref<128x128xf32, #tpu.memory_space<vmem>>, vector<1x16xf32>,
      %swap3A_124 = vector.shape_cast %swap3A_123 : vector<1x16xf32> to vector<16xf32>
      %swap3A_125 = vector.shape_cast %broadcast_in_dim3A_121 : vector<16xf32> to vector<1x16xf32>
      tpu.vector_store %arg10[%swap3A, %swap3A_122], %swap3A_125 {strides = array<i32>} : memref<128x128xf32, #tpu.memory_space<vmem>>, vector<1x16xf32>,
      %broadcast_in_dim3A_126 = arith.constant 0.000000e+00 : f32
      %broadcast_in_dim3A_127 = vector.broadcast %broadcast_in_dim3A_126 : f32 to vector<16xf32>
      %swap3A_128 = arith.index_cast %scan3A_119 : i32 to index
      %swap3A_129 = arith.constant 16 : index
      %swap3A_130 = tpu.vector_load %arg10[%swap3A_128, %swap3A_129] {strides = array<i32>} : memref<128x128xf32, #tpu.memory_space<vmem>>, vector<1x16xf32>,
      %swap3A_131 = vector.shape_cast %swap3A_130 : vector<1x16xf32> to vector<16xf32>
      %swap3A_132 = vector.shape_cast %broadcast_in_dim3A_127 : vector<16xf32> to vector<1x16xf32>
      tpu.vector_store %arg10[%swap3A_128, %swap3A_129], %swap3A_132 {strides = array<i32>} : memref<128x128xf32, #tpu.memory_space<vmem>>, vector<1x16xf32>,
      %broadcast_in_dim3A_133 = arith.constant 0.000000e+00 : f32
      %broadcast_in_dim3A_134 = vector.broadcast %broadcast_in_dim3A_133 : f32 to vector<16xf32>
      %swap3A_135 = arith.index_cast %scan3A_119 : i32 to index
      %swap3A_136 = arith.constant 32 : index
      %swap3A_137 = tpu.vector_load %arg10[%swap3A_135, %swap3A_136] {strides = array<i32>} : memref<128x128xf32, #tpu.memory_space<vmem>>, vector<1x16xf32>,
      %swap3A_138 = vector.shape_cast %swap3A_137 : vector<1x16xf32> to vector<16xf32>
      %swap3A_139 = vector.shape_cast %broadcast_in_dim3A_134 : vector<16xf32> to vector<1x16xf32>
      tpu.vector_store %arg10[%swap3A_135, %swap3A_136], %swap3A_139 {strides = array<i32>} : memref<128x128xf32, #tpu.memory_space<vmem>>, vector<1x16xf32>,
      %broadcast_in_dim3A_140 = arith.constant 0.000000e+00 : f32
      %broadcast_in_dim3A_141 = vector.broadcast %broadcast_in_dim3A_140 : f32 to vector<16xf32>
      %swap3A_142 = arith.index_cast %scan3A_119 : i32 to index
      %swap3A_143 = arith.constant 48 : index
      %swap3A_144 = tpu.vector_load %arg10[%swap3A_142, %swap3A_143] {strides = array<i32>} : memref<128x128xf32, #tpu.memory_space<vmem>>, vector<1x16xf32>,
      %swap3A_145 = vector.shape_cast %swap3A_144 : vector<1x16xf32> to vector<16xf32>
      %swap3A_146 = vector.shape_cast %broadcast_in_dim3A_141 : vector<16xf32> to vector<1x16xf32>
      tpu.vector_store %arg10[%swap3A_142, %swap3A_143], %swap3A_146 {strides = array<i32>} : memref<128x128xf32, #tpu.memory_space<vmem>>, vector<1x16xf32>,
      %broadcast_in_dim3A_147 = arith.constant 0.000000e+00 : f32
      %broadcast_in_dim3A_148 = vector.broadcast %broadcast_in_dim3A_147 : f32 to vector<16xf32>
      %swap3A_149 = arith.index_cast %scan3A_119 : i32 to index
      %swap3A_150 = arith.constant 64 : index
      %swap3A_151 = tpu.vector_load %arg10[%swap3A_149, %swap3A_150] {strides = array<i32>} : memref<128x128xf32, #tpu.memory_space<vmem>>, vector<1x16xf32>,
      %swap3A_152 = vector.shape_cast %swap3A_151 : vector<1x16xf32> to vector<16xf32>
      %swap3A_153 = vector.shape_cast %broadcast_in_dim3A_148 : vector<16xf32> to vector<1x16xf32>
      tpu.vector_store %arg10[%swap3A_149, %swap3A_150], %swap3A_153 {strides = array<i32>} : memref<128x128xf32, #tpu.memory_space<vmem>>, vector<1x16xf32>,
      %broadcast_in_dim3A_154 = arith.constant 0.000000e+00 : f32
      %broadcast_in_dim3A_155 = vector.broadcast %broadcast_in_dim3A_154 : f32 to vector<16xf32>
      %swap3A_156 = arith.index_cast %scan3A_119 : i32 to index
      %swap3A_157 = arith.constant 80 : index
      %swap3A_158 = tpu.vector_load %arg10[%swap3A_156, %swap3A_157] {strides = array<i32>} : memref<128x128xf32, #tpu.memory_space<vmem>>, vector<1x16xf32>,
      %swap3A_159 = vector.shape_cast %swap3A_158 : vector<1x16xf32> to vector<16xf32>
      %swap3A_160 = vector.shape_cast %broadcast_in_dim3A_155 : vector<16xf32> to vector<1x16xf32>
      tpu.vector_store %arg10[%swap3A_156, %swap3A_157], %swap3A_160 {strides = array<i32>} : memref<128x128xf32, #tpu.memory_space<vmem>>, vector<1x16xf32>,
      %broadcast_in_dim3A_161 = arith.constant 0.000000e+00 : f32
      %broadcast_in_dim3A_162 = vector.broadcast %broadcast_in_dim3A_161 : f32 to vector<16xf32>
      %swap3A_163 = arith.index_cast %scan3A_119 : i32 to index
      %swap3A_164 = arith.constant 96 : index
      %swap3A_165 = tpu.vector_load %arg10[%swap3A_163, %swap3A_164] {strides = array<i32>} : memref<128x128xf32, #tpu.memory_space<vmem>>, vector<1x16xf32>,
      %swap3A_166 = vector.shape_cast %swap3A_165 : vector<1x16xf32> to vector<16xf32>
      %swap3A_167 = vector.shape_cast %broadcast_in_dim3A_162 : vector<16xf32> to vector<1x16xf32>
      tpu.vector_store %arg10[%swap3A_163, %swap3A_164], %swap3A_167 {strides = array<i32>} : memref<128x128xf32, #tpu.memory_space<vmem>>, vector<1x16xf32>,
      %broadcast_in_dim3A_168 = arith.constant 0.000000e+00 : f32
      %broadcast_in_dim3A_169 = vector.broadcast %broadcast_in_dim3A_168 : f32 to vector<16xf32>
      %swap3A_170 = arith.index_cast %scan3A_119 : i32 to index
      %swap3A_171 = arith.constant 112 : index
      %swap3A_172 = tpu.vector_load %arg10[%swap3A_170, %swap3A_171] {strides = array<i32>} : memref<128x128xf32, #tpu.memory_space<vmem>>, vector<1x16xf32>,
      %swap3A_173 = vector.shape_cast %swap3A_172 : vector<1x16xf32> to vector<16xf32>
      %swap3A_174 = vector.shape_cast %broadcast_in_dim3A_169 : vector<16xf32> to vector<1x16xf32>
      tpu.vector_store %arg10[%swap3A_170, %swap3A_171], %swap3A_174 {strides = array<i32>} : memref<128x128xf32, #tpu.memory_space<vmem>>, vector<1x16xf32>,
      %scan3A_175 = arith.constant 0 : i32
      scf.yield %scan3A_175 : i32
    }
    %scan3A_8 = arith.constant 128 : i32
    %add3A_9 = arith.constant 0 : i32
    %add3A_10 = arith.addi %mul3A_2, %add3A_9 : i32
    "tpu.region"() ({
      %run_scoped3A_119 = tpu.sem_alloc : memref<!tpu.dma_semaphore, #tpu.memory_space<semaphore_mem>>
      %dma_start3A_120 = arith.constant 0 : i32
      %dma_start3A_121 = tpu.memref_slice %arg6[%add3A_10, %dma_start3A_120] : memref<10240x128xf32, #tpu.memory_space<vmem_shared>> -> memref<128x128xf32, #tpu.memory_space<vmem_shared>>
      %dma_start3A_122 = arith.constant 0 : i32
      %dma_start3A_123 = tpu.memref_slice %arg6[%add3A_10, %dma_start3A_122] : memref<10240x128xf32, #tpu.memory_space<vmem_shared>> -> memref<128x128xf32, #tpu.memory_space<vmem_shared>>
      tpu.enqueue_dma source(%arg10 : memref<128x128xf32, #tpu.memory_space<vmem>>) target(%dma_start3A_123 : memref<128x128xf32, #tpu.memory_space<vmem_shared>>) target_semaphore(%run_scoped3A_119 : memref<!tpu.dma_semaphore, #tpu.memory_space<semaphore_mem>>)
      %dma_wait3A = arith.constant 0 : i32
      %dma_wait3A_124 = tpu.memref_slice %arg6[%add3A_10, %dma_wait3A] : memref<10240x128xf32, #tpu.memory_space<vmem_shared>> -> memref<128x128xf32, #tpu.memory_space<vmem_shared>>
      %dma_wait3A_125 = arith.constant 0 : i32
      %dma_wait3A_126 = tpu.memref_slice %arg6[%add3A_10, %dma_wait3A_125] : memref<10240x128xf32, #tpu.memory_space<vmem_shared>> -> memref<128x128xf32, #tpu.memory_space<vmem_shared>>
      tpu.wait_dma2 semaphore(%run_scoped3A_119 : memref<!tpu.dma_semaphore, #tpu.memory_space<semaphore_mem>>) src(%arg10 : memref<128x128xf32, #tpu.memory_space<vmem>>) dst(%dma_wait3A_126 : memref<128x128xf32, #tpu.memory_space<vmem_shared>>)
      tpu.yield
    }) : () -> ()
    %add3A_11 = arith.constant 128 : i32
    %add3A_12 = arith.addi %mul3A_2, %add3A_11 : i32
    "tpu.region"() ({
      %run_scoped3A_119 = tpu.sem_alloc : memref<!tpu.dma_semaphore, #tpu.memory_space<semaphore_mem>>
      %dma_start3A_120 = arith.constant 0 : i32
      %dma_start3A_121 = tpu.memref_slice %arg6[%add3A_12, %dma_start3A_120] : memref<10240x128xf32, #tpu.memory_space<vmem_shared>> -> memref<128x128xf32, #tpu.memory_space<vmem_shared>>
      %dma_start3A_122 = arith.constant 0 : i32
      %dma_start3A_123 = tpu.memref_slice %arg6[%add3A_12, %dma_start3A_122] : memref<10240x128xf32, #tpu.memory_space<vmem_shared>> -> memref<128x128xf32, #tpu.memory_space<vmem_shared>>
      tpu.enqueue_dma source(%arg10 : memref<128x128xf32, #tpu.memory_space<vmem>>) target(%dma_start3A_123 : memref<128x128xf32, #tpu.memory_space<vmem_shared>>) target_semaphore(%run_scoped3A_119 : memref<!tpu.dma_semaphore, #tpu.memory_space<semaphore_mem>>)
      %dma_wait3A = arith.constant 0 : i32
      %dma_wait3A_124 = tpu.memref_slice %arg6[%add3A_12, %dma_wait3A] : memref<10240x128xf32, #tpu.memory_space<vmem_shared>> -> memref<128x128xf32, #tpu.memory_space<vmem_shared>>
      %dma_wait3A_125 = arith.constant 0 : i32
      %dma_wait3A_126 = tpu.memref_slice %arg6[%add3A_12, %dma_wait3A_125] : memref<10240x128xf32, #tpu.memory_space<vmem_shared>> -> memref<128x128xf32, #tpu.memory_space<vmem_shared>>
      tpu.wait_dma2 semaphore(%run_scoped3A_119 : memref<!tpu.dma_semaphore, #tpu.memory_space<semaphore_mem>>) src(%arg10 : memref<128x128xf32, #tpu.memory_space<vmem>>) dst(%dma_wait3A_126 : memref<128x128xf32, #tpu.memory_space<vmem_shared>>)
      tpu.yield
    }) : () -> ()
    %add3A_13 = arith.constant 256 : i32
    %add3A_14 = arith.addi %mul3A_2, %add3A_13 : i32
    "tpu.region"() ({
      %run_scoped3A_119 = tpu.sem_alloc : memref<!tpu.dma_semaphore, #tpu.memory_space<semaphore_mem>>
      %dma_start3A_120 = arith.constant 0 : i32
      %dma_start3A_121 = tpu.memref_slice %arg6[%add3A_14, %dma_start3A_120] : memref<10240x128xf32, #tpu.memory_space<vmem_shared>> -> memref<128x128xf32, #tpu.memory_space<vmem_shared>>
      %dma_start3A_122 = arith.constant 0 : i32
      %dma_start3A_123 = tpu.memref_slice %arg6[%add3A_14, %dma_start3A_122] : memref<10240x128xf32, #tpu.memory_space<vmem_shared>> -> memref<128x128xf32, #tpu.memory_space<vmem_shared>>
      tpu.enqueue_dma source(%arg10 : memref<128x128xf32, #tpu.memory_space<vmem>>) target(%dma_start3A_123 : memref<128x128xf32, #tpu.memory_space<vmem_shared>>) target_semaphore(%run_scoped3A_119 : memref<!tpu.dma_semaphore, #tpu.memory_space<semaphore_mem>>)
      %dma_wait3A = arith.constant 0 : i32
      %dma_wait3A_124 = tpu.memref_slice %arg6[%add3A_14, %dma_wait3A] : memref<10240x128xf32, #tpu.memory_space<vmem_shared>> -> memref<128x128xf32, #tpu.memory_space<vmem_shared>>
      %dma_wait3A_125 = arith.constant 0 : i32
      %dma_wait3A_126 = tpu.memref_slice %arg6[%add3A_14, %dma_wait3A_125] : memref<10240x128xf32, #tpu.memory_space<vmem_shared>> -> memref<128x128xf32, #tpu.memory_space<vmem_shared>>
      tpu.wait_dma2 semaphore(%run_scoped3A_119 : memref<!tpu.dma_semaphore, #tpu.memory_space<semaphore_mem>>) src(%arg10 : memref<128x128xf32, #tpu.memory_space<vmem>>) dst(%dma_wait3A_126 : memref<128x128xf32, #tpu.memory_space<vmem_shared>>)
      tpu.yield
    }) : () -> ()
    %add3A_15 = arith.constant 384 : i32
    %add3A_16 = arith.addi %mul3A_2, %add3A_15 : i32
    "tpu.region"() ({
      %run_scoped3A_119 = tpu.sem_alloc : memref<!tpu.dma_semaphore, #tpu.memory_space<semaphore_mem>>
      %dma_start3A_120 = arith.constant 0 : i32
      %dma_start3A_121 = tpu.memref_slice %arg6[%add3A_16, %dma_start3A_120] : memref<10240x128xf32, #tpu.memory_space<vmem_shared>> -> memref<128x128xf32, #tpu.memory_space<vmem_shared>>
      %dma_start3A_122 = arith.constant 0 : i32
      %dma_start3A_123 = tpu.memref_slice %arg6[%add3A_16, %dma_start3A_122] : memref<10240x128xf32, #tpu.memory_space<vmem_shared>> -> memref<128x128xf32, #tpu.memory_space<vmem_shared>>
      tpu.enqueue_dma source(%arg10 : memref<128x128xf32, #tpu.memory_space<vmem>>) target(%dma_start3A_123 : memref<128x128xf32, #tpu.memory_space<vmem_shared>>) target_semaphore(%run_scoped3A_119 : memref<!tpu.dma_semaphore, #tpu.memory_space<semaphore_mem>>)
      %dma_wait3A = arith.constant 0 : i32
      %dma_wait3A_124 = tpu.memref_slice %arg6[%add3A_16, %dma_wait3A] : memref<10240x128xf32, #tpu.memory_space<vmem_shared>> -> memref<128x128xf32, #tpu.memory_space<vmem_shared>>
      %dma_wait3A_125 = arith.constant 0 : i32
      %dma_wait3A_126 = tpu.memref_slice %arg6[%add3A_16, %dma_wait3A_125] : memref<10240x128xf32, #tpu.memory_space<vmem_shared>> -> memref<128x128xf32, #tpu.memory_space<vmem_shared>>
      tpu.wait_dma2 semaphore(%run_scoped3A_119 : memref<!tpu.dma_semaphore, #tpu.memory_space<semaphore_mem>>) src(%arg10 : memref<128x128xf32, #tpu.memory_space<vmem>>) dst(%dma_wait3A_126 : memref<128x128xf32, #tpu.memory_space<vmem_shared>>)
      tpu.yield
    }) : () -> ()
    %add3A_17 = arith.constant 512 : i32
    %add3A_18 = arith.addi %mul3A_2, %add3A_17 : i32
    "tpu.region"() ({
      %run_scoped3A_119 = tpu.sem_alloc : memref<!tpu.dma_semaphore, #tpu.memory_space<semaphore_mem>>
      %dma_start3A_120 = arith.constant 0 : i32
      %dma_start3A_121 = tpu.memref_slice %arg6[%add3A_18, %dma_start3A_120] : memref<10240x128xf32, #tpu.memory_space<vmem_shared>> -> memref<128x128xf32, #tpu.memory_space<vmem_shared>>
      %dma_start3A_122 = arith.constant 0 : i32
      %dma_start3A_123 = tpu.memref_slice %arg6[%add3A_18, %dma_start3A_122] : memref<10240x128xf32, #tpu.memory_space<vmem_shared>> -> memref<128x128xf32, #tpu.memory_space<vmem_shared>>
      tpu.enqueue_dma source(%arg10 : memref<128x128xf32, #tpu.memory_space<vmem>>) target(%dma_start3A_123 : memref<128x128xf32, #tpu.memory_space<vmem_shared>>) target_semaphore(%run_scoped3A_119 : memref<!tpu.dma_semaphore, #tpu.memory_space<semaphore_mem>>)
      %dma_wait3A = arith.constant 0 : i32
      %dma_wait3A_124 = tpu.memref_slice %arg6[%add3A_18, %dma_wait3A] : memref<10240x128xf32, #tpu.memory_space<vmem_shared>> -> memref<128x128xf32, #tpu.memory_space<vmem_shared>>
      %dma_wait3A_125 = arith.constant 0 : i32
      %dma_wait3A_126 = tpu.memref_slice %arg6[%add3A_18, %dma_wait3A_125] : memref<10240x128xf32, #tpu.memory_space<vmem_shared>> -> memref<128x128xf32, #tpu.memory_space<vmem_shared>>
      tpu.wait_dma2 semaphore(%run_scoped3A_119 : memref<!tpu.dma_semaphore, #tpu.memory_space<semaphore_mem>>) src(%arg10 : memref<128x128xf32, #tpu.memory_space<vmem>>) dst(%dma_wait3A_126 : memref<128x128xf32, #tpu.memory_space<vmem_shared>>)
      tpu.yield
    }) : () -> ()
    %barrier3A = arith.constant 0 : index
    tpu.barrier barrier_id(%barrier3A)
    %run_scoped3A = arith.constant 0 : i32
    "tpu.region"() ({
      %run_scoped3A_119 = tpu.sem_alloc : memref<!tpu.dma_semaphore, #tpu.memory_space<semaphore_mem>>
      %dma_start3A_120 = arith.constant 0 : i32
      %dma_start3A_121 = arith.constant 0 : i32
      %dma_start3A_122 = tpu.memref_slice %arg3[%run_scoped3A, %add3A, %dma_start3A_120, %dma_start3A_121] : memref<3x32x40x125xi32, #tpu.memory_space<hbm>> -> memref<1x1x40x125xi32, #tpu.memory_space<hbm>>
      %dma_start3A_123 = tpu.memref_squeeze %dma_start3A_122 : memref<1x1x40x125xi32, #tpu.memory_space<hbm>> -> memref<40x125xi32, #tpu.memory_space<hbm>>
      %dma_start3A_124 = arith.constant 0 : i32
      %dma_start3A_125 = arith.constant 0 : i32
      %dma_start3A_126 = tpu.memref_slice %arg3[%run_scoped3A, %add3A, %dma_start3A_124, %dma_start3A_125] : memref<3x32x40x125xi32, #tpu.memory_space<hbm>> -> memref<1x1x40x125xi32, #tpu.memory_space<hbm>>
      %dma_start3A_127 = tpu.memref_squeeze %dma_start3A_126 : memref<1x1x40x125xi32, #tpu.memory_space<hbm>> -> memref<40x125xi32, #tpu.memory_space<hbm>>
      tpu.enqueue_dma source(%dma_start3A_127 : memref<40x125xi32, #tpu.memory_space<hbm>>) target(%arg7 : memref<40x125xi32, #tpu.memory_space<vmem>>) target_semaphore(%run_scoped3A_119 : memref<!tpu.dma_semaphore, #tpu.memory_space<semaphore_mem>>)
      %dma_wait3A = arith.constant 0 : i32
      %dma_wait3A_128 = arith.constant 0 : i32
      %dma_wait3A_129 = tpu.memref_slice %arg3[%run_scoped3A, %add3A, %dma_wait3A, %dma_wait3A_128] : memref<3x32x40x125xi32, #tpu.memory_space<hbm>> -> memref<1x1x40x125xi32, #tpu.memory_space<hbm>>
      %dma_wait3A_130 = tpu.memref_squeeze %dma_wait3A_129 : memref<1x1x40x125xi32, #tpu.memory_space<hbm>> -> memref<40x125xi32, #tpu.memory_space<hbm>>
      %dma_wait3A_131 = arith.constant 0 : i32
      %dma_wait3A_132 = arith.constant 0 : i32
      %dma_wait3A_133 = tpu.memref_slice %arg3[%run_scoped3A, %add3A, %dma_wait3A_131, %dma_wait3A_132] : memref<3x32x40x125xi32, #tpu.memory_space<hbm>> -> memref<1x1x40x125xi32, #tpu.memory_space<hbm>>
      %dma_wait3A_134 = tpu.memref_squeeze %dma_wait3A_133 : memref<1x1x40x125xi32, #tpu.memory_space<hbm>> -> memref<40x125xi32, #tpu.memory_space<hbm>>
      tpu.wait_dma2 semaphore(%run_scoped3A_119 : memref<!tpu.dma_semaphore, #tpu.memory_space<semaphore_mem>>) src(%dma_wait3A_134 : memref<40x125xi32, #tpu.memory_space<hbm>>) dst(%arg7 : memref<40x125xi32, #tpu.memory_space<vmem>>)
      tpu.yield
    }) : () -> ()
    %run_scoped3A_19 = arith.constant 0 : i32
    "tpu.region"() ({
      %run_scoped3A_119 = tpu.sem_alloc : memref<!tpu.dma_semaphore, #tpu.memory_space<semaphore_mem>>
      %dma_start3A_120 = arith.constant 0 : i32
      %dma_start3A_121 = arith.constant 0 : i32
      %dma_start3A_122 = tpu.memref_slice %arg4[%run_scoped3A_19, %add3A, %dma_start3A_120, %dma_start3A_121] : memref<3x32x40x125xi32, #tpu.memory_space<hbm>> -> memref<1x1x40x125xi32, #tpu.memory_space<hbm>>
      %dma_start3A_123 = tpu.memref_squeeze %dma_start3A_122 : memref<1x1x40x125xi32, #tpu.memory_space<hbm>> -> memref<40x125xi32, #tpu.memory_space<hbm>>
      %dma_start3A_124 = arith.constant 0 : i32
      %dma_start3A_125 = arith.constant 0 : i32
      %dma_start3A_126 = tpu.memref_slice %arg4[%run_scoped3A_19, %add3A, %dma_start3A_124, %dma_start3A_125] : memref<3x32x40x125xi32, #tpu.memory_space<hbm>> -> memref<1x1x40x125xi32, #tpu.memory_space<hbm>>
      %dma_start3A_127 = tpu.memref_squeeze %dma_start3A_126 : memref<1x1x40x125xi32, #tpu.memory_space<hbm>> -> memref<40x125xi32, #tpu.memory_space<hbm>>
      tpu.enqueue_dma source(%dma_start3A_127 : memref<40x125xi32, #tpu.memory_space<hbm>>) target(%arg8 : memref<40x125xi32, #tpu.memory_space<vmem>>) target_semaphore(%run_scoped3A_119 : memref<!tpu.dma_semaphore, #tpu.memory_space<semaphore_mem>>)
      %dma_wait3A = arith.constant 0 : i32
      %dma_wait3A_128 = arith.constant 0 : i32
      %dma_wait3A_129 = tpu.memref_slice %arg4[%run_scoped3A_19, %add3A, %dma_wait3A, %dma_wait3A_128] : memref<3x32x40x125xi32, #tpu.memory_space<hbm>> -> memref<1x1x40x125xi32, #tpu.memory_space<hbm>>
      %dma_wait3A_130 = tpu.memref_squeeze %dma_wait3A_129 : memref<1x1x40x125xi32, #tpu.memory_space<hbm>> -> memref<40x125xi32, #tpu.memory_space<hbm>>
      %dma_wait3A_131 = arith.constant 0 : i32
      %dma_wait3A_132 = arith.constant 0 : i32
      %dma_wait3A_133 = tpu.memref_slice %arg4[%run_scoped3A_19, %add3A, %dma_wait3A_131, %dma_wait3A_132] : memref<3x32x40x125xi32, #tpu.memory_space<hbm>> -> memref<1x1x40x125xi32, #tpu.memory_space<hbm>>
      %dma_wait3A_134 = tpu.memref_squeeze %dma_wait3A_133 : memref<1x1x40x125xi32, #tpu.memory_space<hbm>> -> memref<40x125xi32, #tpu.memory_space<hbm>>
      tpu.wait_dma2 semaphore(%run_scoped3A_119 : memref<!tpu.dma_semaphore, #tpu.memory_space<semaphore_mem>>) src(%dma_wait3A_134 : memref<40x125xi32, #tpu.memory_space<hbm>>) dst(%arg8 : memref<40x125xi32, #tpu.memory_space<vmem>>)
      tpu.yield
    }) : () -> ()
    %dma_start3A = arith.constant 0 : i32
    %dma_start3A_20 = arith.constant 0 : i32
    %dma_start3A_21 = arith.constant 0 : i32
    %dma_start3A_22 = tpu.memref_slice %arg9[%dma_start3A_20, %dma_start3A_21] : memref<128x128xf32, #tpu.memory_space<vmem>> -> memref<125x128xf32, #tpu.memory_space<vmem>>
    %dma_start3A_23 = arith.constant 0 : i32
    %dma_start3A_24 = tpu.memref_slice %arg7[%dma_start3A, %dma_start3A_23] : memref<40x125xi32, #tpu.memory_space<vmem>> -> memref<1x125xi32, #tpu.memory_space<vmem>>
    %dma_start3A_25 = tpu.memref_squeeze %dma_start3A_24 : memref<1x125xi32, #tpu.memory_space<vmem>> -> memref<125xi32, #tpu.memory_space<vmem>>
    %dma_start3A_26 = arith.constant 0 : i32
    %dma_start3A_27 = arith.constant 0 : i32
    %dma_start3A_28 = tpu.memref_slice %arg2[%dma_start3A_26, %dma_start3A_27] : memref<10240x128xf32, #tpu.memory_space<hbm>> -> memref<10240x128xf32, #tpu.memory_space<hbm>>
    tpu.enqueue_indirect_dma source(%dma_start3A_28 : memref<10240x128xf32, #tpu.memory_space<hbm>>) target(%dma_start3A_22 : memref<125x128xf32, #tpu.memory_space<vmem>>) offsets(%dma_start3A_25 : memref<125xi32, #tpu.memory_space<vmem>>) semaphore(%arg11 : memref<!tpu.dma_semaphore, #tpu.memory_space<semaphore_mem>>)
    %scan3A_29 = arith.constant 0 : i32
    %scan3A_30 = arith.constant 0 : i32
    %scan3A_31 = arith.constant 20 : i32
    %scan3A_32 = arith.addi %scan3A_30, %scan3A_31 : i32
    %scan3A_33 = arith.constant 1 : i32
    %scan3A_34 = scf.for %scan3A_119 = %scan3A_30 to %scan3A_32 step %scan3A_33 iter_args(%scan3A_120 = %scan3A_29) -> (i32)  : i32 {
      %mul3A_121 = arith.constant 2 : i32
      %mul3A_122 = arith.muli %scan3A_119, %mul3A_121 : i32
      %add3A_123 = arith.constant 1 : i32
      %add3A_124 = arith.addi %mul3A_122, %add3A_123 : i32
      %dma_start3A_125 = arith.constant 0 : i32
      %dma_start3A_126 = arith.constant 0 : i32
      %dma_start3A_127 = tpu.memref_slice %arg10[%dma_start3A_125, %dma_start3A_126] : memref<128x128xf32, #tpu.memory_space<vmem>> -> memref<125x128xf32, #tpu.memory_space<vmem>>
      %dma_start3A_128 = arith.constant 0 : i32
      %dma_start3A_129 = tpu.memref_slice %arg7[%add3A_124, %dma_start3A_128] : memref<40x125xi32, #tpu.memory_space<vmem>> -> memref<1x125xi32, #tpu.memory_space<vmem>>
      %dma_start3A_130 = tpu.memref_squeeze %dma_start3A_129 : memref<1x125xi32, #tpu.memory_space<vmem>> -> memref<125xi32, #tpu.memory_space<vmem>>
      %dma_start3A_131 = arith.constant 0 : i32
      %dma_start3A_132 = arith.constant 0 : i32
      %dma_start3A_133 = tpu.memref_slice %arg2[%dma_start3A_131, %dma_start3A_132] : memref<10240x128xf32, #tpu.memory_space<hbm>> -> memref<10240x128xf32, #tpu.memory_space<hbm>>
      tpu.enqueue_indirect_dma source(%dma_start3A_133 : memref<10240x128xf32, #tpu.memory_space<hbm>>) target(%dma_start3A_127 : memref<125x128xf32, #tpu.memory_space<vmem>>) offsets(%dma_start3A_130 : memref<125xi32, #tpu.memory_space<vmem>>) semaphore(%arg12 : memref<!tpu.dma_semaphore, #tpu.memory_space<semaphore_mem>>)
      %dma_wait3A = arith.constant 0 : i32
      %dma_wait3A_134 = arith.constant 0 : i32
      %dma_wait3A_135 = tpu.memref_slice %arg9[%dma_wait3A, %dma_wait3A_134] : memref<128x128xf32, #tpu.memory_space<vmem>> -> memref<125x128xf32, #tpu.memory_space<vmem>>
      %dma_wait3A_136 = arith.constant 0 : i32
      %dma_wait3A_137 = tpu.memref_slice %arg7[%mul3A_122, %dma_wait3A_136] : memref<40x125xi32, #tpu.memory_space<vmem>> -> memref<1x125xi32, #tpu.memory_space<vmem>>
      %dma_wait3A_138 = tpu.memref_squeeze %dma_wait3A_137 : memref<1x125xi32, #tpu.memory_space<vmem>> -> memref<125xi32, #tpu.memory_space<vmem>>
      %dma_wait3A_139 = arith.constant 0 : i32
      %dma_wait3A_140 = arith.constant 0 : i32
      %dma_wait3A_141 = tpu.memref_slice %arg2[%dma_wait3A_139, %dma_wait3A_140] : memref<10240x128xf32, #tpu.memory_space<hbm>> -> memref<10240x128xf32, #tpu.memory_space<hbm>>
      tpu.wait_indirect_dma semaphore(%arg11 : memref<!tpu.dma_semaphore, #tpu.memory_space<semaphore_mem>>) src(%dma_wait3A_141 : memref<10240x128xf32, #tpu.memory_space<hbm>>) dst(%dma_wait3A_135 : memref<125x128xf32, #tpu.memory_space<vmem>>)
      "tpu.region"() ({
        %run_scoped3A_160 = tpu.sem_alloc : memref<!tpu.dma_semaphore, #tpu.memory_space<semaphore_mem>>
        %dma_start3A_161 = arith.constant 0 : i32
        %dma_start3A_162 = arith.constant 0 : i32
        %dma_start3A_163 = tpu.memref_slice %arg9[%dma_start3A_161, %dma_start3A_162] : memref<128x128xf32, #tpu.memory_space<vmem>> -> memref<125x128xf32, #tpu.memory_space<vmem>>
        %dma_start3A_164 = arith.constant 0 : i32
        %dma_start3A_165 = tpu.memref_slice %arg8[%mul3A_122, %dma_start3A_164] : memref<40x125xi32, #tpu.memory_space<vmem>> -> memref<1x125xi32, #tpu.memory_space<vmem>>
        %dma_start3A_166 = tpu.memref_squeeze %dma_start3A_165 : memref<1x125xi32, #tpu.memory_space<vmem>> -> memref<125xi32, #tpu.memory_space<vmem>>
        %dma_start3A_167 = arith.constant 0 : i32
        %dma_start3A_168 = arith.constant 0 : i32
        %dma_start3A_169 = tpu.memref_slice %arg6[%dma_start3A_167, %dma_start3A_168] : memref<10240x128xf32, #tpu.memory_space<vmem_shared>> -> memref<10240x128xf32, #tpu.memory_space<vmem_shared>>
        tpu.enqueue_indirect_dma source(%dma_start3A_163 : memref<125x128xf32, #tpu.memory_space<vmem>>) target(%dma_start3A_169 : memref<10240x128xf32, #tpu.memory_space<vmem_shared>>) offsets(%dma_start3A_166 : memref<125xi32, #tpu.memory_space<vmem>>) semaphore(%run_scoped3A_160 : memref<!tpu.dma_semaphore, #tpu.memory_space<semaphore_mem>>) {add = true}
        %dma_wait3A_170 = arith.constant 0 : i32
        %dma_wait3A_171 = arith.constant 0 : i32
        %dma_wait3A_172 = tpu.memref_slice %arg9[%dma_wait3A_170, %dma_wait3A_171] : memref<128x128xf32, #tpu.memory_space<vmem>> -> memref<125x128xf32, #tpu.memory_space<vmem>>
        %dma_wait3A_173 = arith.constant 0 : i32
        %dma_wait3A_174 = tpu.memref_slice %arg8[%mul3A_122, %dma_wait3A_173] : memref<40x125xi32, #tpu.memory_space<vmem>> -> memref<1x125xi32, #tpu.memory_space<vmem>>
        %dma_wait3A_175 = tpu.memref_squeeze %dma_wait3A_174 : memref<1x125xi32, #tpu.memory_space<vmem>> -> memref<125xi32, #tpu.memory_space<vmem>>
        %dma_wait3A_176 = arith.constant 0 : i32
        %dma_wait3A_177 = arith.constant 0 : i32
        %dma_wait3A_178 = tpu.memref_slice %arg6[%dma_wait3A_176, %dma_wait3A_177] : memref<10240x128xf32, #tpu.memory_space<vmem_shared>> -> memref<10240x128xf32, #tpu.memory_space<vmem_shared>>
        tpu.wait_indirect_dma semaphore(%run_scoped3A_160 : memref<!tpu.dma_semaphore, #tpu.memory_space<semaphore_mem>>) src(%dma_wait3A_172 : memref<125x128xf32, #tpu.memory_space<vmem>>) dst(%dma_wait3A_178 : memref<10240x128xf32, #tpu.memory_space<vmem_shared>>)
        tpu.yield
      }) : () -> ()
      %add3A_142 = arith.constant 2 : i32
      %add3A_143 = arith.addi %mul3A_122, %add3A_142 : i32
      %lt3A = arith.constant 40 : i32
      %lt3A_144 = arith.cmpi slt, %add3A_143, %lt3A : i32
      %convert_element_type3A = arith.extui %lt3A_144 : i1 to i32
      %cond3A = arith.constant 0 : i32
      %cond3A_145 = arith.cmpi ne, %convert_element_type3A, %cond3A : i32
      scf.if %cond3A_145 {
        %add3A_160 = arith.constant 2 : i32
        %add3A_161 = arith.addi %mul3A_122, %add3A_160 : i32
        %dma_start3A_162 = arith.constant 0 : i32
        %dma_start3A_163 = arith.constant 0 : i32
        %dma_start3A_164 = tpu.memref_slice %arg9[%dma_start3A_162, %dma_start3A_163] : memref<128x128xf32, #tpu.memory_space<vmem>> -> memref<125x128xf32, #tpu.memory_space<vmem>>
        %dma_start3A_165 = arith.constant 0 : i32
        %dma_start3A_166 = tpu.memref_slice %arg7[%add3A_161, %dma_start3A_165] : memref<40x125xi32, #tpu.memory_space<vmem>> -> memref<1x125xi32, #tpu.memory_space<vmem>>
        %dma_start3A_167 = tpu.memref_squeeze %dma_start3A_166 : memref<1x125xi32, #tpu.memory_space<vmem>> -> memref<125xi32, #tpu.memory_space<vmem>>
        %dma_start3A_168 = arith.constant 0 : i32
        %dma_start3A_169 = arith.constant 0 : i32
        %dma_start3A_170 = tpu.memref_slice %arg2[%dma_start3A_168, %dma_start3A_169] : memref<10240x128xf32, #tpu.memory_space<hbm>> -> memref<10240x128xf32, #tpu.memory_space<hbm>>
        tpu.enqueue_indirect_dma source(%dma_start3A_170 : memref<10240x128xf32, #tpu.memory_space<hbm>>) target(%dma_start3A_164 : memref<125x128xf32, #tpu.memory_space<vmem>>) offsets(%dma_start3A_167 : memref<125xi32, #tpu.memory_space<vmem>>) semaphore(%arg11 : memref<!tpu.dma_semaphore, #tpu.memory_space<semaphore_mem>>)
      } else {
      }
      %add3A_146 = arith.constant 1 : i32
      %add3A_147 = arith.addi %mul3A_122, %add3A_146 : i32
      %dma_wait3A_148 = arith.constant 0 : i32
      %dma_wait3A_149 = arith.constant 0 : i32
      %dma_wait3A_150 = tpu.memref_slice %arg10[%dma_wait3A_148, %dma_wait3A_149] : memref<128x128xf32, #tpu.memory_space<vmem>> -> memref<125x128xf32, #tpu.memory_space<vmem>>
      %dma_wait3A_151 = arith.constant 0 : i32
      %dma_wait3A_152 = tpu.memref_slice %arg7[%add3A_147, %dma_wait3A_151] : memref<40x125xi32, #tpu.memory_space<vmem>> -> memref<1x125xi32, #tpu.memory_space<vmem>>
      %dma_wait3A_153 = tpu.memref_squeeze %dma_wait3A_152 : memref<1x125xi32, #tpu.memory_space<vmem>> -> memref<125xi32, #tpu.memory_space<vmem>>
      %dma_wait3A_154 = arith.constant 0 : i32
      %dma_wait3A_155 = arith.constant 0 : i32
      %dma_wait3A_156 = tpu.memref_slice %arg2[%dma_wait3A_154, %dma_wait3A_155] : memref<10240x128xf32, #tpu.memory_space<hbm>> -> memref<10240x128xf32, #tpu.memory_space<hbm>>
      tpu.wait_indirect_dma semaphore(%arg12 : memref<!tpu.dma_semaphore, #tpu.memory_space<semaphore_mem>>) src(%dma_wait3A_156 : memref<10240x128xf32, #tpu.memory_space<hbm>>) dst(%dma_wait3A_150 : memref<125x128xf32, #tpu.memory_space<vmem>>)
      %add3A_157 = arith.constant 1 : i32
      %add3A_158 = arith.addi %mul3A_122, %add3A_157 : i32
      "tpu.region"() ({
        %run_scoped3A_160 = tpu.sem_alloc : memref<!tpu.dma_semaphore, #tpu.memory_space<semaphore_mem>>
        %dma_start3A_161 = arith.constant 0 : i32
        %dma_start3A_162 = arith.constant 0 : i32
        %dma_start3A_163 = tpu.memref_slice %arg10[%dma_start3A_161, %dma_start3A_162] : memref<128x128xf32, #tpu.memory_space<vmem>> -> memref<125x128xf32, #tpu.memory_space<vmem>>
        %dma_start3A_164 = arith.constant 0 : i32
        %dma_start3A_165 = tpu.memref_slice %arg8[%add3A_158, %dma_start3A_164] : memref<40x125xi32, #tpu.memory_space<vmem>> -> memref<1x125xi32, #tpu.memory_space<vmem>>
        %dma_start3A_166 = tpu.memref_squeeze %dma_start3A_165 : memref<1x125xi32, #tpu.memory_space<vmem>> -> memref<125xi32, #tpu.memory_space<vmem>>
        %dma_start3A_167 = arith.constant 0 : i32
        %dma_start3A_168 = arith.constant 0 : i32
        %dma_start3A_169 = tpu.memref_slice %arg6[%dma_start3A_167, %dma_start3A_168] : memref<10240x128xf32, #tpu.memory_space<vmem_shared>> -> memref<10240x128xf32, #tpu.memory_space<vmem_shared>>
        tpu.enqueue_indirect_dma source(%dma_start3A_163 : memref<125x128xf32, #tpu.memory_space<vmem>>) target(%dma_start3A_169 : memref<10240x128xf32, #tpu.memory_space<vmem_shared>>) offsets(%dma_start3A_166 : memref<125xi32, #tpu.memory_space<vmem>>) semaphore(%run_scoped3A_160 : memref<!tpu.dma_semaphore, #tpu.memory_space<semaphore_mem>>) {add = true}
        %dma_wait3A_170 = arith.constant 0 : i32
        %dma_wait3A_171 = arith.constant 0 : i32
        %dma_wait3A_172 = tpu.memref_slice %arg10[%dma_wait3A_170, %dma_wait3A_171] : memref<128x128xf32, #tpu.memory_space<vmem>> -> memref<125x128xf32, #tpu.memory_space<vmem>>
        %dma_wait3A_173 = arith.constant 0 : i32
        %dma_wait3A_174 = tpu.memref_slice %arg8[%add3A_158, %dma_wait3A_173] : memref<40x125xi32, #tpu.memory_space<vmem>> -> memref<1x125xi32, #tpu.memory_space<vmem>>
        %dma_wait3A_175 = tpu.memref_squeeze %dma_wait3A_174 : memref<1x125xi32, #tpu.memory_space<vmem>> -> memref<125xi32, #tpu.memory_space<vmem>>
        %dma_wait3A_176 = arith.constant 0 : i32
        %dma_wait3A_177 = arith.constant 0 : i32
        %dma_wait3A_178 = tpu.memref_slice %arg6[%dma_wait3A_176, %dma_wait3A_177] : memref<10240x128xf32, #tpu.memory_space<vmem_shared>> -> memref<10240x128xf32, #tpu.memory_space<vmem_shared>>
        tpu.wait_indirect_dma semaphore(%run_scoped3A_160 : memref<!tpu.dma_semaphore, #tpu.memory_space<semaphore_mem>>) src(%dma_wait3A_172 : memref<125x128xf32, #tpu.memory_space<vmem>>) dst(%dma_wait3A_178 : memref<10240x128xf32, #tpu.memory_space<vmem_shared>>)
        tpu.yield
      }) : () -> ()
      %scan3A_159 = arith.constant 0 : i32
      scf.yield %scan3A_159 : i32
    }
    %scan3A_35 = arith.constant 20 : i32
    %barrier3A_36 = arith.constant 0 : index
    tpu.barrier barrier_id(%barrier3A_36)
    %run_scoped3A_37 = arith.constant 0 : i32
    "tpu.region"() ({
      %run_scoped3A_119 = tpu.sem_alloc : memref<!tpu.dma_semaphore, #tpu.memory_space<semaphore_mem>>
      %dma_start3A_120 = arith.constant 0 : i32
      %dma_start3A_121 = tpu.memref_slice %arg5[%run_scoped3A_37, %arg0, %mul3A_2, %dma_start3A_120] : memref<3x2x10240x128xf32, #tpu.memory_space<hbm>> -> memref<1x1x640x128xf32, #tpu.memory_space<hbm>>
      %dma_start3A_122 = tpu.memref_squeeze %dma_start3A_121 : memref<1x1x640x128xf32, #tpu.memory_space<hbm>> -> memref<640x128xf32, #tpu.memory_space<hbm>>
      %dma_start3A_123 = arith.constant 0 : i32
      %dma_start3A_124 = tpu.memref_slice %arg6[%mul3A_2, %dma_start3A_123] : memref<10240x128xf32, #tpu.memory_space<vmem_shared>> -> memref<640x128xf32, #tpu.memory_space<vmem_shared>>
      tpu.enqueue_dma source(%dma_start3A_124 : memref<640x128xf32, #tpu.memory_space<vmem_shared>>) target(%dma_start3A_122 : memref<640x128xf32, #tpu.memory_space<hbm>>) target_semaphore(%run_scoped3A_119 : memref<!tpu.dma_semaphore, #tpu.memory_space<semaphore_mem>>)
      %dma_wait3A = arith.constant 0 : i32
      %dma_wait3A_125 = tpu.memref_slice %arg5[%run_scoped3A_37, %arg0, %mul3A_2, %dma_wait3A] : memref<3x2x10240x128xf32, #tpu.memory_space<hbm>> -> memref<1x1x640x128xf32, #tpu.memory_space<hbm>>
      %dma_wait3A_126 = tpu.memref_squeeze %dma_wait3A_125 : memref<1x1x640x128xf32, #tpu.memory_space<hbm>> -> memref<640x128xf32, #tpu.memory_space<hbm>>
      %dma_wait3A_127 = arith.constant 0 : i32
      %dma_wait3A_128 = tpu.memref_slice %arg6[%mul3A_2, %dma_wait3A_127] : memref<10240x128xf32, #tpu.memory_space<vmem_shared>> -> memref<640x128xf32, #tpu.memory_space<vmem_shared>>
      tpu.wait_dma2 semaphore(%run_scoped3A_119 : memref<!tpu.dma_semaphore, #tpu.memory_space<semaphore_mem>>) src(%dma_wait3A_128 : memref<640x128xf32, #tpu.memory_space<vmem_shared>>) dst(%dma_wait3A_126 : memref<640x128xf32, #tpu.memory_space<hbm>>)
      tpu.yield
    }) : () -> ()
    %barrier3A_38 = arith.constant 0 : index
    tpu.barrier barrier_id(%barrier3A_38)
    %scan3A_39 = arith.constant 0 : i32
    %scan3A_40 = arith.constant 0 : i32
    %scan3A_41 = arith.constant 128 : i32
    %scan3A_42 = arith.addi %scan3A_40, %scan3A_41 : i32
    %scan3A_43 = arith.constant 1 : i32
    %scan3A_44 = scf.for %scan3A_119 = %scan3A_40 to %scan3A_42 step %scan3A_43 iter_args(%scan3A_120 = %scan3A_39) -> (i32)  : i32 {
      %broadcast_in_dim3A = arith.constant 0.000000e+00 : f32
      %broadcast_in_dim3A_121 = vector.broadcast %broadcast_in_dim3A : f32 to vector<16xf32>
      %swap3A = arith.index_cast %scan3A_119 : i32 to index
      %swap3A_122 = arith.constant 0 : index
      %swap3A_123 = tpu.vector_load %arg10[%swap3A, %swap3A_122] {strides = array<i32>} : memref<128x128xf32, #tpu.memory_space<vmem>>, vector<1x16xf32>,
      %swap3A_124 = vector.shape_cast %swap3A_123 : vector<1x16xf32> to vector<16xf32>
      %swap3A_125 = vector.shape_cast %broadcast_in_dim3A_121 : vector<16xf32> to vector<1x16xf32>
      tpu.vector_store %arg10[%swap3A, %swap3A_122], %swap3A_125 {strides = array<i32>} : memref<128x128xf32, #tpu.memory_space<vmem>>, vector<1x16xf32>,
      %broadcast_in_dim3A_126 = arith.constant 0.000000e+00 : f32
      %broadcast_in_dim3A_127 = vector.broadcast %broadcast_in_dim3A_126 : f32 to vector<16xf32>
      %swap3A_128 = arith.index_cast %scan3A_119 : i32 to index
      %swap3A_129 = arith.constant 16 : index
      %swap3A_130 = tpu.vector_load %arg10[%swap3A_128, %swap3A_129] {strides = array<i32>} : memref<128x128xf32, #tpu.memory_space<vmem>>, vector<1x16xf32>,
      %swap3A_131 = vector.shape_cast %swap3A_130 : vector<1x16xf32> to vector<16xf32>
      %swap3A_132 = vector.shape_cast %broadcast_in_dim3A_127 : vector<16xf32> to vector<1x16xf32>
      tpu.vector_store %arg10[%swap3A_128, %swap3A_129], %swap3A_132 {strides = array<i32>} : memref<128x128xf32, #tpu.memory_space<vmem>>, vector<1x16xf32>,
      %broadcast_in_dim3A_133 = arith.constant 0.000000e+00 : f32
      %broadcast_in_dim3A_134 = vector.broadcast %broadcast_in_dim3A_133 : f32 to vector<16xf32>
      %swap3A_135 = arith.index_cast %scan3A_119 : i32 to index
      %swap3A_136 = arith.constant 32 : index
      %swap3A_137 = tpu.vector_load %arg10[%swap3A_135, %swap3A_136] {strides = array<i32>} : memref<128x128xf32, #tpu.memory_space<vmem>>, vector<1x16xf32>,
      %swap3A_138 = vector.shape_cast %swap3A_137 : vector<1x16xf32> to vector<16xf32>
      %swap3A_139 = vector.shape_cast %broadcast_in_dim3A_134 : vector<16xf32> to vector<1x16xf32>
      tpu.vector_store %arg10[%swap3A_135, %swap3A_136], %swap3A_139 {strides = array<i32>} : memref<128x128xf32, #tpu.memory_space<vmem>>, vector<1x16xf32>,
      %broadcast_in_dim3A_140 = arith.constant 0.000000e+00 : f32
      %broadcast_in_dim3A_141 = vector.broadcast %broadcast_in_dim3A_140 : f32 to vector<16xf32>
      %swap3A_142 = arith.index_cast %scan3A_119 : i32 to index
      %swap3A_143 = arith.constant 48 : index
      %swap3A_144 = tpu.vector_load %arg10[%swap3A_142, %swap3A_143] {strides = array<i32>} : memref<128x128xf32, #tpu.memory_space<vmem>>, vector<1x16xf32>,
      %swap3A_145 = vector.shape_cast %swap3A_144 : vector<1x16xf32> to vector<16xf32>
      %swap3A_146 = vector.shape_cast %broadcast_in_dim3A_141 : vector<16xf32> to vector<1x16xf32>
      tpu.vector_store %arg10[%swap3A_142, %swap3A_143], %swap3A_146 {strides = array<i32>} : memref<128x128xf32, #tpu.memory_space<vmem>>, vector<1x16xf32>,
      %broadcast_in_dim3A_147 = arith.constant 0.000000e+00 : f32
      %broadcast_in_dim3A_148 = vector.broadcast %broadcast_in_dim3A_147 : f32 to vector<16xf32>
      %swap3A_149 = arith.index_cast %scan3A_119 : i32 to index
      %swap3A_150 = arith.constant 64 : index
      %swap3A_151 = tpu.vector_load %arg10[%swap3A_149, %swap3A_150] {strides = array<i32>} : memref<128x128xf32, #tpu.memory_space<vmem>>, vector<1x16xf32>,
      %swap3A_152 = vector.shape_cast %swap3A_151 : vector<1x16xf32> to vector<16xf32>
      %swap3A_153 = vector.shape_cast %broadcast_in_dim3A_148 : vector<16xf32> to vector<1x16xf32>
      tpu.vector_store %arg10[%swap3A_149, %swap3A_150], %swap3A_153 {strides = array<i32>} : memref<128x128xf32, #tpu.memory_space<vmem>>, vector<1x16xf32>,
      %broadcast_in_dim3A_154 = arith.constant 0.000000e+00 : f32
      %broadcast_in_dim3A_155 = vector.broadcast %broadcast_in_dim3A_154 : f32 to vector<16xf32>
      %swap3A_156 = arith.index_cast %scan3A_119 : i32 to index
      %swap3A_157 = arith.constant 80 : index
      %swap3A_158 = tpu.vector_load %arg10[%swap3A_156, %swap3A_157] {strides = array<i32>} : memref<128x128xf32, #tpu.memory_space<vmem>>, vector<1x16xf32>,
      %swap3A_159 = vector.shape_cast %swap3A_158 : vector<1x16xf32> to vector<16xf32>
      %swap3A_160 = vector.shape_cast %broadcast_in_dim3A_155 : vector<16xf32> to vector<1x16xf32>
      tpu.vector_store %arg10[%swap3A_156, %swap3A_157], %swap3A_160 {strides = array<i32>} : memref<128x128xf32, #tpu.memory_space<vmem>>, vector<1x16xf32>,
      %broadcast_in_dim3A_161 = arith.constant 0.000000e+00 : f32
      %broadcast_in_dim3A_162 = vector.broadcast %broadcast_in_dim3A_161 : f32 to vector<16xf32>
      %swap3A_163 = arith.index_cast %scan3A_119 : i32 to index
      %swap3A_164 = arith.constant 96 : index
      %swap3A_165 = tpu.vector_load %arg10[%swap3A_163, %swap3A_164] {strides = array<i32>} : memref<128x128xf32, #tpu.memory_space<vmem>>, vector<1x16xf32>,
      %swap3A_166 = vector.shape_cast %swap3A_165 : vector<1x16xf32> to vector<16xf32>
      %swap3A_167 = vector.shape_cast %broadcast_in_dim3A_162 : vector<16xf32> to vector<1x16xf32>
      tpu.vector_store %arg10[%swap3A_163, %swap3A_164], %swap3A_167 {strides = array<i32>} : memref<128x128xf32, #tpu.memory_space<vmem>>, vector<1x16xf32>,
      %broadcast_in_dim3A_168 = arith.constant 0.000000e+00 : f32
      %broadcast_in_dim3A_169 = vector.broadcast %broadcast_in_dim3A_168 : f32 to vector<16xf32>
      %swap3A_170 = arith.index_cast %scan3A_119 : i32 to index
      %swap3A_171 = arith.constant 112 : index
      %swap3A_172 = tpu.vector_load %arg10[%swap3A_170, %swap3A_171] {strides = array<i32>} : memref<128x128xf32, #tpu.memory_space<vmem>>, vector<1x16xf32>,
      %swap3A_173 = vector.shape_cast %swap3A_172 : vector<1x16xf32> to vector<16xf32>
      %swap3A_174 = vector.shape_cast %broadcast_in_dim3A_169 : vector<16xf32> to vector<1x16xf32>
      tpu.vector_store %arg10[%swap3A_170, %swap3A_171], %swap3A_174 {strides = array<i32>} : memref<128x128xf32, #tpu.memory_space<vmem>>, vector<1x16xf32>,
      %scan3A_175 = arith.constant 0 : i32
      scf.yield %scan3A_175 : i32
    }
    %scan3A_45 = arith.constant 128 : i32
    %add3A_46 = arith.constant 0 : i32
    %add3A_47 = arith.addi %mul3A_2, %add3A_46 : i32
    "tpu.region"() ({
      %run_scoped3A_119 = tpu.sem_alloc : memref<!tpu.dma_semaphore, #tpu.memory_space<semaphore_mem>>
      %dma_start3A_120 = arith.constant 0 : i32
      %dma_start3A_121 = tpu.memref_slice %arg6[%add3A_47, %dma_start3A_120] : memref<10240x128xf32, #tpu.memory_space<vmem_shared>> -> memref<128x128xf32, #tpu.memory_space<vmem_shared>>
      %dma_start3A_122 = arith.constant 0 : i32
      %dma_start3A_123 = tpu.memref_slice %arg6[%add3A_47, %dma_start3A_122] : memref<10240x128xf32, #tpu.memory_space<vmem_shared>> -> memref<128x128xf32, #tpu.memory_space<vmem_shared>>
      tpu.enqueue_dma source(%arg10 : memref<128x128xf32, #tpu.memory_space<vmem>>) target(%dma_start3A_123 : memref<128x128xf32, #tpu.memory_space<vmem_shared>>) target_semaphore(%run_scoped3A_119 : memref<!tpu.dma_semaphore, #tpu.memory_space<semaphore_mem>>)
      %dma_wait3A = arith.constant 0 : i32
      %dma_wait3A_124 = tpu.memref_slice %arg6[%add3A_47, %dma_wait3A] : memref<10240x128xf32, #tpu.memory_space<vmem_shared>> -> memref<128x128xf32, #tpu.memory_space<vmem_shared>>
      %dma_wait3A_125 = arith.constant 0 : i32
      %dma_wait3A_126 = tpu.memref_slice %arg6[%add3A_47, %dma_wait3A_125] : memref<10240x128xf32, #tpu.memory_space<vmem_shared>> -> memref<128x128xf32, #tpu.memory_space<vmem_shared>>
      tpu.wait_dma2 semaphore(%run_scoped3A_119 : memref<!tpu.dma_semaphore, #tpu.memory_space<semaphore_mem>>) src(%arg10 : memref<128x128xf32, #tpu.memory_space<vmem>>) dst(%dma_wait3A_126 : memref<128x128xf32, #tpu.memory_space<vmem_shared>>)
      tpu.yield
    }) : () -> ()
    %add3A_48 = arith.constant 128 : i32
    %add3A_49 = arith.addi %mul3A_2, %add3A_48 : i32
    "tpu.region"() ({
      %run_scoped3A_119 = tpu.sem_alloc : memref<!tpu.dma_semaphore, #tpu.memory_space<semaphore_mem>>
      %dma_start3A_120 = arith.constant 0 : i32
      %dma_start3A_121 = tpu.memref_slice %arg6[%add3A_49, %dma_start3A_120] : memref<10240x128xf32, #tpu.memory_space<vmem_shared>> -> memref<128x128xf32, #tpu.memory_space<vmem_shared>>
      %dma_start3A_122 = arith.constant 0 : i32
      %dma_start3A_123 = tpu.memref_slice %arg6[%add3A_49, %dma_start3A_122] : memref<10240x128xf32, #tpu.memory_space<vmem_shared>> -> memref<128x128xf32, #tpu.memory_space<vmem_shared>>
      tpu.enqueue_dma source(%arg10 : memref<128x128xf32, #tpu.memory_space<vmem>>) target(%dma_start3A_123 : memref<128x128xf32, #tpu.memory_space<vmem_shared>>) target_semaphore(%run_scoped3A_119 : memref<!tpu.dma_semaphore, #tpu.memory_space<semaphore_mem>>)
      %dma_wait3A = arith.constant 0 : i32
      %dma_wait3A_124 = tpu.memref_slice %arg6[%add3A_49, %dma_wait3A] : memref<10240x128xf32, #tpu.memory_space<vmem_shared>> -> memref<128x128xf32, #tpu.memory_space<vmem_shared>>
      %dma_wait3A_125 = arith.constant 0 : i32
      %dma_wait3A_126 = tpu.memref_slice %arg6[%add3A_49, %dma_wait3A_125] : memref<10240x128xf32, #tpu.memory_space<vmem_shared>> -> memref<128x128xf32, #tpu.memory_space<vmem_shared>>
      tpu.wait_dma2 semaphore(%run_scoped3A_119 : memref<!tpu.dma_semaphore, #tpu.memory_space<semaphore_mem>>) src(%arg10 : memref<128x128xf32, #tpu.memory_space<vmem>>) dst(%dma_wait3A_126 : memref<128x128xf32, #tpu.memory_space<vmem_shared>>)
      tpu.yield
    }) : () -> ()
    %add3A_50 = arith.constant 256 : i32
    %add3A_51 = arith.addi %mul3A_2, %add3A_50 : i32
    "tpu.region"() ({
      %run_scoped3A_119 = tpu.sem_alloc : memref<!tpu.dma_semaphore, #tpu.memory_space<semaphore_mem>>
      %dma_start3A_120 = arith.constant 0 : i32
      %dma_start3A_121 = tpu.memref_slice %arg6[%add3A_51, %dma_start3A_120] : memref<10240x128xf32, #tpu.memory_space<vmem_shared>> -> memref<128x128xf32, #tpu.memory_space<vmem_shared>>
      %dma_start3A_122 = arith.constant 0 : i32
      %dma_start3A_123 = tpu.memref_slice %arg6[%add3A_51, %dma_start3A_122] : memref<10240x128xf32, #tpu.memory_space<vmem_shared>> -> memref<128x128xf32, #tpu.memory_space<vmem_shared>>
      tpu.enqueue_dma source(%arg10 : memref<128x128xf32, #tpu.memory_space<vmem>>) target(%dma_start3A_123 : memref<128x128xf32, #tpu.memory_space<vmem_shared>>) target_semaphore(%run_scoped3A_119 : memref<!tpu.dma_semaphore, #tpu.memory_space<semaphore_mem>>)
      %dma_wait3A = arith.constant 0 : i32
      %dma_wait3A_124 = tpu.memref_slice %arg6[%add3A_51, %dma_wait3A] : memref<10240x128xf32, #tpu.memory_space<vmem_shared>> -> memref<128x128xf32, #tpu.memory_space<vmem_shared>>
      %dma_wait3A_125 = arith.constant 0 : i32
      %dma_wait3A_126 = tpu.memref_slice %arg6[%add3A_51, %dma_wait3A_125] : memref<10240x128xf32, #tpu.memory_space<vmem_shared>> -> memref<128x128xf32, #tpu.memory_space<vmem_shared>>
      tpu.wait_dma2 semaphore(%run_scoped3A_119 : memref<!tpu.dma_semaphore, #tpu.memory_space<semaphore_mem>>) src(%arg10 : memref<128x128xf32, #tpu.memory_space<vmem>>) dst(%dma_wait3A_126 : memref<128x128xf32, #tpu.memory_space<vmem_shared>>)
      tpu.yield
    }) : () -> ()
    %add3A_52 = arith.constant 384 : i32
    %add3A_53 = arith.addi %mul3A_2, %add3A_52 : i32
    "tpu.region"() ({
      %run_scoped3A_119 = tpu.sem_alloc : memref<!tpu.dma_semaphore, #tpu.memory_space<semaphore_mem>>
      %dma_start3A_120 = arith.constant 0 : i32
      %dma_start3A_121 = tpu.memref_slice %arg6[%add3A_53, %dma_start3A_120] : memref<10240x128xf32, #tpu.memory_space<vmem_shared>> -> memref<128x128xf32, #tpu.memory_space<vmem_shared>>
      %dma_start3A_122 = arith.constant 0 : i32
      %dma_start3A_123 = tpu.memref_slice %arg6[%add3A_53, %dma_start3A_122] : memref<10240x128xf32, #tpu.memory_space<vmem_shared>> -> memref<128x128xf32, #tpu.memory_space<vmem_shared>>
      tpu.enqueue_dma source(%arg10 : memref<128x128xf32, #tpu.memory_space<vmem>>) target(%dma_start3A_123 : memref<128x128xf32, #tpu.memory_space<vmem_shared>>) target_semaphore(%run_scoped3A_119 : memref<!tpu.dma_semaphore, #tpu.memory_space<semaphore_mem>>)
      %dma_wait3A = arith.constant 0 : i32
      %dma_wait3A_124 = tpu.memref_slice %arg6[%add3A_53, %dma_wait3A] : memref<10240x128xf32, #tpu.memory_space<vmem_shared>> -> memref<128x128xf32, #tpu.memory_space<vmem_shared>>
      %dma_wait3A_125 = arith.constant 0 : i32
      %dma_wait3A_126 = tpu.memref_slice %arg6[%add3A_53, %dma_wait3A_125] : memref<10240x128xf32, #tpu.memory_space<vmem_shared>> -> memref<128x128xf32, #tpu.memory_space<vmem_shared>>
      tpu.wait_dma2 semaphore(%run_scoped3A_119 : memref<!tpu.dma_semaphore, #tpu.memory_space<semaphore_mem>>) src(%arg10 : memref<128x128xf32, #tpu.memory_space<vmem>>) dst(%dma_wait3A_126 : memref<128x128xf32, #tpu.memory_space<vmem_shared>>)
      tpu.yield
    }) : () -> ()
    %add3A_54 = arith.constant 512 : i32
    %add3A_55 = arith.addi %mul3A_2, %add3A_54 : i32
    "tpu.region"() ({
      %run_scoped3A_119 = tpu.sem_alloc : memref<!tpu.dma_semaphore, #tpu.memory_space<semaphore_mem>>
      %dma_start3A_120 = arith.constant 0 : i32
      %dma_start3A_121 = tpu.memref_slice %arg6[%add3A_55, %dma_start3A_120] : memref<10240x128xf32, #tpu.memory_space<vmem_shared>> -> memref<128x128xf32, #tpu.memory_space<vmem_shared>>
      %dma_start3A_122 = arith.constant 0 : i32
      %dma_start3A_123 = tpu.memref_slice %arg6[%add3A_55, %dma_start3A_122] : memref<10240x128xf32, #tpu.memory_space<vmem_shared>> -> memref<128x128xf32, #tpu.memory_space<vmem_shared>>
      tpu.enqueue_dma source(%arg10 : memref<128x128xf32, #tpu.memory_space<vmem>>) target(%dma_start3A_123 : memref<128x128xf32, #tpu.memory_space<vmem_shared>>) target_semaphore(%run_scoped3A_119 : memref<!tpu.dma_semaphore, #tpu.memory_space<semaphore_mem>>)
      %dma_wait3A = arith.constant 0 : i32
      %dma_wait3A_124 = tpu.memref_slice %arg6[%add3A_55, %dma_wait3A] : memref<10240x128xf32, #tpu.memory_space<vmem_shared>> -> memref<128x128xf32, #tpu.memory_space<vmem_shared>>
      %dma_wait3A_125 = arith.constant 0 : i32
      %dma_wait3A_126 = tpu.memref_slice %arg6[%add3A_55, %dma_wait3A_125] : memref<10240x128xf32, #tpu.memory_space<vmem_shared>> -> memref<128x128xf32, #tpu.memory_space<vmem_shared>>
      tpu.wait_dma2 semaphore(%run_scoped3A_119 : memref<!tpu.dma_semaphore, #tpu.memory_space<semaphore_mem>>) src(%arg10 : memref<128x128xf32, #tpu.memory_space<vmem>>) dst(%dma_wait3A_126 : memref<128x128xf32, #tpu.memory_space<vmem_shared>>)
      tpu.yield
    }) : () -> ()
    %barrier3A_56 = arith.constant 0 : index
    tpu.barrier barrier_id(%barrier3A_56)
    %run_scoped3A_57 = arith.constant 1 : i32
    "tpu.region"() ({
      %run_scoped3A_119 = tpu.sem_alloc : memref<!tpu.dma_semaphore, #tpu.memory_space<semaphore_mem>>
      %dma_start3A_120 = arith.constant 0 : i32
      %dma_start3A_121 = arith.constant 0 : i32
      %dma_start3A_122 = tpu.memref_slice %arg3[%run_scoped3A_57, %add3A, %dma_start3A_120, %dma_start3A_121] : memref<3x32x40x125xi32, #tpu.memory_space<hbm>> -> memref<1x1x40x125xi32, #tpu.memory_space<hbm>>
      %dma_start3A_123 = tpu.memref_squeeze %dma_start3A_122 : memref<1x1x40x125xi32, #tpu.memory_space<hbm>> -> memref<40x125xi32, #tpu.memory_space<hbm>>
      %dma_start3A_124 = arith.constant 0 : i32
      %dma_start3A_125 = arith.constant 0 : i32
      %dma_start3A_126 = tpu.memref_slice %arg3[%run_scoped3A_57, %add3A, %dma_start3A_124, %dma_start3A_125] : memref<3x32x40x125xi32, #tpu.memory_space<hbm>> -> memref<1x1x40x125xi32, #tpu.memory_space<hbm>>
      %dma_start3A_127 = tpu.memref_squeeze %dma_start3A_126 : memref<1x1x40x125xi32, #tpu.memory_space<hbm>> -> memref<40x125xi32, #tpu.memory_space<hbm>>
      tpu.enqueue_dma source(%dma_start3A_127 : memref<40x125xi32, #tpu.memory_space<hbm>>) target(%arg7 : memref<40x125xi32, #tpu.memory_space<vmem>>) target_semaphore(%run_scoped3A_119 : memref<!tpu.dma_semaphore, #tpu.memory_space<semaphore_mem>>)
      %dma_wait3A = arith.constant 0 : i32
      %dma_wait3A_128 = arith.constant 0 : i32
      %dma_wait3A_129 = tpu.memref_slice %arg3[%run_scoped3A_57, %add3A, %dma_wait3A, %dma_wait3A_128] : memref<3x32x40x125xi32, #tpu.memory_space<hbm>> -> memref<1x1x40x125xi32, #tpu.memory_space<hbm>>
      %dma_wait3A_130 = tpu.memref_squeeze %dma_wait3A_129 : memref<1x1x40x125xi32, #tpu.memory_space<hbm>> -> memref<40x125xi32, #tpu.memory_space<hbm>>
      %dma_wait3A_131 = arith.constant 0 : i32
      %dma_wait3A_132 = arith.constant 0 : i32
      %dma_wait3A_133 = tpu.memref_slice %arg3[%run_scoped3A_57, %add3A, %dma_wait3A_131, %dma_wait3A_132] : memref<3x32x40x125xi32, #tpu.memory_space<hbm>> -> memref<1x1x40x125xi32, #tpu.memory_space<hbm>>
      %dma_wait3A_134 = tpu.memref_squeeze %dma_wait3A_133 : memref<1x1x40x125xi32, #tpu.memory_space<hbm>> -> memref<40x125xi32, #tpu.memory_space<hbm>>
      tpu.wait_dma2 semaphore(%run_scoped3A_119 : memref<!tpu.dma_semaphore, #tpu.memory_space<semaphore_mem>>) src(%dma_wait3A_134 : memref<40x125xi32, #tpu.memory_space<hbm>>) dst(%arg7 : memref<40x125xi32, #tpu.memory_space<vmem>>)
      tpu.yield
    }) : () -> ()
    %run_scoped3A_58 = arith.constant 1 : i32
    "tpu.region"() ({
      %run_scoped3A_119 = tpu.sem_alloc : memref<!tpu.dma_semaphore, #tpu.memory_space<semaphore_mem>>
      %dma_start3A_120 = arith.constant 0 : i32
      %dma_start3A_121 = arith.constant 0 : i32
      %dma_start3A_122 = tpu.memref_slice %arg4[%run_scoped3A_58, %add3A, %dma_start3A_120, %dma_start3A_121] : memref<3x32x40x125xi32, #tpu.memory_space<hbm>> -> memref<1x1x40x125xi32, #tpu.memory_space<hbm>>
      %dma_start3A_123 = tpu.memref_squeeze %dma_start3A_122 : memref<1x1x40x125xi32, #tpu.memory_space<hbm>> -> memref<40x125xi32, #tpu.memory_space<hbm>>
      %dma_start3A_124 = arith.constant 0 : i32
      %dma_start3A_125 = arith.constant 0 : i32
      %dma_start3A_126 = tpu.memref_slice %arg4[%run_scoped3A_58, %add3A, %dma_start3A_124, %dma_start3A_125] : memref<3x32x40x125xi32, #tpu.memory_space<hbm>> -> memref<1x1x40x125xi32, #tpu.memory_space<hbm>>
      %dma_start3A_127 = tpu.memref_squeeze %dma_start3A_126 : memref<1x1x40x125xi32, #tpu.memory_space<hbm>> -> memref<40x125xi32, #tpu.memory_space<hbm>>
      tpu.enqueue_dma source(%dma_start3A_127 : memref<40x125xi32, #tpu.memory_space<hbm>>) target(%arg8 : memref<40x125xi32, #tpu.memory_space<vmem>>) target_semaphore(%run_scoped3A_119 : memref<!tpu.dma_semaphore, #tpu.memory_space<semaphore_mem>>)
      %dma_wait3A = arith.constant 0 : i32
      %dma_wait3A_128 = arith.constant 0 : i32
      %dma_wait3A_129 = tpu.memref_slice %arg4[%run_scoped3A_58, %add3A, %dma_wait3A, %dma_wait3A_128] : memref<3x32x40x125xi32, #tpu.memory_space<hbm>> -> memref<1x1x40x125xi32, #tpu.memory_space<hbm>>
      %dma_wait3A_130 = tpu.memref_squeeze %dma_wait3A_129 : memref<1x1x40x125xi32, #tpu.memory_space<hbm>> -> memref<40x125xi32, #tpu.memory_space<hbm>>
      %dma_wait3A_131 = arith.constant 0 : i32
      %dma_wait3A_132 = arith.constant 0 : i32
      %dma_wait3A_133 = tpu.memref_slice %arg4[%run_scoped3A_58, %add3A, %dma_wait3A_131, %dma_wait3A_132] : memref<3x32x40x125xi32, #tpu.memory_space<hbm>> -> memref<1x1x40x125xi32, #tpu.memory_space<hbm>>
      %dma_wait3A_134 = tpu.memref_squeeze %dma_wait3A_133 : memref<1x1x40x125xi32, #tpu.memory_space<hbm>> -> memref<40x125xi32, #tpu.memory_space<hbm>>
      tpu.wait_dma2 semaphore(%run_scoped3A_119 : memref<!tpu.dma_semaphore, #tpu.memory_space<semaphore_mem>>) src(%dma_wait3A_134 : memref<40x125xi32, #tpu.memory_space<hbm>>) dst(%arg8 : memref<40x125xi32, #tpu.memory_space<vmem>>)
      tpu.yield
    }) : () -> ()
    %dma_start3A_59 = arith.constant 0 : i32
    %dma_start3A_60 = arith.constant 0 : i32
    %dma_start3A_61 = arith.constant 0 : i32
    %dma_start3A_62 = tpu.memref_slice %arg9[%dma_start3A_60, %dma_start3A_61] : memref<128x128xf32, #tpu.memory_space<vmem>> -> memref<125x128xf32, #tpu.memory_space<vmem>>
    %dma_start3A_63 = arith.constant 0 : i32
    %dma_start3A_64 = tpu.memref_slice %arg7[%dma_start3A_59, %dma_start3A_63] : memref<40x125xi32, #tpu.memory_space<vmem>> -> memref<1x125xi32, #tpu.memory_space<vmem>>
    %dma_start3A_65 = tpu.memref_squeeze %dma_start3A_64 : memref<1x125xi32, #tpu.memory_space<vmem>> -> memref<125xi32, #tpu.memory_space<vmem>>
    %dma_start3A_66 = arith.constant 0 : i32
    %dma_start3A_67 = arith.constant 0 : i32
    %dma_start3A_68 = tpu.memref_slice %arg2[%dma_start3A_66, %dma_start3A_67] : memref<10240x128xf32, #tpu.memory_space<hbm>> -> memref<10240x128xf32, #tpu.memory_space<hbm>>
    tpu.enqueue_indirect_dma source(%dma_start3A_68 : memref<10240x128xf32, #tpu.memory_space<hbm>>) target(%dma_start3A_62 : memref<125x128xf32, #tpu.memory_space<vmem>>) offsets(%dma_start3A_65 : memref<125xi32, #tpu.memory_space<vmem>>) semaphore(%arg11 : memref<!tpu.dma_semaphore, #tpu.memory_space<semaphore_mem>>)
    %scan3A_69 = arith.constant 0 : i32
    %scan3A_70 = arith.constant 0 : i32
    %scan3A_71 = arith.constant 20 : i32
    %scan3A_72 = arith.addi %scan3A_70, %scan3A_71 : i32
    %scan3A_73 = arith.constant 1 : i32
    %scan3A_74 = scf.for %scan3A_119 = %scan3A_70 to %scan3A_72 step %scan3A_73 iter_args(%scan3A_120 = %scan3A_69) -> (i32)  : i32 {
      %mul3A_121 = arith.constant 2 : i32
      %mul3A_122 = arith.muli %scan3A_119, %mul3A_121 : i32
      %add3A_123 = arith.constant 1 : i32
      %add3A_124 = arith.addi %mul3A_122, %add3A_123 : i32
      %dma_start3A_125 = arith.constant 0 : i32
      %dma_start3A_126 = arith.constant 0 : i32
      %dma_start3A_127 = tpu.memref_slice %arg10[%dma_start3A_125, %dma_start3A_126] : memref<128x128xf32, #tpu.memory_space<vmem>> -> memref<125x128xf32, #tpu.memory_space<vmem>>
      %dma_start3A_128 = arith.constant 0 : i32
      %dma_start3A_129 = tpu.memref_slice %arg7[%add3A_124, %dma_start3A_128] : memref<40x125xi32, #tpu.memory_space<vmem>> -> memref<1x125xi32, #tpu.memory_space<vmem>>
      %dma_start3A_130 = tpu.memref_squeeze %dma_start3A_129 : memref<1x125xi32, #tpu.memory_space<vmem>> -> memref<125xi32, #tpu.memory_space<vmem>>
      %dma_start3A_131 = arith.constant 0 : i32
      %dma_start3A_132 = arith.constant 0 : i32
      %dma_start3A_133 = tpu.memref_slice %arg2[%dma_start3A_131, %dma_start3A_132] : memref<10240x128xf32, #tpu.memory_space<hbm>> -> memref<10240x128xf32, #tpu.memory_space<hbm>>
      tpu.enqueue_indirect_dma source(%dma_start3A_133 : memref<10240x128xf32, #tpu.memory_space<hbm>>) target(%dma_start3A_127 : memref<125x128xf32, #tpu.memory_space<vmem>>) offsets(%dma_start3A_130 : memref<125xi32, #tpu.memory_space<vmem>>) semaphore(%arg12 : memref<!tpu.dma_semaphore, #tpu.memory_space<semaphore_mem>>)
      %dma_wait3A = arith.constant 0 : i32
      %dma_wait3A_134 = arith.constant 0 : i32
      %dma_wait3A_135 = tpu.memref_slice %arg9[%dma_wait3A, %dma_wait3A_134] : memref<128x128xf32, #tpu.memory_space<vmem>> -> memref<125x128xf32, #tpu.memory_space<vmem>>
      %dma_wait3A_136 = arith.constant 0 : i32
      %dma_wait3A_137 = tpu.memref_slice %arg7[%mul3A_122, %dma_wait3A_136] : memref<40x125xi32, #tpu.memory_space<vmem>> -> memref<1x125xi32, #tpu.memory_space<vmem>>
      %dma_wait3A_138 = tpu.memref_squeeze %dma_wait3A_137 : memref<1x125xi32, #tpu.memory_space<vmem>> -> memref<125xi32, #tpu.memory_space<vmem>>
      %dma_wait3A_139 = arith.constant 0 : i32
      %dma_wait3A_140 = arith.constant 0 : i32
      %dma_wait3A_141 = tpu.memref_slice %arg2[%dma_wait3A_139, %dma_wait3A_140] : memref<10240x128xf32, #tpu.memory_space<hbm>> -> memref<10240x128xf32, #tpu.memory_space<hbm>>
      tpu.wait_indirect_dma semaphore(%arg11 : memref<!tpu.dma_semaphore, #tpu.memory_space<semaphore_mem>>) src(%dma_wait3A_141 : memref<10240x128xf32, #tpu.memory_space<hbm>>) dst(%dma_wait3A_135 : memref<125x128xf32, #tpu.memory_space<vmem>>)
      "tpu.region"() ({
        %run_scoped3A_160 = tpu.sem_alloc : memref<!tpu.dma_semaphore, #tpu.memory_space<semaphore_mem>>
        %dma_start3A_161 = arith.constant 0 : i32
        %dma_start3A_162 = arith.constant 0 : i32
        %dma_start3A_163 = tpu.memref_slice %arg9[%dma_start3A_161, %dma_start3A_162] : memref<128x128xf32, #tpu.memory_space<vmem>> -> memref<125x128xf32, #tpu.memory_space<vmem>>
        %dma_start3A_164 = arith.constant 0 : i32
        %dma_start3A_165 = tpu.memref_slice %arg8[%mul3A_122, %dma_start3A_164] : memref<40x125xi32, #tpu.memory_space<vmem>> -> memref<1x125xi32, #tpu.memory_space<vmem>>
        %dma_start3A_166 = tpu.memref_squeeze %dma_start3A_165 : memref<1x125xi32, #tpu.memory_space<vmem>> -> memref<125xi32, #tpu.memory_space<vmem>>
        %dma_start3A_167 = arith.constant 0 : i32
        %dma_start3A_168 = arith.constant 0 : i32
        %dma_start3A_169 = tpu.memref_slice %arg6[%dma_start3A_167, %dma_start3A_168] : memref<10240x128xf32, #tpu.memory_space<vmem_shared>> -> memref<10240x128xf32, #tpu.memory_space<vmem_shared>>
        tpu.enqueue_indirect_dma source(%dma_start3A_163 : memref<125x128xf32, #tpu.memory_space<vmem>>) target(%dma_start3A_169 : memref<10240x128xf32, #tpu.memory_space<vmem_shared>>) offsets(%dma_start3A_166 : memref<125xi32, #tpu.memory_space<vmem>>) semaphore(%run_scoped3A_160 : memref<!tpu.dma_semaphore, #tpu.memory_space<semaphore_mem>>) {add = true}
        %dma_wait3A_170 = arith.constant 0 : i32
        %dma_wait3A_171 = arith.constant 0 : i32
        %dma_wait3A_172 = tpu.memref_slice %arg9[%dma_wait3A_170, %dma_wait3A_171] : memref<128x128xf32, #tpu.memory_space<vmem>> -> memref<125x128xf32, #tpu.memory_space<vmem>>
        %dma_wait3A_173 = arith.constant 0 : i32
        %dma_wait3A_174 = tpu.memref_slice %arg8[%mul3A_122, %dma_wait3A_173] : memref<40x125xi32, #tpu.memory_space<vmem>> -> memref<1x125xi32, #tpu.memory_space<vmem>>
        %dma_wait3A_175 = tpu.memref_squeeze %dma_wait3A_174 : memref<1x125xi32, #tpu.memory_space<vmem>> -> memref<125xi32, #tpu.memory_space<vmem>>
        %dma_wait3A_176 = arith.constant 0 : i32
        %dma_wait3A_177 = arith.constant 0 : i32
        %dma_wait3A_178 = tpu.memref_slice %arg6[%dma_wait3A_176, %dma_wait3A_177] : memref<10240x128xf32, #tpu.memory_space<vmem_shared>> -> memref<10240x128xf32, #tpu.memory_space<vmem_shared>>
        tpu.wait_indirect_dma semaphore(%run_scoped3A_160 : memref<!tpu.dma_semaphore, #tpu.memory_space<semaphore_mem>>) src(%dma_wait3A_172 : memref<125x128xf32, #tpu.memory_space<vmem>>) dst(%dma_wait3A_178 : memref<10240x128xf32, #tpu.memory_space<vmem_shared>>)
        tpu.yield
      }) : () -> ()
      %add3A_142 = arith.constant 2 : i32
      %add3A_143 = arith.addi %mul3A_122, %add3A_142 : i32
      %lt3A = arith.constant 40 : i32
      %lt3A_144 = arith.cmpi slt, %add3A_143, %lt3A : i32
      %convert_element_type3A = arith.extui %lt3A_144 : i1 to i32
      %cond3A = arith.constant 0 : i32
      %cond3A_145 = arith.cmpi ne, %convert_element_type3A, %cond3A : i32
      scf.if %cond3A_145 {
        %add3A_160 = arith.constant 2 : i32
        %add3A_161 = arith.addi %mul3A_122, %add3A_160 : i32
        %dma_start3A_162 = arith.constant 0 : i32
        %dma_start3A_163 = arith.constant 0 : i32
        %dma_start3A_164 = tpu.memref_slice %arg9[%dma_start3A_162, %dma_start3A_163] : memref<128x128xf32, #tpu.memory_space<vmem>> -> memref<125x128xf32, #tpu.memory_space<vmem>>
        %dma_start3A_165 = arith.constant 0 : i32
        %dma_start3A_166 = tpu.memref_slice %arg7[%add3A_161, %dma_start3A_165] : memref<40x125xi32, #tpu.memory_space<vmem>> -> memref<1x125xi32, #tpu.memory_space<vmem>>
        %dma_start3A_167 = tpu.memref_squeeze %dma_start3A_166 : memref<1x125xi32, #tpu.memory_space<vmem>> -> memref<125xi32, #tpu.memory_space<vmem>>
        %dma_start3A_168 = arith.constant 0 : i32
        %dma_start3A_169 = arith.constant 0 : i32
        %dma_start3A_170 = tpu.memref_slice %arg2[%dma_start3A_168, %dma_start3A_169] : memref<10240x128xf32, #tpu.memory_space<hbm>> -> memref<10240x128xf32, #tpu.memory_space<hbm>>
        tpu.enqueue_indirect_dma source(%dma_start3A_170 : memref<10240x128xf32, #tpu.memory_space<hbm>>) target(%dma_start3A_164 : memref<125x128xf32, #tpu.memory_space<vmem>>) offsets(%dma_start3A_167 : memref<125xi32, #tpu.memory_space<vmem>>) semaphore(%arg11 : memref<!tpu.dma_semaphore, #tpu.memory_space<semaphore_mem>>)
      } else {
      }
      %add3A_146 = arith.constant 1 : i32
      %add3A_147 = arith.addi %mul3A_122, %add3A_146 : i32
      %dma_wait3A_148 = arith.constant 0 : i32
      %dma_wait3A_149 = arith.constant 0 : i32
      %dma_wait3A_150 = tpu.memref_slice %arg10[%dma_wait3A_148, %dma_wait3A_149] : memref<128x128xf32, #tpu.memory_space<vmem>> -> memref<125x128xf32, #tpu.memory_space<vmem>>
      %dma_wait3A_151 = arith.constant 0 : i32
      %dma_wait3A_152 = tpu.memref_slice %arg7[%add3A_147, %dma_wait3A_151] : memref<40x125xi32, #tpu.memory_space<vmem>> -> memref<1x125xi32, #tpu.memory_space<vmem>>
      %dma_wait3A_153 = tpu.memref_squeeze %dma_wait3A_152 : memref<1x125xi32, #tpu.memory_space<vmem>> -> memref<125xi32, #tpu.memory_space<vmem>>
      %dma_wait3A_154 = arith.constant 0 : i32
      %dma_wait3A_155 = arith.constant 0 : i32
      %dma_wait3A_156 = tpu.memref_slice %arg2[%dma_wait3A_154, %dma_wait3A_155] : memref<10240x128xf32, #tpu.memory_space<hbm>> -> memref<10240x128xf32, #tpu.memory_space<hbm>>
      tpu.wait_indirect_dma semaphore(%arg12 : memref<!tpu.dma_semaphore, #tpu.memory_space<semaphore_mem>>) src(%dma_wait3A_156 : memref<10240x128xf32, #tpu.memory_space<hbm>>) dst(%dma_wait3A_150 : memref<125x128xf32, #tpu.memory_space<vmem>>)
      %add3A_157 = arith.constant 1 : i32
      %add3A_158 = arith.addi %mul3A_122, %add3A_157 : i32
      "tpu.region"() ({
        %run_scoped3A_160 = tpu.sem_alloc : memref<!tpu.dma_semaphore, #tpu.memory_space<semaphore_mem>>
        %dma_start3A_161 = arith.constant 0 : i32
        %dma_start3A_162 = arith.constant 0 : i32
        %dma_start3A_163 = tpu.memref_slice %arg10[%dma_start3A_161, %dma_start3A_162] : memref<128x128xf32, #tpu.memory_space<vmem>> -> memref<125x128xf32, #tpu.memory_space<vmem>>
        %dma_start3A_164 = arith.constant 0 : i32
        %dma_start3A_165 = tpu.memref_slice %arg8[%add3A_158, %dma_start3A_164] : memref<40x125xi32, #tpu.memory_space<vmem>> -> memref<1x125xi32, #tpu.memory_space<vmem>>
        %dma_start3A_166 = tpu.memref_squeeze %dma_start3A_165 : memref<1x125xi32, #tpu.memory_space<vmem>> -> memref<125xi32, #tpu.memory_space<vmem>>
        %dma_start3A_167 = arith.constant 0 : i32
        %dma_start3A_168 = arith.constant 0 : i32
        %dma_start3A_169 = tpu.memref_slice %arg6[%dma_start3A_167, %dma_start3A_168] : memref<10240x128xf32, #tpu.memory_space<vmem_shared>> -> memref<10240x128xf32, #tpu.memory_space<vmem_shared>>
        tpu.enqueue_indirect_dma source(%dma_start3A_163 : memref<125x128xf32, #tpu.memory_space<vmem>>) target(%dma_start3A_169 : memref<10240x128xf32, #tpu.memory_space<vmem_shared>>) offsets(%dma_start3A_166 : memref<125xi32, #tpu.memory_space<vmem>>) semaphore(%run_scoped3A_160 : memref<!tpu.dma_semaphore, #tpu.memory_space<semaphore_mem>>) {add = true}
        %dma_wait3A_170 = arith.constant 0 : i32
        %dma_wait3A_171 = arith.constant 0 : i32
        %dma_wait3A_172 = tpu.memref_slice %arg10[%dma_wait3A_170, %dma_wait3A_171] : memref<128x128xf32, #tpu.memory_space<vmem>> -> memref<125x128xf32, #tpu.memory_space<vmem>>
        %dma_wait3A_173 = arith.constant 0 : i32
        %dma_wait3A_174 = tpu.memref_slice %arg8[%add3A_158, %dma_wait3A_173] : memref<40x125xi32, #tpu.memory_space<vmem>> -> memref<1x125xi32, #tpu.memory_space<vmem>>
        %dma_wait3A_175 = tpu.memref_squeeze %dma_wait3A_174 : memref<1x125xi32, #tpu.memory_space<vmem>> -> memref<125xi32, #tpu.memory_space<vmem>>
        %dma_wait3A_176 = arith.constant 0 : i32
        %dma_wait3A_177 = arith.constant 0 : i32
        %dma_wait3A_178 = tpu.memref_slice %arg6[%dma_wait3A_176, %dma_wait3A_177] : memref<10240x128xf32, #tpu.memory_space<vmem_shared>> -> memref<10240x128xf32, #tpu.memory_space<vmem_shared>>
        tpu.wait_indirect_dma semaphore(%run_scoped3A_160 : memref<!tpu.dma_semaphore, #tpu.memory_space<semaphore_mem>>) src(%dma_wait3A_172 : memref<125x128xf32, #tpu.memory_space<vmem>>) dst(%dma_wait3A_178 : memref<10240x128xf32, #tpu.memory_space<vmem_shared>>)
        tpu.yield
      }) : () -> ()
      %scan3A_159 = arith.constant 0 : i32
      scf.yield %scan3A_159 : i32
    }
    %scan3A_75 = arith.constant 20 : i32
    %barrier3A_76 = arith.constant 0 : index
    tpu.barrier barrier_id(%barrier3A_76)
    %run_scoped3A_77 = arith.constant 1 : i32
    "tpu.region"() ({
      %run_scoped3A_119 = tpu.sem_alloc : memref<!tpu.dma_semaphore, #tpu.memory_space<semaphore_mem>>
      %dma_start3A_120 = arith.constant 0 : i32
      %dma_start3A_121 = tpu.memref_slice %arg5[%run_scoped3A_77, %arg0, %mul3A_2, %dma_start3A_120] : memref<3x2x10240x128xf32, #tpu.memory_space<hbm>> -> memref<1x1x640x128xf32, #tpu.memory_space<hbm>>
      %dma_start3A_122 = tpu.memref_squeeze %dma_start3A_121 : memref<1x1x640x128xf32, #tpu.memory_space<hbm>> -> memref<640x128xf32, #tpu.memory_space<hbm>>
      %dma_start3A_123 = arith.constant 0 : i32
      %dma_start3A_124 = tpu.memref_slice %arg6[%mul3A_2, %dma_start3A_123] : memref<10240x128xf32, #tpu.memory_space<vmem_shared>> -> memref<640x128xf32, #tpu.memory_space<vmem_shared>>
      tpu.enqueue_dma source(%dma_start3A_124 : memref<640x128xf32, #tpu.memory_space<vmem_shared>>) target(%dma_start3A_122 : memref<640x128xf32, #tpu.memory_space<hbm>>) target_semaphore(%run_scoped3A_119 : memref<!tpu.dma_semaphore, #tpu.memory_space<semaphore_mem>>)
      %dma_wait3A = arith.constant 0 : i32
      %dma_wait3A_125 = tpu.memref_slice %arg5[%run_scoped3A_77, %arg0, %mul3A_2, %dma_wait3A] : memref<3x2x10240x128xf32, #tpu.memory_space<hbm>> -> memref<1x1x640x128xf32, #tpu.memory_space<hbm>>
      %dma_wait3A_126 = tpu.memref_squeeze %dma_wait3A_125 : memref<1x1x640x128xf32, #tpu.memory_space<hbm>> -> memref<640x128xf32, #tpu.memory_space<hbm>>
      %dma_wait3A_127 = arith.constant 0 : i32
      %dma_wait3A_128 = tpu.memref_slice %arg6[%mul3A_2, %dma_wait3A_127] : memref<10240x128xf32, #tpu.memory_space<vmem_shared>> -> memref<640x128xf32, #tpu.memory_space<vmem_shared>>
      tpu.wait_dma2 semaphore(%run_scoped3A_119 : memref<!tpu.dma_semaphore, #tpu.memory_space<semaphore_mem>>) src(%dma_wait3A_128 : memref<640x128xf32, #tpu.memory_space<vmem_shared>>) dst(%dma_wait3A_126 : memref<640x128xf32, #tpu.memory_space<hbm>>)
      tpu.yield
    }) : () -> ()
    %barrier3A_78 = arith.constant 0 : index
    tpu.barrier barrier_id(%barrier3A_78)
    %scan3A_79 = arith.constant 0 : i32
    %scan3A_80 = arith.constant 0 : i32
    %scan3A_81 = arith.constant 128 : i32
    %scan3A_82 = arith.addi %scan3A_80, %scan3A_81 : i32
    %scan3A_83 = arith.constant 1 : i32
    %scan3A_84 = scf.for %scan3A_119 = %scan3A_80 to %scan3A_82 step %scan3A_83 iter_args(%scan3A_120 = %scan3A_79) -> (i32)  : i32 {
      %broadcast_in_dim3A = arith.constant 0.000000e+00 : f32
      %broadcast_in_dim3A_121 = vector.broadcast %broadcast_in_dim3A : f32 to vector<16xf32>
      %swap3A = arith.index_cast %scan3A_119 : i32 to index
      %swap3A_122 = arith.constant 0 : index
      %swap3A_123 = tpu.vector_load %arg10[%swap3A, %swap3A_122] {strides = array<i32>} : memref<128x128xf32, #tpu.memory_space<vmem>>, vector<1x16xf32>,
      %swap3A_124 = vector.shape_cast %swap3A_123 : vector<1x16xf32> to vector<16xf32>
      %swap3A_125 = vector.shape_cast %broadcast_in_dim3A_121 : vector<16xf32> to vector<1x16xf32>
      tpu.vector_store %arg10[%swap3A, %swap3A_122], %swap3A_125 {strides = array<i32>} : memref<128x128xf32, #tpu.memory_space<vmem>>, vector<1x16xf32>,
      %broadcast_in_dim3A_126 = arith.constant 0.000000e+00 : f32
      %broadcast_in_dim3A_127 = vector.broadcast %broadcast_in_dim3A_126 : f32 to vector<16xf32>
      %swap3A_128 = arith.index_cast %scan3A_119 : i32 to index
      %swap3A_129 = arith.constant 16 : index
      %swap3A_130 = tpu.vector_load %arg10[%swap3A_128, %swap3A_129] {strides = array<i32>} : memref<128x128xf32, #tpu.memory_space<vmem>>, vector<1x16xf32>,
      %swap3A_131 = vector.shape_cast %swap3A_130 : vector<1x16xf32> to vector<16xf32>
      %swap3A_132 = vector.shape_cast %broadcast_in_dim3A_127 : vector<16xf32> to vector<1x16xf32>
      tpu.vector_store %arg10[%swap3A_128, %swap3A_129], %swap3A_132 {strides = array<i32>} : memref<128x128xf32, #tpu.memory_space<vmem>>, vector<1x16xf32>,
      %broadcast_in_dim3A_133 = arith.constant 0.000000e+00 : f32
      %broadcast_in_dim3A_134 = vector.broadcast %broadcast_in_dim3A_133 : f32 to vector<16xf32>
      %swap3A_135 = arith.index_cast %scan3A_119 : i32 to index
      %swap3A_136 = arith.constant 32 : index
      %swap3A_137 = tpu.vector_load %arg10[%swap3A_135, %swap3A_136] {strides = array<i32>} : memref<128x128xf32, #tpu.memory_space<vmem>>, vector<1x16xf32>,
      %swap3A_138 = vector.shape_cast %swap3A_137 : vector<1x16xf32> to vector<16xf32>
      %swap3A_139 = vector.shape_cast %broadcast_in_dim3A_134 : vector<16xf32> to vector<1x16xf32>
      tpu.vector_store %arg10[%swap3A_135, %swap3A_136], %swap3A_139 {strides = array<i32>} : memref<128x128xf32, #tpu.memory_space<vmem>>, vector<1x16xf32>,
      %broadcast_in_dim3A_140 = arith.constant 0.000000e+00 : f32
      %broadcast_in_dim3A_141 = vector.broadcast %broadcast_in_dim3A_140 : f32 to vector<16xf32>
      %swap3A_142 = arith.index_cast %scan3A_119 : i32 to index
      %swap3A_143 = arith.constant 48 : index
      %swap3A_144 = tpu.vector_load %arg10[%swap3A_142, %swap3A_143] {strides = array<i32>} : memref<128x128xf32, #tpu.memory_space<vmem>>, vector<1x16xf32>,
      %swap3A_145 = vector.shape_cast %swap3A_144 : vector<1x16xf32> to vector<16xf32>
      %swap3A_146 = vector.shape_cast %broadcast_in_dim3A_141 : vector<16xf32> to vector<1x16xf32>
      tpu.vector_store %arg10[%swap3A_142, %swap3A_143], %swap3A_146 {strides = array<i32>} : memref<128x128xf32, #tpu.memory_space<vmem>>, vector<1x16xf32>,
      %broadcast_in_dim3A_147 = arith.constant 0.000000e+00 : f32
      %broadcast_in_dim3A_148 = vector.broadcast %broadcast_in_dim3A_147 : f32 to vector<16xf32>
      %swap3A_149 = arith.index_cast %scan3A_119 : i32 to index
      %swap3A_150 = arith.constant 64 : index
      %swap3A_151 = tpu.vector_load %arg10[%swap3A_149, %swap3A_150] {strides = array<i32>} : memref<128x128xf32, #tpu.memory_space<vmem>>, vector<1x16xf32>,
      %swap3A_152 = vector.shape_cast %swap3A_151 : vector<1x16xf32> to vector<16xf32>
      %swap3A_153 = vector.shape_cast %broadcast_in_dim3A_148 : vector<16xf32> to vector<1x16xf32>
      tpu.vector_store %arg10[%swap3A_149, %swap3A_150], %swap3A_153 {strides = array<i32>} : memref<128x128xf32, #tpu.memory_space<vmem>>, vector<1x16xf32>,
      %broadcast_in_dim3A_154 = arith.constant 0.000000e+00 : f32
      %broadcast_in_dim3A_155 = vector.broadcast %broadcast_in_dim3A_154 : f32 to vector<16xf32>
      %swap3A_156 = arith.index_cast %scan3A_119 : i32 to index
      %swap3A_157 = arith.constant 80 : index
      %swap3A_158 = tpu.vector_load %arg10[%swap3A_156, %swap3A_157] {strides = array<i32>} : memref<128x128xf32, #tpu.memory_space<vmem>>, vector<1x16xf32>,
      %swap3A_159 = vector.shape_cast %swap3A_158 : vector<1x16xf32> to vector<16xf32>
      %swap3A_160 = vector.shape_cast %broadcast_in_dim3A_155 : vector<16xf32> to vector<1x16xf32>
      tpu.vector_store %arg10[%swap3A_156, %swap3A_157], %swap3A_160 {strides = array<i32>} : memref<128x128xf32, #tpu.memory_space<vmem>>, vector<1x16xf32>,
      %broadcast_in_dim3A_161 = arith.constant 0.000000e+00 : f32
      %broadcast_in_dim3A_162 = vector.broadcast %broadcast_in_dim3A_161 : f32 to vector<16xf32>
      %swap3A_163 = arith.index_cast %scan3A_119 : i32 to index
      %swap3A_164 = arith.constant 96 : index
      %swap3A_165 = tpu.vector_load %arg10[%swap3A_163, %swap3A_164] {strides = array<i32>} : memref<128x128xf32, #tpu.memory_space<vmem>>, vector<1x16xf32>,
      %swap3A_166 = vector.shape_cast %swap3A_165 : vector<1x16xf32> to vector<16xf32>
      %swap3A_167 = vector.shape_cast %broadcast_in_dim3A_162 : vector<16xf32> to vector<1x16xf32>
      tpu.vector_store %arg10[%swap3A_163, %swap3A_164], %swap3A_167 {strides = array<i32>} : memref<128x128xf32, #tpu.memory_space<vmem>>, vector<1x16xf32>,
      %broadcast_in_dim3A_168 = arith.constant 0.000000e+00 : f32
      %broadcast_in_dim3A_169 = vector.broadcast %broadcast_in_dim3A_168 : f32 to vector<16xf32>
      %swap3A_170 = arith.index_cast %scan3A_119 : i32 to index
      %swap3A_171 = arith.constant 112 : index
      %swap3A_172 = tpu.vector_load %arg10[%swap3A_170, %swap3A_171] {strides = array<i32>} : memref<128x128xf32, #tpu.memory_space<vmem>>, vector<1x16xf32>,
      %swap3A_173 = vector.shape_cast %swap3A_172 : vector<1x16xf32> to vector<16xf32>
      %swap3A_174 = vector.shape_cast %broadcast_in_dim3A_169 : vector<16xf32> to vector<1x16xf32>
      tpu.vector_store %arg10[%swap3A_170, %swap3A_171], %swap3A_174 {strides = array<i32>} : memref<128x128xf32, #tpu.memory_space<vmem>>, vector<1x16xf32>,
      %scan3A_175 = arith.constant 0 : i32
      scf.yield %scan3A_175 : i32
    }
    %scan3A_85 = arith.constant 128 : i32
    %add3A_86 = arith.constant 0 : i32
    %add3A_87 = arith.addi %mul3A_2, %add3A_86 : i32
    "tpu.region"() ({
      %run_scoped3A_119 = tpu.sem_alloc : memref<!tpu.dma_semaphore, #tpu.memory_space<semaphore_mem>>
      %dma_start3A_120 = arith.constant 0 : i32
      %dma_start3A_121 = tpu.memref_slice %arg6[%add3A_87, %dma_start3A_120] : memref<10240x128xf32, #tpu.memory_space<vmem_shared>> -> memref<128x128xf32, #tpu.memory_space<vmem_shared>>
      %dma_start3A_122 = arith.constant 0 : i32
      %dma_start3A_123 = tpu.memref_slice %arg6[%add3A_87, %dma_start3A_122] : memref<10240x128xf32, #tpu.memory_space<vmem_shared>> -> memref<128x128xf32, #tpu.memory_space<vmem_shared>>
      tpu.enqueue_dma source(%arg10 : memref<128x128xf32, #tpu.memory_space<vmem>>) target(%dma_start3A_123 : memref<128x128xf32, #tpu.memory_space<vmem_shared>>) target_semaphore(%run_scoped3A_119 : memref<!tpu.dma_semaphore, #tpu.memory_space<semaphore_mem>>)
      %dma_wait3A = arith.constant 0 : i32
      %dma_wait3A_124 = tpu.memref_slice %arg6[%add3A_87, %dma_wait3A] : memref<10240x128xf32, #tpu.memory_space<vmem_shared>> -> memref<128x128xf32, #tpu.memory_space<vmem_shared>>
      %dma_wait3A_125 = arith.constant 0 : i32
      %dma_wait3A_126 = tpu.memref_slice %arg6[%add3A_87, %dma_wait3A_125] : memref<10240x128xf32, #tpu.memory_space<vmem_shared>> -> memref<128x128xf32, #tpu.memory_space<vmem_shared>>
      tpu.wait_dma2 semaphore(%run_scoped3A_119 : memref<!tpu.dma_semaphore, #tpu.memory_space<semaphore_mem>>) src(%arg10 : memref<128x128xf32, #tpu.memory_space<vmem>>) dst(%dma_wait3A_126 : memref<128x128xf32, #tpu.memory_space<vmem_shared>>)
      tpu.yield
    }) : () -> ()
    %add3A_88 = arith.constant 128 : i32
    %add3A_89 = arith.addi %mul3A_2, %add3A_88 : i32
    "tpu.region"() ({
      %run_scoped3A_119 = tpu.sem_alloc : memref<!tpu.dma_semaphore, #tpu.memory_space<semaphore_mem>>
      %dma_start3A_120 = arith.constant 0 : i32
      %dma_start3A_121 = tpu.memref_slice %arg6[%add3A_89, %dma_start3A_120] : memref<10240x128xf32, #tpu.memory_space<vmem_shared>> -> memref<128x128xf32, #tpu.memory_space<vmem_shared>>
      %dma_start3A_122 = arith.constant 0 : i32
      %dma_start3A_123 = tpu.memref_slice %arg6[%add3A_89, %dma_start3A_122] : memref<10240x128xf32, #tpu.memory_space<vmem_shared>> -> memref<128x128xf32, #tpu.memory_space<vmem_shared>>
      tpu.enqueue_dma source(%arg10 : memref<128x128xf32, #tpu.memory_space<vmem>>) target(%dma_start3A_123 : memref<128x128xf32, #tpu.memory_space<vmem_shared>>) target_semaphore(%run_scoped3A_119 : memref<!tpu.dma_semaphore, #tpu.memory_space<semaphore_mem>>)
      %dma_wait3A = arith.constant 0 : i32
      %dma_wait3A_124 = tpu.memref_slice %arg6[%add3A_89, %dma_wait3A] : memref<10240x128xf32, #tpu.memory_space<vmem_shared>> -> memref<128x128xf32, #tpu.memory_space<vmem_shared>>
      %dma_wait3A_125 = arith.constant 0 : i32
      %dma_wait3A_126 = tpu.memref_slice %arg6[%add3A_89, %dma_wait3A_125] : memref<10240x128xf32, #tpu.memory_space<vmem_shared>> -> memref<128x128xf32, #tpu.memory_space<vmem_shared>>
      tpu.wait_dma2 semaphore(%run_scoped3A_119 : memref<!tpu.dma_semaphore, #tpu.memory_space<semaphore_mem>>) src(%arg10 : memref<128x128xf32, #tpu.memory_space<vmem>>) dst(%dma_wait3A_126 : memref<128x128xf32, #tpu.memory_space<vmem_shared>>)
      tpu.yield
    }) : () -> ()
    %add3A_90 = arith.constant 256 : i32
    %add3A_91 = arith.addi %mul3A_2, %add3A_90 : i32
    "tpu.region"() ({
      %run_scoped3A_119 = tpu.sem_alloc : memref<!tpu.dma_semaphore, #tpu.memory_space<semaphore_mem>>
      %dma_start3A_120 = arith.constant 0 : i32
      %dma_start3A_121 = tpu.memref_slice %arg6[%add3A_91, %dma_start3A_120] : memref<10240x128xf32, #tpu.memory_space<vmem_shared>> -> memref<128x128xf32, #tpu.memory_space<vmem_shared>>
      %dma_start3A_122 = arith.constant 0 : i32
      %dma_start3A_123 = tpu.memref_slice %arg6[%add3A_91, %dma_start3A_122] : memref<10240x128xf32, #tpu.memory_space<vmem_shared>> -> memref<128x128xf32, #tpu.memory_space<vmem_shared>>
      tpu.enqueue_dma source(%arg10 : memref<128x128xf32, #tpu.memory_space<vmem>>) target(%dma_start3A_123 : memref<128x128xf32, #tpu.memory_space<vmem_shared>>) target_semaphore(%run_scoped3A_119 : memref<!tpu.dma_semaphore, #tpu.memory_space<semaphore_mem>>)
      %dma_wait3A = arith.constant 0 : i32
      %dma_wait3A_124 = tpu.memref_slice %arg6[%add3A_91, %dma_wait3A] : memref<10240x128xf32, #tpu.memory_space<vmem_shared>> -> memref<128x128xf32, #tpu.memory_space<vmem_shared>>
      %dma_wait3A_125 = arith.constant 0 : i32
      %dma_wait3A_126 = tpu.memref_slice %arg6[%add3A_91, %dma_wait3A_125] : memref<10240x128xf32, #tpu.memory_space<vmem_shared>> -> memref<128x128xf32, #tpu.memory_space<vmem_shared>>
      tpu.wait_dma2 semaphore(%run_scoped3A_119 : memref<!tpu.dma_semaphore, #tpu.memory_space<semaphore_mem>>) src(%arg10 : memref<128x128xf32, #tpu.memory_space<vmem>>) dst(%dma_wait3A_126 : memref<128x128xf32, #tpu.memory_space<vmem_shared>>)
      tpu.yield
    }) : () -> ()
    %add3A_92 = arith.constant 384 : i32
    %add3A_93 = arith.addi %mul3A_2, %add3A_92 : i32
    "tpu.region"() ({
      %run_scoped3A_119 = tpu.sem_alloc : memref<!tpu.dma_semaphore, #tpu.memory_space<semaphore_mem>>
      %dma_start3A_120 = arith.constant 0 : i32
      %dma_start3A_121 = tpu.memref_slice %arg6[%add3A_93, %dma_start3A_120] : memref<10240x128xf32, #tpu.memory_space<vmem_shared>> -> memref<128x128xf32, #tpu.memory_space<vmem_shared>>
      %dma_start3A_122 = arith.constant 0 : i32
      %dma_start3A_123 = tpu.memref_slice %arg6[%add3A_93, %dma_start3A_122] : memref<10240x128xf32, #tpu.memory_space<vmem_shared>> -> memref<128x128xf32, #tpu.memory_space<vmem_shared>>
      tpu.enqueue_dma source(%arg10 : memref<128x128xf32, #tpu.memory_space<vmem>>) target(%dma_start3A_123 : memref<128x128xf32, #tpu.memory_space<vmem_shared>>) target_semaphore(%run_scoped3A_119 : memref<!tpu.dma_semaphore, #tpu.memory_space<semaphore_mem>>)
      %dma_wait3A = arith.constant 0 : i32
      %dma_wait3A_124 = tpu.memref_slice %arg6[%add3A_93, %dma_wait3A] : memref<10240x128xf32, #tpu.memory_space<vmem_shared>> -> memref<128x128xf32, #tpu.memory_space<vmem_shared>>
      %dma_wait3A_125 = arith.constant 0 : i32
      %dma_wait3A_126 = tpu.memref_slice %arg6[%add3A_93, %dma_wait3A_125] : memref<10240x128xf32, #tpu.memory_space<vmem_shared>> -> memref<128x128xf32, #tpu.memory_space<vmem_shared>>
      tpu.wait_dma2 semaphore(%run_scoped3A_119 : memref<!tpu.dma_semaphore, #tpu.memory_space<semaphore_mem>>) src(%arg10 : memref<128x128xf32, #tpu.memory_space<vmem>>) dst(%dma_wait3A_126 : memref<128x128xf32, #tpu.memory_space<vmem_shared>>)
      tpu.yield
    }) : () -> ()
    %add3A_94 = arith.constant 512 : i32
    %add3A_95 = arith.addi %mul3A_2, %add3A_94 : i32
    "tpu.region"() ({
      %run_scoped3A_119 = tpu.sem_alloc : memref<!tpu.dma_semaphore, #tpu.memory_space<semaphore_mem>>
      %dma_start3A_120 = arith.constant 0 : i32
      %dma_start3A_121 = tpu.memref_slice %arg6[%add3A_95, %dma_start3A_120] : memref<10240x128xf32, #tpu.memory_space<vmem_shared>> -> memref<128x128xf32, #tpu.memory_space<vmem_shared>>
      %dma_start3A_122 = arith.constant 0 : i32
      %dma_start3A_123 = tpu.memref_slice %arg6[%add3A_95, %dma_start3A_122] : memref<10240x128xf32, #tpu.memory_space<vmem_shared>> -> memref<128x128xf32, #tpu.memory_space<vmem_shared>>
      tpu.enqueue_dma source(%arg10 : memref<128x128xf32, #tpu.memory_space<vmem>>) target(%dma_start3A_123 : memref<128x128xf32, #tpu.memory_space<vmem_shared>>) target_semaphore(%run_scoped3A_119 : memref<!tpu.dma_semaphore, #tpu.memory_space<semaphore_mem>>)
      %dma_wait3A = arith.constant 0 : i32
      %dma_wait3A_124 = tpu.memref_slice %arg6[%add3A_95, %dma_wait3A] : memref<10240x128xf32, #tpu.memory_space<vmem_shared>> -> memref<128x128xf32, #tpu.memory_space<vmem_shared>>
      %dma_wait3A_125 = arith.constant 0 : i32
      %dma_wait3A_126 = tpu.memref_slice %arg6[%add3A_95, %dma_wait3A_125] : memref<10240x128xf32, #tpu.memory_space<vmem_shared>> -> memref<128x128xf32, #tpu.memory_space<vmem_shared>>
      tpu.wait_dma2 semaphore(%run_scoped3A_119 : memref<!tpu.dma_semaphore, #tpu.memory_space<semaphore_mem>>) src(%arg10 : memref<128x128xf32, #tpu.memory_space<vmem>>) dst(%dma_wait3A_126 : memref<128x128xf32, #tpu.memory_space<vmem_shared>>)
      tpu.yield
    }) : () -> ()
    %barrier3A_96 = arith.constant 0 : index
    tpu.barrier barrier_id(%barrier3A_96)
    %run_scoped3A_97 = arith.constant 2 : i32
    "tpu.region"() ({
      %run_scoped3A_119 = tpu.sem_alloc : memref<!tpu.dma_semaphore, #tpu.memory_space<semaphore_mem>>
      %dma_start3A_120 = arith.constant 0 : i32
      %dma_start3A_121 = arith.constant 0 : i32
      %dma_start3A_122 = tpu.memref_slice %arg3[%run_scoped3A_97, %add3A, %dma_start3A_120, %dma_start3A_121] : memref<3x32x40x125xi32, #tpu.memory_space<hbm>> -> memref<1x1x40x125xi32, #tpu.memory_space<hbm>>
      %dma_start3A_123 = tpu.memref_squeeze %dma_start3A_122 : memref<1x1x40x125xi32, #tpu.memory_space<hbm>> -> memref<40x125xi32, #tpu.memory_space<hbm>>
      %dma_start3A_124 = arith.constant 0 : i32
      %dma_start3A_125 = arith.constant 0 : i32
      %dma_start3A_126 = tpu.memref_slice %arg3[%run_scoped3A_97, %add3A, %dma_start3A_124, %dma_start3A_125] : memref<3x32x40x125xi32, #tpu.memory_space<hbm>> -> memref<1x1x40x125xi32, #tpu.memory_space<hbm>>
      %dma_start3A_127 = tpu.memref_squeeze %dma_start3A_126 : memref<1x1x40x125xi32, #tpu.memory_space<hbm>> -> memref<40x125xi32, #tpu.memory_space<hbm>>
      tpu.enqueue_dma source(%dma_start3A_127 : memref<40x125xi32, #tpu.memory_space<hbm>>) target(%arg7 : memref<40x125xi32, #tpu.memory_space<vmem>>) target_semaphore(%run_scoped3A_119 : memref<!tpu.dma_semaphore, #tpu.memory_space<semaphore_mem>>)
      %dma_wait3A = arith.constant 0 : i32
      %dma_wait3A_128 = arith.constant 0 : i32
      %dma_wait3A_129 = tpu.memref_slice %arg3[%run_scoped3A_97, %add3A, %dma_wait3A, %dma_wait3A_128] : memref<3x32x40x125xi32, #tpu.memory_space<hbm>> -> memref<1x1x40x125xi32, #tpu.memory_space<hbm>>
      %dma_wait3A_130 = tpu.memref_squeeze %dma_wait3A_129 : memref<1x1x40x125xi32, #tpu.memory_space<hbm>> -> memref<40x125xi32, #tpu.memory_space<hbm>>
      %dma_wait3A_131 = arith.constant 0 : i32
      %dma_wait3A_132 = arith.constant 0 : i32
      %dma_wait3A_133 = tpu.memref_slice %arg3[%run_scoped3A_97, %add3A, %dma_wait3A_131, %dma_wait3A_132] : memref<3x32x40x125xi32, #tpu.memory_space<hbm>> -> memref<1x1x40x125xi32, #tpu.memory_space<hbm>>
      %dma_wait3A_134 = tpu.memref_squeeze %dma_wait3A_133 : memref<1x1x40x125xi32, #tpu.memory_space<hbm>> -> memref<40x125xi32, #tpu.memory_space<hbm>>
      tpu.wait_dma2 semaphore(%run_scoped3A_119 : memref<!tpu.dma_semaphore, #tpu.memory_space<semaphore_mem>>) src(%dma_wait3A_134 : memref<40x125xi32, #tpu.memory_space<hbm>>) dst(%arg7 : memref<40x125xi32, #tpu.memory_space<vmem>>)
      tpu.yield
    }) : () -> ()
    %run_scoped3A_98 = arith.constant 2 : i32
    "tpu.region"() ({
      %run_scoped3A_119 = tpu.sem_alloc : memref<!tpu.dma_semaphore, #tpu.memory_space<semaphore_mem>>
      %dma_start3A_120 = arith.constant 0 : i32
      %dma_start3A_121 = arith.constant 0 : i32
      %dma_start3A_122 = tpu.memref_slice %arg4[%run_scoped3A_98, %add3A, %dma_start3A_120, %dma_start3A_121] : memref<3x32x40x125xi32, #tpu.memory_space<hbm>> -> memref<1x1x40x125xi32, #tpu.memory_space<hbm>>
      %dma_start3A_123 = tpu.memref_squeeze %dma_start3A_122 : memref<1x1x40x125xi32, #tpu.memory_space<hbm>> -> memref<40x125xi32, #tpu.memory_space<hbm>>
      %dma_start3A_124 = arith.constant 0 : i32
      %dma_start3A_125 = arith.constant 0 : i32
      %dma_start3A_126 = tpu.memref_slice %arg4[%run_scoped3A_98, %add3A, %dma_start3A_124, %dma_start3A_125] : memref<3x32x40x125xi32, #tpu.memory_space<hbm>> -> memref<1x1x40x125xi32, #tpu.memory_space<hbm>>
      %dma_start3A_127 = tpu.memref_squeeze %dma_start3A_126 : memref<1x1x40x125xi32, #tpu.memory_space<hbm>> -> memref<40x125xi32, #tpu.memory_space<hbm>>
      tpu.enqueue_dma source(%dma_start3A_127 : memref<40x125xi32, #tpu.memory_space<hbm>>) target(%arg8 : memref<40x125xi32, #tpu.memory_space<vmem>>) target_semaphore(%run_scoped3A_119 : memref<!tpu.dma_semaphore, #tpu.memory_space<semaphore_mem>>)
      %dma_wait3A = arith.constant 0 : i32
      %dma_wait3A_128 = arith.constant 0 : i32
      %dma_wait3A_129 = tpu.memref_slice %arg4[%run_scoped3A_98, %add3A, %dma_wait3A, %dma_wait3A_128] : memref<3x32x40x125xi32, #tpu.memory_space<hbm>> -> memref<1x1x40x125xi32, #tpu.memory_space<hbm>>
      %dma_wait3A_130 = tpu.memref_squeeze %dma_wait3A_129 : memref<1x1x40x125xi32, #tpu.memory_space<hbm>> -> memref<40x125xi32, #tpu.memory_space<hbm>>
      %dma_wait3A_131 = arith.constant 0 : i32
      %dma_wait3A_132 = arith.constant 0 : i32
      %dma_wait3A_133 = tpu.memref_slice %arg4[%run_scoped3A_98, %add3A, %dma_wait3A_131, %dma_wait3A_132] : memref<3x32x40x125xi32, #tpu.memory_space<hbm>> -> memref<1x1x40x125xi32, #tpu.memory_space<hbm>>
      %dma_wait3A_134 = tpu.memref_squeeze %dma_wait3A_133 : memref<1x1x40x125xi32, #tpu.memory_space<hbm>> -> memref<40x125xi32, #tpu.memory_space<hbm>>
      tpu.wait_dma2 semaphore(%run_scoped3A_119 : memref<!tpu.dma_semaphore, #tpu.memory_space<semaphore_mem>>) src(%dma_wait3A_134 : memref<40x125xi32, #tpu.memory_space<hbm>>) dst(%arg8 : memref<40x125xi32, #tpu.memory_space<vmem>>)
      tpu.yield
    }) : () -> ()
    %dma_start3A_99 = arith.constant 0 : i32
    %dma_start3A_100 = arith.constant 0 : i32
    %dma_start3A_101 = arith.constant 0 : i32
    %dma_start3A_102 = tpu.memref_slice %arg9[%dma_start3A_100, %dma_start3A_101] : memref<128x128xf32, #tpu.memory_space<vmem>> -> memref<125x128xf32, #tpu.memory_space<vmem>>
    %dma_start3A_103 = arith.constant 0 : i32
    %dma_start3A_104 = tpu.memref_slice %arg7[%dma_start3A_99, %dma_start3A_103] : memref<40x125xi32, #tpu.memory_space<vmem>> -> memref<1x125xi32, #tpu.memory_space<vmem>>
    %dma_start3A_105 = tpu.memref_squeeze %dma_start3A_104 : memref<1x125xi32, #tpu.memory_space<vmem>> -> memref<125xi32, #tpu.memory_space<vmem>>
    %dma_start3A_106 = arith.constant 0 : i32
    %dma_start3A_107 = arith.constant 0 : i32
    %dma_start3A_108 = tpu.memref_slice %arg2[%dma_start3A_106, %dma_start3A_107] : memref<10240x128xf32, #tpu.memory_space<hbm>> -> memref<10240x128xf32, #tpu.memory_space<hbm>>
    tpu.enqueue_indirect_dma source(%dma_start3A_108 : memref<10240x128xf32, #tpu.memory_space<hbm>>) target(%dma_start3A_102 : memref<125x128xf32, #tpu.memory_space<vmem>>) offsets(%dma_start3A_105 : memref<125xi32, #tpu.memory_space<vmem>>) semaphore(%arg11 : memref<!tpu.dma_semaphore, #tpu.memory_space<semaphore_mem>>)
    %scan3A_109 = arith.constant 0 : i32
    %scan3A_110 = arith.constant 0 : i32
    %scan3A_111 = arith.constant 20 : i32
    %scan3A_112 = arith.addi %scan3A_110, %scan3A_111 : i32
    %scan3A_113 = arith.constant 1 : i32
    %scan3A_114 = scf.for %scan3A_119 = %scan3A_110 to %scan3A_112 step %scan3A_113 iter_args(%scan3A_120 = %scan3A_109) -> (i32)  : i32 {
      %mul3A_121 = arith.constant 2 : i32
      %mul3A_122 = arith.muli %scan3A_119, %mul3A_121 : i32
      %add3A_123 = arith.constant 1 : i32
      %add3A_124 = arith.addi %mul3A_122, %add3A_123 : i32
      %dma_start3A_125 = arith.constant 0 : i32
      %dma_start3A_126 = arith.constant 0 : i32
      %dma_start3A_127 = tpu.memref_slice %arg10[%dma_start3A_125, %dma_start3A_126] : memref<128x128xf32, #tpu.memory_space<vmem>> -> memref<125x128xf32, #tpu.memory_space<vmem>>
      %dma_start3A_128 = arith.constant 0 : i32
      %dma_start3A_129 = tpu.memref_slice %arg7[%add3A_124, %dma_start3A_128] : memref<40x125xi32, #tpu.memory_space<vmem>> -> memref<1x125xi32, #tpu.memory_space<vmem>>
      %dma_start3A_130 = tpu.memref_squeeze %dma_start3A_129 : memref<1x125xi32, #tpu.memory_space<vmem>> -> memref<125xi32, #tpu.memory_space<vmem>>
      %dma_start3A_131 = arith.constant 0 : i32
      %dma_start3A_132 = arith.constant 0 : i32
      %dma_start3A_133 = tpu.memref_slice %arg2[%dma_start3A_131, %dma_start3A_132] : memref<10240x128xf32, #tpu.memory_space<hbm>> -> memref<10240x128xf32, #tpu.memory_space<hbm>>
      tpu.enqueue_indirect_dma source(%dma_start3A_133 : memref<10240x128xf32, #tpu.memory_space<hbm>>) target(%dma_start3A_127 : memref<125x128xf32, #tpu.memory_space<vmem>>) offsets(%dma_start3A_130 : memref<125xi32, #tpu.memory_space<vmem>>) semaphore(%arg12 : memref<!tpu.dma_semaphore, #tpu.memory_space<semaphore_mem>>)
      %dma_wait3A = arith.constant 0 : i32
      %dma_wait3A_134 = arith.constant 0 : i32
      %dma_wait3A_135 = tpu.memref_slice %arg9[%dma_wait3A, %dma_wait3A_134] : memref<128x128xf32, #tpu.memory_space<vmem>> -> memref<125x128xf32, #tpu.memory_space<vmem>>
      %dma_wait3A_136 = arith.constant 0 : i32
      %dma_wait3A_137 = tpu.memref_slice %arg7[%mul3A_122, %dma_wait3A_136] : memref<40x125xi32, #tpu.memory_space<vmem>> -> memref<1x125xi32, #tpu.memory_space<vmem>>
      %dma_wait3A_138 = tpu.memref_squeeze %dma_wait3A_137 : memref<1x125xi32, #tpu.memory_space<vmem>> -> memref<125xi32, #tpu.memory_space<vmem>>
      %dma_wait3A_139 = arith.constant 0 : i32
      %dma_wait3A_140 = arith.constant 0 : i32
      %dma_wait3A_141 = tpu.memref_slice %arg2[%dma_wait3A_139, %dma_wait3A_140] : memref<10240x128xf32, #tpu.memory_space<hbm>> -> memref<10240x128xf32, #tpu.memory_space<hbm>>
      tpu.wait_indirect_dma semaphore(%arg11 : memref<!tpu.dma_semaphore, #tpu.memory_space<semaphore_mem>>) src(%dma_wait3A_141 : memref<10240x128xf32, #tpu.memory_space<hbm>>) dst(%dma_wait3A_135 : memref<125x128xf32, #tpu.memory_space<vmem>>)
      "tpu.region"() ({
        %run_scoped3A_160 = tpu.sem_alloc : memref<!tpu.dma_semaphore, #tpu.memory_space<semaphore_mem>>
        %dma_start3A_161 = arith.constant 0 : i32
        %dma_start3A_162 = arith.constant 0 : i32
        %dma_start3A_163 = tpu.memref_slice %arg9[%dma_start3A_161, %dma_start3A_162] : memref<128x128xf32, #tpu.memory_space<vmem>> -> memref<125x128xf32, #tpu.memory_space<vmem>>
        %dma_start3A_164 = arith.constant 0 : i32
        %dma_start3A_165 = tpu.memref_slice %arg8[%mul3A_122, %dma_start3A_164] : memref<40x125xi32, #tpu.memory_space<vmem>> -> memref<1x125xi32, #tpu.memory_space<vmem>>
        %dma_start3A_166 = tpu.memref_squeeze %dma_start3A_165 : memref<1x125xi32, #tpu.memory_space<vmem>> -> memref<125xi32, #tpu.memory_space<vmem>>
        %dma_start3A_167 = arith.constant 0 : i32
        %dma_start3A_168 = arith.constant 0 : i32
        %dma_start3A_169 = tpu.memref_slice %arg6[%dma_start3A_167, %dma_start3A_168] : memref<10240x128xf32, #tpu.memory_space<vmem_shared>> -> memref<10240x128xf32, #tpu.memory_space<vmem_shared>>
        tpu.enqueue_indirect_dma source(%dma_start3A_163 : memref<125x128xf32, #tpu.memory_space<vmem>>) target(%dma_start3A_169 : memref<10240x128xf32, #tpu.memory_space<vmem_shared>>) offsets(%dma_start3A_166 : memref<125xi32, #tpu.memory_space<vmem>>) semaphore(%run_scoped3A_160 : memref<!tpu.dma_semaphore, #tpu.memory_space<semaphore_mem>>) {add = true}
        %dma_wait3A_170 = arith.constant 0 : i32
        %dma_wait3A_171 = arith.constant 0 : i32
        %dma_wait3A_172 = tpu.memref_slice %arg9[%dma_wait3A_170, %dma_wait3A_171] : memref<128x128xf32, #tpu.memory_space<vmem>> -> memref<125x128xf32, #tpu.memory_space<vmem>>
        %dma_wait3A_173 = arith.constant 0 : i32
        %dma_wait3A_174 = tpu.memref_slice %arg8[%mul3A_122, %dma_wait3A_173] : memref<40x125xi32, #tpu.memory_space<vmem>> -> memref<1x125xi32, #tpu.memory_space<vmem>>
        %dma_wait3A_175 = tpu.memref_squeeze %dma_wait3A_174 : memref<1x125xi32, #tpu.memory_space<vmem>> -> memref<125xi32, #tpu.memory_space<vmem>>
        %dma_wait3A_176 = arith.constant 0 : i32
        %dma_wait3A_177 = arith.constant 0 : i32
        %dma_wait3A_178 = tpu.memref_slice %arg6[%dma_wait3A_176, %dma_wait3A_177] : memref<10240x128xf32, #tpu.memory_space<vmem_shared>> -> memref<10240x128xf32, #tpu.memory_space<vmem_shared>>
        tpu.wait_indirect_dma semaphore(%run_scoped3A_160 : memref<!tpu.dma_semaphore, #tpu.memory_space<semaphore_mem>>) src(%dma_wait3A_172 : memref<125x128xf32, #tpu.memory_space<vmem>>) dst(%dma_wait3A_178 : memref<10240x128xf32, #tpu.memory_space<vmem_shared>>)
        tpu.yield
      }) : () -> ()
      %add3A_142 = arith.constant 2 : i32
      %add3A_143 = arith.addi %mul3A_122, %add3A_142 : i32
      %lt3A = arith.constant 40 : i32
      %lt3A_144 = arith.cmpi slt, %add3A_143, %lt3A : i32
      %convert_element_type3A = arith.extui %lt3A_144 : i1 to i32
      %cond3A = arith.constant 0 : i32
      %cond3A_145 = arith.cmpi ne, %convert_element_type3A, %cond3A : i32
      scf.if %cond3A_145 {
        %add3A_160 = arith.constant 2 : i32
        %add3A_161 = arith.addi %mul3A_122, %add3A_160 : i32
        %dma_start3A_162 = arith.constant 0 : i32
        %dma_start3A_163 = arith.constant 0 : i32
        %dma_start3A_164 = tpu.memref_slice %arg9[%dma_start3A_162, %dma_start3A_163] : memref<128x128xf32, #tpu.memory_space<vmem>> -> memref<125x128xf32, #tpu.memory_space<vmem>>
        %dma_start3A_165 = arith.constant 0 : i32
        %dma_start3A_166 = tpu.memref_slice %arg7[%add3A_161, %dma_start3A_165] : memref<40x125xi32, #tpu.memory_space<vmem>> -> memref<1x125xi32, #tpu.memory_space<vmem>>
        %dma_start3A_167 = tpu.memref_squeeze %dma_start3A_166 : memref<1x125xi32, #tpu.memory_space<vmem>> -> memref<125xi32, #tpu.memory_space<vmem>>
        %dma_start3A_168 = arith.constant 0 : i32
        %dma_start3A_169 = arith.constant 0 : i32
        %dma_start3A_170 = tpu.memref_slice %arg2[%dma_start3A_168, %dma_start3A_169] : memref<10240x128xf32, #tpu.memory_space<hbm>> -> memref<10240x128xf32, #tpu.memory_space<hbm>>
        tpu.enqueue_indirect_dma source(%dma_start3A_170 : memref<10240x128xf32, #tpu.memory_space<hbm>>) target(%dma_start3A_164 : memref<125x128xf32, #tpu.memory_space<vmem>>) offsets(%dma_start3A_167 : memref<125xi32, #tpu.memory_space<vmem>>) semaphore(%arg11 : memref<!tpu.dma_semaphore, #tpu.memory_space<semaphore_mem>>)
      } else {
      }
      %add3A_146 = arith.constant 1 : i32
      %add3A_147 = arith.addi %mul3A_122, %add3A_146 : i32
      %dma_wait3A_148 = arith.constant 0 : i32
      %dma_wait3A_149 = arith.constant 0 : i32
      %dma_wait3A_150 = tpu.memref_slice %arg10[%dma_wait3A_148, %dma_wait3A_149] : memref<128x128xf32, #tpu.memory_space<vmem>> -> memref<125x128xf32, #tpu.memory_space<vmem>>
      %dma_wait3A_151 = arith.constant 0 : i32
      %dma_wait3A_152 = tpu.memref_slice %arg7[%add3A_147, %dma_wait3A_151] : memref<40x125xi32, #tpu.memory_space<vmem>> -> memref<1x125xi32, #tpu.memory_space<vmem>>
      %dma_wait3A_153 = tpu.memref_squeeze %dma_wait3A_152 : memref<1x125xi32, #tpu.memory_space<vmem>> -> memref<125xi32, #tpu.memory_space<vmem>>
      %dma_wait3A_154 = arith.constant 0 : i32
      %dma_wait3A_155 = arith.constant 0 : i32
      %dma_wait3A_156 = tpu.memref_slice %arg2[%dma_wait3A_154, %dma_wait3A_155] : memref<10240x128xf32, #tpu.memory_space<hbm>> -> memref<10240x128xf32, #tpu.memory_space<hbm>>
      tpu.wait_indirect_dma semaphore(%arg12 : memref<!tpu.dma_semaphore, #tpu.memory_space<semaphore_mem>>) src(%dma_wait3A_156 : memref<10240x128xf32, #tpu.memory_space<hbm>>) dst(%dma_wait3A_150 : memref<125x128xf32, #tpu.memory_space<vmem>>)
      %add3A_157 = arith.constant 1 : i32
      %add3A_158 = arith.addi %mul3A_122, %add3A_157 : i32
      "tpu.region"() ({
        %run_scoped3A_160 = tpu.sem_alloc : memref<!tpu.dma_semaphore, #tpu.memory_space<semaphore_mem>>
        %dma_start3A_161 = arith.constant 0 : i32
        %dma_start3A_162 = arith.constant 0 : i32
        %dma_start3A_163 = tpu.memref_slice %arg10[%dma_start3A_161, %dma_start3A_162] : memref<128x128xf32, #tpu.memory_space<vmem>> -> memref<125x128xf32, #tpu.memory_space<vmem>>
        %dma_start3A_164 = arith.constant 0 : i32
        %dma_start3A_165 = tpu.memref_slice %arg8[%add3A_158, %dma_start3A_164] : memref<40x125xi32, #tpu.memory_space<vmem>> -> memref<1x125xi32, #tpu.memory_space<vmem>>
        %dma_start3A_166 = tpu.memref_squeeze %dma_start3A_165 : memref<1x125xi32, #tpu.memory_space<vmem>> -> memref<125xi32, #tpu.memory_space<vmem>>
        %dma_start3A_167 = arith.constant 0 : i32
        %dma_start3A_168 = arith.constant 0 : i32
        %dma_start3A_169 = tpu.memref_slice %arg6[%dma_start3A_167, %dma_start3A_168] : memref<10240x128xf32, #tpu.memory_space<vmem_shared>> -> memref<10240x128xf32, #tpu.memory_space<vmem_shared>>
        tpu.enqueue_indirect_dma source(%dma_start3A_163 : memref<125x128xf32, #tpu.memory_space<vmem>>) target(%dma_start3A_169 : memref<10240x128xf32, #tpu.memory_space<vmem_shared>>) offsets(%dma_start3A_166 : memref<125xi32, #tpu.memory_space<vmem>>) semaphore(%run_scoped3A_160 : memref<!tpu.dma_semaphore, #tpu.memory_space<semaphore_mem>>) {add = true}
        %dma_wait3A_170 = arith.constant 0 : i32
        %dma_wait3A_171 = arith.constant 0 : i32
        %dma_wait3A_172 = tpu.memref_slice %arg10[%dma_wait3A_170, %dma_wait3A_171] : memref<128x128xf32, #tpu.memory_space<vmem>> -> memref<125x128xf32, #tpu.memory_space<vmem>>
        %dma_wait3A_173 = arith.constant 0 : i32
        %dma_wait3A_174 = tpu.memref_slice %arg8[%add3A_158, %dma_wait3A_173] : memref<40x125xi32, #tpu.memory_space<vmem>> -> memref<1x125xi32, #tpu.memory_space<vmem>>
        %dma_wait3A_175 = tpu.memref_squeeze %dma_wait3A_174 : memref<1x125xi32, #tpu.memory_space<vmem>> -> memref<125xi32, #tpu.memory_space<vmem>>
        %dma_wait3A_176 = arith.constant 0 : i32
        %dma_wait3A_177 = arith.constant 0 : i32
        %dma_wait3A_178 = tpu.memref_slice %arg6[%dma_wait3A_176, %dma_wait3A_177] : memref<10240x128xf32, #tpu.memory_space<vmem_shared>> -> memref<10240x128xf32, #tpu.memory_space<vmem_shared>>
        tpu.wait_indirect_dma semaphore(%run_scoped3A_160 : memref<!tpu.dma_semaphore, #tpu.memory_space<semaphore_mem>>) src(%dma_wait3A_172 : memref<125x128xf32, #tpu.memory_space<vmem>>) dst(%dma_wait3A_178 : memref<10240x128xf32, #tpu.memory_space<vmem_shared>>)
        tpu.yield
      }) : () -> ()
      %scan3A_159 = arith.constant 0 : i32
      scf.yield %scan3A_159 : i32
    }
    %scan3A_115 = arith.constant 20 : i32
    %barrier3A_116 = arith.constant 0 : index
    tpu.barrier barrier_id(%barrier3A_116)
    %run_scoped3A_117 = arith.constant 2 : i32
    "tpu.region"() ({
      %run_scoped3A_119 = tpu.sem_alloc : memref<!tpu.dma_semaphore, #tpu.memory_space<semaphore_mem>>
      %dma_start3A_120 = arith.constant 0 : i32
      %dma_start3A_121 = tpu.memref_slice %arg5[%run_scoped3A_117, %arg0, %mul3A_2, %dma_start3A_120] : memref<3x2x10240x128xf32, #tpu.memory_space<hbm>> -> memref<1x1x640x128xf32, #tpu.memory_space<hbm>>
      %dma_start3A_122 = tpu.memref_squeeze %dma_start3A_121 : memref<1x1x640x128xf32, #tpu.memory_space<hbm>> -> memref<640x128xf32, #tpu.memory_space<hbm>>
      %dma_start3A_123 = arith.constant 0 : i32
      %dma_start3A_124 = tpu.memref_slice %arg6[%mul3A_2, %dma_start3A_123] : memref<10240x128xf32, #tpu.memory_space<vmem_shared>> -> memref<640x128xf32, #tpu.memory_space<vmem_shared>>
      tpu.enqueue_dma source(%dma_start3A_124 : memref<640x128xf32, #tpu.memory_space<vmem_shared>>) target(%dma_start3A_122 : memref<640x128xf32, #tpu.memory_space<hbm>>) target_semaphore(%run_scoped3A_119 : memref<!tpu.dma_semaphore, #tpu.memory_space<semaphore_mem>>)
      %dma_wait3A = arith.constant 0 : i32
      %dma_wait3A_125 = tpu.memref_slice %arg5[%run_scoped3A_117, %arg0, %mul3A_2, %dma_wait3A] : memref<3x2x10240x128xf32, #tpu.memory_space<hbm>> -> memref<1x1x640x128xf32, #tpu.memory_space<hbm>>
      %dma_wait3A_126 = tpu.memref_squeeze %dma_wait3A_125 : memref<1x1x640x128xf32, #tpu.memory_space<hbm>> -> memref<640x128xf32, #tpu.memory_space<hbm>>
      %dma_wait3A_127 = arith.constant 0 : i32
      %dma_wait3A_128 = tpu.memref_slice %arg6[%mul3A_2, %dma_wait3A_127] : memref<10240x128xf32, #tpu.memory_space<vmem_shared>> -> memref<640x128xf32, #tpu.memory_space<vmem_shared>>
      tpu.wait_dma2 semaphore(%run_scoped3A_119 : memref<!tpu.dma_semaphore, #tpu.memory_space<semaphore_mem>>) src(%dma_wait3A_128 : memref<640x128xf32, #tpu.memory_space<vmem_shared>>) dst(%dma_wait3A_126 : memref<640x128xf32, #tpu.memory_space<hbm>>)
      tpu.yield
    }) : () -> ()
    %barrier3A_118 = arith.constant 0 : index
    tpu.barrier barrier_id(%barrier3A_118)
    return
  }
}

module attributes {stable_mosaic.version = 14 : i64} {
  func.func @_dense_body(%arg0: i32, %arg1: memref<2048x128xf32, #tpu.memory_space<vmem>>, %arg2: memref<3x2x2048x128xf32, #tpu.memory_space<vmem>>, %arg3: memref<3x32x2048xf32, #tpu.memory_space<vmem>>, %arg4: memref<3x128x128xf32, #tpu.memory_space<vmem>>, %arg5: memref<3x128x128xf32, #tpu.memory_space<vmem>>, %arg6: memref<3x128xf32, #tpu.memory_space<vmem>>, %arg7: memref<2048x128xf32, #tpu.memory_space<vmem>>) attributes {dimension_semantics = [#tpu.dimension_semantics<arbitrary>], iteration_bounds = array<i64: 5>, scalar_prefetch = 0 : i64, scratch_operands = 0 : i64, tpu.core_type = #tpu.core_type<tc>, window_params = [{transform_indices = @transform_0, window_bounds = array<i64: 2048, 128>}, {transform_indices = @transform_1, window_bounds = array<i64: 3, 2, 2048, 128>}, {transform_indices = @transform_2, window_bounds = array<i64: 3, 32, 2048>}, {pipeline_mode = #tpu.pipeline_mode<synchronous>, transform_indices = @transform_3, window_bounds = array<i64: 3, 128, 128>}, {pipeline_mode = #tpu.pipeline_mode<synchronous>, transform_indices = @transform_4, window_bounds = array<i64: 3, 128, 128>}, {pipeline_mode = #tpu.pipeline_mode<synchronous>, transform_indices = @transform_5, window_bounds = array<i64: 3, 128>}, {transform_indices = @transform_6, window_bounds = array<i64: 2048, 128>}]} {
    %get3A = arith.constant 0 : index
    %get3A_0 = arith.constant 0 : index
    %get3A_1 = arith.constant 0 : index
    %get3A_2 = vector.load %arg4[%get3A, %get3A_0, %get3A_1] : memref<3x128x128xf32, #tpu.memory_space<vmem>>, vector<1x128x128xf32>
    %get3A_3 = vector.shape_cast %get3A_2 : vector<1x128x128xf32> to vector<128x128xf32>
    %get3A_4 = arith.constant 1 : index
    %get3A_5 = arith.constant 0 : index
    %get3A_6 = arith.constant 0 : index
    %get3A_7 = vector.load %arg4[%get3A_4, %get3A_5, %get3A_6] : memref<3x128x128xf32, #tpu.memory_space<vmem>>, vector<1x128x128xf32>
    %get3A_8 = vector.shape_cast %get3A_7 : vector<1x128x128xf32> to vector<128x128xf32>
    %add3A = arith.addf %get3A_3, %get3A_8 : vector<128x128xf32>
    %get3A_9 = arith.constant 2 : index
    %get3A_10 = arith.constant 0 : index
    %get3A_11 = arith.constant 0 : index
    %get3A_12 = vector.load %arg4[%get3A_9, %get3A_10, %get3A_11] : memref<3x128x128xf32, #tpu.memory_space<vmem>>, vector<1x128x128xf32>
    %get3A_13 = vector.shape_cast %get3A_12 : vector<1x128x128xf32> to vector<128x128xf32>
    %add3A_14 = arith.addf %add3A, %get3A_13 : vector<128x128xf32>
    %get3A_15 = arith.constant 0 : index
    %get3A_16 = arith.constant 0 : index
    %get3A_17 = vector.load %arg1[%get3A_15, %get3A_16] : memref<2048x128xf32, #tpu.memory_space<vmem>>, vector<2048x128xf32>
    %dot_general3A = arith.constant dense<0.000000e+00> : vector<2048x128xf32>
    %dot_general3A_18 = tpu.matmul %get3A_17, %add3A_14, %dot_general3A {dimension_numbers = #tpu.dot_dimension_numbers<[1], [0], [0], [1], [0, 0, 1, 1], [], []>, transpose_lhs_hint = false} : vector<2048x128xf32>, vector<128x128xf32>, vector<2048x128xf32> -> vector<2048x128xf32>
    %get3A_19 = arith.constant 0 : index
    %get3A_20 = arith.constant 0 : index
    %get3A_21 = arith.constant 0 : index
    %get3A_22 = arith.constant 0 : index
    %get3A_23 = vector.load %arg2[%get3A_19, %get3A_20, %get3A_21, %get3A_22] : memref<3x2x2048x128xf32, #tpu.memory_space<vmem>>, vector<1x1x2048x128xf32>
    %get3A_24 = vector.shape_cast %get3A_23 : vector<1x1x2048x128xf32> to vector<2048x128xf32>
    %get3A_25 = arith.constant 0 : index
    %get3A_26 = arith.constant 1 : index
    %get3A_27 = arith.constant 0 : index
    %get3A_28 = arith.constant 0 : index
    %get3A_29 = vector.load %arg2[%get3A_25, %get3A_26, %get3A_27, %get3A_28] : memref<3x2x2048x128xf32, #tpu.memory_space<vmem>>, vector<1x1x2048x128xf32>
    %get3A_30 = vector.shape_cast %get3A_29 : vector<1x1x2048x128xf32> to vector<2048x128xf32>
    %add3A_31 = arith.addf %get3A_24, %get3A_30 : vector<2048x128xf32>
    %get3A_32 = arith.constant 0 : index
    %get3A_33 = arith.constant 0 : index
    %get3A_34 = arith.constant 0 : index
    %get3A_35 = vector.load %arg3[%get3A_32, %get3A_33, %get3A_34] : memref<3x32x2048xf32, #tpu.memory_space<vmem>>, vector<1x32x2048xf32>
    %get3A_36 = vector.shape_cast %get3A_35 : vector<1x32x2048xf32> to vector<32x2048xf32>
    %reduce_sum3A = arith.constant dense<0.000000e+00> : vector<2048xf32>
    %reduce_sum3A_37 = vector.multi_reduction <add>, %get3A_36, %reduce_sum3A [0] : vector<32x2048xf32> to vector<2048xf32>
    %max3A = arith.constant 1.000000e+00 : f32
    %max3A_38 = vector.broadcast %max3A : f32 to vector<2048xf32>
    %max3A_39 = arith.maximumf %reduce_sum3A_37, %max3A_38 : vector<2048xf32>
    %div3A = arith.constant 1.000000e+00 : f32
    %div3A_40 = vector.broadcast %div3A : f32 to vector<2048xf32>
    %div3A_41 = arith.divf %div3A_40, %max3A_39 : vector<2048xf32>
    %broadcast_in_dim3A = vector.shape_cast %div3A_41 : vector<2048xf32> to vector<2048x1xf32>
    %mul3A = vector.broadcast %broadcast_in_dim3A : vector<2048x1xf32> to vector<2048x128xf32>
    %mul3A_42 = arith.mulf %add3A_31, %mul3A : vector<2048x128xf32>
    %get3A_43 = arith.constant 0 : index
    %get3A_44 = arith.constant 0 : index
    %get3A_45 = arith.constant 0 : index
    %get3A_46 = vector.load %arg5[%get3A_43, %get3A_44, %get3A_45] : memref<3x128x128xf32, #tpu.memory_space<vmem>>, vector<1x128x128xf32>
    %get3A_47 = vector.shape_cast %get3A_46 : vector<1x128x128xf32> to vector<128x128xf32>
    %dot_general3A_48 = arith.constant dense<0.000000e+00> : vector<2048x128xf32>
    %dot_general3A_49 = tpu.matmul %mul3A_42, %get3A_47, %dot_general3A_48 {dimension_numbers = #tpu.dot_dimension_numbers<[1], [0], [0], [1], [0, 0, 1, 1], [], []>, transpose_lhs_hint = false} : vector<2048x128xf32>, vector<128x128xf32>, vector<2048x128xf32> -> vector<2048x128xf32>
    %add3A_50 = arith.addf %dot_general3A_18, %dot_general3A_49 : vector<2048x128xf32>
    %get3A_51 = arith.constant 1 : index
    %get3A_52 = arith.constant 0 : index
    %get3A_53 = arith.constant 0 : index
    %get3A_54 = arith.constant 0 : index
    %get3A_55 = vector.load %arg2[%get3A_51, %get3A_52, %get3A_53, %get3A_54] : memref<3x2x2048x128xf32, #tpu.memory_space<vmem>>, vector<1x1x2048x128xf32>
    %get3A_56 = vector.shape_cast %get3A_55 : vector<1x1x2048x128xf32> to vector<2048x128xf32>
    %get3A_57 = arith.constant 1 : index
    %get3A_58 = arith.constant 1 : index
    %get3A_59 = arith.constant 0 : index
    %get3A_60 = arith.constant 0 : index
    %get3A_61 = vector.load %arg2[%get3A_57, %get3A_58, %get3A_59, %get3A_60] : memref<3x2x2048x128xf32, #tpu.memory_space<vmem>>, vector<1x1x2048x128xf32>
    %get3A_62 = vector.shape_cast %get3A_61 : vector<1x1x2048x128xf32> to vector<2048x128xf32>
    %add3A_63 = arith.addf %get3A_56, %get3A_62 : vector<2048x128xf32>
    %get3A_64 = arith.constant 1 : index
    %get3A_65 = arith.constant 0 : index
    %get3A_66 = arith.constant 0 : index
    %get3A_67 = vector.load %arg3[%get3A_64, %get3A_65, %get3A_66] : memref<3x32x2048xf32, #tpu.memory_space<vmem>>, vector<1x32x2048xf32>
    %get3A_68 = vector.shape_cast %get3A_67 : vector<1x32x2048xf32> to vector<32x2048xf32>
    %reduce_sum3A_69 = arith.constant dense<0.000000e+00> : vector<2048xf32>
    %reduce_sum3A_70 = vector.multi_reduction <add>, %get3A_68, %reduce_sum3A_69 [0] : vector<32x2048xf32> to vector<2048xf32>
    %max3A_71 = arith.constant 1.000000e+00 : f32
    %max3A_72 = vector.broadcast %max3A_71 : f32 to vector<2048xf32>
    %max3A_73 = arith.maximumf %reduce_sum3A_70, %max3A_72 : vector<2048xf32>
    %div3A_74 = arith.constant 1.000000e+00 : f32
    %div3A_75 = vector.broadcast %div3A_74 : f32 to vector<2048xf32>
    %div3A_76 = arith.divf %div3A_75, %max3A_73 : vector<2048xf32>
    %broadcast_in_dim3A_77 = vector.shape_cast %div3A_76 : vector<2048xf32> to vector<2048x1xf32>
    %mul3A_78 = vector.broadcast %broadcast_in_dim3A_77 : vector<2048x1xf32> to vector<2048x128xf32>
    %mul3A_79 = arith.mulf %add3A_63, %mul3A_78 : vector<2048x128xf32>
    %get3A_80 = arith.constant 1 : index
    %get3A_81 = arith.constant 0 : index
    %get3A_82 = arith.constant 0 : index
    %get3A_83 = vector.load %arg5[%get3A_80, %get3A_81, %get3A_82] : memref<3x128x128xf32, #tpu.memory_space<vmem>>, vector<1x128x128xf32>
    %get3A_84 = vector.shape_cast %get3A_83 : vector<1x128x128xf32> to vector<128x128xf32>
    %dot_general3A_85 = arith.constant dense<0.000000e+00> : vector<2048x128xf32>
    %dot_general3A_86 = tpu.matmul %mul3A_79, %get3A_84, %dot_general3A_85 {dimension_numbers = #tpu.dot_dimension_numbers<[1], [0], [0], [1], [0, 0, 1, 1], [], []>, transpose_lhs_hint = false} : vector<2048x128xf32>, vector<128x128xf32>, vector<2048x128xf32> -> vector<2048x128xf32>
    %add3A_87 = arith.addf %add3A_50, %dot_general3A_86 : vector<2048x128xf32>
    %get3A_88 = arith.constant 2 : index
    %get3A_89 = arith.constant 0 : index
    %get3A_90 = arith.constant 0 : index
    %get3A_91 = arith.constant 0 : index
    %get3A_92 = vector.load %arg2[%get3A_88, %get3A_89, %get3A_90, %get3A_91] : memref<3x2x2048x128xf32, #tpu.memory_space<vmem>>, vector<1x1x2048x128xf32>
    %get3A_93 = vector.shape_cast %get3A_92 : vector<1x1x2048x128xf32> to vector<2048x128xf32>
    %get3A_94 = arith.constant 2 : index
    %get3A_95 = arith.constant 1 : index
    %get3A_96 = arith.constant 0 : index
    %get3A_97 = arith.constant 0 : index
    %get3A_98 = vector.load %arg2[%get3A_94, %get3A_95, %get3A_96, %get3A_97] : memref<3x2x2048x128xf32, #tpu.memory_space<vmem>>, vector<1x1x2048x128xf32>
    %get3A_99 = vector.shape_cast %get3A_98 : vector<1x1x2048x128xf32> to vector<2048x128xf32>
    %add3A_100 = arith.addf %get3A_93, %get3A_99 : vector<2048x128xf32>
    %get3A_101 = arith.constant 2 : index
    %get3A_102 = arith.constant 0 : index
    %get3A_103 = arith.constant 0 : index
    %get3A_104 = vector.load %arg3[%get3A_101, %get3A_102, %get3A_103] : memref<3x32x2048xf32, #tpu.memory_space<vmem>>, vector<1x32x2048xf32>
    %get3A_105 = vector.shape_cast %get3A_104 : vector<1x32x2048xf32> to vector<32x2048xf32>
    %reduce_sum3A_106 = arith.constant dense<0.000000e+00> : vector<2048xf32>
    %reduce_sum3A_107 = vector.multi_reduction <add>, %get3A_105, %reduce_sum3A_106 [0] : vector<32x2048xf32> to vector<2048xf32>
    %max3A_108 = arith.constant 1.000000e+00 : f32
    %max3A_109 = vector.broadcast %max3A_108 : f32 to vector<2048xf32>
    %max3A_110 = arith.maximumf %reduce_sum3A_107, %max3A_109 : vector<2048xf32>
    %div3A_111 = arith.constant 1.000000e+00 : f32
    %div3A_112 = vector.broadcast %div3A_111 : f32 to vector<2048xf32>
    %div3A_113 = arith.divf %div3A_112, %max3A_110 : vector<2048xf32>
    %broadcast_in_dim3A_114 = vector.shape_cast %div3A_113 : vector<2048xf32> to vector<2048x1xf32>
    %mul3A_115 = vector.broadcast %broadcast_in_dim3A_114 : vector<2048x1xf32> to vector<2048x128xf32>
    %mul3A_116 = arith.mulf %add3A_100, %mul3A_115 : vector<2048x128xf32>
    %get3A_117 = arith.constant 2 : index
    %get3A_118 = arith.constant 0 : index
    %get3A_119 = arith.constant 0 : index
    %get3A_120 = vector.load %arg5[%get3A_117, %get3A_118, %get3A_119] : memref<3x128x128xf32, #tpu.memory_space<vmem>>, vector<1x128x128xf32>
    %get3A_121 = vector.shape_cast %get3A_120 : vector<1x128x128xf32> to vector<128x128xf32>
    %dot_general3A_122 = arith.constant dense<0.000000e+00> : vector<2048x128xf32>
    %dot_general3A_123 = tpu.matmul %mul3A_116, %get3A_121, %dot_general3A_122 {dimension_numbers = #tpu.dot_dimension_numbers<[1], [0], [0], [1], [0, 0, 1, 1], [], []>, transpose_lhs_hint = false} : vector<2048x128xf32>, vector<128x128xf32>, vector<2048x128xf32> -> vector<2048x128xf32>
    %add3A_124 = arith.addf %add3A_87, %dot_general3A_123 : vector<2048x128xf32>
    %get3A_125 = arith.constant 0 : index
    %get3A_126 = arith.constant 0 : index
    %get3A_127 = vector.load %arg6[%get3A_125, %get3A_126] : memref<3x128xf32, #tpu.memory_space<vmem>>, vector<1x128xf32>
    %get3A_128 = vector.shape_cast %get3A_127 : vector<1x128xf32> to vector<128xf32>
    %get3A_129 = arith.constant 1 : index
    %get3A_130 = arith.constant 0 : index
    %get3A_131 = vector.load %arg6[%get3A_129, %get3A_130] : memref<3x128xf32, #tpu.memory_space<vmem>>, vector<1x128xf32>
    %get3A_132 = vector.shape_cast %get3A_131 : vector<1x128xf32> to vector<128xf32>
    %add3A_133 = arith.addf %get3A_128, %get3A_132 : vector<128xf32>
    %get3A_134 = arith.constant 2 : index
    %get3A_135 = arith.constant 0 : index
    %get3A_136 = vector.load %arg6[%get3A_134, %get3A_135] : memref<3x128xf32, #tpu.memory_space<vmem>>, vector<1x128xf32>
    %get3A_137 = vector.shape_cast %get3A_136 : vector<1x128xf32> to vector<128xf32>
    %add3A_138 = arith.addf %add3A_133, %get3A_137 : vector<128xf32>
    %broadcast_in_dim3A_139 = vector.shape_cast %add3A_138 : vector<128xf32> to vector<1x128xf32>
    %add3A_140 = vector.broadcast %broadcast_in_dim3A_139 : vector<1x128xf32> to vector<2048x128xf32>
    %add3A_141 = arith.addf %add3A_124, %add3A_140 : vector<2048x128xf32>
    %max3A_142 = arith.constant 0.000000e+00 : f32
    %max3A_143 = vector.broadcast %max3A_142 : f32 to vector<2048x128xf32>
    %max3A_144 = arith.maximumf %add3A_141, %max3A_143 : vector<2048x128xf32>
    %swap3A = arith.constant 0 : index
    %swap3A_145 = arith.constant 0 : index
    %swap3A_146 = vector.load %arg7[%swap3A, %swap3A_145] : memref<2048x128xf32, #tpu.memory_space<vmem>>, vector<2048x128xf32>
    tpu.vector_store %arg7[%swap3A, %swap3A_145], %max3A_144 {strides = array<i32>} : memref<2048x128xf32, #tpu.memory_space<vmem>>, vector<2048x128xf32>,
    return
  }
  func.func @transform_0(%arg0: i32) -> (i32, i32) {
    %c0_i32 = arith.constant 0 : i32
    %c0_i32_0 = arith.constant 0 : i32
    return %arg0, %c0_i32 : i32, i32
  }
  func.func @transform_1(%arg0: i32) -> (i32, i32, i32, i32) {
    %c0_i32 = arith.constant 0 : i32
    %c0_i32_0 = arith.constant 0 : i32
    %c0_i32_1 = arith.constant 0 : i32
    %c0_i32_2 = arith.constant 0 : i32
    return %c0_i32, %c0_i32_0, %arg0, %c0_i32_1 : i32, i32, i32, i32
  }
  func.func @transform_2(%arg0: i32) -> (i32, i32, i32) {
    %c0_i32 = arith.constant 0 : i32
    %c0_i32_0 = arith.constant 0 : i32
    %c0_i32_1 = arith.constant 0 : i32
    return %c0_i32, %c0_i32_0, %arg0 : i32, i32, i32
  }
  func.func @transform_3(%arg0: i32) -> (i32, i32, i32) {
    %c0_i32 = arith.constant 0 : i32
    %c0_i32_0 = arith.constant 0 : i32
    %c0_i32_1 = arith.constant 0 : i32
    %c0_i32_2 = arith.constant 0 : i32
    return %c0_i32, %c0_i32_0, %c0_i32_1 : i32, i32, i32
  }
  func.func @transform_4(%arg0: i32) -> (i32, i32, i32) {
    %c0_i32 = arith.constant 0 : i32
    %c0_i32_0 = arith.constant 0 : i32
    %c0_i32_1 = arith.constant 0 : i32
    %c0_i32_2 = arith.constant 0 : i32
    return %c0_i32, %c0_i32_0, %c0_i32_1 : i32, i32, i32
  }
  func.func @transform_5(%arg0: i32) -> (i32, i32) {
    %c0_i32 = arith.constant 0 : i32
    %c0_i32_0 = arith.constant 0 : i32
    %c0_i32_1 = arith.constant 0 : i32
    return %c0_i32, %c0_i32_0 : i32, i32
  }
  func.func @transform_6(%arg0: i32) -> (i32, i32) {
    %c0_i32 = arith.constant 0 : i32
    %c0_i32_0 = arith.constant 0 : i32
    return %arg0, %c0_i32 : i32, i32
  }
}

module attributes {stable_mosaic.version = 14 : i64} {
  func.func @_dense_body(%arg0: i32, %arg1: memref<2048x128xf32, #tpu.memory_space<vmem>>, %arg2: memref<3x2x2048x128xf32, #tpu.memory_space<vmem>>, %arg3: memref<3x32x2048xf32, #tpu.memory_space<vmem>>, %arg4: memref<3x128x128xf32, #tpu.memory_space<vmem>>, %arg5: memref<3x128x128xf32, #tpu.memory_space<vmem>>, %arg6: memref<3x128xf32, #tpu.memory_space<vmem>>, %arg7: memref<2048x128xf32, #tpu.memory_space<vmem>>) attributes {dimension_semantics = [#tpu.dimension_semantics<arbitrary>], iteration_bounds = array<i64: 5>, scalar_prefetch = 0 : i64, scratch_operands = 0 : i64, tpu.core_type = #tpu.core_type<tc>, window_params = [{transform_indices = @transform_0, window_bounds = array<i64: 2048, 128>}, {transform_indices = @transform_1, window_bounds = array<i64: 3, 2, 2048, 128>}, {transform_indices = @transform_2, window_bounds = array<i64: 3, 32, 2048>}, {pipeline_mode = #tpu.pipeline_mode<synchronous>, transform_indices = @transform_3, window_bounds = array<i64: 3, 128, 128>}, {pipeline_mode = #tpu.pipeline_mode<synchronous>, transform_indices = @transform_4, window_bounds = array<i64: 3, 128, 128>}, {pipeline_mode = #tpu.pipeline_mode<synchronous>, transform_indices = @transform_5, window_bounds = array<i64: 3, 128>}, {transform_indices = @transform_6, window_bounds = array<i64: 2048, 128>}]} {
    %get3A = arith.constant 0 : index
    %get3A_0 = arith.constant 0 : index
    %get3A_1 = arith.constant 0 : index
    %get3A_2 = vector.load %arg4[%get3A, %get3A_0, %get3A_1] : memref<3x128x128xf32, #tpu.memory_space<vmem>>, vector<1x128x128xf32>
    %get3A_3 = vector.shape_cast %get3A_2 : vector<1x128x128xf32> to vector<128x128xf32>
    %get3A_4 = arith.constant 1 : index
    %get3A_5 = arith.constant 0 : index
    %get3A_6 = arith.constant 0 : index
    %get3A_7 = vector.load %arg4[%get3A_4, %get3A_5, %get3A_6] : memref<3x128x128xf32, #tpu.memory_space<vmem>>, vector<1x128x128xf32>
    %get3A_8 = vector.shape_cast %get3A_7 : vector<1x128x128xf32> to vector<128x128xf32>
    %add3A = arith.addf %get3A_3, %get3A_8 : vector<128x128xf32>
    %get3A_9 = arith.constant 2 : index
    %get3A_10 = arith.constant 0 : index
    %get3A_11 = arith.constant 0 : index
    %get3A_12 = vector.load %arg4[%get3A_9, %get3A_10, %get3A_11] : memref<3x128x128xf32, #tpu.memory_space<vmem>>, vector<1x128x128xf32>
    %get3A_13 = vector.shape_cast %get3A_12 : vector<1x128x128xf32> to vector<128x128xf32>
    %add3A_14 = arith.addf %add3A, %get3A_13 : vector<128x128xf32>
    %get3A_15 = arith.constant 0 : index
    %get3A_16 = arith.constant 0 : index
    %get3A_17 = vector.load %arg1[%get3A_15, %get3A_16] : memref<2048x128xf32, #tpu.memory_space<vmem>>, vector<2048x128xf32>
    %dot_general3A = arith.constant dense<0.000000e+00> : vector<2048x128xf32>
    %dot_general3A_18 = tpu.matmul %get3A_17, %add3A_14, %dot_general3A {dimension_numbers = #tpu.dot_dimension_numbers<[1], [0], [0], [1], [0, 0, 1, 1], [], []>, transpose_lhs_hint = false} : vector<2048x128xf32>, vector<128x128xf32>, vector<2048x128xf32> -> vector<2048x128xf32>
    %get3A_19 = arith.constant 0 : index
    %get3A_20 = arith.constant 0 : index
    %get3A_21 = arith.constant 0 : index
    %get3A_22 = arith.constant 0 : index
    %get3A_23 = vector.load %arg2[%get3A_19, %get3A_20, %get3A_21, %get3A_22] : memref<3x2x2048x128xf32, #tpu.memory_space<vmem>>, vector<1x1x2048x128xf32>
    %get3A_24 = vector.shape_cast %get3A_23 : vector<1x1x2048x128xf32> to vector<2048x128xf32>
    %get3A_25 = arith.constant 0 : index
    %get3A_26 = arith.constant 1 : index
    %get3A_27 = arith.constant 0 : index
    %get3A_28 = arith.constant 0 : index
    %get3A_29 = vector.load %arg2[%get3A_25, %get3A_26, %get3A_27, %get3A_28] : memref<3x2x2048x128xf32, #tpu.memory_space<vmem>>, vector<1x1x2048x128xf32>
    %get3A_30 = vector.shape_cast %get3A_29 : vector<1x1x2048x128xf32> to vector<2048x128xf32>
    %add3A_31 = arith.addf %get3A_24, %get3A_30 : vector<2048x128xf32>
    %get3A_32 = arith.constant 0 : index
    %get3A_33 = arith.constant 0 : index
    %get3A_34 = arith.constant 0 : index
    %get3A_35 = vector.load %arg3[%get3A_32, %get3A_33, %get3A_34] : memref<3x32x2048xf32, #tpu.memory_space<vmem>>, vector<1x32x2048xf32>
    %get3A_36 = vector.shape_cast %get3A_35 : vector<1x32x2048xf32> to vector<32x2048xf32>
    %reduce_sum3A = arith.constant dense<0.000000e+00> : vector<2048xf32>
    %reduce_sum3A_37 = vector.multi_reduction <add>, %get3A_36, %reduce_sum3A [0] : vector<32x2048xf32> to vector<2048xf32>
    %max3A = arith.constant 1.000000e+00 : f32
    %max3A_38 = vector.broadcast %max3A : f32 to vector<2048xf32>
    %max3A_39 = arith.maximumf %reduce_sum3A_37, %max3A_38 : vector<2048xf32>
    %div3A = arith.constant 1.000000e+00 : f32
    %div3A_40 = vector.broadcast %div3A : f32 to vector<2048xf32>
    %div3A_41 = arith.divf %div3A_40, %max3A_39 : vector<2048xf32>
    %broadcast_in_dim3A = vector.shape_cast %div3A_41 : vector<2048xf32> to vector<2048x1xf32>
    %mul3A = vector.broadcast %broadcast_in_dim3A : vector<2048x1xf32> to vector<2048x128xf32>
    %mul3A_42 = arith.mulf %add3A_31, %mul3A : vector<2048x128xf32>
    %get3A_43 = arith.constant 0 : index
    %get3A_44 = arith.constant 0 : index
    %get3A_45 = arith.constant 0 : index
    %get3A_46 = vector.load %arg5[%get3A_43, %get3A_44, %get3A_45] : memref<3x128x128xf32, #tpu.memory_space<vmem>>, vector<1x128x128xf32>
    %get3A_47 = vector.shape_cast %get3A_46 : vector<1x128x128xf32> to vector<128x128xf32>
    %dot_general3A_48 = arith.constant dense<0.000000e+00> : vector<2048x128xf32>
    %dot_general3A_49 = tpu.matmul %mul3A_42, %get3A_47, %dot_general3A_48 {dimension_numbers = #tpu.dot_dimension_numbers<[1], [0], [0], [1], [0, 0, 1, 1], [], []>, transpose_lhs_hint = false} : vector<2048x128xf32>, vector<128x128xf32>, vector<2048x128xf32> -> vector<2048x128xf32>
    %add3A_50 = arith.addf %dot_general3A_18, %dot_general3A_49 : vector<2048x128xf32>
    %get3A_51 = arith.constant 1 : index
    %get3A_52 = arith.constant 0 : index
    %get3A_53 = arith.constant 0 : index
    %get3A_54 = arith.constant 0 : index
    %get3A_55 = vector.load %arg2[%get3A_51, %get3A_52, %get3A_53, %get3A_54] : memref<3x2x2048x128xf32, #tpu.memory_space<vmem>>, vector<1x1x2048x128xf32>
    %get3A_56 = vector.shape_cast %get3A_55 : vector<1x1x2048x128xf32> to vector<2048x128xf32>
    %get3A_57 = arith.constant 1 : index
    %get3A_58 = arith.constant 1 : index
    %get3A_59 = arith.constant 0 : index
    %get3A_60 = arith.constant 0 : index
    %get3A_61 = vector.load %arg2[%get3A_57, %get3A_58, %get3A_59, %get3A_60] : memref<3x2x2048x128xf32, #tpu.memory_space<vmem>>, vector<1x1x2048x128xf32>
    %get3A_62 = vector.shape_cast %get3A_61 : vector<1x1x2048x128xf32> to vector<2048x128xf32>
    %add3A_63 = arith.addf %get3A_56, %get3A_62 : vector<2048x128xf32>
    %get3A_64 = arith.constant 1 : index
    %get3A_65 = arith.constant 0 : index
    %get3A_66 = arith.constant 0 : index
    %get3A_67 = vector.load %arg3[%get3A_64, %get3A_65, %get3A_66] : memref<3x32x2048xf32, #tpu.memory_space<vmem>>, vector<1x32x2048xf32>
    %get3A_68 = vector.shape_cast %get3A_67 : vector<1x32x2048xf32> to vector<32x2048xf32>
    %reduce_sum3A_69 = arith.constant dense<0.000000e+00> : vector<2048xf32>
    %reduce_sum3A_70 = vector.multi_reduction <add>, %get3A_68, %reduce_sum3A_69 [0] : vector<32x2048xf32> to vector<2048xf32>
    %max3A_71 = arith.constant 1.000000e+00 : f32
    %max3A_72 = vector.broadcast %max3A_71 : f32 to vector<2048xf32>
    %max3A_73 = arith.maximumf %reduce_sum3A_70, %max3A_72 : vector<2048xf32>
    %div3A_74 = arith.constant 1.000000e+00 : f32
    %div3A_75 = vector.broadcast %div3A_74 : f32 to vector<2048xf32>
    %div3A_76 = arith.divf %div3A_75, %max3A_73 : vector<2048xf32>
    %broadcast_in_dim3A_77 = vector.shape_cast %div3A_76 : vector<2048xf32> to vector<2048x1xf32>
    %mul3A_78 = vector.broadcast %broadcast_in_dim3A_77 : vector<2048x1xf32> to vector<2048x128xf32>
    %mul3A_79 = arith.mulf %add3A_63, %mul3A_78 : vector<2048x128xf32>
    %get3A_80 = arith.constant 1 : index
    %get3A_81 = arith.constant 0 : index
    %get3A_82 = arith.constant 0 : index
    %get3A_83 = vector.load %arg5[%get3A_80, %get3A_81, %get3A_82] : memref<3x128x128xf32, #tpu.memory_space<vmem>>, vector<1x128x128xf32>
    %get3A_84 = vector.shape_cast %get3A_83 : vector<1x128x128xf32> to vector<128x128xf32>
    %dot_general3A_85 = arith.constant dense<0.000000e+00> : vector<2048x128xf32>
    %dot_general3A_86 = tpu.matmul %mul3A_79, %get3A_84, %dot_general3A_85 {dimension_numbers = #tpu.dot_dimension_numbers<[1], [0], [0], [1], [0, 0, 1, 1], [], []>, transpose_lhs_hint = false} : vector<2048x128xf32>, vector<128x128xf32>, vector<2048x128xf32> -> vector<2048x128xf32>
    %add3A_87 = arith.addf %add3A_50, %dot_general3A_86 : vector<2048x128xf32>
    %get3A_88 = arith.constant 2 : index
    %get3A_89 = arith.constant 0 : index
    %get3A_90 = arith.constant 0 : index
    %get3A_91 = arith.constant 0 : index
    %get3A_92 = vector.load %arg2[%get3A_88, %get3A_89, %get3A_90, %get3A_91] : memref<3x2x2048x128xf32, #tpu.memory_space<vmem>>, vector<1x1x2048x128xf32>
    %get3A_93 = vector.shape_cast %get3A_92 : vector<1x1x2048x128xf32> to vector<2048x128xf32>
    %get3A_94 = arith.constant 2 : index
    %get3A_95 = arith.constant 1 : index
    %get3A_96 = arith.constant 0 : index
    %get3A_97 = arith.constant 0 : index
    %get3A_98 = vector.load %arg2[%get3A_94, %get3A_95, %get3A_96, %get3A_97] : memref<3x2x2048x128xf32, #tpu.memory_space<vmem>>, vector<1x1x2048x128xf32>
    %get3A_99 = vector.shape_cast %get3A_98 : vector<1x1x2048x128xf32> to vector<2048x128xf32>
    %add3A_100 = arith.addf %get3A_93, %get3A_99 : vector<2048x128xf32>
    %get3A_101 = arith.constant 2 : index
    %get3A_102 = arith.constant 0 : index
    %get3A_103 = arith.constant 0 : index
    %get3A_104 = vector.load %arg3[%get3A_101, %get3A_102, %get3A_103] : memref<3x32x2048xf32, #tpu.memory_space<vmem>>, vector<1x32x2048xf32>
    %get3A_105 = vector.shape_cast %get3A_104 : vector<1x32x2048xf32> to vector<32x2048xf32>
    %reduce_sum3A_106 = arith.constant dense<0.000000e+00> : vector<2048xf32>
    %reduce_sum3A_107 = vector.multi_reduction <add>, %get3A_105, %reduce_sum3A_106 [0] : vector<32x2048xf32> to vector<2048xf32>
    %max3A_108 = arith.constant 1.000000e+00 : f32
    %max3A_109 = vector.broadcast %max3A_108 : f32 to vector<2048xf32>
    %max3A_110 = arith.maximumf %reduce_sum3A_107, %max3A_109 : vector<2048xf32>
    %div3A_111 = arith.constant 1.000000e+00 : f32
    %div3A_112 = vector.broadcast %div3A_111 : f32 to vector<2048xf32>
    %div3A_113 = arith.divf %div3A_112, %max3A_110 : vector<2048xf32>
    %broadcast_in_dim3A_114 = vector.shape_cast %div3A_113 : vector<2048xf32> to vector<2048x1xf32>
    %mul3A_115 = vector.broadcast %broadcast_in_dim3A_114 : vector<2048x1xf32> to vector<2048x128xf32>
    %mul3A_116 = arith.mulf %add3A_100, %mul3A_115 : vector<2048x128xf32>
    %get3A_117 = arith.constant 2 : index
    %get3A_118 = arith.constant 0 : index
    %get3A_119 = arith.constant 0 : index
    %get3A_120 = vector.load %arg5[%get3A_117, %get3A_118, %get3A_119] : memref<3x128x128xf32, #tpu.memory_space<vmem>>, vector<1x128x128xf32>
    %get3A_121 = vector.shape_cast %get3A_120 : vector<1x128x128xf32> to vector<128x128xf32>
    %dot_general3A_122 = arith.constant dense<0.000000e+00> : vector<2048x128xf32>
    %dot_general3A_123 = tpu.matmul %mul3A_116, %get3A_121, %dot_general3A_122 {dimension_numbers = #tpu.dot_dimension_numbers<[1], [0], [0], [1], [0, 0, 1, 1], [], []>, transpose_lhs_hint = false} : vector<2048x128xf32>, vector<128x128xf32>, vector<2048x128xf32> -> vector<2048x128xf32>
    %add3A_124 = arith.addf %add3A_87, %dot_general3A_123 : vector<2048x128xf32>
    %get3A_125 = arith.constant 0 : index
    %get3A_126 = arith.constant 0 : index
    %get3A_127 = vector.load %arg6[%get3A_125, %get3A_126] : memref<3x128xf32, #tpu.memory_space<vmem>>, vector<1x128xf32>
    %get3A_128 = vector.shape_cast %get3A_127 : vector<1x128xf32> to vector<128xf32>
    %get3A_129 = arith.constant 1 : index
    %get3A_130 = arith.constant 0 : index
    %get3A_131 = vector.load %arg6[%get3A_129, %get3A_130] : memref<3x128xf32, #tpu.memory_space<vmem>>, vector<1x128xf32>
    %get3A_132 = vector.shape_cast %get3A_131 : vector<1x128xf32> to vector<128xf32>
    %add3A_133 = arith.addf %get3A_128, %get3A_132 : vector<128xf32>
    %get3A_134 = arith.constant 2 : index
    %get3A_135 = arith.constant 0 : index
    %get3A_136 = vector.load %arg6[%get3A_134, %get3A_135] : memref<3x128xf32, #tpu.memory_space<vmem>>, vector<1x128xf32>
    %get3A_137 = vector.shape_cast %get3A_136 : vector<1x128xf32> to vector<128xf32>
    %add3A_138 = arith.addf %add3A_133, %get3A_137 : vector<128xf32>
    %broadcast_in_dim3A_139 = vector.shape_cast %add3A_138 : vector<128xf32> to vector<1x128xf32>
    %add3A_140 = vector.broadcast %broadcast_in_dim3A_139 : vector<1x128xf32> to vector<2048x128xf32>
    %add3A_141 = arith.addf %add3A_124, %add3A_140 : vector<2048x128xf32>
    %swap3A = arith.constant 0 : index
    %swap3A_142 = arith.constant 0 : index
    %swap3A_143 = vector.load %arg7[%swap3A, %swap3A_142] : memref<2048x128xf32, #tpu.memory_space<vmem>>, vector<2048x128xf32>
    tpu.vector_store %arg7[%swap3A, %swap3A_142], %add3A_141 {strides = array<i32>} : memref<2048x128xf32, #tpu.memory_space<vmem>>, vector<2048x128xf32>,
    return
  }
  func.func @transform_0(%arg0: i32) -> (i32, i32) {
    %c0_i32 = arith.constant 0 : i32
    %c0_i32_0 = arith.constant 0 : i32
    return %arg0, %c0_i32 : i32, i32
  }
  func.func @transform_1(%arg0: i32) -> (i32, i32, i32, i32) {
    %c0_i32 = arith.constant 0 : i32
    %c0_i32_0 = arith.constant 0 : i32
    %c0_i32_1 = arith.constant 0 : i32
    %c0_i32_2 = arith.constant 0 : i32
    return %c0_i32, %c0_i32_0, %arg0, %c0_i32_1 : i32, i32, i32, i32
  }
  func.func @transform_2(%arg0: i32) -> (i32, i32, i32) {
    %c0_i32 = arith.constant 0 : i32
    %c0_i32_0 = arith.constant 0 : i32
    %c0_i32_1 = arith.constant 0 : i32
    return %c0_i32, %c0_i32_0, %arg0 : i32, i32, i32
  }
  func.func @transform_3(%arg0: i32) -> (i32, i32, i32) {
    %c0_i32 = arith.constant 0 : i32
    %c0_i32_0 = arith.constant 0 : i32
    %c0_i32_1 = arith.constant 0 : i32
    %c0_i32_2 = arith.constant 0 : i32
    return %c0_i32, %c0_i32_0, %c0_i32_1 : i32, i32, i32
  }
  func.func @transform_4(%arg0: i32) -> (i32, i32, i32) {
    %c0_i32 = arith.constant 0 : i32
    %c0_i32_0 = arith.constant 0 : i32
    %c0_i32_1 = arith.constant 0 : i32
    %c0_i32_2 = arith.constant 0 : i32
    return %c0_i32, %c0_i32_0, %c0_i32_1 : i32, i32, i32
  }
  func.func @transform_5(%arg0: i32) -> (i32, i32) {
    %c0_i32 = arith.constant 0 : i32
    %c0_i32_0 = arith.constant 0 : i32
    %c0_i32_1 = arith.constant 0 : i32
    return %c0_i32, %c0_i32_0 : i32, i32
  }
  func.func @transform_6(%arg0: i32) -> (i32, i32) {
    %c0_i32 = arith.constant 0 : i32
    %c0_i32_0 = arith.constant 0 : i32
    return %arg0, %c0_i32 : i32, i32
  }
}

</mosaic_0001>

<sc_bundles>
// kernel: kernel.10.cloned.1.call-start
scs
__scs_entry_jumppad:
0x0: {  	(pc) =	sbr.rel $0x88, $3  }
0x1: {  	(tag) =	ssettag $0x0;
	lr =	simm.s32 $0x1  }
0x2: {  	[smem:$0x3F97] =	sst lr;
	_ =	strace $0xD0000000  }
0x3: {  	_ = 	snop  }
0x4: {  	_ = 	snop  }
0x5: {  	_ = 	snop  }
0x6: {  	_ = 	snop  }
0x7: {  	_ = 	snop  }
__scs_overlays_trampoline_lowered:
0x8: {  	[smem:$0x3FA6] =	sst s0  }
0x9: {  	[smem:$0x3FA7] =	sst s1  }
0xa: {  	[smem:$0x3FA8] =	sst s2  }
0xb: {  	[smem:$0x3FA9] =	sst s3  }
0xc: {  	[smem:$0x3FAA] =	sst s4  }
0xd: {  	[smem:$0x3FAB] =	sst s5  }
0xe: {  	[smem:$0x3FAC] =	sst s6  }
0xf: {  	[smem:$0x3FAD] =	sst s7  }
0x10: {  	[smem:$0x3FAE] =	sst s8  }
0x11: {  	[smem:$0x3FAF] =	sst s9;
	s0 =	simm.s32 @!p0 $0x0  }
0x12: {  	s1 =	sld [smem:$0x3F95];
	s0 =	simm.s32 @p0 $0x1  }
0x13: {  	[smem:$0x3FB0] =	sst s0;
	s0 =	simm.s32 @!p1 $0x0  }
0x14: {  	s2 =	sld [smem:$0x3F94];
	s0 =	simm.s32 @p1 $0x1  }
0x15: {  	[smem:$0x3FB1] =	sst s0;
	s0 =	simm.s32 @!p2 $0x0  }
0x16: {  	s3 =	sld [smem:$0x3FDB];
	s0 =	simm.s32 @p2 $0x1  }
0x17: {  	s4 =	simm.s32 $0x1BF5;
	[smem:$0x3FB3] =	sst s0  }
0x18: {  	s0 =	sld [smem:$0x3F96];
	_ =	swait.ge [sflag:s4], $0x0  }
0x19: {  	s7 =	sld [smem:$0x3F97]  }
0x1a: {  	s8 =	sadd.s32 $0xFFFFE003, lr  }
0x1b: {  	s9 =	sadd.s32 $0xFFFFFEF7, lr;
	s5 =	simm.s32 $0xFFFFFFFF;
	p2 =	slt.u32 s8, $0xFFFFF086  }
0x1c: {  	p1 =	slt.u32 s9, $0xF7A;
	s5 =	simm.s32 @!p2 $0x0  }
0x1d: {  	s5 =	simm.s32 @p1 $0x1;
	p0 =	seq.s32 s7, s2  }
0x1e: {  	s7 =	smul.u32 @!p0 $0xF7A, s2;
	p2 =	seq.s32 @!p0 s5, $0x0  }
0x1f: {  	s9 =	smul.u32 $0xF7A, s1;
	s8 =	simm.s32 @!p0 $0x1BF5;
	p2 =	por !p2, p0  }
0x20: {  	[sflag:s8] =	ssyncset.s32 @!p0 $0xFFFFF086;
	s6 =	sadd.s32 @!p0 s3, s7;
	s7 =	simm.s32 @!p0 $0x108  }
0x21: {  	s3 =	sadd.s32 s3, s9;
	s6 =	sadd.s32 @!p0 $0x88, s6;
	s7 =	simm.s32 @p2 $0x1082  }
0x22: {  	[simem:s7], [sflag:s8] =	dma.local @!p0 [hbm:s6], $0xF7A  }
0x23: {  	s9 =	sor.u32 $0xD0000000, s2;
	s6 =	simm.s32 $0x108;
	_ =	swait.ge @!p0 [sflag:s8], $0x0  }
0x24: {  	s3 =	sadd.s32 $0x88, s3;
	s6 =	simm.s32 @!p1 $0x1082;
	[sflag:s4] =	ssyncset.s32 $0xFFFFF086  }
0x25: {  	[simem:s6], [sflag:s4] =	dma.local [hbm:s3], $0xF7A  }
0x26: {  	[smem:$0x3F97] =	sst s1;
	(tag) =	ssettag s2;
	_ =	strace s9  }
0x27: {  	s1 =	sld [smem:$0x3FA7]  }
0x28: {  	s2 =	sld [smem:$0x3FA8]  }
0x29: {  	s4 =	sld [smem:$0x3FAA]  }
0x2a: {  	p0 =	seq.s32 s5, $0x0;
	s5 =	sld [smem:$0x3FAB]  }
0x2b: {  	s6 =	sld [smem:$0x3FAC]  }
0x2c: {  	s7 =	sld [smem:$0x3FAD]  }
0x2d: {  	s3 =	simm.s32 $0x108;
	s8 =	sld [smem:$0x3FAE]  }
0x2e: {  	s3 =	simm.s32 @!p0 $0x1082;
	s9 =	sld [smem:$0x3FAF]  }
0x2f: {  	lr =	sadd.s32 s0, s3;
	s0 =	sld [smem:$0x3FA6]  }
0x30: {  	s3 =	sld [smem:$0x3FA9]  }
0x31: {  	[smem:$0x3FB2] =	sst s10  }
0x32: {  	s10 =	sld [smem:$0x3FB0];
	_ =	sdelay $0x3  }
0x33: {  	p0 =	seq.s32 s10, $0x1;
	s10 =	sld [smem:$0x3FB2];
	_ =	sdelay $0x3  }
0x34: {  	[smem:$0x3FB2] =	sst s10  }
0x35: {  	s10 =	sld [smem:$0x3FB1];
	_ =	sdelay $0x3  }
0x36: {  	p1 =	seq.s32 s10, $0x1;
	s10 =	sld [smem:$0x3FB2];
	_ =	sdelay $0x3  }
0x37: {  	[smem:$0x3FB2] =	sst s10  }
0x38: {  	s10 =	sld [smem:$0x3FB3]  }
0x39: {  	_ = 	snop;
	(pc) =	sbr.ind lr, $3  }
0x3a: {  	_ = 	snop  }
0x3b: {  	_ = 	snop  }
0x3c: {  	p2 =	seq.s32 s10, $0x1;
	s10 =	sld [smem:$0x3FB2]  }
0x3d: {  	_ =	shalt  }
0x3e: {  	_ =	shalt  }
0x3f: {  	_ =	shalt  }
0x40: {  	_ =	shalt  }
0x41: {  	_ =	shalt  }
0x42: {  	_ =	shalt  }
0x43: {  	_ =	shalt  }
0x44: {  	_ =	shalt  }
0x45: {  	_ =	shalt  }
0x46: {  	_ =	shalt  }
0x47: {  	_ =	shalt  }
0x48: {  	_ =	shalt  }
0x49: {  	_ =	shalt  }
0x4a: {  	_ =	shalt  }
0x4b: {  	_ =	shalt  }
0x4c: {  	_ =	shalt  }
0x4d: {  	_ =	shalt  }
0x4e: {  	_ =	shalt  }
0x4f: {  	_ =	shalt  }
0x50: {  	_ =	shalt  }
0x51: {  	_ =	shalt  }
0x52: {  	_ =	shalt  }
0x53: {  	_ =	shalt  }
0x54: {  	_ =	shalt  }
0x55: {  	_ =	shalt  }
0x56: {  	_ =	shalt  }
0x57: {  	_ =	shalt  }
0x58: {  	_ =	shalt  }
0x59: {  	_ =	shalt  }
0x5a: {  	_ =	shalt  }
0x5b: {  	_ =	shalt  }
0x5c: {  	_ =	shalt  }
0x5d: {  	_ =	shalt  }
0x5e: {  	_ =	shalt  }
0x5f: {  	_ =	shalt  }
0x60: {  	_ =	shalt  }
0x61: {  	_ =	shalt  }
0x62: {  	_ =	shalt  }
0x63: {  	_ =	shalt  }
0x64: {  	_ =	shalt  }
0x65: {  	_ =	shalt  }
0x66: {  	_ =	shalt  }
0x67: {  	_ =	shalt  }
0x68: {  	_ =	shalt  }
0x69: {  	_ =	shalt  }
0x6a: {  	_ =	shalt  }
0x6b: {  	_ =	shalt  }
0x6c: {  	_ =	shalt  }
0x6d: {  	_ =	shalt  }
0x6e: {  	_ =	shalt  }
0x6f: {  	_ =	shalt  }
0x70: {  	_ =	shalt  }
0x71: {  	_ =	shalt  }
0x72: {  	_ =	shalt  }
0x73: {  	_ =	shalt  }
0x74: {  	_ =	shalt  }
0x75: {  	_ =	shalt  }
0x76: {  	_ =	shalt  }
0x77: {  	_ =	shalt  }
0x78: {  	_ =	shalt  }
0x79: {  	_ =	shalt  }
0x7a: {  	_ =	shalt  }
0x7b: {  	_ =	shalt  }
0x7c: {  	_ =	shalt  }
0x7d: {  	_ =	shalt  }
0x7e: {  	_ =	shalt  }
0x7f: {  	_ =	shalt  }
0x80: {  	_ =	shalt  }
0x81: {  	_ =	shalt  }
0x82: {  	_ =	shalt  }
0x83: {  	_ =	shalt  }
0x84: {  	_ =	shalt  }
0x85: {  	_ =	shalt  }
0x86: {  	_ =	shalt  }
0x87: {  	_ =	shalt  }
.Lfunc_end0:
.L_simem_size_0:
called_computation.1_lowered:
.L_overlay_start_0:
0x88: {  	s2 =	sld [smem:$0x3FD9]  }
0x89: {  	s3 =	sld [smem:$0x3FFE];
	_ =	sdelay $0x1  }
0x8a: {  	s1 =	srdreg.scid  }
0x8b: {  	s0 =	sand.u32 $0x1, s1  }
0x8c: {  	s17 =	sshll.u32 s0, $0xA;
	s2 =	sadd.s32 s3, s2  }
0x8d: {  	s2 =	sadd.s32 s2, s17  }
0x8e: {  	[smem:$0x3FBE] =	sst s2  }
0x8f: {  	_ = 	snop  }
0x90: {  	(tm) =	ssettm $0x1  }
0x91: {  	s18 =	sld [smem:$0x3FFB];
	_ =	sdelay $0x3  }
0x92: {  	_ =	strace s18  }
0x93: {  	s2 =	sld [smem:$0x3FFC];
	_ =	sdelay $0x3  }
0x94: {  	_ =	strace s2  }
0x95: {  	s2 =	sld [smem:$0x3FFD];
	_ =	sdelay $0x3  }
0x96: {  	_ =	strace s2  }
0x97: {  	_ =	strace $0x8FFFFFFF  }
0x98: {  	s19 =	sld [smem:$0x3FDB];
	_ =	sdelay $0x1  }
0x99: {  	s20 =	simm.s32 $_scs_section_size  }
0x9a: {  	s4 =	simm.s32 $_size__tile_overlayer_lowered;
	s5 =	simm.s32 $_tile_overlayer_lowered  }
0x9b: {  	s6 =	simm.s32 $0x1BFF;
	s21 =	sshll.u32 s5, $0x1;
	s3 =	sadd.s32 s20, s19  }
0x9c: {  	s22 =	simm.s32 $0x0;
	s4 =	sshll.u32 s4, $0x1;
	s5 =	sadd.s32 s21, s3  }
0x9d: {  	[timem:s22], [sflag:s6] =	dma.local [hbm:s5], s4  }
0x9e: {  	_ =	swait.ge [sflag:s6], s4  }
0x9f: {  	s4 =	ssub.s32 $0x0, s4;
	[sflag:s6] =	ssyncset.done $0x0  }
0xa0: {  	[sflag:s6] =	ssyncadd.s32 s4;
	_ =	sdelay $0x1  }
0xa1: {  	s23 =	simm.s32 $0x1B8B  }
0xa2: {  	_ =	swait.ge [sflag:s23], $0x1  }
0xa3: {  	[sflag:s23] =	ssyncset.done $0x0  }
0xa4: {  	[sflag:s23] =	ssyncadd.s32 $0xFFFFFFFF  }
0xa5: {  	s4 =	sld [smem:$0x0]  }
0xa6: {  	s5 =	sand.u32 $0xFFFFFFFE, s1  }
0xa7: {  	p0 =	sne.s32 s1, s5  }
0xa8: {  	s5 =	sshll.u32 @p0 s5, $0xE  }
0xa9: {  	s5 =	sadd.s32 @p0 $0x11B8D, s5;
	s6 =	sshll.u32 @p0 s4, $0x11  }
0xaa: {  	s5 =	sor.u32 @p0 s6, s5  }
0xab: {  	[sflag:s5] =	ssyncadd.remote.s32 @p0 $0x1;
	_ =	sdelay $0x1  }
0xac: {  	s5 =	simm.s32 @p0 $0x1B8D  }
0xad: {  	_ =	swait.eq @p0 [sflag:s5], $0x1  }
0xae: {  	[sflag:s5] =	ssyncadd.s32 @p0 $0xFFFFFFFF  }
0xaf: {  	s6 =	sshll.u32 @!p0 s1, $0xE  }
0xb0: {  	s6 =	sor.u32 @!p0 $0x4000, s6;
	s5 =	simm.s32 @!p0 $0x1B8D  }
0xb1: {  	s4 =	sshll.u32 @!p0 s4, $0x11;
	s6 =	sadd.s32 @!p0 $0x11B8D, s6;
	_ =	swait.eq @!p0 [sflag:s5], $0x1  }
0xb2: {  	s4 =	sor.u32 @!p0 s4, s6;
	[sflag:s5] =	ssyncadd.s32 @!p0 $0xFFFFFFFF  }
0xb3: {  	s25 =	simm.s32 $0x1B8E;
	s24 =	sld [smem:$0x3FFE];
	[sflag:s4] =	ssyncadd.remote.s32 @!p0 $0x1  }
0xb4: {  	s26 =	simm.s32 $execute0_lowered;
	[smem:$0x3FD2] =	sst s25  }
0xb5: {  	s5 =	sshll.u32 s26, $0x1;
	_ =	strace $0x80000049;
	[dreg:$0x1] =	wrdreg $0xFFFFFFFF  }
0xb6: {  	s28 =	simm.s32 $_size_execute0_lowered;
	s3 =	sadd.s32 s3, s5;
	[dreg:$0x0] =	wrdreg $0x0  }
0xb7: {  	s5 =	sshll.u32 s28, $0x1;
	[dreg:$0x2] =	wrdreg s3  }
0xb8: {  	[dreg:$0x3] =	wrdreg s5  }
0xb9: {  	[dreg:$0x4] =	wrdreg $0xC0  }
0xba: {  	_ =	task [dreg:s22], $0x5FFFF  }
0xbb: {  	[dreg:$0x1] =	wrdreg $0xFFFFFFFF  }
0xbc: {  	[dreg:$0x0] =	wrdreg $0x60  }
0xbd: {  	[dreg:$0x2] =	wrdreg s24  }
0xbe: {  	[dreg:$0x3] =	wrdreg $0x0  }
0xbf: {  	[dreg:$0x4] =	wrdreg $0xA  }
0xc0: {  	_ =	task.clear_ibuf [dreg:s22], $0x5FFFF;
	_ =	strace $0x90000049  }
0xc1: {  	s29 =	simm.s32 $0xA;
	_ =	strace $0x8000004B  }
0xc2: {  	_ =	swait.ge [sflag:s29], $0x1  }
0xc3: {  	[sflag:s29] =	ssyncadd.s32 $0xFFFFFFFF  }
0xc4: {  	_ =	strace $0x9000004B  }
0xc5: {  	_ =	sfence  }
0xc6: {  	s30 =	sld [smem:$0x0];
	_ =	sdelay $0x2  }
0xc7: {  	s31 =	sshll.u32 s1, $0xD;
	s1 =	sshrl.u32 s1, $0x2  }
0xc8: {  	s4 =	sand.u32 $0x4000, s31;
	s1 =	sadd.s32 s1, s30  }
0xc9: {  	s0 =	sor.u32 s4, s0;
	s1 =	sshll.u32 s1, $0x11  }
0xca: {  	s0 =	sor.u32 s1, s0  }
0xcb: {  	s0 =	sadd.s32 $0x8F2B, s0  }
0xcc: {  	[sflag:s0] =	ssyncadd.remote.s32 $0x1  }
0xcd: {  	_ =	sfence.sel $0xFFFF  }
0xce: {  	[dreg:$0x0] =	wrdreg $0xFFFFFFFF;
	(pc) =	sbr.abs _section_cstart, $3  }
0xcf: {  	[dreg:$0x1] =	wrdreg $0xFFFFFFFF  }
0xd0: {  	_ =	task.clear_ibuf [dreg:s22], $0x2FFFF;
	_ =	strace $0x9FFFFFFF  }
0xd1: {  	(tm) =	ssettm $0x7FFFFFFF  }
tec
execute0_lowered:
.L_overlay_start_1:
0x0: {  	(tag) =	ssettag $0x1  }
0x1: {  	s0 =	rddreg [dreg:$0x0]  }
0x2: {  	s1 =	rddreg [dreg:$0x1];
	s2 =	srdreg.scid;
	s3 =	simm.s32 $0x0  }
0x3: {  	s8 =	stileid.u32;
	s28 =	simm.s32 $0x2;
	s29 =	simm.s32 $0x15380  }
0x4: {  	s30 =	simm.s32 $0x16700;
	s31 =	simm.s32 $0x16780;
	s2 =	sand.u32 $0x1, s2  }
0x5: {  	[smem:$0x7FF] =	sst s3;
	s6 =	smul.u32 $0x14000, s8;
	s4 =	sadd.s32 $0x2FE00, s0  }
0x6: {  	s10 =	sadd.s32 $0x20E00, s0;
	s19 =	smul.u32 $0x50000, s8;
	s11 =	sadd.s32 $0x11E00, s0  }
0x7: {  	s5 =	smul.u32 $0x140000, s2;
	_ =	strace $0x8000004A;
	s20 =	sshll.u32 s2, $0x4  }
0x8: {  	s2 =	ssub.s32 $0x2, s2;
	s8 =	sor.u32 s8, s20;
	s21 =	sshrl.u32 s19, $0x2  }
0x9: {  	s22 =	sshrl.u32 s2, $0x1;
	s20 =	simm.s32 $0x1A800;
	s5 =	sadd.s32 s6, s5  }
0xa: {  	s9 =	smul.u32 $0x1400, s8;
	s2 =	ssub.s32 s2, s22;
	s22 =	simm.s32 $0x14000  }
0xb: {  	s7 =	sshrl.u32 s5, $0x3;
	s5 =	sadd.s32 s21, s1;
	s19 =	smax.u32 s2, $0x1  }
0xc: {  	s21 =	simm.s32 $0x3;
	s0 =	sadd.s32 s7, s0;
	s6 =	sadd.s32 $0x4000, s5  }
0xd: {  	s7 =	sadd.s32 $0x8000, s5;
	s8 =	sadd.s32 $0xC000, s5;
	s16 =	sshrl.u32 s9, $0x3  }
0xe: {  	s9 =	sadd.s32 $0x10000, s5;
	s12 =	sadd.s32 s10, s16;
	s14 =	sadd.s32 $0x5000, s16  }
0xf: {  	s23 =	sadd.s32 s11, s16;
	s24 =	sadd.s32 $0x57E00, s0;
	[dreg:$0x3] =	wrdreg s12  }
0x10: {  	s15 =	sadd.s32 $0xA7E00, s0;
	s17 =	sadd.s32 $0xA000, s16;
	[dreg:$0x4] =	wrdreg s23  }
0x11: {  	s18 =	sadd.s32 $0xF7E00, s0;
	[dreg:$0x5] =	wrdreg s24;
	s25 =	sadd.s32 s10, s14  }
0x12: {  	s26 =	sadd.s32 s11, s14;
	s16 =	sadd.s32 s10, s17;
	s17 =	sadd.s32 s11, s17  }
0x13: {  	s23 =	simm.s32 $0x15400;
	s24 =	simm.s32 $0x7D;
	[dreg:$0x6] =	wrdreg s25  }
0x14: {  	v0 =	vimm.f32 $0.0e+00;
	[dreg:$0x7] =	wrdreg s26;
	s25 =	simm.s32 $0x16800;
	s26 =	simm.s32 $0x1  }
.LBB2_1:
0x15: {  	s0 =	simm.s32 $0x0;
	s2 =	simm.s32 $0x200  }
.LBB2_2:
0x16: {  	p0 =	sne.s32 s2, $0xFE00;
	[tilespmem:s0+$0x1A870] =	vst v0  }
0x17: {  	[tilespmem:s0+$0x1A800] =	vst v0  }
0x18: {  	[tilespmem:s0+$0x1A810] =	vst v0  }
.Ltmp0:
0x19: {  	[tilespmem:s0+$0x1A820] =	vst v0;
	(pc) =	sbr.rel @p0 .LBB2_2-.Ltmp0, $4  }
0x1a: {  	[tilespmem:s0+$0x1A830] =	vst v0  }
0x1b: {  	[tilespmem:s0+$0x1A840] =	vst v0  }
0x1c: {  	[tilespmem:s0+$0x1A850] =	vst v0  }
0x1d: {  	[tilespmem:s0+$0x1A860] =	vst v0;
	s0 =	sshra.s32 s2, $0x2;
	s2 =	sadd.s32 $0x200, s2  }
0x1e: {  	[tilespmem:s0+$0x1A870] =	vst v0  }
0x1f: {  	[tilespmem:s0+$0x1A800] =	vst v0  }
0x20: {  	[tilespmem:s0+$0x1A810] =	vst v0  }
0x21: {  	[tilespmem:s0+$0x1A820] =	vst v0  }
0x22: {  	[tilespmem:s0+$0x1A830] =	vst v0  }
0x23: {  	[tilespmem:s0+$0x1A840] =	vst v0  }
0x24: {  	[tilespmem:s0+$0x1A850] =	vst v0  }
0x25: {  	[tilespmem:s0+$0x1A860] =	vst v0  }
0x26: {  	[spmem:s5] =	stream.linear.scatter [tilespmem:s20], [sflag:$0x3], $0x4000, $0x38;
	[tilespmem:$0x1E800] =	vst v63  }
0x27: {  	_ =	swait.ge [sflag:s21], $0x4000  }
0x28: {  	[sflag:s21] =	ssyncset.done $0x0  }
0x29: {  	[sflag:s21] =	ssyncadd.s32 $0xFFFFC000  }
0x2a: {  	[spmem:s6] =	stream.linear.scatter [tilespmem:s20], [sflag:$0x3], $0x4000, $0x38;
	[tilespmem:$0x1E800] =	vst v63  }
0x2b: {  	_ =	swait.ge [sflag:s21], $0x4000  }
0x2c: {  	[sflag:s21] =	ssyncset.done $0x0  }
0x2d: {  	[sflag:s21] =	ssyncadd.s32 $0xFFFFC000  }
0x2e: {  	[spmem:s7] =	stream.linear.scatter [tilespmem:s20], [sflag:$0x3], $0x4000, $0x38;
	[tilespmem:$0x1E800] =	vst v63  }
0x2f: {  	_ =	swait.ge [sflag:s21], $0x4000  }
0x30: {  	[sflag:s21] =	ssyncset.done $0x0  }
0x31: {  	[sflag:s21] =	ssyncadd.s32 $0xFFFFC000  }
0x32: {  	[spmem:s8] =	stream.linear.scatter [tilespmem:s20], [sflag:$0x3], $0x4000, $0x38;
	[tilespmem:$0x1E800] =	vst v63  }
0x33: {  	_ =	swait.ge [sflag:s21], $0x4000  }
0x34: {  	[sflag:s21] =	ssyncset.done $0x0  }
0x35: {  	[sflag:s21] =	ssyncadd.s32 $0xFFFFC000  }
0x36: {  	[spmem:s9] =	stream.linear.scatter [tilespmem:s20], [sflag:$0x3], $0x4000, $0x38;
	[tilespmem:$0x1E800] =	vst v63  }
0x37: {  	_ =	swait.ge [sflag:s21], $0x4000  }
0x38: {  	[sflag:s21] =	ssyncset.done $0x0  }
0x39: {  	[sflag:s21] =	ssyncadd.s32 $0xFFFFC000  }
0x3a: {  	[bflag:$0x0] =	sbarrier.arrive $0xFFFF  }
0x3b: {  	s14 =	simm.s32 $0x0;
	s2 =	rddreg [dreg:$0x3]  }
0x3c: {  	[tilespmem:s22], [sflag:$0x3] =	stream.linear.gather [hbm4b:s2+s14], $0x1400, $0x38;
	[tilespmem:$0x1E800] =	vst v63  }
0x3d: {  	_ =	swait.ge [sflag:s21], $0x1400  }
0x3e: {  	[sflag:s21] =	ssyncset.done $0x0  }
0x3f: {  	s10 =	rddreg [dreg:$0x4];
	[sflag:s21] =	ssyncadd.s32 $0xFFFFEC00  }
0x40: {  	[tilespmem:s23], [sflag:$0x3] =	stream.linear.gather [hbm4b:s10+s14], $0x1400, $0x38;
	[tilespmem:$0x1E800] =	vst v63  }
0x41: {  	_ =	swait.ge [sflag:s21], $0x1400  }
0x42: {  	[sflag:s21] =	ssyncset.done $0x0  }
0x43: {  	[sflag:s21] =	ssyncadd.s32 $0xFFFFEC00  }
0x44: {  	[tilespmem:s25], [sflag:$0x1] =	stream.indirect.gather [hbm4b:s4+s24], $0x80, s22, s24, $0xb8;
	[tilespmem:$0x1E800] =	vst v63  }
0x45: {  	s11 =	simm.s32 $0x14080  }
0x46: {  	[tilespmem:s20], [sflag:$0x2] =	stream.indirect.gather [hbm4b:s4+s24], $0x80, s11, s24, $0xb8;
	[tilespmem:$0x1E800] =	vst v63  }
0x47: {  	_ =	swait.ge [sflag:s26], $0x3E80  }
0x48: {  	[sflag:s26] =	ssyncset.done $0x0  }
0x49: {  	s12 =	simm.s32 $0x15400;
	[sflag:s26] =	ssyncadd.s32 $0xFFFFC180  }
0x4a: {  	[spmem:s1] =	stream.indirect.scatter.add.f32 [tilespmem:s25], [sflag:$0x3], $0x80, s12, s24, $0xb8;
	[tilespmem:$0x1E800] =	vst v63  }
0x4b: {  	_ =	swait.ge [sflag:s21], $0x3E80  }
0x4c: {  	[sflag:s21] =	ssyncset.done $0x0  }
0x4d: {  	s13 =	simm.s32 $0x14100;
	[sflag:s21] =	ssyncadd.s32 $0xFFFFC180  }
0x4e: {  	[tilespmem:s25], [sflag:$0x1] =	stream.indirect.gather [hbm4b:s4+s24], $0x80, s13, s24, $0xb8;
	[tilespmem:$0x1E800] =	vst v63  }
0x4f: {  	_ =	swait.ge [sflag:s28], $0x3E80  }
0x50: {  	[sflag:s28] =	ssyncset.done $0x0  }
0x51: {  	s14 =	simm.s32 $0x15480;
	[sflag:s28] =	ssyncadd.s32 $0xFFFFC180  }
0x52: {  	[spmem:s1] =	stream.indirect.scatter.add.f32 [tilespmem:s20], [sflag:$0x3], $0x80, s14, s24, $0xb8;
	[tilespmem:$0x1E800] =	vst v63  }
0x53: {  	_ =	swait.ge [sflag:s21], $0x3E80  }
0x54: {  	s0 =	simm.s32 $0x100;
	s2 =	simm.s32 $0x800;
	[sflag:s21] =	ssyncset.done $0x0  }
.LBB2_4:
0x55: {  	s10 =	sadd.s32 $0x14080, s0  }
0x56: {  	[sflag:s21] =	ssyncadd.s32 $0xFFFFC180;
	s11 =	smov.u32 s2;
	s12 =	sadd.s32 $0x400, s2  }
0x57: {  	[tilespmem:s20], [sflag:$0x2] =	stream.indirect.gather [hbm4b:s4+s24], $0x80, s10, s24, $0xb8;
	[tilespmem:$0x1E800] =	vst v63  }
0x58: {  	p0 =	sne.s32 s2, $0x4800;
	_ =	swait.ge [sflag:s26], $0x3E80  }
0x59: {  	[sflag:s26] =	ssyncset.done $0x0  }
0x5a: {  	s2 =	sadd.s32 $0x15400, s0;
	[sflag:s26] =	ssyncadd.s32 $0xFFFFC180  }
0x5b: {  	[spmem:s1] =	stream.indirect.scatter.add.f32 [tilespmem:s25], [sflag:$0x3], $0x80, s2, s24, $0xb8;
	[tilespmem:$0x1E800] =	vst v63  }
0x5c: {  	_ =	swait.ge [sflag:s21], $0x3E80  }
0x5d: {  	[sflag:s21] =	ssyncset.done $0x0  }
0x5e: {  	s2 =	sadd.s32 $0x14100, s0;
	[sflag:s21] =	ssyncadd.s32 $0xFFFFC180  }
0x5f: {  	[tilespmem:s25], [sflag:$0x1] =	stream.indirect.gather [hbm4b:s4+s24], $0x80, s2, s24, $0xb8;
	[tilespmem:$0x1E800] =	vst v63  }
0x60: {  	_ =	swait.ge [sflag:s28], $0x3E80  }
.Ltmp1:
0x61: {  	[sflag:s28] =	ssyncset.done $0x0;
	(pc) =	sbr.rel @p0 .LBB2_4-.Ltmp1, $4  }
0x62: {  	s0 =	sadd.s32 $0x15480, s0;
	[sflag:s28] =	ssyncadd.s32 $0xFFFFC180  }
0x63: {  	[spmem:s1] =	stream.indirect.scatter.add.f32 [tilespmem:s20], [sflag:$0x3], $0x80, s0, s24, $0xb8;
	[tilespmem:$0x1E800] =	vst v63  }
0x64: {  	_ =	swait.ge [sflag:s21], $0x3E80  }
0x65: {  	s2 =	smov.u32 s12;
	s0 =	sshra.s32 s11, $0x2;
	[sflag:s21] =	ssyncset.done $0x0  }
0x66: {  	s2 =	sadd.s32 $0x14080, s0;
	[sflag:s21] =	ssyncadd.s32 $0xFFFFC180  }
0x67: {  	[tilespmem:s20], [sflag:$0x2] =	stream.indirect.gather [hbm4b:s4+s24], $0x80, s2, s24, $0xb8;
	[tilespmem:$0x1E800] =	vst v63  }
0x68: {  	_ =	swait.ge [sflag:s26], $0x3E80  }
0x69: {  	[sflag:s26] =	ssyncset.done $0x0  }
0x6a: {  	s11 =	sadd.s32 $0x15400, s0;
	[sflag:s26] =	ssyncadd.s32 $0xFFFFC180  }
0x6b: {  	[spmem:s1] =	stream.indirect.scatter.add.f32 [tilespmem:s25], [sflag:$0x3], $0x80, s11, s24, $0xb8;
	[tilespmem:$0x1E800] =	vst v63  }
0x6c: {  	_ =	swait.ge [sflag:s21], $0x3E80  }
0x6d: {  	[sflag:s21] =	ssyncset.done $0x0  }
0x6e: {  	s12 =	sadd.s32 $0x14100, s0;
	[sflag:s21] =	ssyncadd.s32 $0xFFFFC180  }
0x6f: {  	[tilespmem:s25], [sflag:$0x1] =	stream.indirect.gather [hbm4b:s4+s24], $0x80, s12, s24, $0xb8;
	[tilespmem:$0x1E800] =	vst v63  }
0x70: {  	_ =	swait.ge [sflag:s28], $0x3E80  }
0x71: {  	[sflag:s28] =	ssyncset.done $0x0  }
0x72: {  	s13 =	sadd.s32 $0x15480, s0;
	[sflag:s28] =	ssyncadd.s32 $0xFFFFC180  }
0x73: {  	[spmem:s1] =	stream.indirect.scatter.add.f32 [tilespmem:s20], [sflag:$0x3], $0x80, s13, s24, $0xb8;
	[tilespmem:$0x1E800] =	vst v63  }
0x74: {  	_ =	swait.ge [sflag:s21], $0x3E80  }
0x75: {  	[sflag:s21] =	ssyncset.done $0x0  }
0x76: {  	[sflag:s21] =	ssyncadd.s32 $0xFFFFC180  }
0x77: {  	[tilespmem:s20], [sflag:$0x2] =	stream.indirect.gather [hbm4b:s4+s24], $0x80, s29, s24, $0xb8;
	[tilespmem:$0x1E800] =	vst v63  }
0x78: {  	_ =	swait.ge [sflag:s26], $0x3E80  }
0x79: {  	[sflag:s26] =	ssyncset.done $0x0  }
0x7a: {  	[sflag:s26] =	ssyncadd.s32 $0xFFFFC180  }
0x7b: {  	[spmem:s1] =	stream.indirect.scatter.add.f32 [tilespmem:s25], [sflag:$0x3], $0x80, s30, s24, $0xb8;
	[tilespmem:$0x1E800] =	vst v63  }
0x7c: {  	_ =	swait.ge [sflag:s21], $0x3E80  }
0x7d: {  	[sflag:s21] =	ssyncset.done $0x0  }
0x7e: {  	[sflag:s21] =	ssyncadd.s32 $0xFFFFC180  }
0x7f: {  	_ =	swait.ge [sflag:s28], $0x3E80  }
0x80: {  	[sflag:s28] =	ssyncset.done $0x0  }
0x81: {  	[sflag:s28] =	ssyncadd.s32 $0xFFFFC180  }
0x82: {  	[spmem:s1] =	stream.indirect.scatter.add.f32 [tilespmem:s20], [sflag:$0x3], $0x80, s31, s24, $0xb8;
	[tilespmem:$0x1E800] =	vst v63  }
0x83: {  	_ =	swait.ge [sflag:s21], $0x3E80  }
0x84: {  	[sflag:s21] =	ssyncset.done $0x0  }
0x85: {  	s14 =	stileid.u32;
	[sflag:s21] =	ssyncadd.s32 $0xFFFFC180  }
0x86: {  	s0 =	sshll.u32 s14, $0x6;
	[bflag:$0x0] =	sbarrier.arrive $0xFFFF  }
0x87: {  	s2 =	sshrl.u32 s5, $0x3;
	s0 =	sor.u32 $0x1C03, s0;
	s10 =	rddreg [dreg:$0x5]  }
0x88: {  	[hbm:s10], [sflag:s0] =	dma.local [spmem:s2], $0x2800  }
0x89: {  	_ =	swait.ge [sflag:s21], $0x2800  }
0x8a: {  	[sflag:s21] =	ssyncset.done $0x0  }
0x8b: {  	[sflag:s21] =	ssyncadd.s32 $0xFFFFD800  }
0x8c: {  	s11 =	simm.s32 $0x200;
	s10 =	simm.s32 $0x0;
	[bflag:$0x0] =	sbarrier.arrive $0xFFFF  }
.LBB2_6:
0x8d: {  	p0 =	sne.s32 s11, $0xFE00;
	[tilespmem:s10+$0x1A870] =	vst v0  }
0x8e: {  	[tilespmem:s10+$0x1A800] =	vst v0  }
0x8f: {  	[tilespmem:s10+$0x1A810] =	vst v0  }
.Ltmp2:
0x90: {  	[tilespmem:s10+$0x1A820] =	vst v0;
	(pc) =	sbr.rel @p0 .LBB2_6-.Ltmp2, $4  }
0x91: {  	[tilespmem:s10+$0x1A830] =	vst v0  }
0x92: {  	[tilespmem:s10+$0x1A840] =	vst v0  }
0x93: {  	[tilespmem:s10+$0x1A850] =	vst v0  }
0x94: {  	[tilespmem:s10+$0x1A860] =	vst v0;
	s10 =	sshra.s32 s11, $0x2;
	s11 =	sadd.s32 $0x200, s11  }
0x95: {  	[tilespmem:s10+$0x1A870] =	vst v0  }
0x96: {  	[tilespmem:s10+$0x1A800] =	vst v0  }
0x97: {  	[tilespmem:s10+$0x1A810] =	vst v0  }
0x98: {  	[tilespmem:s10+$0x1A820] =	vst v0  }
0x99: {  	[tilespmem:s10+$0x1A830] =	vst v0  }
0x9a: {  	[tilespmem:s10+$0x1A840] =	vst v0  }
0x9b: {  	[tilespmem:s10+$0x1A850] =	vst v0  }
0x9c: {  	[tilespmem:s10+$0x1A860] =	vst v0  }
0x9d: {  	[spmem:s5] =	stream.linear.scatter [tilespmem:s20], [sflag:$0x3], $0x4000, $0x38;
	[tilespmem:$0x1E800] =	vst v63  }
0x9e: {  	_ =	swait.ge [sflag:s21], $0x4000  }
0x9f: {  	[sflag:s21] =	ssyncset.done $0x0  }
0xa0: {  	[sflag:s21] =	ssyncadd.s32 $0xFFFFC000  }
0xa1: {  	[spmem:s6] =	stream.linear.scatter [tilespmem:s20], [sflag:$0x3], $0x4000, $0x38;
	[tilespmem:$0x1E800] =	vst v63  }
0xa2: {  	_ =	swait.ge [sflag:s21], $0x4000  }
0xa3: {  	[sflag:s21] =	ssyncset.done $0x0  }
0xa4: {  	[sflag:s21] =	ssyncadd.s32 $0xFFFFC000  }
0xa5: {  	[spmem:s7] =	stream.linear.scatter [tilespmem:s20], [sflag:$0x3], $0x4000, $0x38;
	[tilespmem:$0x1E800] =	vst v63  }
0xa6: {  	_ =	swait.ge [sflag:s21], $0x4000  }
0xa7: {  	[sflag:s21] =	ssyncset.done $0x0  }
0xa8: {  	[sflag:s21] =	ssyncadd.s32 $0xFFFFC000  }
0xa9: {  	[spmem:s8] =	stream.linear.scatter [tilespmem:s20], [sflag:$0x3], $0x4000, $0x38;
	[tilespmem:$0x1E800] =	vst v63  }
0xaa: {  	_ =	swait.ge [sflag:s21], $0x4000  }
0xab: {  	[sflag:s21] =	ssyncset.done $0x0  }
0xac: {  	[sflag:s21] =	ssyncadd.s32 $0xFFFFC000  }
0xad: {  	[spmem:s9] =	stream.linear.scatter [tilespmem:s20], [sflag:$0x3], $0x4000, $0x38;
	[tilespmem:$0x1E800] =	vst v63  }
0xae: {  	_ =	swait.ge [sflag:s21], $0x4000  }
0xaf: {  	[sflag:s21] =	ssyncset.done $0x0  }
0xb0: {  	[sflag:s21] =	ssyncadd.s32 $0xFFFFC000  }
0xb1: {  	[bflag:$0x0] =	sbarrier.arrive $0xFFFF  }
0xb2: {  	s13 =	simm.s32 $0x0;
	s11 =	rddreg [dreg:$0x6]  }
0xb3: {  	[tilespmem:s22], [sflag:$0x3] =	stream.linear.gather [hbm4b:s11+s13], $0x1400, $0x38;
	[tilespmem:$0x1E800] =	vst v63  }
0xb4: {  	_ =	swait.ge [sflag:s21], $0x1400  }
0xb5: {  	[sflag:s21] =	ssyncset.done $0x0  }
0xb6: {  	s14 =	rddreg [dreg:$0x7];
	[sflag:s21] =	ssyncadd.s32 $0xFFFFEC00  }
0xb7: {  	[tilespmem:s23], [sflag:$0x3] =	stream.linear.gather [hbm4b:s14+s13], $0x1400, $0x38;
	[tilespmem:$0x1E800] =	vst v63  }
0xb8: {  	_ =	swait.ge [sflag:s21], $0x1400  }
0xb9: {  	[sflag:s21] =	ssyncset.done $0x0  }
0xba: {  	[sflag:s21] =	ssyncadd.s32 $0xFFFFEC00  }
0xbb: {  	[tilespmem:s25], [sflag:$0x1] =	stream.indirect.gather [hbm4b:s4+s24], $0x80, s22, s24, $0xb8;
	[tilespmem:$0x1E800] =	vst v63  }
0xbc: {  	s11 =	simm.s32 $0x14080  }
0xbd: {  	[tilespmem:s20], [sflag:$0x2] =	stream.indirect.gather [hbm4b:s4+s24], $0x80, s11, s24, $0xb8;
	[tilespmem:$0x1E800] =	vst v63  }
0xbe: {  	_ =	swait.ge [sflag:s26], $0x3E80  }
0xbf: {  	[sflag:s26] =	ssyncset.done $0x0  }
0xc0: {  	s12 =	simm.s32 $0x15400;
	[sflag:s26] =	ssyncadd.s32 $0xFFFFC180  }
0xc1: {  	[spmem:s1] =	stream.indirect.scatter.add.f32 [tilespmem:s25], [sflag:$0x3], $0x80, s12, s24, $0xb8;
	[tilespmem:$0x1E800] =	vst v63  }
0xc2: {  	_ =	swait.ge [sflag:s21], $0x3E80  }
0xc3: {  	[sflag:s21] =	ssyncset.done $0x0  }
0xc4: {  	s13 =	simm.s32 $0x14100;
	[sflag:s21] =	ssyncadd.s32 $0xFFFFC180  }
0xc5: {  	[tilespmem:s25], [sflag:$0x1] =	stream.indirect.gather [hbm4b:s4+s24], $0x80, s13, s24, $0xb8;
	[tilespmem:$0x1E800] =	vst v63  }
0xc6: {  	_ =	swait.ge [sflag:s28], $0x3E80  }
0xc7: {  	[sflag:s28] =	ssyncset.done $0x0  }
0xc8: {  	s14 =	simm.s32 $0x15480;
	[sflag:s28] =	ssyncadd.s32 $0xFFFFC180  }
0xc9: {  	[spmem:s1] =	stream.indirect.scatter.add.f32 [tilespmem:s20], [sflag:$0x3], $0x80, s14, s24, $0xb8;
	[tilespmem:$0x1E800] =	vst v63  }
0xca: {  	_ =	swait.ge [sflag:s21], $0x3E80  }
0xcb: {  	s10 =	simm.s32 $0x100;
	s11 =	simm.s32 $0x800;
	[sflag:s21] =	ssyncset.done $0x0  }
.LBB2_8:
0xcc: {  	s12 =	sadd.s32 $0x14080, s10  }
0xcd: {  	[sflag:s21] =	ssyncadd.s32 $0xFFFFC180;
	s13 =	smov.u32 s11;
	s14 =	sadd.s32 $0x400, s11  }
0xce: {  	[tilespmem:s20], [sflag:$0x2] =	stream.indirect.gather [hbm4b:s4+s24], $0x80, s12, s24, $0xb8;
	[tilespmem:$0x1E800] =	vst v63  }
0xcf: {  	p0 =	sne.s32 s11, $0x4800;
	_ =	swait.ge [sflag:s26], $0x3E80  }
0xd0: {  	[sflag:s26] =	ssyncset.done $0x0  }
0xd1: {  	s11 =	sadd.s32 $0x15400, s10;
	[sflag:s26] =	ssyncadd.s32 $0xFFFFC180  }
0xd2: {  	[spmem:s1] =	stream.indirect.scatter.add.f32 [tilespmem:s25], [sflag:$0x3], $0x80, s11, s24, $0xb8;
	[tilespmem:$0x1E800] =	vst v63  }
0xd3: {  	_ =	swait.ge [sflag:s21], $0x3E80  }
0xd4: {  	[sflag:s21] =	ssyncset.done $0x0  }
0xd5: {  	s11 =	sadd.s32 $0x14100, s10;
	[sflag:s21] =	ssyncadd.s32 $0xFFFFC180  }
0xd6: {  	[tilespmem:s25], [sflag:$0x1] =	stream.indirect.gather [hbm4b:s4+s24], $0x80, s11, s24, $0xb8;
	[tilespmem:$0x1E800] =	vst v63  }
0xd7: {  	_ =	swait.ge [sflag:s28], $0x3E80  }
.Ltmp3:
0xd8: {  	[sflag:s28] =	ssyncset.done $0x0;
	(pc) =	sbr.rel @p0 .LBB2_8-.Ltmp3, $4  }
0xd9: {  	s10 =	sadd.s32 $0x15480, s10;
	[sflag:s28] =	ssyncadd.s32 $0xFFFFC180  }
0xda: {  	[spmem:s1] =	stream.indirect.scatter.add.f32 [tilespmem:s20], [sflag:$0x3], $0x80, s10, s24, $0xb8;
	[tilespmem:$0x1E800] =	vst v63  }
0xdb: {  	_ =	swait.ge [sflag:s21], $0x3E80  }
0xdc: {  	s11 =	smov.u32 s14;
	s10 =	sshra.s32 s13, $0x2;
	[sflag:s21] =	ssyncset.done $0x0  }
0xdd: {  	s11 =	sadd.s32 $0x14080, s10;
	[sflag:s21] =	ssyncadd.s32 $0xFFFFC180  }
0xde: {  	[tilespmem:s20], [sflag:$0x2] =	stream.indirect.gather [hbm4b:s4+s24], $0x80, s11, s24, $0xb8;
	[tilespmem:$0x1E800] =	vst v63  }
0xdf: {  	_ =	swait.ge [sflag:s26], $0x3E80  }
0xe0: {  	[sflag:s26] =	ssyncset.done $0x0  }
0xe1: {  	s12 =	sadd.s32 $0x15400, s10;
	[sflag:s26] =	ssyncadd.s32 $0xFFFFC180  }
0xe2: {  	[spmem:s1] =	stream.indirect.scatter.add.f32 [tilespmem:s25], [sflag:$0x3], $0x80, s12, s24, $0xb8;
	[tilespmem:$0x1E800] =	vst v63  }
0xe3: {  	_ =	swait.ge [sflag:s21], $0x3E80  }
0xe4: {  	[sflag:s21] =	ssyncset.done $0x0  }
0xe5: {  	s13 =	sadd.s32 $0x14100, s10;
	[sflag:s21] =	ssyncadd.s32 $0xFFFFC180  }
0xe6: {  	[tilespmem:s25], [sflag:$0x1] =	stream.indirect.gather [hbm4b:s4+s24], $0x80, s13, s24, $0xb8;
	[tilespmem:$0x1E800] =	vst v63  }
0xe7: {  	_ =	swait.ge [sflag:s28], $0x3E80  }
0xe8: {  	[sflag:s28] =	ssyncset.done $0x0  }
0xe9: {  	s14 =	sadd.s32 $0x15480, s10;
	[sflag:s28] =	ssyncadd.s32 $0xFFFFC180  }
0xea: {  	[spmem:s1] =	stream.indirect.scatter.add.f32 [tilespmem:s20], [sflag:$0x3], $0x80, s14, s24, $0xb8;
	[tilespmem:$0x1E800] =	vst v63  }
0xeb: {  	_ =	swait.ge [sflag:s21], $0x3E80  }
0xec: {  	[sflag:s21] =	ssyncset.done $0x0  }
0xed: {  	[sflag:s21] =	ssyncadd.s32 $0xFFFFC180  }
0xee: {  	[tilespmem:s20], [sflag:$0x2] =	stream.indirect.gather [hbm4b:s4+s24], $0x80, s29, s24, $0xb8;
	[tilespmem:$0x1E800] =	vst v63  }
0xef: {  	_ =	swait.ge [sflag:s26], $0x3E80  }
0xf0: {  	[sflag:s26] =	ssyncset.done $0x0  }
0xf1: {  	[sflag:s26] =	ssyncadd.s32 $0xFFFFC180  }
0xf2: {  	[spmem:s1] =	stream.indirect.scatter.add.f32 [tilespmem:s25], [sflag:$0x3], $0x80, s30, s24, $0xb8;
	[tilespmem:$0x1E800] =	vst v63  }
0xf3: {  	_ =	swait.ge [sflag:s21], $0x3E80  }
0xf4: {  	[sflag:s21] =	ssyncset.done $0x0  }
0xf5: {  	[sflag:s21] =	ssyncadd.s32 $0xFFFFC180  }
0xf6: {  	_ =	swait.ge [sflag:s28], $0x3E80  }
0xf7: {  	[sflag:s28] =	ssyncset.done $0x0  }
0xf8: {  	[sflag:s28] =	ssyncadd.s32 $0xFFFFC180  }
0xf9: {  	[spmem:s1] =	stream.indirect.scatter.add.f32 [tilespmem:s20], [sflag:$0x3], $0x80, s31, s24, $0xb8;
	[tilespmem:$0x1E800] =	vst v63  }
0xfa: {  	_ =	swait.ge [sflag:s21], $0x3E80  }
0xfb: {  	[sflag:s21] =	ssyncset.done $0x0  }
0xfc: {  	[sflag:s21] =	ssyncadd.s32 $0xFFFFC180  }
0xfd: {  	[bflag:$0x0] =	sbarrier.arrive $0xFFFF  }
0xfe: {  	[hbm:s15], [sflag:s0] =	dma.local [spmem:s2], $0x2800  }
0xff: {  	_ =	swait.ge [sflag:s21], $0x2800  }
0x100: {  	[sflag:s21] =	ssyncset.done $0x0  }
0x101: {  	[sflag:s21] =	ssyncadd.s32 $0xFFFFD800  }
0x102: {  	s10 =	simm.s32 $0x0;
	s11 =	simm.s32 $0x200;
	[bflag:$0x0] =	sbarrier.arrive $0xFFFF  }
.LBB2_10:
0x103: {  	p0 =	sne.s32 s11, $0xFE00;
	[tilespmem:s10+$0x1A870] =	vst v0  }
0x104: {  	[tilespmem:s10+$0x1A800] =	vst v0  }
0x105: {  	[tilespmem:s10+$0x1A810] =	vst v0  }
.Ltmp4:
0x106: {  	[tilespmem:s10+$0x1A820] =	vst v0;
	(pc) =	sbr.rel @p0 .LBB2_10-.Ltmp4, $4  }
0x107: {  	[tilespmem:s10+$0x1A830] =	vst v0  }
0x108: {  	[tilespmem:s10+$0x1A840] =	vst v0  }
0x109: {  	[tilespmem:s10+$0x1A850] =	vst v0  }
0x10a: {  	[tilespmem:s10+$0x1A860] =	vst v0;
	s10 =	sshra.s32 s11, $0x2;
	s11 =	sadd.s32 $0x200, s11  }
0x10b: {  	[tilespmem:s10+$0x1A870] =	vst v0  }
0x10c: {  	[tilespmem:s10+$0x1A800] =	vst v0  }
0x10d: {  	[tilespmem:s10+$0x1A810] =	vst v0  }
0x10e: {  	[tilespmem:s10+$0x1A820] =	vst v0  }
0x10f: {  	[tilespmem:s10+$0x1A830] =	vst v0  }
0x110: {  	[tilespmem:s10+$0x1A840] =	vst v0  }
0x111: {  	[tilespmem:s10+$0x1A850] =	vst v0  }
0x112: {  	[tilespmem:s10+$0x1A860] =	vst v0  }
0x113: {  	[spmem:s5] =	stream.linear.scatter [tilespmem:s20], [sflag:$0x3], $0x4000, $0x38;
	[tilespmem:$0x1E800] =	vst v63  }
0x114: {  	_ =	swait.ge [sflag:s21], $0x4000  }
0x115: {  	[sflag:s21] =	ssyncset.done $0x0  }
0x116: {  	[sflag:s21] =	ssyncadd.s32 $0xFFFFC000  }
0x117: {  	[spmem:s6] =	stream.linear.scatter [tilespmem:s20], [sflag:$0x3], $0x4000, $0x38;
	[tilespmem:$0x1E800] =	vst v63  }
0x118: {  	_ =	swait.ge [sflag:s21], $0x4000  }
0x119: {  	[sflag:s21] =	ssyncset.done $0x0  }
0x11a: {  	[sflag:s21] =	ssyncadd.s32 $0xFFFFC000  }
0x11b: {  	[spmem:s7] =	stream.linear.scatter [tilespmem:s20], [sflag:$0x3], $0x4000, $0x38;
	[tilespmem:$0x1E800] =	vst v63  }
0x11c: {  	_ =	swait.ge [sflag:s21], $0x4000  }
0x11d: {  	[sflag:s21] =	ssyncset.done $0x0  }
0x11e: {  	[sflag:s21] =	ssyncadd.s32 $0xFFFFC000  }
0x11f: {  	[spmem:s8] =	stream.linear.scatter [tilespmem:s20], [sflag:$0x3], $0x4000, $0x38;
	[tilespmem:$0x1E800] =	vst v63  }
0x120: {  	_ =	swait.ge [sflag:s21], $0x4000  }
0x121: {  	[sflag:s21] =	ssyncset.done $0x0  }
0x122: {  	[sflag:s21] =	ssyncadd.s32 $0xFFFFC000  }
0x123: {  	[spmem:s9] =	stream.linear.scatter [tilespmem:s20], [sflag:$0x3], $0x4000, $0x38;
	[tilespmem:$0x1E800] =	vst v63  }
0x124: {  	_ =	swait.ge [sflag:s21], $0x4000  }
0x125: {  	[sflag:s21] =	ssyncset.done $0x0  }
0x126: {  	[sflag:s21] =	ssyncadd.s32 $0xFFFFC000  }
0x127: {  	s14 =	simm.s32 $0x0;
	[bflag:$0x0] =	sbarrier.arrive $0xFFFF  }
0x128: {  	[tilespmem:s22], [sflag:$0x3] =	stream.linear.gather [hbm4b:s16+s14], $0x1400, $0x38;
	[tilespmem:$0x1E800] =	vst v63  }
0x129: {  	_ =	swait.ge [sflag:s21], $0x1400  }
0x12a: {  	[sflag:s21] =	ssyncset.done $0x0  }
0x12b: {  	[sflag:s21] =	ssyncadd.s32 $0xFFFFEC00  }
0x12c: {  	[tilespmem:s23], [sflag:$0x3] =	stream.linear.gather [hbm4b:s17+s14], $0x1400, $0x38;
	[tilespmem:$0x1E800] =	vst v63  }
0x12d: {  	_ =	swait.ge [sflag:s21], $0x1400  }
0x12e: {  	[sflag:s21] =	ssyncset.done $0x0  }
0x12f: {  	[sflag:s21] =	ssyncadd.s32 $0xFFFFEC00  }
0x130: {  	[tilespmem:s25], [sflag:$0x1] =	stream.indirect.gather [hbm4b:s4+s24], $0x80, s22, s24, $0xb8;
	[tilespmem:$0x1E800] =	vst v63  }
0x131: {  	s11 =	simm.s32 $0x14080  }
0x132: {  	[tilespmem:s20], [sflag:$0x2] =	stream.indirect.gather [hbm4b:s4+s24], $0x80, s11, s24, $0xb8;
	[tilespmem:$0x1E800] =	vst v63  }
0x133: {  	_ =	swait.ge [sflag:s26], $0x3E80  }
0x134: {  	[sflag:s26] =	ssyncset.done $0x0  }
0x135: {  	s12 =	simm.s32 $0x15400;
	[sflag:s26] =	ssyncadd.s32 $0xFFFFC180  }
0x136: {  	[spmem:s1] =	stream.indirect.scatter.add.f32 [tilespmem:s25], [sflag:$0x3], $0x80, s12, s24, $0xb8;
	[tilespmem:$0x1E800] =	vst v63  }
0x137: {  	_ =	swait.ge [sflag:s21], $0x3E80  }
0x138: {  	[sflag:s21] =	ssyncset.done $0x0  }
0x139: {  	s13 =	simm.s32 $0x14100;
	[sflag:s21] =	ssyncadd.s32 $0xFFFFC180  }
0x13a: {  	[tilespmem:s25], [sflag:$0x1] =	stream.indirect.gather [hbm4b:s4+s24], $0x80, s13, s24, $0xb8;
	[tilespmem:$0x1E800] =	vst v63  }
0x13b: {  	_ =	swait.ge [sflag:s28], $0x3E80  }
0x13c: {  	[sflag:s28] =	ssyncset.done $0x0  }
0x13d: {  	s14 =	simm.s32 $0x15480;
	[sflag:s28] =	ssyncadd.s32 $0xFFFFC180  }
0x13e: {  	[spmem:s1] =	stream.indirect.scatter.add.f32 [tilespmem:s20], [sflag:$0x3], $0x80, s14, s24, $0xb8;
	[tilespmem:$0x1E800] =	vst v63  }
0x13f: {  	_ =	swait.ge [sflag:s21], $0x3E80  }
0x140: {  	s10 =	simm.s32 $0x100;
	s11 =	simm.s32 $0x800;
	[sflag:s21] =	ssyncset.done $0x0  }
.LBB2_12:
0x141: {  	s12 =	sadd.s32 $0x14080, s10  }
0x142: {  	[sflag:s21] =	ssyncadd.s32 $0xFFFFC180;
	s13 =	smov.u32 s11;
	s14 =	sadd.s32 $0x400, s11  }
0x143: {  	[tilespmem:s20], [sflag:$0x2] =	stream.indirect.gather [hbm4b:s4+s24], $0x80, s12, s24, $0xb8;
	[tilespmem:$0x1E800] =	vst v63  }
0x144: {  	p0 =	sne.s32 s11, $0x4800;
	_ =	swait.ge [sflag:s26], $0x3E80  }
0x145: {  	[sflag:s26] =	ssyncset.done $0x0  }
0x146: {  	s11 =	sadd.s32 $0x15400, s10;
	[sflag:s26] =	ssyncadd.s32 $0xFFFFC180  }
0x147: {  	[spmem:s1] =	stream.indirect.scatter.add.f32 [tilespmem:s25], [sflag:$0x3], $0x80, s11, s24, $0xb8;
	[tilespmem:$0x1E800] =	vst v63  }
0x148: {  	_ =	swait.ge [sflag:s21], $0x3E80  }
0x149: {  	[sflag:s21] =	ssyncset.done $0x0  }
0x14a: {  	s11 =	sadd.s32 $0x14100, s10;
	[sflag:s21] =	ssyncadd.s32 $0xFFFFC180  }
0x14b: {  	[tilespmem:s25], [sflag:$0x1] =	stream.indirect.gather [hbm4b:s4+s24], $0x80, s11, s24, $0xb8;
	[tilespmem:$0x1E800] =	vst v63  }
0x14c: {  	_ =	swait.ge [sflag:s28], $0x3E80  }
.Ltmp5:
0x14d: {  	[sflag:s28] =	ssyncset.done $0x0;
	(pc) =	sbr.rel @p0 .LBB2_12-.Ltmp5, $4  }
0x14e: {  	s10 =	sadd.s32 $0x15480, s10;
	[sflag:s28] =	ssyncadd.s32 $0xFFFFC180  }
0x14f: {  	[spmem:s1] =	stream.indirect.scatter.add.f32 [tilespmem:s20], [sflag:$0x3], $0x80, s10, s24, $0xb8;
	[tilespmem:$0x1E800] =	vst v63  }
0x150: {  	_ =	swait.ge [sflag:s21], $0x3E80  }
0x151: {  	s11 =	smov.u32 s14;
	s10 =	sshra.s32 s13, $0x2;
	[sflag:s21] =	ssyncset.done $0x0  }
0x152: {  	s11 =	sadd.s32 $0x14080, s10;
	[sflag:s21] =	ssyncadd.s32 $0xFFFFC180  }
0x153: {  	[tilespmem:s20], [sflag:$0x2] =	stream.indirect.gather [hbm4b:s4+s24], $0x80, s11, s24, $0xb8;
	[tilespmem:$0x1E800] =	vst v63  }
0x154: {  	_ =	swait.ge [sflag:s26], $0x3E80  }
0x155: {  	[sflag:s26] =	ssyncset.done $0x0  }
0x156: {  	s12 =	sadd.s32 $0x15400, s10;
	[sflag:s26] =	ssyncadd.s32 $0xFFFFC180  }
0x157: {  	[spmem:s1] =	stream.indirect.scatter.add.f32 [tilespmem:s25], [sflag:$0x3], $0x80, s12, s24, $0xb8;
	[tilespmem:$0x1E800] =	vst v63  }
0x158: {  	_ =	swait.ge [sflag:s21], $0x3E80  }
0x159: {  	[sflag:s21] =	ssyncset.done $0x0  }
0x15a: {  	s13 =	sadd.s32 $0x14100, s10;
	[sflag:s21] =	ssyncadd.s32 $0xFFFFC180  }
0x15b: {  	[tilespmem:s25], [sflag:$0x1] =	stream.indirect.gather [hbm4b:s4+s24], $0x80, s13, s24, $0xb8;
	[tilespmem:$0x1E800] =	vst v63  }
0x15c: {  	_ =	swait.ge [sflag:s28], $0x3E80  }
0x15d: {  	[sflag:s28] =	ssyncset.done $0x0  }
0x15e: {  	s14 =	sadd.s32 $0x15480, s10;
	[sflag:s28] =	ssyncadd.s32 $0xFFFFC180  }
0x15f: {  	[spmem:s1] =	stream.indirect.scatter.add.f32 [tilespmem:s20], [sflag:$0x3], $0x80, s14, s24, $0xb8;
	[tilespmem:$0x1E800] =	vst v63  }
0x160: {  	_ =	swait.ge [sflag:s21], $0x3E80  }
0x161: {  	[sflag:s21] =	ssyncset.done $0x0  }
0x162: {  	[sflag:s21] =	ssyncadd.s32 $0xFFFFC180  }
0x163: {  	[tilespmem:s20], [sflag:$0x2] =	stream.indirect.gather [hbm4b:s4+s24], $0x80, s29, s24, $0xb8;
	[tilespmem:$0x1E800] =	vst v63  }
0x164: {  	_ =	swait.ge [sflag:s26], $0x3E80  }
0x165: {  	[sflag:s26] =	ssyncset.done $0x0  }
0x166: {  	[sflag:s26] =	ssyncadd.s32 $0xFFFFC180  }
0x167: {  	[spmem:s1] =	stream.indirect.scatter.add.f32 [tilespmem:s25], [sflag:$0x3], $0x80, s30, s24, $0xb8;
	[tilespmem:$0x1E800] =	vst v63  }
0x168: {  	_ =	swait.ge [sflag:s21], $0x3E80  }
0x169: {  	[sflag:s21] =	ssyncset.done $0x0  }
0x16a: {  	[sflag:s21] =	ssyncadd.s32 $0xFFFFC180  }
0x16b: {  	_ =	swait.ge [sflag:s28], $0x3E80  }
0x16c: {  	[sflag:s28] =	ssyncset.done $0x0  }
0x16d: {  	[sflag:s28] =	ssyncadd.s32 $0xFFFFC180  }
0x16e: {  	[spmem:s1] =	stream.indirect.scatter.add.f32 [tilespmem:s20], [sflag:$0x3], $0x80, s31, s24, $0xb8;
	[tilespmem:$0x1E800] =	vst v63  }
0x16f: {  	_ =	swait.ge [sflag:s21], $0x3E80  }
0x170: {  	[sflag:s21] =	ssyncset.done $0x0  }
0x171: {  	s3 =	sadd.s32 $0x1, s3;
	[sflag:s21] =	ssyncadd.s32 $0xFFFFC180  }
0x172: {  	p0 =	sne.s32 s3, s19;
	[bflag:$0x0] =	sbarrier.arrive $0xFFFF  }
0x173: {  	[hbm:s18], [sflag:s0] =	dma.local [spmem:s2], $0x2800  }
.Ltmp6:
0x174: {  	_ =	swait.ge [sflag:s21], $0x2800;
	(pc) =	sbr.rel @p0 .LBB2_1-.Ltmp6, $3  }
0x175: {  	[sflag:s21] =	ssyncset.done $0x0  }
0x176: {  	[sflag:s21] =	ssyncadd.s32 $0xFFFFD800  }
0x177: {  	[bflag:$0x0] =	sbarrier.arrive $0xFFFF;
	_ =	sdelay $0x1  }
0x178: {  	_ =	sfence.sel $0x180000  }
0x179: {  	[bflag:$0x0] =	sbarrier.arrive $0xFFFF  }
0x17a: {  	_ =	strace $0x9000004A  }
0x17b: {  	s0 =	stileid.u32;
	[bflag:$0x2] =	sbarrier.arrive $0xFFFF  }
0x17c: {  	p0 =	sne.s32 s0, $0x0;
	s0 =	rddreg [dreg:$0x2]  }
0x17d: {  	s0 =	sadd.s32 @!p0 $0x100000, s0  }
0x17e: {  	[sflag:s0] =	ssyncadd.tile.s32 @!p0 $0x1;
	_ =	shalt  }
.Lfunc_end2:
_tile_overlayer_lowered:
.L_overlay_start_2:
0x17f: {  	(tag) =	ssettag $0x2  }
0x180: {  	s0 =	rddreg [dreg:$0x0];
	s2 =	stileid.u32  }
0x181: {  	s1 =	rddreg [dreg:$0x1];
	p0 =	sne.s32 s2, $0x0  }
0x182: {  	s3 =	rddreg [dreg:$0x2];
	[bflag:$0x3] =	sbarrier.arrive $0xFFFF;
	s2 =	simm.s32 @!p0 $0x1C03  }
0x183: {  	[timem:s3], [sflag:s2] =	dma.local @!p0 [hbm:s0], s1  }
0x184: {  	s0 =	simm.s32 @!p0 $0x3  }
0x185: {  	_ =	swait.ge @!p0 [sflag:s0], s1  }
0x186: {  	s1 =	ssub.s32 @!p0 $0x0, s1;
	[sflag:s0] =	ssyncset.done @!p0 $0x0  }
0x187: {  	[sflag:s0] =	ssyncadd.s32 @!p0 s1  }
0x188: {  	[bflag:$0x3] =	sbarrier.arrive $0xFFFF  }
0x189: {  	_ =	shalt  }

// kernel: kernel.13.cloned.1.call-start
scs
__scs_entry_jumppad:
0x0: {  	(pc) =	sbr.rel $0x88, $3  }
0x1: {  	(tag) =	ssettag $0x0;
	lr =	simm.s32 $0x1  }
0x2: {  	[smem:$0x3F97] =	sst lr;
	_ =	strace $0xD0000000  }
0x3: {  	_ = 	snop  }
0x4: {  	_ = 	snop  }
0x5: {  	_ = 	snop  }
0x6: {  	_ = 	snop  }
0x7: {  	_ = 	snop  }
__scs_overlays_trampoline_lowered:
0x8: {  	[smem:$0x3FA6] =	sst s0  }
0x9: {  	[smem:$0x3FA7] =	sst s1  }
0xa: {  	[smem:$0x3FA8] =	sst s2  }
0xb: {  	[smem:$0x3FA9] =	sst s3  }
0xc: {  	[smem:$0x3FAA] =	sst s4  }
0xd: {  	[smem:$0x3FAB] =	sst s5  }
0xe: {  	[smem:$0x3FAC] =	sst s6  }
0xf: {  	[smem:$0x3FAD] =	sst s7  }
0x10: {  	[smem:$0x3FAE] =	sst s8  }
0x11: {  	[smem:$0x3FAF] =	sst s9;
	s0 =	simm.s32 @!p0 $0x0  }
0x12: {  	s1 =	sld [smem:$0x3F95];
	s0 =	simm.s32 @p0 $0x1  }
0x13: {  	[smem:$0x3FB0] =	sst s0;
	s0 =	simm.s32 @!p1 $0x0  }
0x14: {  	s2 =	sld [smem:$0x3F94];
	s0 =	simm.s32 @p1 $0x1  }
0x15: {  	[smem:$0x3FB1] =	sst s0;
	s0 =	simm.s32 @!p2 $0x0  }
0x16: {  	s3 =	sld [smem:$0x3FDB];
	s0 =	simm.s32 @p2 $0x1  }
0x17: {  	s4 =	simm.s32 $0x1BF5;
	[smem:$0x3FB3] =	sst s0  }
0x18: {  	s0 =	sld [smem:$0x3F96];
	_ =	swait.ge [sflag:s4], $0x0  }
0x19: {  	s7 =	sld [smem:$0x3F97]  }
0x1a: {  	s8 =	sadd.s32 $0xFFFFE003, lr  }
0x1b: {  	s9 =	sadd.s32 $0xFFFFFEF7, lr;
	s5 =	simm.s32 $0xFFFFFFFF;
	p2 =	slt.u32 s8, $0xFFFFF086  }
0x1c: {  	p1 =	slt.u32 s9, $0xF7A;
	s5 =	simm.s32 @!p2 $0x0  }
0x1d: {  	s5 =	simm.s32 @p1 $0x1;
	p0 =	seq.s32 s7, s2  }
0x1e: {  	s7 =	smul.u32 @!p0 $0xF7A, s2;
	p2 =	seq.s32 @!p0 s5, $0x0  }
0x1f: {  	s9 =	smul.u32 $0xF7A, s1;
	s8 =	simm.s32 @!p0 $0x1BF5;
	p2 =	por !p2, p0  }
0x20: {  	[sflag:s8] =	ssyncset.s32 @!p0 $0xFFFFF086;
	s6 =	sadd.s32 @!p0 s3, s7;
	s7 =	simm.s32 @!p0 $0x108  }
0x21: {  	s3 =	sadd.s32 s3, s9;
	s6 =	sadd.s32 @!p0 $0x88, s6;
	s7 =	simm.s32 @p2 $0x1082  }
0x22: {  	[simem:s7], [sflag:s8] =	dma.local @!p0 [hbm:s6], $0xF7A  }
0x23: {  	s9 =	sor.u32 $0xD0000000, s2;
	s6 =	simm.s32 $0x108;
	_ =	swait.ge @!p0 [sflag:s8], $0x0  }
0x24: {  	s3 =	sadd.s32 $0x88, s3;
	s6 =	simm.s32 @!p1 $0x1082;
	[sflag:s4] =	ssyncset.s32 $0xFFFFF086  }
0x25: {  	[simem:s6], [sflag:s4] =	dma.local [hbm:s3], $0xF7A  }
0x26: {  	[smem:$0x3F97] =	sst s1;
	(tag) =	ssettag s2;
	_ =	strace s9  }
0x27: {  	s1 =	sld [smem:$0x3FA7]  }
0x28: {  	s2 =	sld [smem:$0x3FA8]  }
0x29: {  	s4 =	sld [smem:$0x3FAA]  }
0x2a: {  	p0 =	seq.s32 s5, $0x0;
	s5 =	sld [smem:$0x3FAB]  }
0x2b: {  	s6 =	sld [smem:$0x3FAC]  }
0x2c: {  	s7 =	sld [smem:$0x3FAD]  }
0x2d: {  	s3 =	simm.s32 $0x108;
	s8 =	sld [smem:$0x3FAE]  }
0x2e: {  	s3 =	simm.s32 @!p0 $0x1082;
	s9 =	sld [smem:$0x3FAF]  }
0x2f: {  	lr =	sadd.s32 s0, s3;
	s0 =	sld [smem:$0x3FA6]  }
0x30: {  	s3 =	sld [smem:$0x3FA9]  }
0x31: {  	[smem:$0x3FB2] =	sst s10  }
0x32: {  	s10 =	sld [smem:$0x3FB0];
	_ =	sdelay $0x3  }
0x33: {  	p0 =	seq.s32 s10, $0x1;
	s10 =	sld [smem:$0x3FB2];
	_ =	sdelay $0x3  }
0x34: {  	[smem:$0x3FB2] =	sst s10  }
0x35: {  	s10 =	sld [smem:$0x3FB1];
	_ =	sdelay $0x3  }
0x36: {  	p1 =	seq.s32 s10, $0x1;
	s10 =	sld [smem:$0x3FB2];
	_ =	sdelay $0x3  }
0x37: {  	[smem:$0x3FB2] =	sst s10  }
0x38: {  	s10 =	sld [smem:$0x3FB3]  }
0x39: {  	_ = 	snop;
	(pc) =	sbr.ind lr, $3  }
0x3a: {  	_ = 	snop  }
0x3b: {  	_ = 	snop  }
0x3c: {  	p2 =	seq.s32 s10, $0x1;
	s10 =	sld [smem:$0x3FB2]  }
0x3d: {  	_ =	shalt  }
0x3e: {  	_ =	shalt  }
0x3f: {  	_ =	shalt  }
0x40: {  	_ =	shalt  }
0x41: {  	_ =	shalt  }
0x42: {  	_ =	shalt  }
0x43: {  	_ =	shalt  }
0x44: {  	_ =	shalt  }
0x45: {  	_ =	shalt  }
0x46: {  	_ =	shalt  }
0x47: {  	_ =	shalt  }
0x48: {  	_ =	shalt  }
0x49: {  	_ =	shalt  }
0x4a: {  	_ =	shalt  }
0x4b: {  	_ =	shalt  }
0x4c: {  	_ =	shalt  }
0x4d: {  	_ =	shalt  }
0x4e: {  	_ =	shalt  }
0x4f: {  	_ =	shalt  }
0x50: {  	_ =	shalt  }
0x51: {  	_ =	shalt  }
0x52: {  	_ =	shalt  }
0x53: {  	_ =	shalt  }
0x54: {  	_ =	shalt  }
0x55: {  	_ =	shalt  }
0x56: {  	_ =	shalt  }
0x57: {  	_ =	shalt  }
0x58: {  	_ =	shalt  }
0x59: {  	_ =	shalt  }
0x5a: {  	_ =	shalt  }
0x5b: {  	_ =	shalt  }
0x5c: {  	_ =	shalt  }
0x5d: {  	_ =	shalt  }
0x5e: {  	_ =	shalt  }
0x5f: {  	_ =	shalt  }
0x60: {  	_ =	shalt  }
0x61: {  	_ =	shalt  }
0x62: {  	_ =	shalt  }
0x63: {  	_ =	shalt  }
0x64: {  	_ =	shalt  }
0x65: {  	_ =	shalt  }
0x66: {  	_ =	shalt  }
0x67: {  	_ =	shalt  }
0x68: {  	_ =	shalt  }
0x69: {  	_ =	shalt  }
0x6a: {  	_ =	shalt  }
0x6b: {  	_ =	shalt  }
0x6c: {  	_ =	shalt  }
0x6d: {  	_ =	shalt  }
0x6e: {  	_ =	shalt  }
0x6f: {  	_ =	shalt  }
0x70: {  	_ =	shalt  }
0x71: {  	_ =	shalt  }
0x72: {  	_ =	shalt  }
0x73: {  	_ =	shalt  }
0x74: {  	_ =	shalt  }
0x75: {  	_ =	shalt  }
0x76: {  	_ =	shalt  }
0x77: {  	_ =	shalt  }
0x78: {  	_ =	shalt  }
0x79: {  	_ =	shalt  }
0x7a: {  	_ =	shalt  }
0x7b: {  	_ =	shalt  }
0x7c: {  	_ =	shalt  }
0x7d: {  	_ =	shalt  }
0x7e: {  	_ =	shalt  }
0x7f: {  	_ =	shalt  }
0x80: {  	_ =	shalt  }
0x81: {  	_ =	shalt  }
0x82: {  	_ =	shalt  }
0x83: {  	_ =	shalt  }
0x84: {  	_ =	shalt  }
0x85: {  	_ =	shalt  }
0x86: {  	_ =	shalt  }
0x87: {  	_ =	shalt  }
.Lfunc_end0:
.L_simem_size_0:
called_computation.2_lowered:
.L_overlay_start_0:
0x88: {  	s2 =	sld [smem:$0x3FD9]  }
0x89: {  	s3 =	sld [smem:$0x3FFE];
	_ =	sdelay $0x1  }
0x8a: {  	s1 =	srdreg.scid  }
0x8b: {  	s0 =	sand.u32 $0x1, s1  }
0x8c: {  	s16 =	sshll.u32 s0, $0xA;
	s2 =	sadd.s32 s3, s2  }
0x8d: {  	s2 =	sadd.s32 s2, s16  }
0x8e: {  	[smem:$0x3FBE] =	sst s2  }
0x8f: {  	_ = 	snop  }
0x90: {  	(tm) =	ssettm $0x1  }
0x91: {  	s17 =	sld [smem:$0x3FFB];
	_ =	sdelay $0x3  }
0x92: {  	_ =	strace s17  }
0x93: {  	s2 =	sld [smem:$0x3FFC];
	_ =	sdelay $0x3  }
0x94: {  	_ =	strace s2  }
0x95: {  	s2 =	sld [smem:$0x3FFD];
	_ =	sdelay $0x3  }
0x96: {  	_ =	strace s2  }
0x97: {  	_ =	strace $0x8FFFFFFF  }
0x98: {  	s18 =	sld [smem:$0x3FDB];
	_ =	sdelay $0x1  }
0x99: {  	s19 =	simm.s32 $_scs_section_size  }
0x9a: {  	s4 =	simm.s32 $_size__tile_overlayer_lowered;
	s5 =	simm.s32 $_tile_overlayer_lowered  }
0x9b: {  	s22 =	simm.s32 $0x1BFF;
	s21 =	sshll.u32 s5, $0x1;
	s2 =	sadd.s32 s19, s18  }
0x9c: {  	s6 =	simm.s32 $0x0;
	s20 =	sshll.u32 s4, $0x1;
	s4 =	sadd.s32 s21, s2  }
0x9d: {  	[timem:s6], [sflag:s22] =	dma.local [hbm:s4], s20  }
0x9e: {  	_ =	swait.ge [sflag:s22], s20  }
0x9f: {  	s3 =	ssub.s32 $0x0, s20;
	[sflag:s22] =	ssyncset.done $0x0  }
0xa0: {  	[sflag:s22] =	ssyncadd.s32 s3;
	_ =	sdelay $0x1  }
0xa1: {  	s23 =	simm.s32 $0x1B8B  }
0xa2: {  	_ =	swait.ge [sflag:s23], $0x1  }
0xa3: {  	[sflag:s23] =	ssyncset.done $0x0  }
0xa4: {  	s25 =	simm.s32 $0x1B8E;
	s24 =	sld [smem:$0x3FFE];
	[sflag:s23] =	ssyncadd.s32 $0xFFFFFFFF  }
0xa5: {  	s26 =	simm.s32 $execute0_lowered;
	[smem:$0x3FD2] =	sst s25  }
0xa6: {  	s4 =	sshll.u32 s26, $0x1;
	_ =	strace $0x8000004C;
	[dreg:$0x1] =	wrdreg $0xFFFFFFFF  }
0xa7: {  	s28 =	simm.s32 $_size_execute0_lowered;
	s2 =	sadd.s32 s2, s4;
	[dreg:$0x0] =	wrdreg $0x0  }
0xa8: {  	s4 =	sshll.u32 s28, $0x1;
	[dreg:$0x2] =	wrdreg s2  }
0xa9: {  	[dreg:$0x3] =	wrdreg s4  }
0xaa: {  	[dreg:$0x4] =	wrdreg $0xC0  }
0xab: {  	_ =	task [dreg:s6], $0x5FFFF  }
0xac: {  	[dreg:$0x1] =	wrdreg $0xFFFFFFFF  }
0xad: {  	[dreg:$0x0] =	wrdreg $0x60  }
0xae: {  	[dreg:$0x2] =	wrdreg s24  }
0xaf: {  	[dreg:$0x3] =	wrdreg $0x0  }
0xb0: {  	[dreg:$0x4] =	wrdreg $0x9  }
0xb1: {  	_ =	task.clear_ibuf [dreg:s6], $0x5FFFF;
	_ =	strace $0x9000004C  }
0xb2: {  	s29 =	simm.s32 $0x9;
	_ =	strace $0x8000004E  }
0xb3: {  	_ =	swait.ge [sflag:s29], $0x1  }
0xb4: {  	[sflag:s29] =	ssyncadd.s32 $0xFFFFFFFF  }
0xb5: {  	_ =	strace $0x9000004E  }
0xb6: {  	_ =	sfence  }
0xb7: {  	s30 =	sld [smem:$0x0];
	_ =	sdelay $0x2  }
0xb8: {  	s31 =	sshll.u32 s1, $0xD;
	s1 =	sshrl.u32 s1, $0x2  }
0xb9: {  	s3 =	sand.u32 $0x4000, s31;
	s1 =	sadd.s32 s1, s30  }
0xba: {  	s0 =	sor.u32 s3, s0;
	s1 =	sshll.u32 s1, $0x11  }
0xbb: {  	s0 =	sor.u32 s1, s0  }
0xbc: {  	s0 =	sadd.s32 $0x8F2B, s0  }
0xbd: {  	[sflag:s0] =	ssyncadd.remote.s32 $0x1  }
0xbe: {  	_ =	sfence.sel $0xFFFF  }
0xbf: {  	[dreg:$0x0] =	wrdreg $0xFFFFFFFF;
	(pc) =	sbr.abs _section_cstart, $3  }
0xc0: {  	[dreg:$0x1] =	wrdreg $0xFFFFFFFF  }
0xc1: {  	_ =	task.clear_ibuf [dreg:s6], $0x2FFFF;
	_ =	strace $0x9FFFFFFF  }
0xc2: {  	(tm) =	ssettm $0x7FFFFFFF  }
0xc3: {  	_ =	shalt  }
tec
execute0_lowered:
.L_overlay_start_1:
0x0: {  	(tag) =	ssettag $0x1  }
0x1: {  	s0 =	rddreg [dreg:$0x0]  }
0x2: {  	s1 =	rddreg [dreg:$0x1];
	s2 =	srdreg.scid;
	s3 =	simm.s32 $0x0  }
0x3: {  	s8 =	stileid.u32;
	s28 =	simm.s32 $0x2;
	s29 =	simm.s32 $0x15380  }
0x4: {  	s30 =	simm.s32 $0x16700;
	s31 =	simm.s32 $0x16780;
	s2 =	sand.u32 $0x1, s2  }
0x5: {  	[smem:$0x7FF] =	sst s3;
	s6 =	smul.u32 $0x14000, s8;
	s4 =	sadd.s32 $0x2FE00, s0  }
0x6: {  	s10 =	sadd.s32 $0x20E00, s0;
	s19 =	smul.u32 $0x50000, s8;
	s11 =	sadd.s32 $0x11E00, s0  }
0x7: {  	s5 =	smul.u32 $0x140000, s2;
	_ =	strace $0x8000004D;
	s20 =	sshll.u32 s2, $0x4  }
0x8: {  	s2 =	ssub.s32 $0x2, s2;
	s8 =	sor.u32 s8, s20;
	s21 =	sshrl.u32 s19, $0x2  }
0x9: {  	s22 =	sshrl.u32 s2, $0x1;
	s20 =	simm.s32 $0x1A800;
	s5 =	sadd.s32 s6, s5  }
0xa: {  	s9 =	smul.u32 $0x1400, s8;
	s2 =	ssub.s32 s2, s22;
	s22 =	simm.s32 $0x14000  }
0xb: {  	s7 =	sshrl.u32 s5, $0x3;
	s5 =	sadd.s32 s21, s1;
	s19 =	smax.u32 s2, $0x1  }
0xc: {  	s21 =	simm.s32 $0x3;
	s0 =	sadd.s32 s7, s0;
	s6 =	sadd.s32 $0x4000, s5  }
0xd: {  	s7 =	sadd.s32 $0x8000, s5;
	s8 =	sadd.s32 $0xC000, s5;
	s16 =	sshrl.u32 s9, $0x3  }
0xe: {  	s9 =	sadd.s32 $0x10000, s5;
	s12 =	sadd.s32 s10, s16;
	s14 =	sadd.s32 $0x5000, s16  }
0xf: {  	s23 =	sadd.s32 s11, s16;
	s24 =	sadd.s32 $0x57E00, s0;
	[dreg:$0x3] =	wrdreg s12  }
0x10: {  	s15 =	sadd.s32 $0xA7E00, s0;
	s17 =	sadd.s32 $0xA000, s16;
	[dreg:$0x4] =	wrdreg s23  }
0x11: {  	s18 =	sadd.s32 $0xF7E00, s0;
	[dreg:$0x5] =	wrdreg s24;
	s25 =	sadd.s32 s10, s14  }
0x12: {  	s26 =	sadd.s32 s11, s14;
	s16 =	sadd.s32 s10, s17;
	s17 =	sadd.s32 s11, s17  }
0x13: {  	s23 =	simm.s32 $0x15400;
	s24 =	simm.s32 $0x7D;
	[dreg:$0x6] =	wrdreg s25  }
0x14: {  	v0 =	vimm.f32 $0.0e+00;
	[dreg:$0x7] =	wrdreg s26;
	s25 =	simm.s32 $0x16800;
	s26 =	simm.s32 $0x1  }
.LBB2_1:
0x15: {  	s0 =	simm.s32 $0x0;
	s2 =	simm.s32 $0x200  }
.LBB2_2:
0x16: {  	p0 =	sne.s32 s2, $0xFE00;
	[tilespmem:s0+$0x1A870] =	vst v0  }
0x17: {  	[tilespmem:s0+$0x1A800] =	vst v0  }
0x18: {  	[tilespmem:s0+$0x1A810] =	vst v0  }
.Ltmp0:
0x19: {  	[tilespmem:s0+$0x1A820] =	vst v0;
	(pc) =	sbr.rel @p0 .LBB2_2-.Ltmp0, $4  }
0x1a: {  	[tilespmem:s0+$0x1A830] =	vst v0  }
0x1b: {  	[tilespmem:s0+$0x1A840] =	vst v0  }
0x1c: {  	[tilespmem:s0+$0x1A850] =	vst v0  }
0x1d: {  	[tilespmem:s0+$0x1A860] =	vst v0;
	s0 =	sshra.s32 s2, $0x2;
	s2 =	sadd.s32 $0x200, s2  }
0x1e: {  	[tilespmem:s0+$0x1A870] =	vst v0  }
0x1f: {  	[tilespmem:s0+$0x1A800] =	vst v0  }
0x20: {  	[tilespmem:s0+$0x1A810] =	vst v0  }
0x21: {  	[tilespmem:s0+$0x1A820] =	vst v0  }
0x22: {  	[tilespmem:s0+$0x1A830] =	vst v0  }
0x23: {  	[tilespmem:s0+$0x1A840] =	vst v0  }
0x24: {  	[tilespmem:s0+$0x1A850] =	vst v0  }
0x25: {  	[tilespmem:s0+$0x1A860] =	vst v0  }
0x26: {  	[spmem:s5] =	stream.linear.scatter [tilespmem:s20], [sflag:$0x3], $0x4000, $0x38;
	[tilespmem:$0x1E800] =	vst v63  }
0x27: {  	_ =	swait.ge [sflag:s21], $0x4000  }
0x28: {  	[sflag:s21] =	ssyncset.done $0x0  }
0x29: {  	[sflag:s21] =	ssyncadd.s32 $0xFFFFC000  }
0x2a: {  	[spmem:s6] =	stream.linear.scatter [tilespmem:s20], [sflag:$0x3], $0x4000, $0x38;
	[tilespmem:$0x1E800] =	vst v63  }
0x2b: {  	_ =	swait.ge [sflag:s21], $0x4000  }
0x2c: {  	[sflag:s21] =	ssyncset.done $0x0  }
0x2d: {  	[sflag:s21] =	ssyncadd.s32 $0xFFFFC000  }
0x2e: {  	[spmem:s7] =	stream.linear.scatter [tilespmem:s20], [sflag:$0x3], $0x4000, $0x38;
	[tilespmem:$0x1E800] =	vst v63  }
0x2f: {  	_ =	swait.ge [sflag:s21], $0x4000  }
0x30: {  	[sflag:s21] =	ssyncset.done $0x0  }
0x31: {  	[sflag:s21] =	ssyncadd.s32 $0xFFFFC000  }
0x32: {  	[spmem:s8] =	stream.linear.scatter [tilespmem:s20], [sflag:$0x3], $0x4000, $0x38;
	[tilespmem:$0x1E800] =	vst v63  }
0x33: {  	_ =	swait.ge [sflag:s21], $0x4000  }
0x34: {  	[sflag:s21] =	ssyncset.done $0x0  }
0x35: {  	[sflag:s21] =	ssyncadd.s32 $0xFFFFC000  }
0x36: {  	[spmem:s9] =	stream.linear.scatter [tilespmem:s20], [sflag:$0x3], $0x4000, $0x38;
	[tilespmem:$0x1E800] =	vst v63  }
0x37: {  	_ =	swait.ge [sflag:s21], $0x4000  }
0x38: {  	[sflag:s21] =	ssyncset.done $0x0  }
0x39: {  	[sflag:s21] =	ssyncadd.s32 $0xFFFFC000  }
0x3a: {  	[bflag:$0x0] =	sbarrier.arrive $0xFFFF  }
0x3b: {  	s14 =	simm.s32 $0x0;
	s2 =	rddreg [dreg:$0x3]  }
0x3c: {  	[tilespmem:s22], [sflag:$0x3] =	stream.linear.gather [hbm4b:s2+s14], $0x1400, $0x38;
	[tilespmem:$0x1E800] =	vst v63  }
0x3d: {  	_ =	swait.ge [sflag:s21], $0x1400  }
0x3e: {  	[sflag:s21] =	ssyncset.done $0x0  }
0x3f: {  	s10 =	rddreg [dreg:$0x4];
	[sflag:s21] =	ssyncadd.s32 $0xFFFFEC00  }
0x40: {  	[tilespmem:s23], [sflag:$0x3] =	stream.linear.gather [hbm4b:s10+s14], $0x1400, $0x38;
	[tilespmem:$0x1E800] =	vst v63  }
0x41: {  	_ =	swait.ge [sflag:s21], $0x1400  }
0x42: {  	[sflag:s21] =	ssyncset.done $0x0  }
0x43: {  	[sflag:s21] =	ssyncadd.s32 $0xFFFFEC00  }
0x44: {  	[tilespmem:s25], [sflag:$0x1] =	stream.indirect.gather [hbm4b:s4+s24], $0x80, s22, s24, $0xb8;
	[tilespmem:$0x1E800] =	vst v63  }
0x45: {  	s11 =	simm.s32 $0x14080  }
0x46: {  	[tilespmem:s20], [sflag:$0x2] =	stream.indirect.gather [hbm4b:s4+s24], $0x80, s11, s24, $0xb8;
	[tilespmem:$0x1E800] =	vst v63  }
0x47: {  	_ =	swait.ge [sflag:s26], $0x3E80  }
0x48: {  	[sflag:s26] =	ssyncset.done $0x0  }
0x49: {  	s12 =	simm.s32 $0x15400;
	[sflag:s26] =	ssyncadd.s32 $0xFFFFC180  }
0x4a: {  	[spmem:s1] =	stream.indirect.scatter.add.f32 [tilespmem:s25], [sflag:$0x3], $0x80, s12, s24, $0xb8;
	[tilespmem:$0x1E800] =	vst v63  }
0x4b: {  	_ =	swait.ge [sflag:s21], $0x3E80  }
0x4c: {  	[sflag:s21] =	ssyncset.done $0x0  }
0x4d: {  	s13 =	simm.s32 $0x14100;
	[sflag:s21] =	ssyncadd.s32 $0xFFFFC180  }
0x4e: {  	[tilespmem:s25], [sflag:$0x1] =	stream.indirect.gather [hbm4b:s4+s24], $0x80, s13, s24, $0xb8;
	[tilespmem:$0x1E800] =	vst v63  }
0x4f: {  	_ =	swait.ge [sflag:s28], $0x3E80  }
0x50: {  	[sflag:s28] =	ssyncset.done $0x0  }
0x51: {  	s14 =	simm.s32 $0x15480;
	[sflag:s28] =	ssyncadd.s32 $0xFFFFC180  }
0x52: {  	[spmem:s1] =	stream.indirect.scatter.add.f32 [tilespmem:s20], [sflag:$0x3], $0x80, s14, s24, $0xb8;
	[tilespmem:$0x1E800] =	vst v63  }
0x53: {  	_ =	swait.ge [sflag:s21], $0x3E80  }
0x54: {  	s0 =	simm.s32 $0x100;
	s2 =	simm.s32 $0x800;
	[sflag:s21] =	ssyncset.done $0x0  }
.LBB2_4:
0x55: {  	s10 =	sadd.s32 $0x14080, s0  }
0x56: {  	[sflag:s21] =	ssyncadd.s32 $0xFFFFC180;
	s11 =	smov.u32 s2;
	s12 =	sadd.s32 $0x400, s2  }
0x57: {  	[tilespmem:s20], [sflag:$0x2] =	stream.indirect.gather [hbm4b:s4+s24], $0x80, s10, s24, $0xb8;
	[tilespmem:$0x1E800] =	vst v63  }
0x58: {  	p0 =	sne.s32 s2, $0x4800;
	_ =	swait.ge [sflag:s26], $0x3E80  }
0x59: {  	[sflag:s26] =	ssyncset.done $0x0  }
0x5a: {  	s2 =	sadd.s32 $0x15400, s0;
	[sflag:s26] =	ssyncadd.s32 $0xFFFFC180  }
0x5b: {  	[spmem:s1] =	stream.indirect.scatter.add.f32 [tilespmem:s25], [sflag:$0x3], $0x80, s2, s24, $0xb8;
	[tilespmem:$0x1E800] =	vst v63  }
0x5c: {  	_ =	swait.ge [sflag:s21], $0x3E80  }
0x5d: {  	[sflag:s21] =	ssyncset.done $0x0  }
0x5e: {  	s2 =	sadd.s32 $0x14100, s0;
	[sflag:s21] =	ssyncadd.s32 $0xFFFFC180  }
0x5f: {  	[tilespmem:s25], [sflag:$0x1] =	stream.indirect.gather [hbm4b:s4+s24], $0x80, s2, s24, $0xb8;
	[tilespmem:$0x1E800] =	vst v63  }
0x60: {  	_ =	swait.ge [sflag:s28], $0x3E80  }
.Ltmp1:
0x61: {  	[sflag:s28] =	ssyncset.done $0x0;
	(pc) =	sbr.rel @p0 .LBB2_4-.Ltmp1, $4  }
0x62: {  	s0 =	sadd.s32 $0x15480, s0;
	[sflag:s28] =	ssyncadd.s32 $0xFFFFC180  }
0x63: {  	[spmem:s1] =	stream.indirect.scatter.add.f32 [tilespmem:s20], [sflag:$0x3], $0x80, s0, s24, $0xb8;
	[tilespmem:$0x1E800] =	vst v63  }
0x64: {  	_ =	swait.ge [sflag:s21], $0x3E80  }
0x65: {  	s2 =	smov.u32 s12;
	s0 =	sshra.s32 s11, $0x2;
	[sflag:s21] =	ssyncset.done $0x0  }
0x66: {  	s2 =	sadd.s32 $0x14080, s0;
	[sflag:s21] =	ssyncadd.s32 $0xFFFFC180  }
0x67: {  	[tilespmem:s20], [sflag:$0x2] =	stream.indirect.gather [hbm4b:s4+s24], $0x80, s2, s24, $0xb8;
	[tilespmem:$0x1E800] =	vst v63  }
0x68: {  	_ =	swait.ge [sflag:s26], $0x3E80  }
0x69: {  	[sflag:s26] =	ssyncset.done $0x0  }
0x6a: {  	s11 =	sadd.s32 $0x15400, s0;
	[sflag:s26] =	ssyncadd.s32 $0xFFFFC180  }
0x6b: {  	[spmem:s1] =	stream.indirect.scatter.add.f32 [tilespmem:s25], [sflag:$0x3], $0x80, s11, s24, $0xb8;
	[tilespmem:$0x1E800] =	vst v63  }
0x6c: {  	_ =	swait.ge [sflag:s21], $0x3E80  }
0x6d: {  	[sflag:s21] =	ssyncset.done $0x0  }
0x6e: {  	s12 =	sadd.s32 $0x14100, s0;
	[sflag:s21] =	ssyncadd.s32 $0xFFFFC180  }
0x6f: {  	[tilespmem:s25], [sflag:$0x1] =	stream.indirect.gather [hbm4b:s4+s24], $0x80, s12, s24, $0xb8;
	[tilespmem:$0x1E800] =	vst v63  }
0x70: {  	_ =	swait.ge [sflag:s28], $0x3E80  }
0x71: {  	[sflag:s28] =	ssyncset.done $0x0  }
0x72: {  	s13 =	sadd.s32 $0x15480, s0;
	[sflag:s28] =	ssyncadd.s32 $0xFFFFC180  }
0x73: {  	[spmem:s1] =	stream.indirect.scatter.add.f32 [tilespmem:s20], [sflag:$0x3], $0x80, s13, s24, $0xb8;
	[tilespmem:$0x1E800] =	vst v63  }
0x74: {  	_ =	swait.ge [sflag:s21], $0x3E80  }
0x75: {  	[sflag:s21] =	ssyncset.done $0x0  }
0x76: {  	[sflag:s21] =	ssyncadd.s32 $0xFFFFC180  }
0x77: {  	[tilespmem:s20], [sflag:$0x2] =	stream.indirect.gather [hbm4b:s4+s24], $0x80, s29, s24, $0xb8;
	[tilespmem:$0x1E800] =	vst v63  }
0x78: {  	_ =	swait.ge [sflag:s26], $0x3E80  }
0x79: {  	[sflag:s26] =	ssyncset.done $0x0  }
0x7a: {  	[sflag:s26] =	ssyncadd.s32 $0xFFFFC180  }
0x7b: {  	[spmem:s1] =	stream.indirect.scatter.add.f32 [tilespmem:s25], [sflag:$0x3], $0x80, s30, s24, $0xb8;
	[tilespmem:$0x1E800] =	vst v63  }
0x7c: {  	_ =	swait.ge [sflag:s21], $0x3E80  }
0x7d: {  	[sflag:s21] =	ssyncset.done $0x0  }
0x7e: {  	[sflag:s21] =	ssyncadd.s32 $0xFFFFC180  }
0x7f: {  	_ =	swait.ge [sflag:s28], $0x3E80  }
0x80: {  	[sflag:s28] =	ssyncset.done $0x0  }
0x81: {  	[sflag:s28] =	ssyncadd.s32 $0xFFFFC180  }
0x82: {  	[spmem:s1] =	stream.indirect.scatter.add.f32 [tilespmem:s20], [sflag:$0x3], $0x80, s31, s24, $0xb8;
	[tilespmem:$0x1E800] =	vst v63  }
0x83: {  	_ =	swait.ge [sflag:s21], $0x3E80  }
0x84: {  	[sflag:s21] =	ssyncset.done $0x0  }
0x85: {  	s14 =	stileid.u32;
	[sflag:s21] =	ssyncadd.s32 $0xFFFFC180  }
0x86: {  	s0 =	sshll.u32 s14, $0x6;
	[bflag:$0x0] =	sbarrier.arrive $0xFFFF  }
0x87: {  	s2 =	sshrl.u32 s5, $0x3;
	s0 =	sor.u32 $0x1C03, s0;
	s10 =	rddreg [dreg:$0x5]  }
0x88: {  	[hbm:s10], [sflag:s0] =	dma.local [spmem:s2], $0x2800  }
0x89: {  	_ =	swait.ge [sflag:s21], $0x2800  }
0x8a: {  	[sflag:s21] =	ssyncset.done $0x0  }
0x8b: {  	[sflag:s21] =	ssyncadd.s32 $0xFFFFD800  }
0x8c: {  	s11 =	simm.s32 $0x200;
	s10 =	simm.s32 $0x0;
	[bflag:$0x0] =	sbarrier.arrive $0xFFFF  }
.LBB2_6:
0x8d: {  	p0 =	sne.s32 s11, $0xFE00;
	[tilespmem:s10+$0x1A870] =	vst v0  }
0x8e: {  	[tilespmem:s10+$0x1A800] =	vst v0  }
0x8f: {  	[tilespmem:s10+$0x1A810] =	vst v0  }
.Ltmp2:
0x90: {  	[tilespmem:s10+$0x1A820] =	vst v0;
	(pc) =	sbr.rel @p0 .LBB2_6-.Ltmp2, $4  }
0x91: {  	[tilespmem:s10+$0x1A830] =	vst v0  }
0x92: {  	[tilespmem:s10+$0x1A840] =	vst v0  }
0x93: {  	[tilespmem:s10+$0x1A850] =	vst v0  }
0x94: {  	[tilespmem:s10+$0x1A860] =	vst v0;
	s10 =	sshra.s32 s11, $0x2;
	s11 =	sadd.s32 $0x200, s11  }
0x95: {  	[tilespmem:s10+$0x1A870] =	vst v0  }
0x96: {  	[tilespmem:s10+$0x1A800] =	vst v0  }
0x97: {  	[tilespmem:s10+$0x1A810] =	vst v0  }
0x98: {  	[tilespmem:s10+$0x1A820] =	vst v0  }
0x99: {  	[tilespmem:s10+$0x1A830] =	vst v0  }
0x9a: {  	[tilespmem:s10+$0x1A840] =	vst v0  }
0x9b: {  	[tilespmem:s10+$0x1A850] =	vst v0  }
0x9c: {  	[tilespmem:s10+$0x1A860] =	vst v0  }
0x9d: {  	[spmem:s5] =	stream.linear.scatter [tilespmem:s20], [sflag:$0x3], $0x4000, $0x38;
	[tilespmem:$0x1E800] =	vst v63  }
0x9e: {  	_ =	swait.ge [sflag:s21], $0x4000  }
0x9f: {  	[sflag:s21] =	ssyncset.done $0x0  }
0xa0: {  	[sflag:s21] =	ssyncadd.s32 $0xFFFFC000  }
0xa1: {  	[spmem:s6] =	stream.linear.scatter [tilespmem:s20], [sflag:$0x3], $0x4000, $0x38;
	[tilespmem:$0x1E800] =	vst v63  }
0xa2: {  	_ =	swait.ge [sflag:s21], $0x4000  }
0xa3: {  	[sflag:s21] =	ssyncset.done $0x0  }
0xa4: {  	[sflag:s21] =	ssyncadd.s32 $0xFFFFC000  }
0xa5: {  	[spmem:s7] =	stream.linear.scatter [tilespmem:s20], [sflag:$0x3], $0x4000, $0x38;
	[tilespmem:$0x1E800] =	vst v63  }
0xa6: {  	_ =	swait.ge [sflag:s21], $0x4000  }
0xa7: {  	[sflag:s21] =	ssyncset.done $0x0  }
0xa8: {  	[sflag:s21] =	ssyncadd.s32 $0xFFFFC000  }
0xa9: {  	[spmem:s8] =	stream.linear.scatter [tilespmem:s20], [sflag:$0x3], $0x4000, $0x38;
	[tilespmem:$0x1E800] =	vst v63  }
0xaa: {  	_ =	swait.ge [sflag:s21], $0x4000  }
0xab: {  	[sflag:s21] =	ssyncset.done $0x0  }
0xac: {  	[sflag:s21] =	ssyncadd.s32 $0xFFFFC000  }
0xad: {  	[spmem:s9] =	stream.linear.scatter [tilespmem:s20], [sflag:$0x3], $0x4000, $0x38;
	[tilespmem:$0x1E800] =	vst v63  }
0xae: {  	_ =	swait.ge [sflag:s21], $0x4000  }
0xaf: {  	[sflag:s21] =	ssyncset.done $0x0  }
0xb0: {  	[sflag:s21] =	ssyncadd.s32 $0xFFFFC000  }
0xb1: {  	[bflag:$0x0] =	sbarrier.arrive $0xFFFF  }
0xb2: {  	s13 =	simm.s32 $0x0;
	s11 =	rddreg [dreg:$0x6]  }
0xb3: {  	[tilespmem:s22], [sflag:$0x3] =	stream.linear.gather [hbm4b:s11+s13], $0x1400, $0x38;
	[tilespmem:$0x1E800] =	vst v63  }
0xb4: {  	_ =	swait.ge [sflag:s21], $0x1400  }
0xb5: {  	[sflag:s21] =	ssyncset.done $0x0  }
0xb6: {  	s14 =	rddreg [dreg:$0x7];
	[sflag:s21] =	ssyncadd.s32 $0xFFFFEC00  }
0xb7: {  	[tilespmem:s23], [sflag:$0x3] =	stream.linear.gather [hbm4b:s14+s13], $0x1400, $0x38;
	[tilespmem:$0x1E800] =	vst v63  }
0xb8: {  	_ =	swait.ge [sflag:s21], $0x1400  }
0xb9: {  	[sflag:s21] =	ssyncset.done $0x0  }
0xba: {  	[sflag:s21] =	ssyncadd.s32 $0xFFFFEC00  }
0xbb: {  	[tilespmem:s25], [sflag:$0x1] =	stream.indirect.gather [hbm4b:s4+s24], $0x80, s22, s24, $0xb8;
	[tilespmem:$0x1E800] =	vst v63  }
0xbc: {  	s11 =	simm.s32 $0x14080  }
0xbd: {  	[tilespmem:s20], [sflag:$0x2] =	stream.indirect.gather [hbm4b:s4+s24], $0x80, s11, s24, $0xb8;
	[tilespmem:$0x1E800] =	vst v63  }
0xbe: {  	_ =	swait.ge [sflag:s26], $0x3E80  }
0xbf: {  	[sflag:s26] =	ssyncset.done $0x0  }
0xc0: {  	s12 =	simm.s32 $0x15400;
	[sflag:s26] =	ssyncadd.s32 $0xFFFFC180  }
0xc1: {  	[spmem:s1] =	stream.indirect.scatter.add.f32 [tilespmem:s25], [sflag:$0x3], $0x80, s12, s24, $0xb8;
	[tilespmem:$0x1E800] =	vst v63  }
0xc2: {  	_ =	swait.ge [sflag:s21], $0x3E80  }
0xc3: {  	[sflag:s21] =	ssyncset.done $0x0  }
0xc4: {  	s13 =	simm.s32 $0x14100;
	[sflag:s21] =	ssyncadd.s32 $0xFFFFC180  }
0xc5: {  	[tilespmem:s25], [sflag:$0x1] =	stream.indirect.gather [hbm4b:s4+s24], $0x80, s13, s24, $0xb8;
	[tilespmem:$0x1E800] =	vst v63  }
0xc6: {  	_ =	swait.ge [sflag:s28], $0x3E80  }
0xc7: {  	[sflag:s28] =	ssyncset.done $0x0  }
0xc8: {  	s14 =	simm.s32 $0x15480;
	[sflag:s28] =	ssyncadd.s32 $0xFFFFC180  }
0xc9: {  	[spmem:s1] =	stream.indirect.scatter.add.f32 [tilespmem:s20], [sflag:$0x3], $0x80, s14, s24, $0xb8;
	[tilespmem:$0x1E800] =	vst v63  }
0xca: {  	_ =	swait.ge [sflag:s21], $0x3E80  }
0xcb: {  	s10 =	simm.s32 $0x100;
	s11 =	simm.s32 $0x800;
	[sflag:s21] =	ssyncset.done $0x0  }
.LBB2_8:
0xcc: {  	s12 =	sadd.s32 $0x14080, s10  }
0xcd: {  	[sflag:s21] =	ssyncadd.s32 $0xFFFFC180;
	s13 =	smov.u32 s11;
	s14 =	sadd.s32 $0x400, s11  }
0xce: {  	[tilespmem:s20], [sflag:$0x2] =	stream.indirect.gather [hbm4b:s4+s24], $0x80, s12, s24, $0xb8;
	[tilespmem:$0x1E800] =	vst v63  }
0xcf: {  	p0 =	sne.s32 s11, $0x4800;
	_ =	swait.ge [sflag:s26], $0x3E80  }
0xd0: {  	[sflag:s26] =	ssyncset.done $0x0  }
0xd1: {  	s11 =	sadd.s32 $0x15400, s10;
	[sflag:s26] =	ssyncadd.s32 $0xFFFFC180  }
0xd2: {  	[spmem:s1] =	stream.indirect.scatter.add.f32 [tilespmem:s25], [sflag:$0x3], $0x80, s11, s24, $0xb8;
	[tilespmem:$0x1E800] =	vst v63  }
0xd3: {  	_ =	swait.ge [sflag:s21], $0x3E80  }
0xd4: {  	[sflag:s21] =	ssyncset.done $0x0  }
0xd5: {  	s11 =	sadd.s32 $0x14100, s10;
	[sflag:s21] =	ssyncadd.s32 $0xFFFFC180  }
0xd6: {  	[tilespmem:s25], [sflag:$0x1] =	stream.indirect.gather [hbm4b:s4+s24], $0x80, s11, s24, $0xb8;
	[tilespmem:$0x1E800] =	vst v63  }
0xd7: {  	_ =	swait.ge [sflag:s28], $0x3E80  }
.Ltmp3:
0xd8: {  	[sflag:s28] =	ssyncset.done $0x0;
	(pc) =	sbr.rel @p0 .LBB2_8-.Ltmp3, $4  }
0xd9: {  	s10 =	sadd.s32 $0x15480, s10;
	[sflag:s28] =	ssyncadd.s32 $0xFFFFC180  }
0xda: {  	[spmem:s1] =	stream.indirect.scatter.add.f32 [tilespmem:s20], [sflag:$0x3], $0x80, s10, s24, $0xb8;
	[tilespmem:$0x1E800] =	vst v63  }
0xdb: {  	_ =	swait.ge [sflag:s21], $0x3E80  }
0xdc: {  	s11 =	smov.u32 s14;
	s10 =	sshra.s32 s13, $0x2;
	[sflag:s21] =	ssyncset.done $0x0  }
0xdd: {  	s11 =	sadd.s32 $0x14080, s10;
	[sflag:s21] =	ssyncadd.s32 $0xFFFFC180  }
0xde: {  	[tilespmem:s20], [sflag:$0x2] =	stream.indirect.gather [hbm4b:s4+s24], $0x80, s11, s24, $0xb8;
	[tilespmem:$0x1E800] =	vst v63  }
0xdf: {  	_ =	swait.ge [sflag:s26], $0x3E80  }
0xe0: {  	[sflag:s26] =	ssyncset.done $0x0  }
0xe1: {  	s12 =	sadd.s32 $0x15400, s10;
	[sflag:s26] =	ssyncadd.s32 $0xFFFFC180  }
0xe2: {  	[spmem:s1] =	stream.indirect.scatter.add.f32 [tilespmem:s25], [sflag:$0x3], $0x80, s12, s24, $0xb8;
	[tilespmem:$0x1E800] =	vst v63  }
0xe3: {  	_ =	swait.ge [sflag:s21], $0x3E80  }
0xe4: {  	[sflag:s21] =	ssyncset.done $0x0  }
0xe5: {  	s13 =	sadd.s32 $0x14100, s10;
	[sflag:s21] =	ssyncadd.s32 $0xFFFFC180  }
0xe6: {  	[tilespmem:s25], [sflag:$0x1] =	stream.indirect.gather [hbm4b:s4+s24], $0x80, s13, s24, $0xb8;
	[tilespmem:$0x1E800] =	vst v63  }
0xe7: {  	_ =	swait.ge [sflag:s28], $0x3E80  }
0xe8: {  	[sflag:s28] =	ssyncset.done $0x0  }
0xe9: {  	s14 =	sadd.s32 $0x15480, s10;
	[sflag:s28] =	ssyncadd.s32 $0xFFFFC180  }
0xea: {  	[spmem:s1] =	stream.indirect.scatter.add.f32 [tilespmem:s20], [sflag:$0x3], $0x80, s14, s24, $0xb8;
	[tilespmem:$0x1E800] =	vst v63  }
0xeb: {  	_ =	swait.ge [sflag:s21], $0x3E80  }
0xec: {  	[sflag:s21] =	ssyncset.done $0x0  }
0xed: {  	[sflag:s21] =	ssyncadd.s32 $0xFFFFC180  }
0xee: {  	[tilespmem:s20], [sflag:$0x2] =	stream.indirect.gather [hbm4b:s4+s24], $0x80, s29, s24, $0xb8;
	[tilespmem:$0x1E800] =	vst v63  }
0xef: {  	_ =	swait.ge [sflag:s26], $0x3E80  }
0xf0: {  	[sflag:s26] =	ssyncset.done $0x0  }
0xf1: {  	[sflag:s26] =	ssyncadd.s32 $0xFFFFC180  }
0xf2: {  	[spmem:s1] =	stream.indirect.scatter.add.f32 [tilespmem:s25], [sflag:$0x3], $0x80, s30, s24, $0xb8;
	[tilespmem:$0x1E800] =	vst v63  }
0xf3: {  	_ =	swait.ge [sflag:s21], $0x3E80  }
0xf4: {  	[sflag:s21] =	ssyncset.done $0x0  }
0xf5: {  	[sflag:s21] =	ssyncadd.s32 $0xFFFFC180  }
0xf6: {  	_ =	swait.ge [sflag:s28], $0x3E80  }
0xf7: {  	[sflag:s28] =	ssyncset.done $0x0  }
0xf8: {  	[sflag:s28] =	ssyncadd.s32 $0xFFFFC180  }
0xf9: {  	[spmem:s1] =	stream.indirect.scatter.add.f32 [tilespmem:s20], [sflag:$0x3], $0x80, s31, s24, $0xb8;
	[tilespmem:$0x1E800] =	vst v63  }
0xfa: {  	_ =	swait.ge [sflag:s21], $0x3E80  }
0xfb: {  	[sflag:s21] =	ssyncset.done $0x0  }
0xfc: {  	[sflag:s21] =	ssyncadd.s32 $0xFFFFC180  }
0xfd: {  	[bflag:$0x0] =	sbarrier.arrive $0xFFFF  }
0xfe: {  	[hbm:s15], [sflag:s0] =	dma.local [spmem:s2], $0x2800  }
0xff: {  	_ =	swait.ge [sflag:s21], $0x2800  }
0x100: {  	[sflag:s21] =	ssyncset.done $0x0  }
0x101: {  	[sflag:s21] =	ssyncadd.s32 $0xFFFFD800  }
0x102: {  	s10 =	simm.s32 $0x0;
	s11 =	simm.s32 $0x200;
	[bflag:$0x0] =	sbarrier.arrive $0xFFFF  }
.LBB2_10:
0x103: {  	p0 =	sne.s32 s11, $0xFE00;
	[tilespmem:s10+$0x1A870] =	vst v0  }
0x104: {  	[tilespmem:s10+$0x1A800] =	vst v0  }
0x105: {  	[tilespmem:s10+$0x1A810] =	vst v0  }
.Ltmp4:
0x106: {  	[tilespmem:s10+$0x1A820] =	vst v0;
	(pc) =	sbr.rel @p0 .LBB2_10-.Ltmp4, $4  }
0x107: {  	[tilespmem:s10+$0x1A830] =	vst v0  }
0x108: {  	[tilespmem:s10+$0x1A840] =	vst v0  }
0x109: {  	[tilespmem:s10+$0x1A850] =	vst v0  }
0x10a: {  	[tilespmem:s10+$0x1A860] =	vst v0;
	s10 =	sshra.s32 s11, $0x2;
	s11 =	sadd.s32 $0x200, s11  }
0x10b: {  	[tilespmem:s10+$0x1A870] =	vst v0  }
0x10c: {  	[tilespmem:s10+$0x1A800] =	vst v0  }
0x10d: {  	[tilespmem:s10+$0x1A810] =	vst v0  }
0x10e: {  	[tilespmem:s10+$0x1A820] =	vst v0  }
0x10f: {  	[tilespmem:s10+$0x1A830] =	vst v0  }
0x110: {  	[tilespmem:s10+$0x1A840] =	vst v0  }
0x111: {  	[tilespmem:s10+$0x1A850] =	vst v0  }
0x112: {  	[tilespmem:s10+$0x1A860] =	vst v0  }
0x113: {  	[spmem:s5] =	stream.linear.scatter [tilespmem:s20], [sflag:$0x3], $0x4000, $0x38;
	[tilespmem:$0x1E800] =	vst v63  }
0x114: {  	_ =	swait.ge [sflag:s21], $0x4000  }
0x115: {  	[sflag:s21] =	ssyncset.done $0x0  }
0x116: {  	[sflag:s21] =	ssyncadd.s32 $0xFFFFC000  }
0x117: {  	[spmem:s6] =	stream.linear.scatter [tilespmem:s20], [sflag:$0x3], $0x4000, $0x38;
	[tilespmem:$0x1E800] =	vst v63  }
0x118: {  	_ =	swait.ge [sflag:s21], $0x4000  }
0x119: {  	[sflag:s21] =	ssyncset.done $0x0  }
0x11a: {  	[sflag:s21] =	ssyncadd.s32 $0xFFFFC000  }
0x11b: {  	[spmem:s7] =	stream.linear.scatter [tilespmem:s20], [sflag:$0x3], $0x4000, $0x38;
	[tilespmem:$0x1E800] =	vst v63  }
0x11c: {  	_ =	swait.ge [sflag:s21], $0x4000  }
0x11d: {  	[sflag:s21] =	ssyncset.done $0x0  }
0x11e: {  	[sflag:s21] =	ssyncadd.s32 $0xFFFFC000  }
0x11f: {  	[spmem:s8] =	stream.linear.scatter [tilespmem:s20], [sflag:$0x3], $0x4000, $0x38;
	[tilespmem:$0x1E800] =	vst v63  }
0x120: {  	_ =	swait.ge [sflag:s21], $0x4000  }
0x121: {  	[sflag:s21] =	ssyncset.done $0x0  }
0x122: {  	[sflag:s21] =	ssyncadd.s32 $0xFFFFC000  }
0x123: {  	[spmem:s9] =	stream.linear.scatter [tilespmem:s20], [sflag:$0x3], $0x4000, $0x38;
	[tilespmem:$0x1E800] =	vst v63  }
0x124: {  	_ =	swait.ge [sflag:s21], $0x4000  }
0x125: {  	[sflag:s21] =	ssyncset.done $0x0  }
0x126: {  	[sflag:s21] =	ssyncadd.s32 $0xFFFFC000  }
0x127: {  	s14 =	simm.s32 $0x0;
	[bflag:$0x0] =	sbarrier.arrive $0xFFFF  }
0x128: {  	[tilespmem:s22], [sflag:$0x3] =	stream.linear.gather [hbm4b:s16+s14], $0x1400, $0x38;
	[tilespmem:$0x1E800] =	vst v63  }
0x129: {  	_ =	swait.ge [sflag:s21], $0x1400  }
0x12a: {  	[sflag:s21] =	ssyncset.done $0x0  }
0x12b: {  	[sflag:s21] =	ssyncadd.s32 $0xFFFFEC00  }
0x12c: {  	[tilespmem:s23], [sflag:$0x3] =	stream.linear.gather [hbm4b:s17+s14], $0x1400, $0x38;
	[tilespmem:$0x1E800] =	vst v63  }
0x12d: {  	_ =	swait.ge [sflag:s21], $0x1400  }
0x12e: {  	[sflag:s21] =	ssyncset.done $0x0  }
0x12f: {  	[sflag:s21] =	ssyncadd.s32 $0xFFFFEC00  }
0x130: {  	[tilespmem:s25], [sflag:$0x1] =	stream.indirect.gather [hbm4b:s4+s24], $0x80, s22, s24, $0xb8;
	[tilespmem:$0x1E800] =	vst v63  }
0x131: {  	s11 =	simm.s32 $0x14080  }
0x132: {  	[tilespmem:s20], [sflag:$0x2] =	stream.indirect.gather [hbm4b:s4+s24], $0x80, s11, s24, $0xb8;
	[tilespmem:$0x1E800] =	vst v63  }
0x133: {  	_ =	swait.ge [sflag:s26], $0x3E80  }
0x134: {  	[sflag:s26] =	ssyncset.done $0x0  }
0x135: {  	s12 =	simm.s32 $0x15400;
	[sflag:s26] =	ssyncadd.s32 $0xFFFFC180  }
0x136: {  	[spmem:s1] =	stream.indirect.scatter.add.f32 [tilespmem:s25], [sflag:$0x3], $0x80, s12, s24, $0xb8;
	[tilespmem:$0x1E800] =	vst v63  }
0x137: {  	_ =	swait.ge [sflag:s21], $0x3E80  }
0x138: {  	[sflag:s21] =	ssyncset.done $0x0  }
0x139: {  	s13 =	simm.s32 $0x14100;
	[sflag:s21] =	ssyncadd.s32 $0xFFFFC180  }
0x13a: {  	[tilespmem:s25], [sflag:$0x1] =	stream.indirect.gather [hbm4b:s4+s24], $0x80, s13, s24, $0xb8;
	[tilespmem:$0x1E800] =	vst v63  }
0x13b: {  	_ =	swait.ge [sflag:s28], $0x3E80  }
0x13c: {  	[sflag:s28] =	ssyncset.done $0x0  }
0x13d: {  	s14 =	simm.s32 $0x15480;
	[sflag:s28] =	ssyncadd.s32 $0xFFFFC180  }
0x13e: {  	[spmem:s1] =	stream.indirect.scatter.add.f32 [tilespmem:s20], [sflag:$0x3], $0x80, s14, s24, $0xb8;
	[tilespmem:$0x1E800] =	vst v63  }
0x13f: {  	_ =	swait.ge [sflag:s21], $0x3E80  }
0x140: {  	s10 =	simm.s32 $0x100;
	s11 =	simm.s32 $0x800;
	[sflag:s21] =	ssyncset.done $0x0  }
.LBB2_12:
0x141: {  	s12 =	sadd.s32 $0x14080, s10  }
0x142: {  	[sflag:s21] =	ssyncadd.s32 $0xFFFFC180;
	s13 =	smov.u32 s11;
	s14 =	sadd.s32 $0x400, s11  }
0x143: {  	[tilespmem:s20], [sflag:$0x2] =	stream.indirect.gather [hbm4b:s4+s24], $0x80, s12, s24, $0xb8;
	[tilespmem:$0x1E800] =	vst v63  }
0x144: {  	p0 =	sne.s32 s11, $0x4800;
	_ =	swait.ge [sflag:s26], $0x3E80  }
0x145: {  	[sflag:s26] =	ssyncset.done $0x0  }
0x146: {  	s11 =	sadd.s32 $0x15400, s10;
	[sflag:s26] =	ssyncadd.s32 $0xFFFFC180  }
0x147: {  	[spmem:s1] =	stream.indirect.scatter.add.f32 [tilespmem:s25], [sflag:$0x3], $0x80, s11, s24, $0xb8;
	[tilespmem:$0x1E800] =	vst v63  }
0x148: {  	_ =	swait.ge [sflag:s21], $0x3E80  }
0x149: {  	[sflag:s21] =	ssyncset.done $0x0  }
0x14a: {  	s11 =	sadd.s32 $0x14100, s10;
	[sflag:s21] =	ssyncadd.s32 $0xFFFFC180  }
0x14b: {  	[tilespmem:s25], [sflag:$0x1] =	stream.indirect.gather [hbm4b:s4+s24], $0x80, s11, s24, $0xb8;
	[tilespmem:$0x1E800] =	vst v63  }
0x14c: {  	_ =	swait.ge [sflag:s28], $0x3E80  }
.Ltmp5:
0x14d: {  	[sflag:s28] =	ssyncset.done $0x0;
	(pc) =	sbr.rel @p0 .LBB2_12-.Ltmp5, $4  }
0x14e: {  	s10 =	sadd.s32 $0x15480, s10;
	[sflag:s28] =	ssyncadd.s32 $0xFFFFC180  }
0x14f: {  	[spmem:s1] =	stream.indirect.scatter.add.f32 [tilespmem:s20], [sflag:$0x3], $0x80, s10, s24, $0xb8;
	[tilespmem:$0x1E800] =	vst v63  }
0x150: {  	_ =	swait.ge [sflag:s21], $0x3E80  }
0x151: {  	s11 =	smov.u32 s14;
	s10 =	sshra.s32 s13, $0x2;
	[sflag:s21] =	ssyncset.done $0x0  }
0x152: {  	s11 =	sadd.s32 $0x14080, s10;
	[sflag:s21] =	ssyncadd.s32 $0xFFFFC180  }
0x153: {  	[tilespmem:s20], [sflag:$0x2] =	stream.indirect.gather [hbm4b:s4+s24], $0x80, s11, s24, $0xb8;
	[tilespmem:$0x1E800] =	vst v63  }
0x154: {  	_ =	swait.ge [sflag:s26], $0x3E80  }
0x155: {  	[sflag:s26] =	ssyncset.done $0x0  }
0x156: {  	s12 =	sadd.s32 $0x15400, s10;
	[sflag:s26] =	ssyncadd.s32 $0xFFFFC180  }
0x157: {  	[spmem:s1] =	stream.indirect.scatter.add.f32 [tilespmem:s25], [sflag:$0x3], $0x80, s12, s24, $0xb8;
	[tilespmem:$0x1E800] =	vst v63  }
0x158: {  	_ =	swait.ge [sflag:s21], $0x3E80  }
0x159: {  	[sflag:s21] =	ssyncset.done $0x0  }
0x15a: {  	s13 =	sadd.s32 $0x14100, s10;
	[sflag:s21] =	ssyncadd.s32 $0xFFFFC180  }
0x15b: {  	[tilespmem:s25], [sflag:$0x1] =	stream.indirect.gather [hbm4b:s4+s24], $0x80, s13, s24, $0xb8;
	[tilespmem:$0x1E800] =	vst v63  }
0x15c: {  	_ =	swait.ge [sflag:s28], $0x3E80  }
0x15d: {  	[sflag:s28] =	ssyncset.done $0x0  }
0x15e: {  	s14 =	sadd.s32 $0x15480, s10;
	[sflag:s28] =	ssyncadd.s32 $0xFFFFC180  }
0x15f: {  	[spmem:s1] =	stream.indirect.scatter.add.f32 [tilespmem:s20], [sflag:$0x3], $0x80, s14, s24, $0xb8;
	[tilespmem:$0x1E800] =	vst v63  }
0x160: {  	_ =	swait.ge [sflag:s21], $0x3E80  }
0x161: {  	[sflag:s21] =	ssyncset.done $0x0  }
0x162: {  	[sflag:s21] =	ssyncadd.s32 $0xFFFFC180  }
0x163: {  	[tilespmem:s20], [sflag:$0x2] =	stream.indirect.gather [hbm4b:s4+s24], $0x80, s29, s24, $0xb8;
	[tilespmem:$0x1E800] =	vst v63  }
0x164: {  	_ =	swait.ge [sflag:s26], $0x3E80  }
0x165: {  	[sflag:s26] =	ssyncset.done $0x0  }
0x166: {  	[sflag:s26] =	ssyncadd.s32 $0xFFFFC180  }
0x167: {  	[spmem:s1] =	stream.indirect.scatter.add.f32 [tilespmem:s25], [sflag:$0x3], $0x80, s30, s24, $0xb8;
	[tilespmem:$0x1E800] =	vst v63  }
0x168: {  	_ =	swait.ge [sflag:s21], $0x3E80  }
0x169: {  	[sflag:s21] =	ssyncset.done $0x0  }
0x16a: {  	[sflag:s21] =	ssyncadd.s32 $0xFFFFC180  }
0x16b: {  	_ =	swait.ge [sflag:s28], $0x3E80  }
0x16c: {  	[sflag:s28] =	ssyncset.done $0x0  }
0x16d: {  	[sflag:s28] =	ssyncadd.s32 $0xFFFFC180  }
0x16e: {  	[spmem:s1] =	stream.indirect.scatter.add.f32 [tilespmem:s20], [sflag:$0x3], $0x80, s31, s24, $0xb8;
	[tilespmem:$0x1E800] =	vst v63  }
0x16f: {  	_ =	swait.ge [sflag:s21], $0x3E80  }
0x170: {  	[sflag:s21] =	ssyncset.done $0x0  }
0x171: {  	s3 =	sadd.s32 $0x1, s3;
	[sflag:s21] =	ssyncadd.s32 $0xFFFFC180  }
0x172: {  	p0 =	sne.s32 s3, s19;
	[bflag:$0x0] =	sbarrier.arrive $0xFFFF  }
0x173: {  	[hbm:s18], [sflag:s0] =	dma.local [spmem:s2], $0x2800  }
.Ltmp6:
0x174: {  	_ =	swait.ge [sflag:s21], $0x2800;
	(pc) =	sbr.rel @p0 .LBB2_1-.Ltmp6, $3  }
0x175: {  	[sflag:s21] =	ssyncset.done $0x0  }
0x176: {  	[sflag:s21] =	ssyncadd.s32 $0xFFFFD800  }
0x177: {  	[bflag:$0x0] =	sbarrier.arrive $0xFFFF;
	_ =	sdelay $0x1  }
0x178: {  	_ =	sfence.sel $0x180000  }
0x179: {  	[bflag:$0x0] =	sbarrier.arrive $0xFFFF  }
0x17a: {  	_ =	strace $0x9000004D  }
0x17b: {  	s0 =	stileid.u32;
	[bflag:$0x2] =	sbarrier.arrive $0xFFFF  }
0x17c: {  	p0 =	sne.s32 s0, $0x0;
	s0 =	rddreg [dreg:$0x2]  }
0x17d: {  	s0 =	sadd.s32 @!p0 $0x100000, s0  }
0x17e: {  	[sflag:s0] =	ssyncadd.tile.s32 @!p0 $0x1;
	_ =	shalt  }
.Lfunc_end2:
_tile_overlayer_lowered:
.L_overlay_start_2:
0x17f: {  	(tag) =	ssettag $0x2  }
0x180: {  	s0 =	rddreg [dreg:$0x0];
	s2 =	stileid.u32  }
0x181: {  	s1 =	rddreg [dreg:$0x1];
	p0 =	sne.s32 s2, $0x0  }
0x182: {  	s3 =	rddreg [dreg:$0x2];
	[bflag:$0x3] =	sbarrier.arrive $0xFFFF;
	s2 =	simm.s32 @!p0 $0x1C03  }
0x183: {  	[timem:s3], [sflag:s2] =	dma.local @!p0 [hbm:s0], s1  }
0x184: {  	s0 =	simm.s32 @!p0 $0x3  }
0x185: {  	_ =	swait.ge @!p0 [sflag:s0], s1  }
0x186: {  	s1 =	ssub.s32 @!p0 $0x0, s1;
	[sflag:s0] =	ssyncset.done @!p0 $0x0  }
0x187: {  	[sflag:s0] =	ssyncadd.s32 @!p0 s1  }
0x188: {  	[bflag:$0x3] =	sbarrier.arrive $0xFFFF  }
0x189: {  	_ =	shalt  }

// kernel: kernel.7.cloned.1.call-start
scs
__scs_entry_jumppad:
0x0: {  	(pc) =	sbr.rel $0x88, $3  }
0x1: {  	(tag) =	ssettag $0x0;
	lr =	simm.s32 $0x1  }
0x2: {  	[smem:$0x3F97] =	sst lr;
	_ =	strace $0xD0000000  }
0x3: {  	_ = 	snop  }
0x4: {  	_ = 	snop  }
0x5: {  	_ = 	snop  }
0x6: {  	_ = 	snop  }
0x7: {  	_ = 	snop  }
__scs_overlays_trampoline_lowered:
0x8: {  	[smem:$0x3FA6] =	sst s0  }
0x9: {  	[smem:$0x3FA7] =	sst s1  }
0xa: {  	[smem:$0x3FA8] =	sst s2  }
0xb: {  	[smem:$0x3FA9] =	sst s3  }
0xc: {  	[smem:$0x3FAA] =	sst s4  }
0xd: {  	[smem:$0x3FAB] =	sst s5  }
0xe: {  	[smem:$0x3FAC] =	sst s6  }
0xf: {  	[smem:$0x3FAD] =	sst s7  }
0x10: {  	[smem:$0x3FAE] =	sst s8  }
0x11: {  	[smem:$0x3FAF] =	sst s9;
	s0 =	simm.s32 @!p0 $0x0  }
0x12: {  	s1 =	sld [smem:$0x3F95];
	s0 =	simm.s32 @p0 $0x1  }
0x13: {  	[smem:$0x3FB0] =	sst s0;
	s0 =	simm.s32 @!p1 $0x0  }
0x14: {  	s2 =	sld [smem:$0x3F94];
	s0 =	simm.s32 @p1 $0x1  }
0x15: {  	[smem:$0x3FB1] =	sst s0;
	s0 =	simm.s32 @!p2 $0x0  }
0x16: {  	s3 =	sld [smem:$0x3FDB];
	s0 =	simm.s32 @p2 $0x1  }
0x17: {  	s4 =	simm.s32 $0x1BF5;
	[smem:$0x3FB3] =	sst s0  }
0x18: {  	s0 =	sld [smem:$0x3F96];
	_ =	swait.ge [sflag:s4], $0x0  }
0x19: {  	s7 =	sld [smem:$0x3F97]  }
0x1a: {  	s8 =	sadd.s32 $0xFFFFE003, lr  }
0x1b: {  	s9 =	sadd.s32 $0xFFFFFEF7, lr;
	s5 =	simm.s32 $0xFFFFFFFF;
	p2 =	slt.u32 s8, $0xFFFFF086  }
0x1c: {  	p1 =	slt.u32 s9, $0xF7A;
	s5 =	simm.s32 @!p2 $0x0  }
0x1d: {  	s5 =	simm.s32 @p1 $0x1;
	p0 =	seq.s32 s7, s2  }
0x1e: {  	s7 =	smul.u32 @!p0 $0xF7A, s2;
	p2 =	seq.s32 @!p0 s5, $0x0  }
0x1f: {  	s9 =	smul.u32 $0xF7A, s1;
	s8 =	simm.s32 @!p0 $0x1BF5;
	p2 =	por !p2, p0  }
0x20: {  	[sflag:s8] =	ssyncset.s32 @!p0 $0xFFFFF086;
	s6 =	sadd.s32 @!p0 s3, s7;
	s7 =	simm.s32 @!p0 $0x108  }
0x21: {  	s3 =	sadd.s32 s3, s9;
	s6 =	sadd.s32 @!p0 $0x88, s6;
	s7 =	simm.s32 @p2 $0x1082  }
0x22: {  	[simem:s7], [sflag:s8] =	dma.local @!p0 [hbm:s6], $0xF7A  }
0x23: {  	s9 =	sor.u32 $0xD0000000, s2;
	s6 =	simm.s32 $0x108;
	_ =	swait.ge @!p0 [sflag:s8], $0x0  }
0x24: {  	s3 =	sadd.s32 $0x88, s3;
	s6 =	simm.s32 @!p1 $0x1082;
	[sflag:s4] =	ssyncset.s32 $0xFFFFF086  }
0x25: {  	[simem:s6], [sflag:s4] =	dma.local [hbm:s3], $0xF7A  }
0x26: {  	[smem:$0x3F97] =	sst s1;
	(tag) =	ssettag s2;
	_ =	strace s9  }
0x27: {  	s1 =	sld [smem:$0x3FA7]  }
0x28: {  	s2 =	sld [smem:$0x3FA8]  }
0x29: {  	s4 =	sld [smem:$0x3FAA]  }
0x2a: {  	p0 =	seq.s32 s5, $0x0;
	s5 =	sld [smem:$0x3FAB]  }
0x2b: {  	s6 =	sld [smem:$0x3FAC]  }
0x2c: {  	s7 =	sld [smem:$0x3FAD]  }
0x2d: {  	s3 =	simm.s32 $0x108;
	s8 =	sld [smem:$0x3FAE]  }
0x2e: {  	s3 =	simm.s32 @!p0 $0x1082;
	s9 =	sld [smem:$0x3FAF]  }
0x2f: {  	lr =	sadd.s32 s0, s3;
	s0 =	sld [smem:$0x3FA6]  }
0x30: {  	s3 =	sld [smem:$0x3FA9]  }
0x31: {  	[smem:$0x3FB2] =	sst s10  }
0x32: {  	s10 =	sld [smem:$0x3FB0];
	_ =	sdelay $0x3  }
0x33: {  	p0 =	seq.s32 s10, $0x1;
	s10 =	sld [smem:$0x3FB2];
	_ =	sdelay $0x3  }
0x34: {  	[smem:$0x3FB2] =	sst s10  }
0x35: {  	s10 =	sld [smem:$0x3FB1];
	_ =	sdelay $0x3  }
0x36: {  	p1 =	seq.s32 s10, $0x1;
	s10 =	sld [smem:$0x3FB2];
	_ =	sdelay $0x3  }
0x37: {  	[smem:$0x3FB2] =	sst s10  }
0x38: {  	s10 =	sld [smem:$0x3FB3]  }
0x39: {  	_ = 	snop;
	(pc) =	sbr.ind lr, $3  }
0x3a: {  	_ = 	snop  }
0x3b: {  	_ = 	snop  }
0x3c: {  	p2 =	seq.s32 s10, $0x1;
	s10 =	sld [smem:$0x3FB2]  }
0x3d: {  	_ =	shalt  }
0x3e: {  	_ =	shalt  }
0x3f: {  	_ =	shalt  }
0x40: {  	_ =	shalt  }
0x41: {  	_ =	shalt  }
0x42: {  	_ =	shalt  }
0x43: {  	_ =	shalt  }
0x44: {  	_ =	shalt  }
0x45: {  	_ =	shalt  }
0x46: {  	_ =	shalt  }
0x47: {  	_ =	shalt  }
0x48: {  	_ =	shalt  }
0x49: {  	_ =	shalt  }
0x4a: {  	_ =	shalt  }
0x4b: {  	_ =	shalt  }
0x4c: {  	_ =	shalt  }
0x4d: {  	_ =	shalt  }
0x4e: {  	_ =	shalt  }
0x4f: {  	_ =	shalt  }
0x50: {  	_ =	shalt  }
0x51: {  	_ =	shalt  }
0x52: {  	_ =	shalt  }
0x53: {  	_ =	shalt  }
0x54: {  	_ =	shalt  }
0x55: {  	_ =	shalt  }
0x56: {  	_ =	shalt  }
0x57: {  	_ =	shalt  }
0x58: {  	_ =	shalt  }
0x59: {  	_ =	shalt  }
0x5a: {  	_ =	shalt  }
0x5b: {  	_ =	shalt  }
0x5c: {  	_ =	shalt  }
0x5d: {  	_ =	shalt  }
0x5e: {  	_ =	shalt  }
0x5f: {  	_ =	shalt  }
0x60: {  	_ =	shalt  }
0x61: {  	_ =	shalt  }
0x62: {  	_ =	shalt  }
0x63: {  	_ =	shalt  }
0x64: {  	_ =	shalt  }
0x65: {  	_ =	shalt  }
0x66: {  	_ =	shalt  }
0x67: {  	_ =	shalt  }
0x68: {  	_ =	shalt  }
0x69: {  	_ =	shalt  }
0x6a: {  	_ =	shalt  }
0x6b: {  	_ =	shalt  }
0x6c: {  	_ =	shalt  }
0x6d: {  	_ =	shalt  }
0x6e: {  	_ =	shalt  }
0x6f: {  	_ =	shalt  }
0x70: {  	_ =	shalt  }
0x71: {  	_ =	shalt  }
0x72: {  	_ =	shalt  }
0x73: {  	_ =	shalt  }
0x74: {  	_ =	shalt  }
0x75: {  	_ =	shalt  }
0x76: {  	_ =	shalt  }
0x77: {  	_ =	shalt  }
0x78: {  	_ =	shalt  }
0x79: {  	_ =	shalt  }
0x7a: {  	_ =	shalt  }
0x7b: {  	_ =	shalt  }
0x7c: {  	_ =	shalt  }
0x7d: {  	_ =	shalt  }
0x7e: {  	_ =	shalt  }
0x7f: {  	_ =	shalt  }
0x80: {  	_ =	shalt  }
0x81: {  	_ =	shalt  }
0x82: {  	_ =	shalt  }
0x83: {  	_ =	shalt  }
0x84: {  	_ =	shalt  }
0x85: {  	_ =	shalt  }
0x86: {  	_ =	shalt  }
0x87: {  	_ =	shalt  }
.Lfunc_end0:
.L_simem_size_0:
called_computation_lowered:
.L_overlay_start_0:
0x88: {  	s2 =	sld [smem:$0x3FD9]  }
0x89: {  	s3 =	sld [smem:$0x3FFE];
	_ =	sdelay $0x1  }
0x8a: {  	s1 =	srdreg.scid  }
0x8b: {  	s0 =	sand.u32 $0x1, s1  }
0x8c: {  	s17 =	sshll.u32 s0, $0xA;
	s2 =	sadd.s32 s3, s2  }
0x8d: {  	s2 =	sadd.s32 s2, s17  }
0x8e: {  	[smem:$0x3FBE] =	sst s2  }
0x8f: {  	_ = 	snop  }
0x90: {  	s2 =	sld [smem:$0x3FD0];
	(tm) =	ssettm $0x1  }
0x91: {  	s18 =	sld [smem:$0x3FFB];
	_ =	sdelay $0x3  }
0x92: {  	_ =	strace s18  }
0x93: {  	s3 =	sld [smem:$0x3FFC];
	_ =	sdelay $0x3  }
0x94: {  	_ =	strace s3  }
0x95: {  	s3 =	sld [smem:$0x3FFD];
	_ =	sdelay $0x3  }
0x96: {  	_ =	strace s3  }
0x97: {  	_ =	strace $0x8FFFFFFF  }
0x98: {  	s19 =	sld [smem:$0x3FDB];
	_ =	sdelay $0x1  }
0x99: {  	s4 =	simm.s32 $_scs_section_size  }
0x9a: {  	s5 =	simm.s32 $_size__tile_overlayer_lowered;
	s6 =	simm.s32 $_tile_overlayer_lowered  }
0x9b: {  	s22 =	simm.s32 $0x1BFF;
	s21 =	sshll.u32 s6, $0x1;
	s3 =	sadd.s32 s4, s19  }
0x9c: {  	s7 =	simm.s32 $0x0;
	s20 =	sshll.u32 s5, $0x1;
	s5 =	sadd.s32 s21, s3  }
0x9d: {  	[timem:s7], [sflag:s22] =	dma.local [hbm:s5], s20  }
0x9e: {  	_ =	swait.ge [sflag:s22], s20  }
0x9f: {  	s4 =	ssub.s32 $0x0, s20;
	[sflag:s22] =	ssyncset.done $0x0  }
0xa0: {  	[sflag:s22] =	ssyncadd.s32 s4;
	_ =	sdelay $0x1  }
0xa1: {  	s23 =	simm.s32 $0x1B8B  }
0xa2: {  	_ =	swait.ge [sflag:s23], $0x1  }
0xa3: {  	[sflag:s23] =	ssyncset.done $0x0  }
0xa4: {  	s25 =	simm.s32 $0x1B8E;
	s24 =	sld [smem:$0x3FFE];
	[sflag:s23] =	ssyncadd.s32 $0xFFFFFFFF  }
0xa5: {  	s26 =	simm.s32 $execute0_lowered;
	[smem:$0x3FD2] =	sst s25  }
0xa6: {  	s5 =	sshll.u32 s26, $0x1;
	_ =	strace $0x80000046;
	[dreg:$0x1] =	wrdreg $0xFFFFFFFF  }
0xa7: {  	s28 =	simm.s32 $_size_execute0_lowered;
	s3 =	sadd.s32 s3, s5;
	[dreg:$0x0] =	wrdreg $0x0  }
0xa8: {  	s5 =	sshll.u32 s28, $0x1;
	[dreg:$0x2] =	wrdreg s3  }
0xa9: {  	[dreg:$0x3] =	wrdreg s5  }
0xaa: {  	[dreg:$0x4] =	wrdreg $0xC0  }
0xab: {  	_ =	task [dreg:s7], $0x5FFFF  }
0xac: {  	[dreg:$0x1] =	wrdreg $0xFFFFFFFF  }
0xad: {  	[dreg:$0x0] =	wrdreg $0x60  }
0xae: {  	[dreg:$0x2] =	wrdreg s24  }
0xaf: {  	[dreg:$0x3] =	wrdreg s2  }
0xb0: {  	[dreg:$0x4] =	wrdreg $0x9  }
0xb1: {  	_ =	task.clear_ibuf [dreg:s7], $0x5FFFF;
	_ =	strace $0x90000046  }
0xb2: {  	s29 =	simm.s32 $0x9;
	_ =	strace $0x80000048  }
0xb3: {  	_ =	swait.ge [sflag:s29], $0x1  }
0xb4: {  	[sflag:s29] =	ssyncadd.s32 $0xFFFFFFFF  }
0xb5: {  	_ =	strace $0x90000048  }
0xb6: {  	_ =	sfence  }
0xb7: {  	s30 =	sld [smem:$0x0];
	_ =	sdelay $0x2  }
0xb8: {  	s31 =	sshll.u32 s1, $0xD;
	s1 =	sshrl.u32 s1, $0x2  }
0xb9: {  	s3 =	sand.u32 $0x4000, s31;
	s1 =	sadd.s32 s1, s30  }
0xba: {  	s0 =	sor.u32 s3, s0;
	s1 =	sshll.u32 s1, $0x11  }
0xbb: {  	s0 =	sor.u32 s1, s0  }
0xbc: {  	s0 =	sadd.s32 $0x8F2B, s0  }
0xbd: {  	[sflag:s0] =	ssyncadd.remote.s32 $0x1  }
0xbe: {  	_ =	sfence.sel $0xFFFF  }
0xbf: {  	[dreg:$0x0] =	wrdreg $0xFFFFFFFF;
	(pc) =	sbr.abs _section_cstart, $3  }
0xc0: {  	[dreg:$0x1] =	wrdreg $0xFFFFFFFF  }
0xc1: {  	_ =	task.clear_ibuf [dreg:s7], $0x2FFFF;
	_ =	strace $0x9FFFFFFF  }
0xc2: {  	(tm) =	ssettm $0x7FFFFFFF  }
0xc3: {  	_ =	shalt  }
tec
execute0_lowered:
.L_overlay_start_1:
0x0: {  	(tag) =	ssettag $0x1  }
0x1: {  	s0 =	srdreg.scid;
	s4 =	rddreg [dreg:$0x0]  }
0x2: {  	s5 =	rddreg [dreg:$0x1];
	s2 =	simm.s32 $0x0;
	s3 =	sand.u32 $0x1, s0  }
0x3: {  	s10 =	simm.s32 $0x2800;
	s0 =	stileid.u32;
	s1 =	sshll.u32 s3, $0x4  }
0x4: {  	s11 =	simm.s32 $0x1;
	s12 =	simm.s32 $0x0;
	s6 =	sor.u32 s0, s1  }
0x5: {  	[smem:$0x7FF] =	sst s2;
	s3 =	ssub.s32 $0x2, s3;
	s7 =	smul.u32 $0x1388, s6  }
0x6: {  	s1 =	rddreg [dreg:$0x2];
	s8 =	sshrl.u32 s3, $0x1;
	s6 =	smul.u32 $0x2800, s6  }
0x7: {  	_ =	strace $0x80000047;
	s9 =	ssub.s32 s3, s8;
	s7 =	sshrl.u32 s7, $0x3  }
0x8: {  	s9 =	smax.u32 s9, $0x1;
	s6 =	sshrl.u32 s6, $0x3;
	s7 =	sadd.s32 s7, s4  }
0x9: {  	s3 =	sadd.s32 s5, s6;
	s4 =	sadd.s32 $0x3200, s7;
	s5 =	sadd.s32 $0x8020, s7  }
0xa: {  	v0 =	vimm.s32 $0x2710;
	v1 =	vimm.f32 $0.0e+00;
	v2 =	vimm.f32 $1.000000000e+00;
	s6 =	sadd.s32 $0xA000, s3;
	s7 =	sadd.s32 $0xCE40, s7;
	s8 =	sadd.s32 $0x14000, s3  }
.LBB2_1:
0xb: {  	[tilespmem:$0x3B88] =	vst v0;
	s13 =	simm.s32 $0x40;
	s14 =	simm.s32 $0x0  }
.LBB2_2:
0xc: {  	p0 =	sne.s32 s13, $0x9FC0;
	[tilespmem:s14+$0x0] =	vst v1;
	s14 =	smov.u32 s13;
	s13 =	sadd.s32 $0x40, s13  }
.Ltmp0:
0xd: {  	(pc) =	sbr.rel @p0 .LBB2_2-.Ltmp0, $2  }
0xe: {  	_ =	sdelay $0x2  }
0xf: {  	s14 =	sshra.s32 s14, $0x2  }
0x10: {  	[tilespmem:s14+$0x0] =	vst v1;
	s13 =	simm.s32 $0x0  }
0x11: {  	[tilespmem:s10], [sflag:$0x1] =	stream.linear.gather [hbm4b:s4+s13], $0x1388, $0x38;
	[tilespmem:$0x3B98] =	vst v63  }
0x12: {  	_ =	swait.ge [sflag:s11], $0x1388  }
0x13: {  	[sflag:s11] =	ssyncset.done $0x0  }
0x14: {  	s14 =	simm.s32 $0x0;
	s13 =	simm.s32 $0x40;
	[sflag:s11] =	ssyncadd.s32 $0xFFFFEC78  }
.LBB2_4:
0x15: {  	p0 =	sne.s32 s13, $0x4E00;
	v3 =	vld [tilespmem:s14+$0x2800];
	_ =	sdelay $0x3  }
.Ltmp1:
0x16: {  	(pc) =	sbr.rel @p0 .LBB2_4-.Ltmp1, $2  }
0x17: {  	_ =	sdelay $0x2  }
0x18: {  	s14 =	sshra.s32 s13, $0x2;
	s13 =	sadd.s32 $0x40, s13;
	[tilespmem:v3+s2+$0x0] =	vst.idx.add.f32.msk $0xffff, v2  }
0x19: {  	v3 =	vld [tilespmem:s14+$0x2800];
	_ =	sdelay $0x7  }
0x1a: {  	s13 =	simm.s32 $0x0;
	[tilespmem:v3+s2+$0x0] =	vst.idx.add.f32.msk $0xffff, v2  }
0x1b: {  	[hbm4b:s3+s13] =	stream.linear.scatter [tilespmem:s13], [sflag:$0x1], $0x2800, $0x38;
	[tilespmem:$0x3B98] =	vst v63  }
0x1c: {  	_ =	swait.ge [sflag:s11], $0x2800  }
0x1d: {  	[sflag:s11] =	ssyncset.done $0x0  }
0x1e: {  	s14 =	simm.s32 $0x0;
	s13 =	simm.s32 $0x40;
	[sflag:s11] =	ssyncadd.s32 $0xFFFFD800  }
.LBB2_6:
0x1f: {  	p0 =	sne.s32 s13, $0x9FC0;
	[tilespmem:s14+$0x0] =	vst v1;
	s14 =	smov.u32 s13;
	s13 =	sadd.s32 $0x40, s13  }
.Ltmp2:
0x20: {  	(pc) =	sbr.rel @p0 .LBB2_6-.Ltmp2, $2  }
0x21: {  	_ =	sdelay $0x2  }
0x22: {  	s14 =	sshra.s32 s14, $0x2  }
0x23: {  	[tilespmem:s14+$0x0] =	vst v1;
	s13 =	simm.s32 $0x0  }
0x24: {  	[tilespmem:s10], [sflag:$0x1] =	stream.linear.gather [hbm4b:s5+s13], $0x1388, $0x38;
	[tilespmem:$0x3B98] =	vst v63  }
0x25: {  	_ =	swait.ge [sflag:s11], $0x1388  }
0x26: {  	[sflag:s11] =	ssyncset.done $0x0  }
0x27: {  	s14 =	simm.s32 $0x0;
	s13 =	simm.s32 $0x40;
	[sflag:s11] =	ssyncadd.s32 $0xFFFFEC78  }
.LBB2_8:
0x28: {  	p0 =	sne.s32 s13, $0x4E00;
	v3 =	vld [tilespmem:s14+$0x2800];
	_ =	sdelay $0x3  }
.Ltmp3:
0x29: {  	(pc) =	sbr.rel @p0 .LBB2_8-.Ltmp3, $2  }
0x2a: {  	_ =	sdelay $0x2  }
0x2b: {  	s14 =	sshra.s32 s13, $0x2;
	s13 =	sadd.s32 $0x40, s13;
	[tilespmem:v3+s2+$0x0] =	vst.idx.add.f32.msk $0xffff, v2  }
0x2c: {  	v3 =	vld [tilespmem:s14+$0x2800];
	_ =	sdelay $0x7  }
0x2d: {  	s13 =	simm.s32 $0x0;
	[tilespmem:v3+s2+$0x0] =	vst.idx.add.f32.msk $0xffff, v2  }
0x2e: {  	[hbm4b:s6+s13] =	stream.linear.scatter [tilespmem:s13], [sflag:$0x1], $0x2800, $0x38;
	[tilespmem:$0x3B98] =	vst v63  }
0x2f: {  	_ =	swait.ge [sflag:s11], $0x2800  }
0x30: {  	[sflag:s11] =	ssyncset.done $0x0  }
0x31: {  	s14 =	simm.s32 $0x0;
	s13 =	simm.s32 $0x40;
	[sflag:s11] =	ssyncadd.s32 $0xFFFFD800  }
.LBB2_10:
0x32: {  	p0 =	sne.s32 s13, $0x9FC0;
	[tilespmem:s14+$0x0] =	vst v1;
	s14 =	smov.u32 s13;
	s13 =	sadd.s32 $0x40, s13  }
.Ltmp4:
0x33: {  	(pc) =	sbr.rel @p0 .LBB2_10-.Ltmp4, $2  }
0x34: {  	_ =	sdelay $0x2  }
0x35: {  	s14 =	sshra.s32 s14, $0x2  }
0x36: {  	[tilespmem:s14+$0x0] =	vst v1;
	s13 =	simm.s32 $0x0  }
0x37: {  	[tilespmem:s10], [sflag:$0x1] =	stream.linear.gather [hbm4b:s7+s13], $0x1388, $0x38;
	[tilespmem:$0x3B98] =	vst v63  }
0x38: {  	_ =	swait.ge [sflag:s11], $0x1388  }
0x39: {  	[sflag:s11] =	ssyncset.done $0x0  }
0x3a: {  	s14 =	simm.s32 $0x0;
	s13 =	simm.s32 $0x40;
	[sflag:s11] =	ssyncadd.s32 $0xFFFFEC78  }
.LBB2_12:
0x3b: {  	p0 =	sne.s32 s13, $0x4E00;
	v3 =	vld [tilespmem:s14+$0x2800];
	_ =	sdelay $0x3  }
.Ltmp5:
0x3c: {  	(pc) =	sbr.rel @p0 .LBB2_12-.Ltmp5, $2  }
0x3d: {  	_ =	sdelay $0x2  }
0x3e: {  	s14 =	sshra.s32 s13, $0x2;
	s13 =	sadd.s32 $0x40, s13;
	[tilespmem:v3+s2+$0x0] =	vst.idx.add.f32.msk $0xffff, v2  }
0x3f: {  	v3 =	vld [tilespmem:s14+$0x2800];
	_ =	sdelay $0x5  }
0x40: {  	s12 =	sadd.s32 $0x1, s12  }
0x41: {  	p0 =	sne.s32 s12, s9  }
.Ltmp6:
0x42: {  	[tilespmem:v3+s2+$0x0] =	vst.idx.add.f32.msk $0xffff, v2;
	(pc) =	sbr.rel @p0 .LBB2_1-.Ltmp6, $4  }
0x43: {  	[hbm4b:s8+s2] =	stream.linear.scatter [tilespmem:s2], [sflag:$0x1], $0x2800, $0x38;
	[tilespmem:$0x3B98] =	vst v63  }
0x44: {  	_ =	swait.ge [sflag:s11], $0x2800  }
0x45: {  	[sflag:s11] =	ssyncset.done $0x0  }
0x46: {  	[sflag:s11] =	ssyncadd.s32 $0xFFFFD800  }
0x47: {  	_ =	sfence.sel $0x180000  }
0x48: {  	[bflag:$0x0] =	sbarrier.arrive $0xFFFF  }
0x49: {  	p0 =	sne.s32 s0, $0x0;
	_ =	strace $0x90000047  }
0x4a: {  	s0 =	sadd.s32 @!p0 $0x100000, s1;
	[bflag:$0x2] =	sbarrier.arrive $0xFFFF  }
0x4b: {  	[sflag:s0] =	ssyncadd.tile.s32 @!p0 $0x1;
	_ =	shalt  }
.Lfunc_end2:
_tile_overlayer_lowered:
.L_overlay_start_2:
0x4c: {  	(tag) =	ssettag $0x2  }
0x4d: {  	s0 =	rddreg [dreg:$0x0];
	s2 =	stileid.u32  }
0x4e: {  	s1 =	rddreg [dreg:$0x1];
	p0 =	sne.s32 s2, $0x0  }
0x4f: {  	s3 =	rddreg [dreg:$0x2];
	[bflag:$0x3] =	sbarrier.arrive $0xFFFF;
	s2 =	simm.s32 @!p0 $0x1C01  }
0x50: {  	[timem:s3], [sflag:s2] =	dma.local @!p0 [hbm:s0], s1  }
0x51: {  	s0 =	simm.s32 @!p0 $0x1  }
0x52: {  	_ =	swait.ge @!p0 [sflag:s0], s1  }
0x53: {  	s1 =	ssub.s32 @!p0 $0x0, s1;
	[sflag:s0] =	ssyncset.done @!p0 $0x0  }
0x54: {  	[sflag:s0] =	ssyncadd.s32 @!p0 s1  }
0x55: {  	[bflag:$0x3] =	sbarrier.arrive $0xFFFF  }
0x56: {  	_ =	shalt  }

</sc_bundles>
